<compile_context>
chip_gen: v7x
topology: tpu7x:2x2x1
jax: 0.10.2.dev20260603
libtpu: 0.0.44.dev20260713+nightly
codegen_flags: <defaults>
</compile_context>

<pallas_src>
import functools

import jax
import jax.numpy as jnp
from jax import lax
from jax.experimental import pallas as pl
from jax.experimental.pallas import tpu as pltpu
from jax.experimental.pallas import tpu_sc as plsc

N = 10000
E = 320000
G = 64

_NC, _NS = 2, 16
_NW = _NC * _NS
_DISCARD = N

_E_PAD = 327680
_DC_IDX = 331776
_CNT_OFF = 10240
_DC_ROWS = 10368
_ACC_ROWS = 10240
_OUT_ROWS = 10112
_POOL_IDX = 12288
_BR = 400


def _sc_gather_scatter_add(n_idx, F, acc_rows, out_rows, chunk,
                           const_ones=False, split=None, pack_didx=False):
    total_chunks = n_idx // chunk
    assert n_idx % (_NW * chunk) == 0
    if split is None:
        nc0 = nc1 = total_chunks // _NW
    else:
        nc0, nc1 = split
        assert _NS * (nc0 + nc1) == total_chunks
        assert nc0 % 8 == 0 and nc1 % 8 == 0
    nc_max = max(nc0, nc1)
    static_nc = nc0 == nc1
    zrows = acc_rows // _NS
    orows = out_rows // _NS
    nzfull, zrem = divmod(zrows, chunk)
    mesh = plsc.VectorSubcoreMesh(core_axis_name="c", subcore_axis_name="s")
    assert const_ones or (nc0 % 2 == 0 and nc1 % 2 == 0)

    @functools.partial(
        pl.kernel,
        out_type=jax.ShapeDtypeStruct((_NC, out_rows, F), jnp.float32),
        mesh=mesh,
        scratch_types=[
            pltpu.VMEM((chunk,), jnp.int32),
            pltpu.VMEM((chunk,), jnp.int32),
            pltpu.VMEM((nc_max, chunk // 2 if pack_didx else chunk),
                       jnp.int32),
            pltpu.VMEM((chunk,), jnp.int32),
            pltpu.VMEM((chunk, F), jnp.float32),
            pltpu.VMEM((chunk, F), jnp.float32),
            pltpu.VMEM_SHARED((acc_rows, F), jnp.float32),
            pltpu.SemaphoreType.DMA,
            pltpu.SemaphoreType.DMA,
        ],
        compiler_params=pltpu.CompilerParams(use_tc_tiling_on_sc=False),
    )
    def body(g_hbm, src_hbm, dst_hbm, out_hbm,
             sidx0_v, sidx1_v, didx_v, dst_st_v, rows0_v, rows1_v, acc_sh,
             sem_a, sem_b):
        cid = lax.axis_index("c")
        sid = lax.axis_index("s")

        if static_nc:
            nc_w = nc0
            cb = (cid * _NS + sid) * nc0
        else:
            nc_w = jnp.where(cid == 0, nc0, nc1)
            cb = jnp.where(cid == 0, sid * nc0, _NS * nc0 + sid * nc1)

        def work():
            pltpu.sync_copy(dst_hbm.at[pl.ds(cb, nc_max), :], didx_v)

            if pack_didx:
                def dst_idx(i):
                    for k in range(chunk // 32):
                        w = didx_v[i, pl.ds(k * 16, 16)]
                        dst_st_v[pl.ds(k * 16, 16)] = jnp.bitwise_and(
                            w, 0xFFFF)
                        dst_st_v[pl.ds(chunk // 2 + k * 16, 16)] = (
                            lax.shift_right_logical(w, 16))
                    return dst_st_v
            else:
                def dst_idx(i):
                    return didx_v.at[i]

            def zrow(r, carry):
                for j in range(F // 16):
                    rows0_v[r, pl.ds(j * 16, 16)] = jnp.zeros(
                        (16,), jnp.float32)
                return carry
            lax.fori_loop(0, chunk, zrow, 0)
            zbase = sid * zrows
            for t in range(nzfull):
                pltpu.sync_copy(rows0_v,
                                acc_sh.at[pl.ds(zbase + t * chunk, chunk), :])
            if zrem:
                pltpu.sync_copy(
                    rows0_v.at[pl.ds(0, zrem), :],
                    acc_sh.at[pl.ds(zbase + nzfull * chunk, zrem), :])
            if const_ones:
                def orow(r, carry):
                    for j in range(F // 16):
                        rows0_v[r, pl.ds(j * 16, 16)] = jnp.ones(
                            (16,), jnp.float32)
                    return carry
                lax.fori_loop(0, chunk, orow, 0)
            plsc.subcore_barrier()

            if const_ones:
                def step(i, carry):
                    pltpu.sync_copy(rows0_v, acc_sh.at[dst_idx(i)],
                                    add=True)
                    return carry
                lax.fori_loop(0, nc_w, step, 0)
            else:
                base = cb * chunk

                def sload(i, buf):
                    pltpu.sync_copy(
                        src_hbm.at[pl.ds(base + i * chunk, chunk)], buf)

                def gather(idx_v, rows_v, sem):
                    pltpu.async_copy(g_hbm.at[idx_v], rows_v, sem)

                def gwait(rows_v, sem):
                    pltpu.make_async_copy(g_hbm.at[sidx0_v], rows_v,
                                          sem).wait()

                sload(0, sidx0_v)
                gather(sidx0_v, rows0_v, sem_a)
                sload(1, sidx1_v)

                def pair(j, carry):
                    i0 = 2 * j
                    gather(sidx1_v, rows1_v, sem_b)
                    d0 = dst_idx(i0)
                    gwait(rows0_v, sem_a)
                    sload(i0 + 2, sidx0_v)
                    pltpu.sync_copy(rows0_v, acc_sh.at[d0], add=True)
                    gather(sidx0_v, rows0_v, sem_a)
                    d1 = dst_idx(i0 + 1)
                    gwait(rows1_v, sem_b)
                    sload(i0 + 3, sidx1_v)
                    pltpu.sync_copy(rows1_v, acc_sh.at[d1], add=True)
                    return carry
                lax.fori_loop(0, nc_w // 2, pair, 0)
                gwait(rows0_v, sem_a)

            plsc.subcore_barrier()
            pltpu.sync_copy(acc_sh.at[pl.ds(sid * orows, orows), :],
                            out_hbm.at[cid, pl.ds(sid * orows, orows), :])

        work()

    return body


_sc_degcnt = _sc_gather_scatter_add(_DC_IDX, 16, _DC_ROWS, _DC_ROWS, 128,
                                    const_ones=True)
_sc_aggr = {
    128: _sc_gather_scatter_add(_E_PAD, 128, _OUT_ROWS, _OUT_ROWS, 128,
                                split=(128, 32)),
    64: _sc_gather_scatter_add(_E_PAD, 64, _OUT_ROWS, _OUT_ROWS, 128,
                               split=(120, 40)),
    32: _sc_gather_scatter_add(_E_PAD, 32, _OUT_ROWS, _OUT_ROWS, 128,
                               split=(120, 40)),
    16: _sc_gather_scatter_add(_E_PAD, 16, _OUT_ROWS, _OUT_ROWS, 128,
                               split=(112, 48)),
}
_sc_pool = _sc_gather_scatter_add(_POOL_IDX, 16, 128, 128, 64)


def _tc_dis(d0, d1):
    def body(a_ref, b_ref, o_ref):
        o_ref[...] = lax.rsqrt(a_ref[..., :1] + b_ref[..., :1] + 1.0)
    return pl.pallas_call(
        body,
        grid=(N // _BR,),
        in_specs=[pl.BlockSpec((_BR, 16), lambda i: (i, 0)),
                  pl.BlockSpec((_BR, 16), lambda i: (i, 0))],
        out_specs=pl.BlockSpec((_BR, 1), lambda i: (i, 0)),
        out_shape=jax.ShapeDtypeStruct((N, 1), jnp.float32),
    )(d0, d1)


def _tc_first(x, W, dis):
    F_in, F_out = W.shape

    def body(x_ref, w_ref, d_ref, o_ref):
        o_ref[...] = d_ref[...] * jnp.dot(
            x_ref[...], w_ref[...], preferred_element_type=jnp.float32)
    return pl.pallas_call(
        body,
        grid=(N // _BR,),
        in_specs=[pl.BlockSpec((_BR, F_in), lambda i: (i, 0)),
                  pl.BlockSpec((F_in, F_out), lambda i: (0, 0)),
                  pl.BlockSpec((_BR, 1), lambda i: (i, 0))],
        out_specs=pl.BlockSpec((_BR, F_out), lambda i: (i, 0)),
        out_shape=jax.ShapeDtypeStruct((N, F_out), jnp.float32),
    )(x, W, dis)


def _tc_mid(p0, p1, g, dis, b, W):
    F_in, F_out = W.shape

    def body(p0_ref, p1_ref, g_ref, d_ref, b_ref, w_ref, o_ref):
        a = jnp.maximum(
            d_ref[...] * (p0_ref[...] + p1_ref[...] + g_ref[...]) + b_ref[...],
            0.0)
        o_ref[...] = d_ref[...] * jnp.dot(
            a, w_ref[...], preferred_element_type=jnp.float32)
    return pl.pallas_call(
        body,
        grid=(N // _BR,),
        in_specs=[pl.BlockSpec((_BR, F_in), lambda i: (i, 0)),
                  pl.BlockSpec((_BR, F_in), lambda i: (i, 0)),
                  pl.BlockSpec((_BR, F_in), lambda i: (i, 0)),
                  pl.BlockSpec((_BR, 1), lambda i: (i, 0)),
                  pl.BlockSpec((1, F_in), lambda i: (0, 0)),
                  pl.BlockSpec((F_in, F_out), lambda i: (0, 0))],
        out_specs=pl.BlockSpec((_BR, F_out), lambda i: (i, 0)),
        out_shape=jax.ShapeDtypeStruct((N, F_out), jnp.float32),
    )(p0, p1, g, dis, b, W)


def _tc_mid1(p, g, dis, b, W):
    F_in, F_out = W.shape

    def body(p_ref, g_ref, d_ref, b_ref, w_ref, o_ref):
        a = jnp.maximum(
            d_ref[...] * (p_ref[...] + g_ref[...]) + b_ref[...], 0.0)
        o_ref[...] = d_ref[...] * jnp.dot(
            a, w_ref[...], preferred_element_type=jnp.float32)
    return pl.pallas_call(
        body,
        grid=(N // _BR,),
        in_specs=[pl.BlockSpec((_BR, F_in), lambda i: (i, 0)),
                  pl.BlockSpec((_BR, F_in), lambda i: (i, 0)),
                  pl.BlockSpec((_BR, 1), lambda i: (i, 0)),
                  pl.BlockSpec((1, F_in), lambda i: (0, 0)),
                  pl.BlockSpec((F_in, F_out), lambda i: (0, 0))],
        out_specs=pl.BlockSpec((_BR, F_out), lambda i: (i, 0)),
        out_shape=jax.ShapeDtypeStruct((N, F_out), jnp.float32),
    )(p, g, dis, b, W)


def _tc_post(p0, p1, g, dis, b):
    F = g.shape[1]

    def body(p0_ref, p1_ref, g_ref, d_ref, b_ref, o_ref):
        o_ref[...] = jnp.maximum(
            d_ref[...] * (p0_ref[...] + p1_ref[...] + g_ref[...]) + b_ref[...],
            0.0)
    return pl.pallas_call(
        body,
        grid=(N // _BR,),
        in_specs=[pl.BlockSpec((_BR, F), lambda i: (i, 0)),
                  pl.BlockSpec((_BR, F), lambda i: (i, 0)),
                  pl.BlockSpec((_BR, F), lambda i: (i, 0)),
                  pl.BlockSpec((_BR, 1), lambda i: (i, 0)),
                  pl.BlockSpec((1, F), lambda i: (0, 0))],
        out_specs=pl.BlockSpec((_BR, F), lambda i: (i, 0)),
        out_shape=jax.ShapeDtypeStruct((N, F), jnp.float32),
    )(p0, p1, g, dis, b)


def _tc_head(s0, s1, c0, c1, Wp, bp):
    def body(s0_ref, s1_ref, c0_ref, c1_ref, w_ref, b_ref, o_ref):
        s = s0_ref[...] + s1_ref[...]
        cnt = jnp.maximum(c0_ref[...] + c1_ref[...], 1.0)
        o_ref[...] = jnp.dot(
            s, w_ref[...], preferred_element_type=jnp.float32) / cnt + b_ref[...]
    return pl.pallas_call(
        body,
        out_shape=jax.ShapeDtypeStruct((G, Wp.shape[1]), jnp.float32),
    )(s0, s1, c0, c1, Wp, bp)


def kernel(x, edges, batch, W1, b1, W2, b2, W3, b3, W4, b4, Wp, bp):
    src, dst = edges[0], edges[1]

    ones16 = jnp.ones((8, 16), jnp.float32)
    dc_src = jnp.zeros((8,), jnp.int32)
    dc_dst = jnp.concatenate([
        dst,
        batch + _CNT_OFF,
        jnp.full((_DC_IDX - E - N,), _DISCARD, jnp.int32),
    ]).reshape(-1, 128)
    dc = _sc_degcnt(ones16, dc_src, dc_dst)
    dis = _tc_dis(dc[0], dc[1])

    e_src = jnp.concatenate([src, jnp.zeros((_E_PAD + 512 - E,), jnp.int32)])
    e_dst128 = jnp.concatenate([
        dst, jnp.full((_E_PAD + 256 * 128 - E,), _DISCARD, jnp.int32),
    ]).reshape(-1, 128)

    g1 = _tc_first(x, W1, dis)
    a1 = _sc_aggr[128](g1, e_src, e_dst128)
    g2 = _tc_mid(a1[0], a1[1], g1, dis, b1.reshape(1, -1), W2)
    a2 = _sc_aggr[64](g2, e_src, e_dst128)
    g3 = _tc_mid(a2[0], a2[1], g2, dis, b2.reshape(1, -1), W3)
    a3 = _sc_aggr[32](g3, e_src, e_dst128)
    g4 = _tc_mid(a3[0], a3[1], g3, dis, b3.reshape(1, -1), W4)
    a4 = _sc_aggr[16](g4, e_src, e_dst128)
    h4 = _tc_post(a4[0], a4[1], g4, dis, b4.reshape(1, -1))

    p_src = jnp.concatenate([
        jnp.arange(N, dtype=jnp.int32),
        jnp.zeros((_POOL_IDX + 128 - N,), jnp.int32),
    ])
    p_dst = jnp.concatenate([
        batch,
        jnp.full((_POOL_IDX - N,), G, jnp.int32),
    ]).reshape(-1, 64)
    pooled = _sc_pool(h4, p_src, p_dst)

    c0 = dc[0, _CNT_OFF:_CNT_OFF + G, :1]
    c1 = dc[1, _CNT_OFF:_CNT_OFF + G, :1]
    return _tc_head(pooled[0, :G], pooled[1, :G], c0, c1, Wp,
                    bp.reshape(1, -1))

# --- scband reference (transcript-rebuilt; emitter-appended) ---
"""Pipeline reference for scband-gcn-69097433858700 (READ-ONLY COPY).

The authoritative reference and input builder live on the scoring server;
editing this copy changes nothing except your own understanding.
"""

import jax, jax.numpy as jnp
import numpy as np

N = 10000
E = 320000
NUM_GRAPHS = 64
NUM_FEATURES = 128
NUM_CLASSES = 10


def _glorot(key, shape):
    fan_in, fan_out = shape[0], shape[1]
    limit = jnp.sqrt(6.0 / (fan_in + fan_out))
    return jax.random.uniform(key, shape, dtype=jnp.float32, minval=-limit, maxval=limit)


def setup_inputs(seed: int = 0) -> dict:
    key = jax.random.key(seed)
    ks = jax.random.split(key, 16)
    x = jax.random.normal(ks[0], (N, NUM_FEATURES), dtype=jnp.float32)
    edges = jax.random.randint(ks[1], (2, E), 0, N, dtype=jnp.int32)
    batch = jnp.sort(jax.random.randint(ks[2], (N,), 0, NUM_GRAPHS, dtype=jnp.int32))
    W1 = _glorot(ks[3], (128, 128)); b1 = jnp.zeros((128,), jnp.float32)
    W2 = _glorot(ks[4], (128, 64)); b2 = jnp.zeros((64,), jnp.float32)
    W3 = _glorot(ks[5], (64, 32)); b3 = jnp.zeros((32,), jnp.float32)
    W4 = _glorot(ks[6], (32, 16)); b4 = jnp.zeros((16,), jnp.float32)
    Wp = _glorot(ks[7], (16, NUM_CLASSES)); bp = jnp.zeros((NUM_CLASSES,), jnp.float32)
    return {"x": x, "edges": edges, "batch": batch,
            "W1": W1, "b1": b1, "W2": W2, "b2": b2,
            "W3": W3, "b3": b3, "W4": W4, "b4": b4,
            "Wp": Wp, "bp": bp}


def _gcn_conv(x, W, b, src, dst):
    # GCNConv: x' = D^{-1/2} (A + I) D^{-1/2} (x W) + b
    h = x @ W
    loop = jnp.arange(N, dtype=src.dtype)
    src2 = jnp.concatenate([src, loop])
    dst2 = jnp.concatenate([dst, loop])
    deg = jnp.zeros((N,), jnp.float32).at[dst2].add(1.0)
    dis = jax.lax.rsqrt(jnp.maximum(deg, 1.0))
    norm = dis[src2] * dis[dst2]
    msg = h[src2] * norm[:, None]
    out = jnp.zeros((N, h.shape[1]), jnp.float32).at[dst2].add(msg)
    return out + b


def reference(x, edges, batch, W1, b1, W2, b2, W3, b3, W4, b4, Wp, bp):
    src, dst = edges[0], edges[1]
    h = jax.nn.relu(_gcn_conv(x, W1, b1, src, dst))
    h = jax.nn.relu(_gcn_conv(h, W2, b2, src, dst))
    h = jax.nn.relu(_gcn_conv(h, W3, b3, src, dst))
    h = jax.nn.relu(_gcn_conv(h, W4, b4, src, dst))
    # global_mean_pool
    sums = jax.ops.segment_sum(h, batch, num_segments=NUM_GRAPHS)
    counts = jax.ops.segment_sum(jnp.ones((N,), jnp.float32), batch, num_segments=NUM_GRAPHS)
    pooled = sums / jnp.maximum(counts, 1.0)[:, None]
    return pooled @ Wp + bp

if __name__ == "__main__":
    import jax
    _d = setup_inputs()
    print(jax.jit(kernel)(*tuple(_d.values())))

</pallas_src>

<mosaic_0001>
#map = affine_map<(d0, d1) -> (0, 0)>
#map1 = affine_map<(d0, d1) -> (0)>
#map2 = affine_map<(d0, d1) -> (0, 0, 0)>
module attributes {stable_mosaic.version = 14 : i64} {
  func.func @body(%arg0: i32, %arg1: i32, %arg2: memref<10000x64xf32, #tpu.memory_space<hbm>>, %arg3: memref<328192xi32, #tpu.memory_space<hbm>>, %arg4: memref<2816x128xi32, #tpu.memory_space<hbm>>, %arg5: memref<2x10112x64xf32, #tpu.memory_space<hbm>>, %arg6: memref<128xi32, #tpu.memory_space<vmem>>, %arg7: memref<128xi32, #tpu.memory_space<vmem>>, %arg8: memref<120x128xi32, #tpu.memory_space<vmem>>, %arg9: memref<128xi32, #tpu.memory_space<vmem>>, %arg10: memref<128x64xf32, #tpu.memory_space<vmem>>, %arg11: memref<128x64xf32, #tpu.memory_space<vmem>>, %arg12: memref<10112x64xf32, #tpu.memory_space<vmem_shared>>, %arg13: memref<!tpu.dma_semaphore, #tpu.memory_space<semaphore_mem>>, %arg14: memref<!tpu.dma_semaphore, #tpu.memory_space<semaphore_mem>>) attributes {dimension_semantics = [#tpu.dimension_semantics<core_parallel>, #tpu.dimension_semantics<subcore_parallel>], iteration_bounds = array<i64: 2, 16>, scalar_prefetch = 0 : i64, scratch_operands = 9 : i64, tpu.core_type = #tpu.core_type<sc_vector_subcore>, window_params = [{transform_indices = #map}, {transform_indices = #map1}, {transform_indices = #map}, {transform_indices = #map2}]} {
    %eq3A = arith.constant 0 : i32
    %eq3A_0 = arith.cmpi eq, %arg0, %eq3A : i32
    %jit3A = arith.constant 120 : i32
    %jit3A_1 = arith.constant 40 : i32
    %select_n3A = arith.select %eq3A_0, %jit3A, %jit3A_1 : i32
    %eq3A_2 = arith.constant 0 : i32
    %eq3A_3 = arith.cmpi eq, %arg0, %eq3A_2 : i32
    %mul3A = arith.constant 120 : i32
    %mul3A_4 = arith.muli %arg1, %mul3A : i32
    %mul3A_5 = arith.constant 40 : i32
    %mul3A_6 = arith.muli %arg1, %mul3A_5 : i32
    %add3A = arith.constant 1920 : i32
    %add3A_7 = arith.addi %add3A, %mul3A_6 : i32
    %select_n3A_8 = arith.select %eq3A_3, %mul3A_4, %add3A_7 : i32
    "tpu.region"() ({
      %run_scoped3A = tpu.sem_alloc : memref<!tpu.dma_semaphore, #tpu.memory_space<semaphore_mem>>
      %dma_start3A_68 = arith.constant 0 : i32
      %dma_start3A_69 = tpu.memref_slice %arg4[%select_n3A_8, %dma_start3A_68] : memref<2816x128xi32, #tpu.memory_space<hbm>> -> memref<120x128xi32, #tpu.memory_space<hbm>>
      %dma_start3A_70 = arith.constant 0 : i32
      %dma_start3A_71 = tpu.memref_slice %arg4[%select_n3A_8, %dma_start3A_70] : memref<2816x128xi32, #tpu.memory_space<hbm>> -> memref<120x128xi32, #tpu.memory_space<hbm>>
      tpu.enqueue_dma source(%dma_start3A_71 : memref<120x128xi32, #tpu.memory_space<hbm>>) target(%arg8 : memref<120x128xi32, #tpu.memory_space<vmem>>) target_semaphore(%run_scoped3A : memref<!tpu.dma_semaphore, #tpu.memory_space<semaphore_mem>>)
      %dma_wait3A_72 = arith.constant 0 : i32
      %dma_wait3A_73 = tpu.memref_slice %arg4[%select_n3A_8, %dma_wait3A_72] : memref<2816x128xi32, #tpu.memory_space<hbm>> -> memref<120x128xi32, #tpu.memory_space<hbm>>
      %dma_wait3A_74 = arith.constant 0 : i32
      %dma_wait3A_75 = tpu.memref_slice %arg4[%select_n3A_8, %dma_wait3A_74] : memref<2816x128xi32, #tpu.memory_space<hbm>> -> memref<120x128xi32, #tpu.memory_space<hbm>>
      tpu.wait_dma2 semaphore(%run_scoped3A : memref<!tpu.dma_semaphore, #tpu.memory_space<semaphore_mem>>) src(%dma_wait3A_75 : memref<120x128xi32, #tpu.memory_space<hbm>>) dst(%arg8 : memref<120x128xi32, #tpu.memory_space<vmem>>)
      tpu.yield
    }) : () -> ()
    %scan3A = arith.constant 0 : i32
    %scan3A_9 = arith.constant 0 : i32
    %scan3A_10 = arith.constant 128 : i32
    %scan3A_11 = arith.addi %scan3A_9, %scan3A_10 : i32
    %scan3A_12 = arith.constant 1 : i32
    scf.for %scan3A_68 = %scan3A_9 to %scan3A_11 step %scan3A_12  : i32 {
      %broadcast_in_dim3A = arith.constant 0.000000e+00 : f32
      %broadcast_in_dim3A_69 = vector.broadcast %broadcast_in_dim3A : f32 to vector<16xf32>
      %swap3A = arith.index_cast %scan3A_68 : i32 to index
      %swap3A_70 = arith.constant 0 : index
      %swap3A_71 = tpu.vector_load %arg10[%swap3A, %swap3A_70] {strides = array<i32>} : memref<128x64xf32, #tpu.memory_space<vmem>>, vector<1x16xf32>,
      %swap3A_72 = vector.shape_cast %swap3A_71 : vector<1x16xf32> to vector<16xf32>
      %swap3A_73 = vector.shape_cast %broadcast_in_dim3A_69 : vector<16xf32> to vector<1x16xf32>
      tpu.vector_store %arg10[%swap3A, %swap3A_70], %swap3A_73 {strides = array<i32>} : memref<128x64xf32, #tpu.memory_space<vmem>>, vector<1x16xf32>,
      %broadcast_in_dim3A_74 = arith.constant 0.000000e+00 : f32
      %broadcast_in_dim3A_75 = vector.broadcast %broadcast_in_dim3A_74 : f32 to vector<16xf32>
      %swap3A_76 = arith.index_cast %scan3A_68 : i32 to index
      %swap3A_77 = arith.constant 16 : index
      %swap3A_78 = tpu.vector_load %arg10[%swap3A_76, %swap3A_77] {strides = array<i32>} : memref<128x64xf32, #tpu.memory_space<vmem>>, vector<1x16xf32>,
      %swap3A_79 = vector.shape_cast %swap3A_78 : vector<1x16xf32> to vector<16xf32>
      %swap3A_80 = vector.shape_cast %broadcast_in_dim3A_75 : vector<16xf32> to vector<1x16xf32>
      tpu.vector_store %arg10[%swap3A_76, %swap3A_77], %swap3A_80 {strides = array<i32>} : memref<128x64xf32, #tpu.memory_space<vmem>>, vector<1x16xf32>,
      %broadcast_in_dim3A_81 = arith.constant 0.000000e+00 : f32
      %broadcast_in_dim3A_82 = vector.broadcast %broadcast_in_dim3A_81 : f32 to vector<16xf32>
      %swap3A_83 = arith.index_cast %scan3A_68 : i32 to index
      %swap3A_84 = arith.constant 32 : index
      %swap3A_85 = tpu.vector_load %arg10[%swap3A_83, %swap3A_84] {strides = array<i32>} : memref<128x64xf32, #tpu.memory_space<vmem>>, vector<1x16xf32>,
      %swap3A_86 = vector.shape_cast %swap3A_85 : vector<1x16xf32> to vector<16xf32>
      %swap3A_87 = vector.shape_cast %broadcast_in_dim3A_82 : vector<16xf32> to vector<1x16xf32>
      tpu.vector_store %arg10[%swap3A_83, %swap3A_84], %swap3A_87 {strides = array<i32>} : memref<128x64xf32, #tpu.memory_space<vmem>>, vector<1x16xf32>,
      %broadcast_in_dim3A_88 = arith.constant 0.000000e+00 : f32
      %broadcast_in_dim3A_89 = vector.broadcast %broadcast_in_dim3A_88 : f32 to vector<16xf32>
      %swap3A_90 = arith.index_cast %scan3A_68 : i32 to index
      %swap3A_91 = arith.constant 48 : index
      %swap3A_92 = tpu.vector_load %arg10[%swap3A_90, %swap3A_91] {strides = array<i32>} : memref<128x64xf32, #tpu.memory_space<vmem>>, vector<1x16xf32>,
      %swap3A_93 = vector.shape_cast %swap3A_92 : vector<1x16xf32> to vector<16xf32>
      %swap3A_94 = vector.shape_cast %broadcast_in_dim3A_89 : vector<16xf32> to vector<1x16xf32>
      tpu.vector_store %arg10[%swap3A_90, %swap3A_91], %swap3A_94 {strides = array<i32>} : memref<128x64xf32, #tpu.memory_space<vmem>>, vector<1x16xf32>,
    }
    %scan3A_13 = arith.constant 128 : i32
    %mul3A_14 = arith.constant 632 : i32
    %mul3A_15 = arith.muli %arg1, %mul3A_14 : i32
    %add3A_16 = arith.constant 0 : i32
    %add3A_17 = arith.addi %mul3A_15, %add3A_16 : i32
    "tpu.region"() ({
      %run_scoped3A = tpu.sem_alloc : memref<!tpu.dma_semaphore, #tpu.memory_space<semaphore_mem>>
      %dma_start3A_68 = arith.constant 0 : i32
      %dma_start3A_69 = tpu.memref_slice %arg12[%add3A_17, %dma_start3A_68] : memref<10112x64xf32, #tpu.memory_space<vmem_shared>> -> memref<128x64xf32, #tpu.memory_space<vmem_shared>>
      %dma_start3A_70 = arith.constant 0 : i32
      %dma_start3A_71 = tpu.memref_slice %arg12[%add3A_17, %dma_start3A_70] : memref<10112x64xf32, #tpu.memory_space<vmem_shared>> -> memref<128x64xf32, #tpu.memory_space<vmem_shared>>
      tpu.enqueue_dma source(%arg10 : memref<128x64xf32, #tpu.memory_space<vmem>>) target(%dma_start3A_71 : memref<128x64xf32, #tpu.memory_space<vmem_shared>>) target_semaphore(%run_scoped3A : memref<!tpu.dma_semaphore, #tpu.memory_space<semaphore_mem>>)
      %dma_wait3A_72 = arith.constant 0 : i32
      %dma_wait3A_73 = tpu.memref_slice %arg12[%add3A_17, %dma_wait3A_72] : memref<10112x64xf32, #tpu.memory_space<vmem_shared>> -> memref<128x64xf32, #tpu.memory_space<vmem_shared>>
      %dma_wait3A_74 = arith.constant 0 : i32
      %dma_wait3A_75 = tpu.memref_slice %arg12[%add3A_17, %dma_wait3A_74] : memref<10112x64xf32, #tpu.memory_space<vmem_shared>> -> memref<128x64xf32, #tpu.memory_space<vmem_shared>>
      tpu.wait_dma2 semaphore(%run_scoped3A : memref<!tpu.dma_semaphore, #tpu.memory_space<semaphore_mem>>) src(%arg10 : memref<128x64xf32, #tpu.memory_space<vmem>>) dst(%dma_wait3A_75 : memref<128x64xf32, #tpu.memory_space<vmem_shared>>)
      tpu.yield
    }) : () -> ()
    %add3A_18 = arith.constant 128 : i32
    %add3A_19 = arith.addi %mul3A_15, %add3A_18 : i32
    "tpu.region"() ({
      %run_scoped3A = tpu.sem_alloc : memref<!tpu.dma_semaphore, #tpu.memory_space<semaphore_mem>>
      %dma_start3A_68 = arith.constant 0 : i32
      %dma_start3A_69 = tpu.memref_slice %arg12[%add3A_19, %dma_start3A_68] : memref<10112x64xf32, #tpu.memory_space<vmem_shared>> -> memref<128x64xf32, #tpu.memory_space<vmem_shared>>
      %dma_start3A_70 = arith.constant 0 : i32
      %dma_start3A_71 = tpu.memref_slice %arg12[%add3A_19, %dma_start3A_70] : memref<10112x64xf32, #tpu.memory_space<vmem_shared>> -> memref<128x64xf32, #tpu.memory_space<vmem_shared>>
      tpu.enqueue_dma source(%arg10 : memref<128x64xf32, #tpu.memory_space<vmem>>) target(%dma_start3A_71 : memref<128x64xf32, #tpu.memory_space<vmem_shared>>) target_semaphore(%run_scoped3A : memref<!tpu.dma_semaphore, #tpu.memory_space<semaphore_mem>>)
      %dma_wait3A_72 = arith.constant 0 : i32
      %dma_wait3A_73 = tpu.memref_slice %arg12[%add3A_19, %dma_wait3A_72] : memref<10112x64xf32, #tpu.memory_space<vmem_shared>> -> memref<128x64xf32, #tpu.memory_space<vmem_shared>>
      %dma_wait3A_74 = arith.constant 0 : i32
      %dma_wait3A_75 = tpu.memref_slice %arg12[%add3A_19, %dma_wait3A_74] : memref<10112x64xf32, #tpu.memory_space<vmem_shared>> -> memref<128x64xf32, #tpu.memory_space<vmem_shared>>
      tpu.wait_dma2 semaphore(%run_scoped3A : memref<!tpu.dma_semaphore, #tpu.memory_space<semaphore_mem>>) src(%arg10 : memref<128x64xf32, #tpu.memory_space<vmem>>) dst(%dma_wait3A_75 : memref<128x64xf32, #tpu.memory_space<vmem_shared>>)
      tpu.yield
    }) : () -> ()
    %add3A_20 = arith.constant 256 : i32
    %add3A_21 = arith.addi %mul3A_15, %add3A_20 : i32
    "tpu.region"() ({
      %run_scoped3A = tpu.sem_alloc : memref<!tpu.dma_semaphore, #tpu.memory_space<semaphore_mem>>
      %dma_start3A_68 = arith.constant 0 : i32
      %dma_start3A_69 = tpu.memref_slice %arg12[%add3A_21, %dma_start3A_68] : memref<10112x64xf32, #tpu.memory_space<vmem_shared>> -> memref<128x64xf32, #tpu.memory_space<vmem_shared>>
      %dma_start3A_70 = arith.constant 0 : i32
      %dma_start3A_71 = tpu.memref_slice %arg12[%add3A_21, %dma_start3A_70] : memref<10112x64xf32, #tpu.memory_space<vmem_shared>> -> memref<128x64xf32, #tpu.memory_space<vmem_shared>>
      tpu.enqueue_dma source(%arg10 : memref<128x64xf32, #tpu.memory_space<vmem>>) target(%dma_start3A_71 : memref<128x64xf32, #tpu.memory_space<vmem_shared>>) target_semaphore(%run_scoped3A : memref<!tpu.dma_semaphore, #tpu.memory_space<semaphore_mem>>)
      %dma_wait3A_72 = arith.constant 0 : i32
      %dma_wait3A_73 = tpu.memref_slice %arg12[%add3A_21, %dma_wait3A_72] : memref<10112x64xf32, #tpu.memory_space<vmem_shared>> -> memref<128x64xf32, #tpu.memory_space<vmem_shared>>
      %dma_wait3A_74 = arith.constant 0 : i32
      %dma_wait3A_75 = tpu.memref_slice %arg12[%add3A_21, %dma_wait3A_74] : memref<10112x64xf32, #tpu.memory_space<vmem_shared>> -> memref<128x64xf32, #tpu.memory_space<vmem_shared>>
      tpu.wait_dma2 semaphore(%run_scoped3A : memref<!tpu.dma_semaphore, #tpu.memory_space<semaphore_mem>>) src(%arg10 : memref<128x64xf32, #tpu.memory_space<vmem>>) dst(%dma_wait3A_75 : memref<128x64xf32, #tpu.memory_space<vmem_shared>>)
      tpu.yield
    }) : () -> ()
    %add3A_22 = arith.constant 384 : i32
    %add3A_23 = arith.addi %mul3A_15, %add3A_22 : i32
    "tpu.region"() ({
      %run_scoped3A = tpu.sem_alloc : memref<!tpu.dma_semaphore, #tpu.memory_space<semaphore_mem>>
      %dma_start3A_68 = arith.constant 0 : i32
      %dma_start3A_69 = tpu.memref_slice %arg12[%add3A_23, %dma_start3A_68] : memref<10112x64xf32, #tpu.memory_space<vmem_shared>> -> memref<128x64xf32, #tpu.memory_space<vmem_shared>>
      %dma_start3A_70 = arith.constant 0 : i32
      %dma_start3A_71 = tpu.memref_slice %arg12[%add3A_23, %dma_start3A_70] : memref<10112x64xf32, #tpu.memory_space<vmem_shared>> -> memref<128x64xf32, #tpu.memory_space<vmem_shared>>
      tpu.enqueue_dma source(%arg10 : memref<128x64xf32, #tpu.memory_space<vmem>>) target(%dma_start3A_71 : memref<128x64xf32, #tpu.memory_space<vmem_shared>>) target_semaphore(%run_scoped3A : memref<!tpu.dma_semaphore, #tpu.memory_space<semaphore_mem>>)
      %dma_wait3A_72 = arith.constant 0 : i32
      %dma_wait3A_73 = tpu.memref_slice %arg12[%add3A_23, %dma_wait3A_72] : memref<10112x64xf32, #tpu.memory_space<vmem_shared>> -> memref<128x64xf32, #tpu.memory_space<vmem_shared>>
      %dma_wait3A_74 = arith.constant 0 : i32
      %dma_wait3A_75 = tpu.memref_slice %arg12[%add3A_23, %dma_wait3A_74] : memref<10112x64xf32, #tpu.memory_space<vmem_shared>> -> memref<128x64xf32, #tpu.memory_space<vmem_shared>>
      tpu.wait_dma2 semaphore(%run_scoped3A : memref<!tpu.dma_semaphore, #tpu.memory_space<semaphore_mem>>) src(%arg10 : memref<128x64xf32, #tpu.memory_space<vmem>>) dst(%dma_wait3A_75 : memref<128x64xf32, #tpu.memory_space<vmem_shared>>)
      tpu.yield
    }) : () -> ()
    %add3A_24 = arith.constant 512 : i32
    %add3A_25 = arith.addi %mul3A_15, %add3A_24 : i32
    "tpu.region"() ({
      %run_scoped3A = tpu.sem_alloc : memref<!tpu.dma_semaphore, #tpu.memory_space<semaphore_mem>>
      %dma_start3A_68 = arith.constant 0 : i32
      %dma_start3A_69 = arith.constant 0 : i32
      %dma_start3A_70 = tpu.memref_slice %arg10[%dma_start3A_68, %dma_start3A_69] : memref<128x64xf32, #tpu.memory_space<vmem>> -> memref<120x64xf32, #tpu.memory_space<vmem>>
      %dma_start3A_71 = arith.constant 0 : i32
      %dma_start3A_72 = tpu.memref_slice %arg12[%add3A_25, %dma_start3A_71] : memref<10112x64xf32, #tpu.memory_space<vmem_shared>> -> memref<120x64xf32, #tpu.memory_space<vmem_shared>>
      %dma_start3A_73 = arith.constant 0 : i32
      %dma_start3A_74 = tpu.memref_slice %arg12[%add3A_25, %dma_start3A_73] : memref<10112x64xf32, #tpu.memory_space<vmem_shared>> -> memref<120x64xf32, #tpu.memory_space<vmem_shared>>
      %dma_start3A_75 = arith.constant 0 : i32
      %dma_start3A_76 = arith.constant 0 : i32
      %dma_start3A_77 = tpu.memref_slice %arg10[%dma_start3A_75, %dma_start3A_76] : memref<128x64xf32, #tpu.memory_space<vmem>> -> memref<120x64xf32, #tpu.memory_space<vmem>>
      tpu.enqueue_dma source(%dma_start3A_77 : memref<120x64xf32, #tpu.memory_space<vmem>>) target(%dma_start3A_74 : memref<120x64xf32, #tpu.memory_space<vmem_shared>>) target_semaphore(%run_scoped3A : memref<!tpu.dma_semaphore, #tpu.memory_space<semaphore_mem>>)
      %dma_wait3A_78 = arith.constant 0 : i32
      %dma_wait3A_79 = arith.constant 0 : i32
      %dma_wait3A_80 = tpu.memref_slice %arg10[%dma_wait3A_78, %dma_wait3A_79] : memref<128x64xf32, #tpu.memory_space<vmem>> -> memref<120x64xf32, #tpu.memory_space<vmem>>
      %dma_wait3A_81 = arith.constant 0 : i32
      %dma_wait3A_82 = tpu.memref_slice %arg12[%add3A_25, %dma_wait3A_81] : memref<10112x64xf32, #tpu.memory_space<vmem_shared>> -> memref<120x64xf32, #tpu.memory_space<vmem_shared>>
      %dma_wait3A_83 = arith.constant 0 : i32
      %dma_wait3A_84 = tpu.memref_slice %arg12[%add3A_25, %dma_wait3A_83] : memref<10112x64xf32, #tpu.memory_space<vmem_shared>> -> memref<120x64xf32, #tpu.memory_space<vmem_shared>>
      %dma_wait3A_85 = arith.constant 0 : i32
      %dma_wait3A_86 = arith.constant 0 : i32
      %dma_wait3A_87 = tpu.memref_slice %arg10[%dma_wait3A_85, %dma_wait3A_86] : memref<128x64xf32, #tpu.memory_space<vmem>> -> memref<120x64xf32, #tpu.memory_space<vmem>>
      tpu.wait_dma2 semaphore(%run_scoped3A : memref<!tpu.dma_semaphore, #tpu.memory_space<semaphore_mem>>) src(%dma_wait3A_87 : memref<120x64xf32, #tpu.memory_space<vmem>>) dst(%dma_wait3A_84 : memref<120x64xf32, #tpu.memory_space<vmem_shared>>)
      tpu.yield
    }) : () -> ()
    %barrier3A = arith.constant 0 : index
    tpu.barrier barrier_id(%barrier3A)
    %mul3A_26 = arith.constant 128 : i32
    %mul3A_27 = arith.muli %select_n3A_8, %mul3A_26 : i32
    %add3A_28 = arith.constant 0 : i32
    %add3A_29 = arith.addi %mul3A_27, %add3A_28 : i32
    "tpu.region"() ({
      %run_scoped3A = tpu.sem_alloc : memref<!tpu.dma_semaphore, #tpu.memory_space<semaphore_mem>>
      %dma_start3A_68 = tpu.memref_slice %arg3[%add3A_29] : memref<328192xi32, #tpu.memory_space<hbm>> -> memref<128xi32, #tpu.memory_space<hbm>>
      %dma_start3A_69 = tpu.memref_slice %arg3[%add3A_29] : memref<328192xi32, #tpu.memory_space<hbm>> -> memref<128xi32, #tpu.memory_space<hbm>>
      tpu.enqueue_dma source(%dma_start3A_69 : memref<128xi32, #tpu.memory_space<hbm>>) target(%arg6 : memref<128xi32, #tpu.memory_space<vmem>>) target_semaphore(%run_scoped3A : memref<!tpu.dma_semaphore, #tpu.memory_space<semaphore_mem>>)
      %dma_wait3A_70 = tpu.memref_slice %arg3[%add3A_29] : memref<328192xi32, #tpu.memory_space<hbm>> -> memref<128xi32, #tpu.memory_space<hbm>>
      %dma_wait3A_71 = tpu.memref_slice %arg3[%add3A_29] : memref<328192xi32, #tpu.memory_space<hbm>> -> memref<128xi32, #tpu.memory_space<hbm>>
      tpu.wait_dma2 semaphore(%run_scoped3A : memref<!tpu.dma_semaphore, #tpu.memory_space<semaphore_mem>>) src(%dma_wait3A_71 : memref<128xi32, #tpu.memory_space<hbm>>) dst(%arg6 : memref<128xi32, #tpu.memory_space<vmem>>)
      tpu.yield
    }) : () -> ()
    %dma_start3A = arith.constant 0 : i32
    %dma_start3A_30 = arith.constant 0 : i32
    %dma_start3A_31 = tpu.memref_slice %arg2[%dma_start3A, %dma_start3A_30] : memref<10000x64xf32, #tpu.memory_space<hbm>> -> memref<10000x64xf32, #tpu.memory_space<hbm>>
    tpu.enqueue_indirect_dma source(%dma_start3A_31 : memref<10000x64xf32, #tpu.memory_space<hbm>>) target(%arg10 : memref<128x64xf32, #tpu.memory_space<vmem>>) offsets(%arg6 : memref<128xi32, #tpu.memory_space<vmem>>) semaphore(%arg13 : memref<!tpu.dma_semaphore, #tpu.memory_space<semaphore_mem>>)
    %add3A_32 = arith.constant 128 : i32
    %add3A_33 = arith.addi %mul3A_27, %add3A_32 : i32
    "tpu.region"() ({
      %run_scoped3A = tpu.sem_alloc : memref<!tpu.dma_semaphore, #tpu.memory_space<semaphore_mem>>
      %dma_start3A_68 = tpu.memref_slice %arg3[%add3A_33] : memref<328192xi32, #tpu.memory_space<hbm>> -> memref<128xi32, #tpu.memory_space<hbm>>
      %dma_start3A_69 = tpu.memref_slice %arg3[%add3A_33] : memref<328192xi32, #tpu.memory_space<hbm>> -> memref<128xi32, #tpu.memory_space<hbm>>
      tpu.enqueue_dma source(%dma_start3A_69 : memref<128xi32, #tpu.memory_space<hbm>>) target(%arg7 : memref<128xi32, #tpu.memory_space<vmem>>) target_semaphore(%run_scoped3A : memref<!tpu.dma_semaphore, #tpu.memory_space<semaphore_mem>>)
      %dma_wait3A_70 = tpu.memref_slice %arg3[%add3A_33] : memref<328192xi32, #tpu.memory_space<hbm>> -> memref<128xi32, #tpu.memory_space<hbm>>
      %dma_wait3A_71 = tpu.memref_slice %arg3[%add3A_33] : memref<328192xi32, #tpu.memory_space<hbm>> -> memref<128xi32, #tpu.memory_space<hbm>>
      tpu.wait_dma2 semaphore(%run_scoped3A : memref<!tpu.dma_semaphore, #tpu.memory_space<semaphore_mem>>) src(%dma_wait3A_71 : memref<128xi32, #tpu.memory_space<hbm>>) dst(%arg7 : memref<128xi32, #tpu.memory_space<vmem>>)
      tpu.yield
    }) : () -> ()
    %jit3A_34 = arith.constant 2 : i32
    %div3A = arith.divsi %select_n3A, %jit3A_34 : i32
    %sign3A = arith.constant 0 : i32
    %sign3A_35 = arith.cmpi sgt, %select_n3A, %sign3A : i32
    %sign3A_36 = arith.extui %sign3A_35 : i1 to i32
    %sign3A_37 = arith.constant 0 : i32
    %sign3A_38 = arith.cmpi slt, %select_n3A, %sign3A_37 : i32
    %sign3A_39 = arith.extui %sign3A_38 : i1 to i32
    %sign3A_40 = arith.subi %sign3A_36, %sign3A_39 : i32
    %sign3A_41 = arith.constant 0 : i32
    %sign3A_42 = arith.cmpi sgt, %jit3A_34, %sign3A_41 : i32
    %sign3A_43 = arith.extui %sign3A_42 : i1 to i32
    %sign3A_44 = arith.constant 0 : i32
    %sign3A_45 = arith.cmpi slt, %jit3A_34, %sign3A_44 : i32
    %sign3A_46 = arith.extui %sign3A_45 : i1 to i32
    %sign3A_47 = arith.subi %sign3A_43, %sign3A_46 : i32
    %ne3A = arith.cmpi ne, %sign3A_40, %sign3A_47 : i32
    %rem3A = arith.remsi %select_n3A, %jit3A_34 : i32
    %ne3A_48 = arith.constant 0 : i32
    %ne3A_49 = arith.cmpi ne, %rem3A, %ne3A_48 : i32
    %and3A = arith.andi %ne3A, %ne3A_49 : i1
    %sub3A = arith.constant 1 : i32
    %sub3A_50 = arith.subi %div3A, %sub3A : i32
    %select_n3A_51 = arith.select %and3A, %sub3A_50, %div3A : i32
    %while3A = arith.constant 0 : i32
    %while3A_52 = arith.constant 0 : i32
    %while3A_53 = arith.subi %select_n3A_51, %while3A_52 : i32
    %while3A_54 = arith.addi %while3A_52, %while3A_53 : i32
    %while3A_55 = arith.constant 1 : i32
    %while3A_56 = arith.divsi %while3A_53, %while3A_55 : i32
    %while3A_57 = arith.muli %while3A_56, %while3A_55 : i32
    %while3A_58 = arith.addi %while3A_52, %while3A_57 : i32
    %while3A_59 = arith.constant 1 : i32
    scf.for %while3A_68 = %while3A_52 to %while3A_58 step %while3A_59  : i32 {
      %mul3A_69 = arith.constant 2 : i32
      %mul3A_70 = arith.muli %mul3A_69, %while3A_68 : i32
      %dma_start3A_71 = arith.constant 0 : i32
      %dma_start3A_72 = arith.constant 0 : i32
      %dma_start3A_73 = tpu.memref_slice %arg2[%dma_start3A_71, %dma_start3A_72] : memref<10000x64xf32, #tpu.memory_space<hbm>> -> memref<10000x64xf32, #tpu.memory_space<hbm>>
      tpu.enqueue_indirect_dma source(%dma_start3A_73 : memref<10000x64xf32, #tpu.memory_space<hbm>>) target(%arg11 : memref<128x64xf32, #tpu.memory_space<vmem>>) offsets(%arg7 : memref<128xi32, #tpu.memory_space<vmem>>) semaphore(%arg14 : memref<!tpu.dma_semaphore, #tpu.memory_space<semaphore_mem>>)
      %dma_wait3A_74 = arith.constant 0 : i32
      %dma_wait3A_75 = arith.constant 0 : i32
      %dma_wait3A_76 = tpu.memref_slice %arg2[%dma_wait3A_74, %dma_wait3A_75] : memref<10000x64xf32, #tpu.memory_space<hbm>> -> memref<10000x64xf32, #tpu.memory_space<hbm>>
      tpu.wait_indirect_dma semaphore(%arg13 : memref<!tpu.dma_semaphore, #tpu.memory_space<semaphore_mem>>) src(%dma_wait3A_76 : memref<10000x64xf32, #tpu.memory_space<hbm>>) dst(%arg10 : memref<128x64xf32, #tpu.memory_space<vmem>>)
      %add3A_77 = arith.constant 2 : i32
      %add3A_78 = arith.addi %mul3A_70, %add3A_77 : i32
      %mul3A_79 = arith.constant 128 : i32
      %mul3A_80 = arith.muli %add3A_78, %mul3A_79 : i32
      %add3A_81 = arith.addi %mul3A_27, %mul3A_80 : i32
      "tpu.region"() ({
        %run_scoped3A = tpu.sem_alloc : memref<!tpu.dma_semaphore, #tpu.memory_space<semaphore_mem>>
        %dma_start3A_95 = tpu.memref_slice %arg3[%add3A_81] : memref<328192xi32, #tpu.memory_space<hbm>> -> memref<128xi32, #tpu.memory_space<hbm>>
        %dma_start3A_96 = tpu.memref_slice %arg3[%add3A_81] : memref<328192xi32, #tpu.memory_space<hbm>> -> memref<128xi32, #tpu.memory_space<hbm>>
        tpu.enqueue_dma source(%dma_start3A_96 : memref<128xi32, #tpu.memory_space<hbm>>) target(%arg6 : memref<128xi32, #tpu.memory_space<vmem>>) target_semaphore(%run_scoped3A : memref<!tpu.dma_semaphore, #tpu.memory_space<semaphore_mem>>)
        %dma_wait3A_97 = tpu.memref_slice %arg3[%add3A_81] : memref<328192xi32, #tpu.memory_space<hbm>> -> memref<128xi32, #tpu.memory_space<hbm>>
        %dma_wait3A_98 = tpu.memref_slice %arg3[%add3A_81] : memref<328192xi32, #tpu.memory_space<hbm>> -> memref<128xi32, #tpu.memory_space<hbm>>
        tpu.wait_dma2 semaphore(%run_scoped3A : memref<!tpu.dma_semaphore, #tpu.memory_space<semaphore_mem>>) src(%dma_wait3A_98 : memref<128xi32, #tpu.memory_space<hbm>>) dst(%arg6 : memref<128xi32, #tpu.memory_space<vmem>>)
        tpu.yield
      }) : () -> ()
      "tpu.region"() ({
        %run_scoped3A = tpu.sem_alloc : memref<!tpu.dma_semaphore, #tpu.memory_space<semaphore_mem>>
        %dma_start3A_95 = arith.constant 0 : i32
        %dma_start3A_96 = tpu.memref_slice %arg8[%mul3A_70, %dma_start3A_95] : memref<120x128xi32, #tpu.memory_space<vmem>> -> memref<1x128xi32, #tpu.memory_space<vmem>>
        %dma_start3A_97 = tpu.memref_squeeze %dma_start3A_96 : memref<1x128xi32, #tpu.memory_space<vmem>> -> memref<128xi32, #tpu.memory_space<vmem>>
        %dma_start3A_98 = arith.constant 0 : i32
        %dma_start3A_99 = arith.constant 0 : i32
        %dma_start3A_100 = tpu.memref_slice %arg12[%dma_start3A_98, %dma_start3A_99] : memref<10112x64xf32, #tpu.memory_space<vmem_shared>> -> memref<10112x64xf32, #tpu.memory_space<vmem_shared>>
        tpu.enqueue_indirect_dma source(%arg10 : memref<128x64xf32, #tpu.memory_space<vmem>>) target(%dma_start3A_100 : memref<10112x64xf32, #tpu.memory_space<vmem_shared>>) offsets(%dma_start3A_97 : memref<128xi32, #tpu.memory_space<vmem>>) semaphore(%run_scoped3A : memref<!tpu.dma_semaphore, #tpu.memory_space<semaphore_mem>>) {add = true}
        %dma_wait3A_101 = arith.constant 0 : i32
        %dma_wait3A_102 = tpu.memref_slice %arg8[%mul3A_70, %dma_wait3A_101] : memref<120x128xi32, #tpu.memory_space<vmem>> -> memref<1x128xi32, #tpu.memory_space<vmem>>
        %dma_wait3A_103 = tpu.memref_squeeze %dma_wait3A_102 : memref<1x128xi32, #tpu.memory_space<vmem>> -> memref<128xi32, #tpu.memory_space<vmem>>
        %dma_wait3A_104 = arith.constant 0 : i32
        %dma_wait3A_105 = arith.constant 0 : i32
        %dma_wait3A_106 = tpu.memref_slice %arg12[%dma_wait3A_104, %dma_wait3A_105] : memref<10112x64xf32, #tpu.memory_space<vmem_shared>> -> memref<10112x64xf32, #tpu.memory_space<vmem_shared>>
        tpu.wait_indirect_dma semaphore(%run_scoped3A : memref<!tpu.dma_semaphore, #tpu.memory_space<semaphore_mem>>) src(%arg10 : memref<128x64xf32, #tpu.memory_space<vmem>>) dst(%dma_wait3A_106 : memref<10112x64xf32, #tpu.memory_space<vmem_shared>>)
        tpu.yield
      }) : () -> ()
      %dma_start3A_82 = arith.constant 0 : i32
      %dma_start3A_83 = arith.constant 0 : i32
      %dma_start3A_84 = tpu.memref_slice %arg2[%dma_start3A_82, %dma_start3A_83] : memref<10000x64xf32, #tpu.memory_space<hbm>> -> memref<10000x64xf32, #tpu.memory_space<hbm>>
      tpu.enqueue_indirect_dma source(%dma_start3A_84 : memref<10000x64xf32, #tpu.memory_space<hbm>>) target(%arg10 : memref<128x64xf32, #tpu.memory_space<vmem>>) offsets(%arg6 : memref<128xi32, #tpu.memory_space<vmem>>) semaphore(%arg13 : memref<!tpu.dma_semaphore, #tpu.memory_space<semaphore_mem>>)
      %add3A_85 = arith.constant 1 : i32
      %add3A_86 = arith.addi %mul3A_70, %add3A_85 : i32
      %dma_wait3A_87 = arith.constant 0 : i32
      %dma_wait3A_88 = arith.constant 0 : i32
      %dma_wait3A_89 = tpu.memref_slice %arg2[%dma_wait3A_87, %dma_wait3A_88] : memref<10000x64xf32, #tpu.memory_space<hbm>> -> memref<10000x64xf32, #tpu.memory_space<hbm>>
      tpu.wait_indirect_dma semaphore(%arg14 : memref<!tpu.dma_semaphore, #tpu.memory_space<semaphore_mem>>) src(%dma_wait3A_89 : memref<10000x64xf32, #tpu.memory_space<hbm>>) dst(%arg11 : memref<128x64xf32, #tpu.memory_space<vmem>>)
      %add3A_90 = arith.constant 3 : i32
      %add3A_91 = arith.addi %mul3A_70, %add3A_90 : i32
      %mul3A_92 = arith.constant 128 : i32
      %mul3A_93 = arith.muli %add3A_91, %mul3A_92 : i32
      %add3A_94 = arith.addi %mul3A_27, %mul3A_93 : i32
      "tpu.region"() ({
        %run_scoped3A = tpu.sem_alloc : memref<!tpu.dma_semaphore, #tpu.memory_space<semaphore_mem>>
        %dma_start3A_95 = tpu.memref_slice %arg3[%add3A_94] : memref<328192xi32, #tpu.memory_space<hbm>> -> memref<128xi32, #tpu.memory_space<hbm>>
        %dma_start3A_96 = tpu.memref_slice %arg3[%add3A_94] : memref<328192xi32, #tpu.memory_space<hbm>> -> memref<128xi32, #tpu.memory_space<hbm>>
        tpu.enqueue_dma source(%dma_start3A_96 : memref<128xi32, #tpu.memory_space<hbm>>) target(%arg7 : memref<128xi32, #tpu.memory_space<vmem>>) target_semaphore(%run_scoped3A : memref<!tpu.dma_semaphore, #tpu.memory_space<semaphore_mem>>)
        %dma_wait3A_97 = tpu.memref_slice %arg3[%add3A_94] : memref<328192xi32, #tpu.memory_space<hbm>> -> memref<128xi32, #tpu.memory_space<hbm>>
        %dma_wait3A_98 = tpu.memref_slice %arg3[%add3A_94] : memref<328192xi32, #tpu.memory_space<hbm>> -> memref<128xi32, #tpu.memory_space<hbm>>
        tpu.wait_dma2 semaphore(%run_scoped3A : memref<!tpu.dma_semaphore, #tpu.memory_space<semaphore_mem>>) src(%dma_wait3A_98 : memref<128xi32, #tpu.memory_space<hbm>>) dst(%arg7 : memref<128xi32, #tpu.memory_space<vmem>>)
        tpu.yield
      }) : () -> ()
      "tpu.region"() ({
        %run_scoped3A = tpu.sem_alloc : memref<!tpu.dma_semaphore, #tpu.memory_space<semaphore_mem>>
        %dma_start3A_95 = arith.constant 0 : i32
        %dma_start3A_96 = tpu.memref_slice %arg8[%add3A_86, %dma_start3A_95] : memref<120x128xi32, #tpu.memory_space<vmem>> -> memref<1x128xi32, #tpu.memory_space<vmem>>
        %dma_start3A_97 = tpu.memref_squeeze %dma_start3A_96 : memref<1x128xi32, #tpu.memory_space<vmem>> -> memref<128xi32, #tpu.memory_space<vmem>>
        %dma_start3A_98 = arith.constant 0 : i32
        %dma_start3A_99 = arith.constant 0 : i32
        %dma_start3A_100 = tpu.memref_slice %arg12[%dma_start3A_98, %dma_start3A_99] : memref<10112x64xf32, #tpu.memory_space<vmem_shared>> -> memref<10112x64xf32, #tpu.memory_space<vmem_shared>>
        tpu.enqueue_indirect_dma source(%arg11 : memref<128x64xf32, #tpu.memory_space<vmem>>) target(%dma_start3A_100 : memref<10112x64xf32, #tpu.memory_space<vmem_shared>>) offsets(%dma_start3A_97 : memref<128xi32, #tpu.memory_space<vmem>>) semaphore(%run_scoped3A : memref<!tpu.dma_semaphore, #tpu.memory_space<semaphore_mem>>) {add = true}
        %dma_wait3A_101 = arith.constant 0 : i32
        %dma_wait3A_102 = tpu.memref_slice %arg8[%add3A_86, %dma_wait3A_101] : memref<120x128xi32, #tpu.memory_space<vmem>> -> memref<1x128xi32, #tpu.memory_space<vmem>>
        %dma_wait3A_103 = tpu.memref_squeeze %dma_wait3A_102 : memref<1x128xi32, #tpu.memory_space<vmem>> -> memref<128xi32, #tpu.memory_space<vmem>>
        %dma_wait3A_104 = arith.constant 0 : i32
        %dma_wait3A_105 = arith.constant 0 : i32
        %dma_wait3A_106 = tpu.memref_slice %arg12[%dma_wait3A_104, %dma_wait3A_105] : memref<10112x64xf32, #tpu.memory_space<vmem_shared>> -> memref<10112x64xf32, #tpu.memory_space<vmem_shared>>
        tpu.wait_indirect_dma semaphore(%run_scoped3A : memref<!tpu.dma_semaphore, #tpu.memory_space<semaphore_mem>>) src(%arg11 : memref<128x64xf32, #tpu.memory_space<vmem>>) dst(%dma_wait3A_106 : memref<10112x64xf32, #tpu.memory_space<vmem_shared>>)
        tpu.yield
      }) : () -> ()
    }
    %while3A_60 = arith.constant 1 : i32
    scf.for %while3A_68 = %while3A_58 to %while3A_54 step %while3A_60  : i32 {
      %mul3A_69 = arith.constant 2 : i32
      %mul3A_70 = arith.muli %mul3A_69, %while3A_68 : i32
      %dma_start3A_71 = arith.constant 0 : i32
      %dma_start3A_72 = arith.constant 0 : i32
      %dma_start3A_73 = tpu.memref_slice %arg2[%dma_start3A_71, %dma_start3A_72] : memref<10000x64xf32, #tpu.memory_space<hbm>> -> memref<10000x64xf32, #tpu.memory_space<hbm>>
      tpu.enqueue_indirect_dma source(%dma_start3A_73 : memref<10000x64xf32, #tpu.memory_space<hbm>>) target(%arg11 : memref<128x64xf32, #tpu.memory_space<vmem>>) offsets(%arg7 : memref<128xi32, #tpu.memory_space<vmem>>) semaphore(%arg14 : memref<!tpu.dma_semaphore, #tpu.memory_space<semaphore_mem>>)
      %dma_wait3A_74 = arith.constant 0 : i32
      %dma_wait3A_75 = arith.constant 0 : i32
      %dma_wait3A_76 = tpu.memref_slice %arg2[%dma_wait3A_74, %dma_wait3A_75] : memref<10000x64xf32, #tpu.memory_space<hbm>> -> memref<10000x64xf32, #tpu.memory_space<hbm>>
      tpu.wait_indirect_dma semaphore(%arg13 : memref<!tpu.dma_semaphore, #tpu.memory_space<semaphore_mem>>) src(%dma_wait3A_76 : memref<10000x64xf32, #tpu.memory_space<hbm>>) dst(%arg10 : memref<128x64xf32, #tpu.memory_space<vmem>>)
      %add3A_77 = arith.constant 2 : i32
      %add3A_78 = arith.addi %mul3A_70, %add3A_77 : i32
      %mul3A_79 = arith.constant 128 : i32
      %mul3A_80 = arith.muli %add3A_78, %mul3A_79 : i32
      %add3A_81 = arith.addi %mul3A_27, %mul3A_80 : i32
      "tpu.region"() ({
        %run_scoped3A = tpu.sem_alloc : memref<!tpu.dma_semaphore, #tpu.memory_space<semaphore_mem>>
        %dma_start3A_95 = tpu.memref_slice %arg3[%add3A_81] : memref<328192xi32, #tpu.memory_space<hbm>> -> memref<128xi32, #tpu.memory_space<hbm>>
        %dma_start3A_96 = tpu.memref_slice %arg3[%add3A_81] : memref<328192xi32, #tpu.memory_space<hbm>> -> memref<128xi32, #tpu.memory_space<hbm>>
        tpu.enqueue_dma source(%dma_start3A_96 : memref<128xi32, #tpu.memory_space<hbm>>) target(%arg6 : memref<128xi32, #tpu.memory_space<vmem>>) target_semaphore(%run_scoped3A : memref<!tpu.dma_semaphore, #tpu.memory_space<semaphore_mem>>)
        %dma_wait3A_97 = tpu.memref_slice %arg3[%add3A_81] : memref<328192xi32, #tpu.memory_space<hbm>> -> memref<128xi32, #tpu.memory_space<hbm>>
        %dma_wait3A_98 = tpu.memref_slice %arg3[%add3A_81] : memref<328192xi32, #tpu.memory_space<hbm>> -> memref<128xi32, #tpu.memory_space<hbm>>
        tpu.wait_dma2 semaphore(%run_scoped3A : memref<!tpu.dma_semaphore, #tpu.memory_space<semaphore_mem>>) src(%dma_wait3A_98 : memref<128xi32, #tpu.memory_space<hbm>>) dst(%arg6 : memref<128xi32, #tpu.memory_space<vmem>>)
        tpu.yield
      }) : () -> ()
      "tpu.region"() ({
        %run_scoped3A = tpu.sem_alloc : memref<!tpu.dma_semaphore, #tpu.memory_space<semaphore_mem>>
        %dma_start3A_95 = arith.constant 0 : i32
        %dma_start3A_96 = tpu.memref_slice %arg8[%mul3A_70, %dma_start3A_95] : memref<120x128xi32, #tpu.memory_space<vmem>> -> memref<1x128xi32, #tpu.memory_space<vmem>>
        %dma_start3A_97 = tpu.memref_squeeze %dma_start3A_96 : memref<1x128xi32, #tpu.memory_space<vmem>> -> memref<128xi32, #tpu.memory_space<vmem>>
        %dma_start3A_98 = arith.constant 0 : i32
        %dma_start3A_99 = arith.constant 0 : i32
        %dma_start3A_100 = tpu.memref_slice %arg12[%dma_start3A_98, %dma_start3A_99] : memref<10112x64xf32, #tpu.memory_space<vmem_shared>> -> memref<10112x64xf32, #tpu.memory_space<vmem_shared>>
        tpu.enqueue_indirect_dma source(%arg10 : memref<128x64xf32, #tpu.memory_space<vmem>>) target(%dma_start3A_100 : memref<10112x64xf32, #tpu.memory_space<vmem_shared>>) offsets(%dma_start3A_97 : memref<128xi32, #tpu.memory_space<vmem>>) semaphore(%run_scoped3A : memref<!tpu.dma_semaphore, #tpu.memory_space<semaphore_mem>>) {add = true}
        %dma_wait3A_101 = arith.constant 0 : i32
        %dma_wait3A_102 = tpu.memref_slice %arg8[%mul3A_70, %dma_wait3A_101] : memref<120x128xi32, #tpu.memory_space<vmem>> -> memref<1x128xi32, #tpu.memory_space<vmem>>
        %dma_wait3A_103 = tpu.memref_squeeze %dma_wait3A_102 : memref<1x128xi32, #tpu.memory_space<vmem>> -> memref<128xi32, #tpu.memory_space<vmem>>
        %dma_wait3A_104 = arith.constant 0 : i32
        %dma_wait3A_105 = arith.constant 0 : i32
        %dma_wait3A_106 = tpu.memref_slice %arg12[%dma_wait3A_104, %dma_wait3A_105] : memref<10112x64xf32, #tpu.memory_space<vmem_shared>> -> memref<10112x64xf32, #tpu.memory_space<vmem_shared>>
        tpu.wait_indirect_dma semaphore(%run_scoped3A : memref<!tpu.dma_semaphore, #tpu.memory_space<semaphore_mem>>) src(%arg10 : memref<128x64xf32, #tpu.memory_space<vmem>>) dst(%dma_wait3A_106 : memref<10112x64xf32, #tpu.memory_space<vmem_shared>>)
        tpu.yield
      }) : () -> ()
      %dma_start3A_82 = arith.constant 0 : i32
      %dma_start3A_83 = arith.constant 0 : i32
      %dma_start3A_84 = tpu.memref_slice %arg2[%dma_start3A_82, %dma_start3A_83] : memref<10000x64xf32, #tpu.memory_space<hbm>> -> memref<10000x64xf32, #tpu.memory_space<hbm>>
      tpu.enqueue_indirect_dma source(%dma_start3A_84 : memref<10000x64xf32, #tpu.memory_space<hbm>>) target(%arg10 : memref<128x64xf32, #tpu.memory_space<vmem>>) offsets(%arg6 : memref<128xi32, #tpu.memory_space<vmem>>) semaphore(%arg13 : memref<!tpu.dma_semaphore, #tpu.memory_space<semaphore_mem>>)
      %add3A_85 = arith.constant 1 : i32
      %add3A_86 = arith.addi %mul3A_70, %add3A_85 : i32
      %dma_wait3A_87 = arith.constant 0 : i32
      %dma_wait3A_88 = arith.constant 0 : i32
      %dma_wait3A_89 = tpu.memref_slice %arg2[%dma_wait3A_87, %dma_wait3A_88] : memref<10000x64xf32, #tpu.memory_space<hbm>> -> memref<10000x64xf32, #tpu.memory_space<hbm>>
      tpu.wait_indirect_dma semaphore(%arg14 : memref<!tpu.dma_semaphore, #tpu.memory_space<semaphore_mem>>) src(%dma_wait3A_89 : memref<10000x64xf32, #tpu.memory_space<hbm>>) dst(%arg11 : memref<128x64xf32, #tpu.memory_space<vmem>>)
      %add3A_90 = arith.constant 3 : i32
      %add3A_91 = arith.addi %mul3A_70, %add3A_90 : i32
      %mul3A_92 = arith.constant 128 : i32
      %mul3A_93 = arith.muli %add3A_91, %mul3A_92 : i32
      %add3A_94 = arith.addi %mul3A_27, %mul3A_93 : i32
      "tpu.region"() ({
        %run_scoped3A = tpu.sem_alloc : memref<!tpu.dma_semaphore, #tpu.memory_space<semaphore_mem>>
        %dma_start3A_95 = tpu.memref_slice %arg3[%add3A_94] : memref<328192xi32, #tpu.memory_space<hbm>> -> memref<128xi32, #tpu.memory_space<hbm>>
        %dma_start3A_96 = tpu.memref_slice %arg3[%add3A_94] : memref<328192xi32, #tpu.memory_space<hbm>> -> memref<128xi32, #tpu.memory_space<hbm>>
        tpu.enqueue_dma source(%dma_start3A_96 : memref<128xi32, #tpu.memory_space<hbm>>) target(%arg7 : memref<128xi32, #tpu.memory_space<vmem>>) target_semaphore(%run_scoped3A : memref<!tpu.dma_semaphore, #tpu.memory_space<semaphore_mem>>)
        %dma_wait3A_97 = tpu.memref_slice %arg3[%add3A_94] : memref<328192xi32, #tpu.memory_space<hbm>> -> memref<128xi32, #tpu.memory_space<hbm>>
        %dma_wait3A_98 = tpu.memref_slice %arg3[%add3A_94] : memref<328192xi32, #tpu.memory_space<hbm>> -> memref<128xi32, #tpu.memory_space<hbm>>
        tpu.wait_dma2 semaphore(%run_scoped3A : memref<!tpu.dma_semaphore, #tpu.memory_space<semaphore_mem>>) src(%dma_wait3A_98 : memref<128xi32, #tpu.memory_space<hbm>>) dst(%arg7 : memref<128xi32, #tpu.memory_space<vmem>>)
        tpu.yield
      }) : () -> ()
      "tpu.region"() ({
        %run_scoped3A = tpu.sem_alloc : memref<!tpu.dma_semaphore, #tpu.memory_space<semaphore_mem>>
        %dma_start3A_95 = arith.constant 0 : i32
        %dma_start3A_96 = tpu.memref_slice %arg8[%add3A_86, %dma_start3A_95] : memref<120x128xi32, #tpu.memory_space<vmem>> -> memref<1x128xi32, #tpu.memory_space<vmem>>
        %dma_start3A_97 = tpu.memref_squeeze %dma_start3A_96 : memref<1x128xi32, #tpu.memory_space<vmem>> -> memref<128xi32, #tpu.memory_space<vmem>>
        %dma_start3A_98 = arith.constant 0 : i32
        %dma_start3A_99 = arith.constant 0 : i32
        %dma_start3A_100 = tpu.memref_slice %arg12[%dma_start3A_98, %dma_start3A_99] : memref<10112x64xf32, #tpu.memory_space<vmem_shared>> -> memref<10112x64xf32, #tpu.memory_space<vmem_shared>>
        tpu.enqueue_indirect_dma source(%arg11 : memref<128x64xf32, #tpu.memory_space<vmem>>) target(%dma_start3A_100 : memref<10112x64xf32, #tpu.memory_space<vmem_shared>>) offsets(%dma_start3A_97 : memref<128xi32, #tpu.memory_space<vmem>>) semaphore(%run_scoped3A : memref<!tpu.dma_semaphore, #tpu.memory_space<semaphore_mem>>) {add = true}
        %dma_wait3A_101 = arith.constant 0 : i32
        %dma_wait3A_102 = tpu.memref_slice %arg8[%add3A_86, %dma_wait3A_101] : memref<120x128xi32, #tpu.memory_space<vmem>> -> memref<1x128xi32, #tpu.memory_space<vmem>>
        %dma_wait3A_103 = tpu.memref_squeeze %dma_wait3A_102 : memref<1x128xi32, #tpu.memory_space<vmem>> -> memref<128xi32, #tpu.memory_space<vmem>>
        %dma_wait3A_104 = arith.constant 0 : i32
        %dma_wait3A_105 = arith.constant 0 : i32
        %dma_wait3A_106 = tpu.memref_slice %arg12[%dma_wait3A_104, %dma_wait3A_105] : memref<10112x64xf32, #tpu.memory_space<vmem_shared>> -> memref<10112x64xf32, #tpu.memory_space<vmem_shared>>
        tpu.wait_indirect_dma semaphore(%run_scoped3A : memref<!tpu.dma_semaphore, #tpu.memory_space<semaphore_mem>>) src(%arg11 : memref<128x64xf32, #tpu.memory_space<vmem>>) dst(%dma_wait3A_106 : memref<10112x64xf32, #tpu.memory_space<vmem_shared>>)
        tpu.yield
      }) : () -> ()
    }
    %dma_wait3A = arith.constant 0 : i32
    %dma_wait3A_61 = arith.constant 0 : i32
    %dma_wait3A_62 = tpu.memref_slice %arg2[%dma_wait3A, %dma_wait3A_61] : memref<10000x64xf32, #tpu.memory_space<hbm>> -> memref<10000x64xf32, #tpu.memory_space<hbm>>
    tpu.wait_indirect_dma semaphore(%arg13 : memref<!tpu.dma_semaphore, #tpu.memory_space<semaphore_mem>>) src(%dma_wait3A_62 : memref<10000x64xf32, #tpu.memory_space<hbm>>) dst(%arg10 : memref<128x64xf32, #tpu.memory_space<vmem>>)
    %barrier3A_63 = arith.constant 0 : index
    tpu.barrier barrier_id(%barrier3A_63)
    %mul3A_64 = arith.constant 632 : i32
    %mul3A_65 = arith.muli %arg1, %mul3A_64 : i32
    %mul3A_66 = arith.constant 632 : i32
    %mul3A_67 = arith.muli %arg1, %mul3A_66 : i32
    "tpu.region"() ({
      %run_scoped3A = tpu.sem_alloc : memref<!tpu.dma_semaphore, #tpu.memory_space<semaphore_mem>>
      %dma_start3A_68 = arith.constant 0 : i32
      %dma_start3A_69 = tpu.memref_slice %arg5[%arg0, %mul3A_67, %dma_start3A_68] : memref<2x10112x64xf32, #tpu.memory_space<hbm>> -> memref<1x632x64xf32, #tpu.memory_space<hbm>>
      %dma_start3A_70 = tpu.memref_squeeze %dma_start3A_69 : memref<1x632x64xf32, #tpu.memory_space<hbm>> -> memref<632x64xf32, #tpu.memory_space<hbm>>
      %dma_start3A_71 = arith.constant 0 : i32
      %dma_start3A_72 = tpu.memref_slice %arg12[%mul3A_65, %dma_start3A_71] : memref<10112x64xf32, #tpu.memory_space<vmem_shared>> -> memref<632x64xf32, #tpu.memory_space<vmem_shared>>
      tpu.enqueue_dma source(%dma_start3A_72 : memref<632x64xf32, #tpu.memory_space<vmem_shared>>) target(%dma_start3A_70 : memref<632x64xf32, #tpu.memory_space<hbm>>) target_semaphore(%run_scoped3A : memref<!tpu.dma_semaphore, #tpu.memory_space<semaphore_mem>>)
      %dma_wait3A_73 = arith.constant 0 : i32
      %dma_wait3A_74 = tpu.memref_slice %arg5[%arg0, %mul3A_67, %dma_wait3A_73] : memref<2x10112x64xf32, #tpu.memory_space<hbm>> -> memref<1x632x64xf32, #tpu.memory_space<hbm>>
      %dma_wait3A_75 = tpu.memref_squeeze %dma_wait3A_74 : memref<1x632x64xf32, #tpu.memory_space<hbm>> -> memref<632x64xf32, #tpu.memory_space<hbm>>
      %dma_wait3A_76 = arith.constant 0 : i32
      %dma_wait3A_77 = tpu.memref_slice %arg12[%mul3A_65, %dma_wait3A_76] : memref<10112x64xf32, #tpu.memory_space<vmem_shared>> -> memref<632x64xf32, #tpu.memory_space<vmem_shared>>
      tpu.wait_dma2 semaphore(%run_scoped3A : memref<!tpu.dma_semaphore, #tpu.memory_space<semaphore_mem>>) src(%dma_wait3A_77 : memref<632x64xf32, #tpu.memory_space<vmem_shared>>) dst(%dma_wait3A_75 : memref<632x64xf32, #tpu.memory_space<hbm>>)
      tpu.yield
    }) : () -> ()
    return
  }
}

#map = affine_map<(d0, d1) -> (0, 0)>
#map1 = affine_map<(d0, d1) -> (0)>
#map2 = affine_map<(d0, d1) -> (0, 0, 0)>
module attributes {stable_mosaic.version = 14 : i64} {
  func.func @body(%arg0: i32, %arg1: i32, %arg2: memref<8x16xf32, #tpu.memory_space<hbm>>, %arg3: memref<8xi32, #tpu.memory_space<hbm>>, %arg4: memref<2592x128xi32, #tpu.memory_space<hbm>>, %arg5: memref<2x10368x16xf32, #tpu.memory_space<hbm>>, %arg6: memref<128xi32, #tpu.memory_space<vmem>>, %arg7: memref<128xi32, #tpu.memory_space<vmem>>, %arg8: memref<81x128xi32, #tpu.memory_space<vmem>>, %arg9: memref<128xi32, #tpu.memory_space<vmem>>, %arg10: memref<128x16xf32, #tpu.memory_space<vmem>>, %arg11: memref<128x16xf32, #tpu.memory_space<vmem>>, %arg12: memref<10368x16xf32, #tpu.memory_space<vmem_shared>>, %arg13: memref<!tpu.dma_semaphore, #tpu.memory_space<semaphore_mem>>, %arg14: memref<!tpu.dma_semaphore, #tpu.memory_space<semaphore_mem>>) attributes {dimension_semantics = [#tpu.dimension_semantics<core_parallel>, #tpu.dimension_semantics<subcore_parallel>], iteration_bounds = array<i64: 2, 16>, scalar_prefetch = 0 : i64, scratch_operands = 9 : i64, tpu.core_type = #tpu.core_type<sc_vector_subcore>, window_params = [{transform_indices = #map}, {transform_indices = #map1}, {transform_indices = #map}, {transform_indices = #map2}]} {
    %mul3A = arith.constant 16 : i32
    %mul3A_0 = arith.muli %arg0, %mul3A : i32
    %add3A = arith.addi %mul3A_0, %arg1 : i32
    %mul3A_1 = arith.constant 81 : i32
    %mul3A_2 = arith.muli %add3A, %mul3A_1 : i32
    "tpu.region"() ({
      %run_scoped3A = tpu.sem_alloc : memref<!tpu.dma_semaphore, #tpu.memory_space<semaphore_mem>>
      %dma_start3A = arith.constant 0 : i32
      %dma_start3A_39 = tpu.memref_slice %arg4[%mul3A_2, %dma_start3A] : memref<2592x128xi32, #tpu.memory_space<hbm>> -> memref<81x128xi32, #tpu.memory_space<hbm>>
      %dma_start3A_40 = arith.constant 0 : i32
      %dma_start3A_41 = tpu.memref_slice %arg4[%mul3A_2, %dma_start3A_40] : memref<2592x128xi32, #tpu.memory_space<hbm>> -> memref<81x128xi32, #tpu.memory_space<hbm>>
      tpu.enqueue_dma source(%dma_start3A_41 : memref<81x128xi32, #tpu.memory_space<hbm>>) target(%arg8 : memref<81x128xi32, #tpu.memory_space<vmem>>) target_semaphore(%run_scoped3A : memref<!tpu.dma_semaphore, #tpu.memory_space<semaphore_mem>>)
      %dma_wait3A = arith.constant 0 : i32
      %dma_wait3A_42 = tpu.memref_slice %arg4[%mul3A_2, %dma_wait3A] : memref<2592x128xi32, #tpu.memory_space<hbm>> -> memref<81x128xi32, #tpu.memory_space<hbm>>
      %dma_wait3A_43 = arith.constant 0 : i32
      %dma_wait3A_44 = tpu.memref_slice %arg4[%mul3A_2, %dma_wait3A_43] : memref<2592x128xi32, #tpu.memory_space<hbm>> -> memref<81x128xi32, #tpu.memory_space<hbm>>
      tpu.wait_dma2 semaphore(%run_scoped3A : memref<!tpu.dma_semaphore, #tpu.memory_space<semaphore_mem>>) src(%dma_wait3A_44 : memref<81x128xi32, #tpu.memory_space<hbm>>) dst(%arg8 : memref<81x128xi32, #tpu.memory_space<vmem>>)
      tpu.yield
    }) : () -> ()
    %scan3A = arith.constant 0 : i32
    %scan3A_3 = arith.constant 0 : i32
    %scan3A_4 = arith.constant 128 : i32
    %scan3A_5 = arith.addi %scan3A_3, %scan3A_4 : i32
    %scan3A_6 = arith.constant 1 : i32
    scf.for %scan3A_39 = %scan3A_3 to %scan3A_5 step %scan3A_6  : i32 {
      %broadcast_in_dim3A = arith.constant 0.000000e+00 : f32
      %broadcast_in_dim3A_40 = vector.broadcast %broadcast_in_dim3A : f32 to vector<16xf32>
      %swap3A = arith.index_cast %scan3A_39 : i32 to index
      %swap3A_41 = arith.constant 0 : index
      %swap3A_42 = tpu.vector_load %arg10[%swap3A, %swap3A_41] {strides = array<i32>} : memref<128x16xf32, #tpu.memory_space<vmem>>, vector<1x16xf32>,
      %swap3A_43 = vector.shape_cast %swap3A_42 : vector<1x16xf32> to vector<16xf32>
      %swap3A_44 = vector.shape_cast %broadcast_in_dim3A_40 : vector<16xf32> to vector<1x16xf32>
      tpu.vector_store %arg10[%swap3A, %swap3A_41], %swap3A_44 {strides = array<i32>} : memref<128x16xf32, #tpu.memory_space<vmem>>, vector<1x16xf32>,
    }
    %scan3A_7 = arith.constant 128 : i32
    %mul3A_8 = arith.constant 648 : i32
    %mul3A_9 = arith.muli %arg1, %mul3A_8 : i32
    %add3A_10 = arith.constant 0 : i32
    %add3A_11 = arith.addi %mul3A_9, %add3A_10 : i32
    "tpu.region"() ({
      %run_scoped3A = tpu.sem_alloc : memref<!tpu.dma_semaphore, #tpu.memory_space<semaphore_mem>>
      %dma_start3A = arith.constant 0 : i32
      %dma_start3A_39 = tpu.memref_slice %arg12[%add3A_11, %dma_start3A] : memref<10368x16xf32, #tpu.memory_space<vmem_shared>> -> memref<128x16xf32, #tpu.memory_space<vmem_shared>>
      %dma_start3A_40 = arith.constant 0 : i32
      %dma_start3A_41 = tpu.memref_slice %arg12[%add3A_11, %dma_start3A_40] : memref<10368x16xf32, #tpu.memory_space<vmem_shared>> -> memref<128x16xf32, #tpu.memory_space<vmem_shared>>
      tpu.enqueue_dma source(%arg10 : memref<128x16xf32, #tpu.memory_space<vmem>>) target(%dma_start3A_41 : memref<128x16xf32, #tpu.memory_space<vmem_shared>>) target_semaphore(%run_scoped3A : memref<!tpu.dma_semaphore, #tpu.memory_space<semaphore_mem>>)
      %dma_wait3A = arith.constant 0 : i32
      %dma_wait3A_42 = tpu.memref_slice %arg12[%add3A_11, %dma_wait3A] : memref<10368x16xf32, #tpu.memory_space<vmem_shared>> -> memref<128x16xf32, #tpu.memory_space<vmem_shared>>
      %dma_wait3A_43 = arith.constant 0 : i32
      %dma_wait3A_44 = tpu.memref_slice %arg12[%add3A_11, %dma_wait3A_43] : memref<10368x16xf32, #tpu.memory_space<vmem_shared>> -> memref<128x16xf32, #tpu.memory_space<vmem_shared>>
      tpu.wait_dma2 semaphore(%run_scoped3A : memref<!tpu.dma_semaphore, #tpu.memory_space<semaphore_mem>>) src(%arg10 : memref<128x16xf32, #tpu.memory_space<vmem>>) dst(%dma_wait3A_44 : memref<128x16xf32, #tpu.memory_space<vmem_shared>>)
      tpu.yield
    }) : () -> ()
    %add3A_12 = arith.constant 128 : i32
    %add3A_13 = arith.addi %mul3A_9, %add3A_12 : i32
    "tpu.region"() ({
      %run_scoped3A = tpu.sem_alloc : memref<!tpu.dma_semaphore, #tpu.memory_space<semaphore_mem>>
      %dma_start3A = arith.constant 0 : i32
      %dma_start3A_39 = tpu.memref_slice %arg12[%add3A_13, %dma_start3A] : memref<10368x16xf32, #tpu.memory_space<vmem_shared>> -> memref<128x16xf32, #tpu.memory_space<vmem_shared>>
      %dma_start3A_40 = arith.constant 0 : i32
      %dma_start3A_41 = tpu.memref_slice %arg12[%add3A_13, %dma_start3A_40] : memref<10368x16xf32, #tpu.memory_space<vmem_shared>> -> memref<128x16xf32, #tpu.memory_space<vmem_shared>>
      tpu.enqueue_dma source(%arg10 : memref<128x16xf32, #tpu.memory_space<vmem>>) target(%dma_start3A_41 : memref<128x16xf32, #tpu.memory_space<vmem_shared>>) target_semaphore(%run_scoped3A : memref<!tpu.dma_semaphore, #tpu.memory_space<semaphore_mem>>)
      %dma_wait3A = arith.constant 0 : i32
      %dma_wait3A_42 = tpu.memref_slice %arg12[%add3A_13, %dma_wait3A] : memref<10368x16xf32, #tpu.memory_space<vmem_shared>> -> memref<128x16xf32, #tpu.memory_space<vmem_shared>>
      %dma_wait3A_43 = arith.constant 0 : i32
      %dma_wait3A_44 = tpu.memref_slice %arg12[%add3A_13, %dma_wait3A_43] : memref<10368x16xf32, #tpu.memory_space<vmem_shared>> -> memref<128x16xf32, #tpu.memory_space<vmem_shared>>
      tpu.wait_dma2 semaphore(%run_scoped3A : memref<!tpu.dma_semaphore, #tpu.memory_space<semaphore_mem>>) src(%arg10 : memref<128x16xf32, #tpu.memory_space<vmem>>) dst(%dma_wait3A_44 : memref<128x16xf32, #tpu.memory_space<vmem_shared>>)
      tpu.yield
    }) : () -> ()
    %add3A_14 = arith.constant 256 : i32
    %add3A_15 = arith.addi %mul3A_9, %add3A_14 : i32
    "tpu.region"() ({
      %run_scoped3A = tpu.sem_alloc : memref<!tpu.dma_semaphore, #tpu.memory_space<semaphore_mem>>
      %dma_start3A = arith.constant 0 : i32
      %dma_start3A_39 = tpu.memref_slice %arg12[%add3A_15, %dma_start3A] : memref<10368x16xf32, #tpu.memory_space<vmem_shared>> -> memref<128x16xf32, #tpu.memory_space<vmem_shared>>
      %dma_start3A_40 = arith.constant 0 : i32
      %dma_start3A_41 = tpu.memref_slice %arg12[%add3A_15, %dma_start3A_40] : memref<10368x16xf32, #tpu.memory_space<vmem_shared>> -> memref<128x16xf32, #tpu.memory_space<vmem_shared>>
      tpu.enqueue_dma source(%arg10 : memref<128x16xf32, #tpu.memory_space<vmem>>) target(%dma_start3A_41 : memref<128x16xf32, #tpu.memory_space<vmem_shared>>) target_semaphore(%run_scoped3A : memref<!tpu.dma_semaphore, #tpu.memory_space<semaphore_mem>>)
      %dma_wait3A = arith.constant 0 : i32
      %dma_wait3A_42 = tpu.memref_slice %arg12[%add3A_15, %dma_wait3A] : memref<10368x16xf32, #tpu.memory_space<vmem_shared>> -> memref<128x16xf32, #tpu.memory_space<vmem_shared>>
      %dma_wait3A_43 = arith.constant 0 : i32
      %dma_wait3A_44 = tpu.memref_slice %arg12[%add3A_15, %dma_wait3A_43] : memref<10368x16xf32, #tpu.memory_space<vmem_shared>> -> memref<128x16xf32, #tpu.memory_space<vmem_shared>>
      tpu.wait_dma2 semaphore(%run_scoped3A : memref<!tpu.dma_semaphore, #tpu.memory_space<semaphore_mem>>) src(%arg10 : memref<128x16xf32, #tpu.memory_space<vmem>>) dst(%dma_wait3A_44 : memref<128x16xf32, #tpu.memory_space<vmem_shared>>)
      tpu.yield
    }) : () -> ()
    %add3A_16 = arith.constant 384 : i32
    %add3A_17 = arith.addi %mul3A_9, %add3A_16 : i32
    "tpu.region"() ({
      %run_scoped3A = tpu.sem_alloc : memref<!tpu.dma_semaphore, #tpu.memory_space<semaphore_mem>>
      %dma_start3A = arith.constant 0 : i32
      %dma_start3A_39 = tpu.memref_slice %arg12[%add3A_17, %dma_start3A] : memref<10368x16xf32, #tpu.memory_space<vmem_shared>> -> memref<128x16xf32, #tpu.memory_space<vmem_shared>>
      %dma_start3A_40 = arith.constant 0 : i32
      %dma_start3A_41 = tpu.memref_slice %arg12[%add3A_17, %dma_start3A_40] : memref<10368x16xf32, #tpu.memory_space<vmem_shared>> -> memref<128x16xf32, #tpu.memory_space<vmem_shared>>
      tpu.enqueue_dma source(%arg10 : memref<128x16xf32, #tpu.memory_space<vmem>>) target(%dma_start3A_41 : memref<128x16xf32, #tpu.memory_space<vmem_shared>>) target_semaphore(%run_scoped3A : memref<!tpu.dma_semaphore, #tpu.memory_space<semaphore_mem>>)
      %dma_wait3A = arith.constant 0 : i32
      %dma_wait3A_42 = tpu.memref_slice %arg12[%add3A_17, %dma_wait3A] : memref<10368x16xf32, #tpu.memory_space<vmem_shared>> -> memref<128x16xf32, #tpu.memory_space<vmem_shared>>
      %dma_wait3A_43 = arith.constant 0 : i32
      %dma_wait3A_44 = tpu.memref_slice %arg12[%add3A_17, %dma_wait3A_43] : memref<10368x16xf32, #tpu.memory_space<vmem_shared>> -> memref<128x16xf32, #tpu.memory_space<vmem_shared>>
      tpu.wait_dma2 semaphore(%run_scoped3A : memref<!tpu.dma_semaphore, #tpu.memory_space<semaphore_mem>>) src(%arg10 : memref<128x16xf32, #tpu.memory_space<vmem>>) dst(%dma_wait3A_44 : memref<128x16xf32, #tpu.memory_space<vmem_shared>>)
      tpu.yield
    }) : () -> ()
    %add3A_18 = arith.constant 512 : i32
    %add3A_19 = arith.addi %mul3A_9, %add3A_18 : i32
    "tpu.region"() ({
      %run_scoped3A = tpu.sem_alloc : memref<!tpu.dma_semaphore, #tpu.memory_space<semaphore_mem>>
      %dma_start3A = arith.constant 0 : i32
      %dma_start3A_39 = tpu.memref_slice %arg12[%add3A_19, %dma_start3A] : memref<10368x16xf32, #tpu.memory_space<vmem_shared>> -> memref<128x16xf32, #tpu.memory_space<vmem_shared>>
      %dma_start3A_40 = arith.constant 0 : i32
      %dma_start3A_41 = tpu.memref_slice %arg12[%add3A_19, %dma_start3A_40] : memref<10368x16xf32, #tpu.memory_space<vmem_shared>> -> memref<128x16xf32, #tpu.memory_space<vmem_shared>>
      tpu.enqueue_dma source(%arg10 : memref<128x16xf32, #tpu.memory_space<vmem>>) target(%dma_start3A_41 : memref<128x16xf32, #tpu.memory_space<vmem_shared>>) target_semaphore(%run_scoped3A : memref<!tpu.dma_semaphore, #tpu.memory_space<semaphore_mem>>)
      %dma_wait3A = arith.constant 0 : i32
      %dma_wait3A_42 = tpu.memref_slice %arg12[%add3A_19, %dma_wait3A] : memref<10368x16xf32, #tpu.memory_space<vmem_shared>> -> memref<128x16xf32, #tpu.memory_space<vmem_shared>>
      %dma_wait3A_43 = arith.constant 0 : i32
      %dma_wait3A_44 = tpu.memref_slice %arg12[%add3A_19, %dma_wait3A_43] : memref<10368x16xf32, #tpu.memory_space<vmem_shared>> -> memref<128x16xf32, #tpu.memory_space<vmem_shared>>
      tpu.wait_dma2 semaphore(%run_scoped3A : memref<!tpu.dma_semaphore, #tpu.memory_space<semaphore_mem>>) src(%arg10 : memref<128x16xf32, #tpu.memory_space<vmem>>) dst(%dma_wait3A_44 : memref<128x16xf32, #tpu.memory_space<vmem_shared>>)
      tpu.yield
    }) : () -> ()
    %add3A_20 = arith.constant 640 : i32
    %add3A_21 = arith.addi %mul3A_9, %add3A_20 : i32
    "tpu.region"() ({
      %run_scoped3A = tpu.sem_alloc : memref<!tpu.dma_semaphore, #tpu.memory_space<semaphore_mem>>
      %dma_start3A = arith.constant 0 : i32
      %dma_start3A_39 = arith.constant 0 : i32
      %dma_start3A_40 = tpu.memref_slice %arg10[%dma_start3A, %dma_start3A_39] : memref<128x16xf32, #tpu.memory_space<vmem>> -> memref<8x16xf32, #tpu.memory_space<vmem>>
      %dma_start3A_41 = arith.constant 0 : i32
      %dma_start3A_42 = tpu.memref_slice %arg12[%add3A_21, %dma_start3A_41] : memref<10368x16xf32, #tpu.memory_space<vmem_shared>> -> memref<8x16xf32, #tpu.memory_space<vmem_shared>>
      %dma_start3A_43 = arith.constant 0 : i32
      %dma_start3A_44 = tpu.memref_slice %arg12[%add3A_21, %dma_start3A_43] : memref<10368x16xf32, #tpu.memory_space<vmem_shared>> -> memref<8x16xf32, #tpu.memory_space<vmem_shared>>
      %dma_start3A_45 = arith.constant 0 : i32
      %dma_start3A_46 = arith.constant 0 : i32
      %dma_start3A_47 = tpu.memref_slice %arg10[%dma_start3A_45, %dma_start3A_46] : memref<128x16xf32, #tpu.memory_space<vmem>> -> memref<8x16xf32, #tpu.memory_space<vmem>>
      tpu.enqueue_dma source(%dma_start3A_47 : memref<8x16xf32, #tpu.memory_space<vmem>>) target(%dma_start3A_44 : memref<8x16xf32, #tpu.memory_space<vmem_shared>>) target_semaphore(%run_scoped3A : memref<!tpu.dma_semaphore, #tpu.memory_space<semaphore_mem>>)
      %dma_wait3A = arith.constant 0 : i32
      %dma_wait3A_48 = arith.constant 0 : i32
      %dma_wait3A_49 = tpu.memref_slice %arg10[%dma_wait3A, %dma_wait3A_48] : memref<128x16xf32, #tpu.memory_space<vmem>> -> memref<8x16xf32, #tpu.memory_space<vmem>>
      %dma_wait3A_50 = arith.constant 0 : i32
      %dma_wait3A_51 = tpu.memref_slice %arg12[%add3A_21, %dma_wait3A_50] : memref<10368x16xf32, #tpu.memory_space<vmem_shared>> -> memref<8x16xf32, #tpu.memory_space<vmem_shared>>
      %dma_wait3A_52 = arith.constant 0 : i32
      %dma_wait3A_53 = tpu.memref_slice %arg12[%add3A_21, %dma_wait3A_52] : memref<10368x16xf32, #tpu.memory_space<vmem_shared>> -> memref<8x16xf32, #tpu.memory_space<vmem_shared>>
      %dma_wait3A_54 = arith.constant 0 : i32
      %dma_wait3A_55 = arith.constant 0 : i32
      %dma_wait3A_56 = tpu.memref_slice %arg10[%dma_wait3A_54, %dma_wait3A_55] : memref<128x16xf32, #tpu.memory_space<vmem>> -> memref<8x16xf32, #tpu.memory_space<vmem>>
      tpu.wait_dma2 semaphore(%run_scoped3A : memref<!tpu.dma_semaphore, #tpu.memory_space<semaphore_mem>>) src(%dma_wait3A_56 : memref<8x16xf32, #tpu.memory_space<vmem>>) dst(%dma_wait3A_53 : memref<8x16xf32, #tpu.memory_space<vmem_shared>>)
      tpu.yield
    }) : () -> ()
    %scan3A_22 = arith.constant 0 : i32
    %scan3A_23 = arith.constant 0 : i32
    %scan3A_24 = arith.constant 128 : i32
    %scan3A_25 = arith.addi %scan3A_23, %scan3A_24 : i32
    %scan3A_26 = arith.constant 1 : i32
    scf.for %scan3A_39 = %scan3A_23 to %scan3A_25 step %scan3A_26  : i32 {
      %broadcast_in_dim3A = arith.constant 1.000000e+00 : f32
      %broadcast_in_dim3A_40 = vector.broadcast %broadcast_in_dim3A : f32 to vector<16xf32>
      %swap3A = arith.index_cast %scan3A_39 : i32 to index
      %swap3A_41 = arith.constant 0 : index
      %swap3A_42 = tpu.vector_load %arg10[%swap3A, %swap3A_41] {strides = array<i32>} : memref<128x16xf32, #tpu.memory_space<vmem>>, vector<1x16xf32>,
      %swap3A_43 = vector.shape_cast %swap3A_42 : vector<1x16xf32> to vector<16xf32>
      %swap3A_44 = vector.shape_cast %broadcast_in_dim3A_40 : vector<16xf32> to vector<1x16xf32>
      tpu.vector_store %arg10[%swap3A, %swap3A_41], %swap3A_44 {strides = array<i32>} : memref<128x16xf32, #tpu.memory_space<vmem>>, vector<1x16xf32>,
    }
    %scan3A_27 = arith.constant 128 : i32
    %barrier3A = arith.constant 0 : index
    tpu.barrier barrier_id(%barrier3A)
    %scan3A_28 = arith.constant 0 : i32
    %scan3A_29 = arith.constant 0 : i32
    %scan3A_30 = arith.constant 81 : i32
    %scan3A_31 = arith.addi %scan3A_29, %scan3A_30 : i32
    %scan3A_32 = arith.constant 1 : i32
    scf.for %scan3A_39 = %scan3A_29 to %scan3A_31 step %scan3A_32  : i32 {
      "tpu.region"() ({
        %run_scoped3A = tpu.sem_alloc : memref<!tpu.dma_semaphore, #tpu.memory_space<semaphore_mem>>
        %dma_start3A = arith.constant 0 : i32
        %dma_start3A_40 = tpu.memref_slice %arg8[%scan3A_39, %dma_start3A] : memref<81x128xi32, #tpu.memory_space<vmem>> -> memref<1x128xi32, #tpu.memory_space<vmem>>
        %dma_start3A_41 = tpu.memref_squeeze %dma_start3A_40 : memref<1x128xi32, #tpu.memory_space<vmem>> -> memref<128xi32, #tpu.memory_space<vmem>>
        %dma_start3A_42 = arith.constant 0 : i32
        %dma_start3A_43 = arith.constant 0 : i32
        %dma_start3A_44 = tpu.memref_slice %arg12[%dma_start3A_42, %dma_start3A_43] : memref<10368x16xf32, #tpu.memory_space<vmem_shared>> -> memref<10368x16xf32, #tpu.memory_space<vmem_shared>>
        tpu.enqueue_indirect_dma source(%arg10 : memref<128x16xf32, #tpu.memory_space<vmem>>) target(%dma_start3A_44 : memref<10368x16xf32, #tpu.memory_space<vmem_shared>>) offsets(%dma_start3A_41 : memref<128xi32, #tpu.memory_space<vmem>>) semaphore(%run_scoped3A : memref<!tpu.dma_semaphore, #tpu.memory_space<semaphore_mem>>) {add = true}
        %dma_wait3A = arith.constant 0 : i32
        %dma_wait3A_45 = tpu.memref_slice %arg8[%scan3A_39, %dma_wait3A] : memref<81x128xi32, #tpu.memory_space<vmem>> -> memref<1x128xi32, #tpu.memory_space<vmem>>
        %dma_wait3A_46 = tpu.memref_squeeze %dma_wait3A_45 : memref<1x128xi32, #tpu.memory_space<vmem>> -> memref<128xi32, #tpu.memory_space<vmem>>
        %dma_wait3A_47 = arith.constant 0 : i32
        %dma_wait3A_48 = arith.constant 0 : i32
        %dma_wait3A_49 = tpu.memref_slice %arg12[%dma_wait3A_47, %dma_wait3A_48] : memref<10368x16xf32, #tpu.memory_space<vmem_shared>> -> memref<10368x16xf32, #tpu.memory_space<vmem_shared>>
        tpu.wait_indirect_dma semaphore(%run_scoped3A : memref<!tpu.dma_semaphore, #tpu.memory_space<semaphore_mem>>) src(%arg10 : memref<128x16xf32, #tpu.memory_space<vmem>>) dst(%dma_wait3A_49 : memref<10368x16xf32, #tpu.memory_space<vmem_shared>>)
        tpu.yield
      }) : () -> ()
    }
    %scan3A_33 = arith.constant 81 : i32
    %barrier3A_34 = arith.constant 0 : index
    tpu.barrier barrier_id(%barrier3A_34)
    %mul3A_35 = arith.constant 648 : i32
    %mul3A_36 = arith.muli %arg1, %mul3A_35 : i32
    %mul3A_37 = arith.constant 648 : i32
    %mul3A_38 = arith.muli %arg1, %mul3A_37 : i32
    "tpu.region"() ({
      %run_scoped3A = tpu.sem_alloc : memref<!tpu.dma_semaphore, #tpu.memory_space<semaphore_mem>>
      %dma_start3A = arith.constant 0 : i32
      %dma_start3A_39 = tpu.memref_slice %arg5[%arg0, %mul3A_38, %dma_start3A] : memref<2x10368x16xf32, #tpu.memory_space<hbm>> -> memref<1x648x16xf32, #tpu.memory_space<hbm>>
      %dma_start3A_40 = tpu.memref_squeeze %dma_start3A_39 : memref<1x648x16xf32, #tpu.memory_space<hbm>> -> memref<648x16xf32, #tpu.memory_space<hbm>>
      %dma_start3A_41 = arith.constant 0 : i32
      %dma_start3A_42 = tpu.memref_slice %arg12[%mul3A_36, %dma_start3A_41] : memref<10368x16xf32, #tpu.memory_space<vmem_shared>> -> memref<648x16xf32, #tpu.memory_space<vmem_shared>>
      tpu.enqueue_dma source(%dma_start3A_42 : memref<648x16xf32, #tpu.memory_space<vmem_shared>>) target(%dma_start3A_40 : memref<648x16xf32, #tpu.memory_space<hbm>>) target_semaphore(%run_scoped3A : memref<!tpu.dma_semaphore, #tpu.memory_space<semaphore_mem>>)
      %dma_wait3A = arith.constant 0 : i32
      %dma_wait3A_43 = tpu.memref_slice %arg5[%arg0, %mul3A_38, %dma_wait3A] : memref<2x10368x16xf32, #tpu.memory_space<hbm>> -> memref<1x648x16xf32, #tpu.memory_space<hbm>>
      %dma_wait3A_44 = tpu.memref_squeeze %dma_wait3A_43 : memref<1x648x16xf32, #tpu.memory_space<hbm>> -> memref<648x16xf32, #tpu.memory_space<hbm>>
      %dma_wait3A_45 = arith.constant 0 : i32
      %dma_wait3A_46 = tpu.memref_slice %arg12[%mul3A_36, %dma_wait3A_45] : memref<10368x16xf32, #tpu.memory_space<vmem_shared>> -> memref<648x16xf32, #tpu.memory_space<vmem_shared>>
      tpu.wait_dma2 semaphore(%run_scoped3A : memref<!tpu.dma_semaphore, #tpu.memory_space<semaphore_mem>>) src(%dma_wait3A_46 : memref<648x16xf32, #tpu.memory_space<vmem_shared>>) dst(%dma_wait3A_44 : memref<648x16xf32, #tpu.memory_space<hbm>>)
      tpu.yield
    }) : () -> ()
    return
  }
}

#map = affine_map<(d0, d1) -> (0, 0)>
#map1 = affine_map<(d0, d1) -> (0)>
#map2 = affine_map<(d0, d1) -> (0, 0, 0)>
module attributes {stable_mosaic.version = 14 : i64} {
  func.func @body(%arg0: i32, %arg1: i32, %arg2: memref<10000x32xf32, #tpu.memory_space<hbm>>, %arg3: memref<328192xi32, #tpu.memory_space<hbm>>, %arg4: memref<2816x128xi32, #tpu.memory_space<hbm>>, %arg5: memref<2x10112x32xf32, #tpu.memory_space<hbm>>, %arg6: memref<128xi32, #tpu.memory_space<vmem>>, %arg7: memref<128xi32, #tpu.memory_space<vmem>>, %arg8: memref<120x128xi32, #tpu.memory_space<vmem>>, %arg9: memref<128xi32, #tpu.memory_space<vmem>>, %arg10: memref<128x32xf32, #tpu.memory_space<vmem>>, %arg11: memref<128x32xf32, #tpu.memory_space<vmem>>, %arg12: memref<10112x32xf32, #tpu.memory_space<vmem_shared>>, %arg13: memref<!tpu.dma_semaphore, #tpu.memory_space<semaphore_mem>>, %arg14: memref<!tpu.dma_semaphore, #tpu.memory_space<semaphore_mem>>) attributes {dimension_semantics = [#tpu.dimension_semantics<core_parallel>, #tpu.dimension_semantics<subcore_parallel>], iteration_bounds = array<i64: 2, 16>, scalar_prefetch = 0 : i64, scratch_operands = 9 : i64, tpu.core_type = #tpu.core_type<sc_vector_subcore>, window_params = [{transform_indices = #map}, {transform_indices = #map1}, {transform_indices = #map}, {transform_indices = #map2}]} {
    %eq3A = arith.constant 0 : i32
    %eq3A_0 = arith.cmpi eq, %arg0, %eq3A : i32
    %jit3A = arith.constant 120 : i32
    %jit3A_1 = arith.constant 40 : i32
    %select_n3A = arith.select %eq3A_0, %jit3A, %jit3A_1 : i32
    %eq3A_2 = arith.constant 0 : i32
    %eq3A_3 = arith.cmpi eq, %arg0, %eq3A_2 : i32
    %mul3A = arith.constant 120 : i32
    %mul3A_4 = arith.muli %arg1, %mul3A : i32
    %mul3A_5 = arith.constant 40 : i32
    %mul3A_6 = arith.muli %arg1, %mul3A_5 : i32
    %add3A = arith.constant 1920 : i32
    %add3A_7 = arith.addi %add3A, %mul3A_6 : i32
    %select_n3A_8 = arith.select %eq3A_3, %mul3A_4, %add3A_7 : i32
    "tpu.region"() ({
      %run_scoped3A = tpu.sem_alloc : memref<!tpu.dma_semaphore, #tpu.memory_space<semaphore_mem>>
      %dma_start3A_68 = arith.constant 0 : i32
      %dma_start3A_69 = tpu.memref_slice %arg4[%select_n3A_8, %dma_start3A_68] : memref<2816x128xi32, #tpu.memory_space<hbm>> -> memref<120x128xi32, #tpu.memory_space<hbm>>
      %dma_start3A_70 = arith.constant 0 : i32
      %dma_start3A_71 = tpu.memref_slice %arg4[%select_n3A_8, %dma_start3A_70] : memref<2816x128xi32, #tpu.memory_space<hbm>> -> memref<120x128xi32, #tpu.memory_space<hbm>>
      tpu.enqueue_dma source(%dma_start3A_71 : memref<120x128xi32, #tpu.memory_space<hbm>>) target(%arg8 : memref<120x128xi32, #tpu.memory_space<vmem>>) target_semaphore(%run_scoped3A : memref<!tpu.dma_semaphore, #tpu.memory_space<semaphore_mem>>)
      %dma_wait3A_72 = arith.constant 0 : i32
      %dma_wait3A_73 = tpu.memref_slice %arg4[%select_n3A_8, %dma_wait3A_72] : memref<2816x128xi32, #tpu.memory_space<hbm>> -> memref<120x128xi32, #tpu.memory_space<hbm>>
      %dma_wait3A_74 = arith.constant 0 : i32
      %dma_wait3A_75 = tpu.memref_slice %arg4[%select_n3A_8, %dma_wait3A_74] : memref<2816x128xi32, #tpu.memory_space<hbm>> -> memref<120x128xi32, #tpu.memory_space<hbm>>
      tpu.wait_dma2 semaphore(%run_scoped3A : memref<!tpu.dma_semaphore, #tpu.memory_space<semaphore_mem>>) src(%dma_wait3A_75 : memref<120x128xi32, #tpu.memory_space<hbm>>) dst(%arg8 : memref<120x128xi32, #tpu.memory_space<vmem>>)
      tpu.yield
    }) : () -> ()
    %scan3A = arith.constant 0 : i32
    %scan3A_9 = arith.constant 0 : i32
    %scan3A_10 = arith.constant 128 : i32
    %scan3A_11 = arith.addi %scan3A_9, %scan3A_10 : i32
    %scan3A_12 = arith.constant 1 : i32
    scf.for %scan3A_68 = %scan3A_9 to %scan3A_11 step %scan3A_12  : i32 {
      %broadcast_in_dim3A = arith.constant 0.000000e+00 : f32
      %broadcast_in_dim3A_69 = vector.broadcast %broadcast_in_dim3A : f32 to vector<16xf32>
      %swap3A = arith.index_cast %scan3A_68 : i32 to index
      %swap3A_70 = arith.constant 0 : index
      %swap3A_71 = tpu.vector_load %arg10[%swap3A, %swap3A_70] {strides = array<i32>} : memref<128x32xf32, #tpu.memory_space<vmem>>, vector<1x16xf32>,
      %swap3A_72 = vector.shape_cast %swap3A_71 : vector<1x16xf32> to vector<16xf32>
      %swap3A_73 = vector.shape_cast %broadcast_in_dim3A_69 : vector<16xf32> to vector<1x16xf32>
      tpu.vector_store %arg10[%swap3A, %swap3A_70], %swap3A_73 {strides = array<i32>} : memref<128x32xf32, #tpu.memory_space<vmem>>, vector<1x16xf32>,
      %broadcast_in_dim3A_74 = arith.constant 0.000000e+00 : f32
      %broadcast_in_dim3A_75 = vector.broadcast %broadcast_in_dim3A_74 : f32 to vector<16xf32>
      %swap3A_76 = arith.index_cast %scan3A_68 : i32 to index
      %swap3A_77 = arith.constant 16 : index
      %swap3A_78 = tpu.vector_load %arg10[%swap3A_76, %swap3A_77] {strides = array<i32>} : memref<128x32xf32, #tpu.memory_space<vmem>>, vector<1x16xf32>,
      %swap3A_79 = vector.shape_cast %swap3A_78 : vector<1x16xf32> to vector<16xf32>
      %swap3A_80 = vector.shape_cast %broadcast_in_dim3A_75 : vector<16xf32> to vector<1x16xf32>
      tpu.vector_store %arg10[%swap3A_76, %swap3A_77], %swap3A_80 {strides = array<i32>} : memref<128x32xf32, #tpu.memory_space<vmem>>, vector<1x16xf32>,
    }
    %scan3A_13 = arith.constant 128 : i32
    %mul3A_14 = arith.constant 632 : i32
    %mul3A_15 = arith.muli %arg1, %mul3A_14 : i32
    %add3A_16 = arith.constant 0 : i32
    %add3A_17 = arith.addi %mul3A_15, %add3A_16 : i32
    "tpu.region"() ({
      %run_scoped3A = tpu.sem_alloc : memref<!tpu.dma_semaphore, #tpu.memory_space<semaphore_mem>>
      %dma_start3A_68 = arith.constant 0 : i32
      %dma_start3A_69 = tpu.memref_slice %arg12[%add3A_17, %dma_start3A_68] : memref<10112x32xf32, #tpu.memory_space<vmem_shared>> -> memref<128x32xf32, #tpu.memory_space<vmem_shared>>
      %dma_start3A_70 = arith.constant 0 : i32
      %dma_start3A_71 = tpu.memref_slice %arg12[%add3A_17, %dma_start3A_70] : memref<10112x32xf32, #tpu.memory_space<vmem_shared>> -> memref<128x32xf32, #tpu.memory_space<vmem_shared>>
      tpu.enqueue_dma source(%arg10 : memref<128x32xf32, #tpu.memory_space<vmem>>) target(%dma_start3A_71 : memref<128x32xf32, #tpu.memory_space<vmem_shared>>) target_semaphore(%run_scoped3A : memref<!tpu.dma_semaphore, #tpu.memory_space<semaphore_mem>>)
      %dma_wait3A_72 = arith.constant 0 : i32
      %dma_wait3A_73 = tpu.memref_slice %arg12[%add3A_17, %dma_wait3A_72] : memref<10112x32xf32, #tpu.memory_space<vmem_shared>> -> memref<128x32xf32, #tpu.memory_space<vmem_shared>>
      %dma_wait3A_74 = arith.constant 0 : i32
      %dma_wait3A_75 = tpu.memref_slice %arg12[%add3A_17, %dma_wait3A_74] : memref<10112x32xf32, #tpu.memory_space<vmem_shared>> -> memref<128x32xf32, #tpu.memory_space<vmem_shared>>
      tpu.wait_dma2 semaphore(%run_scoped3A : memref<!tpu.dma_semaphore, #tpu.memory_space<semaphore_mem>>) src(%arg10 : memref<128x32xf32, #tpu.memory_space<vmem>>) dst(%dma_wait3A_75 : memref<128x32xf32, #tpu.memory_space<vmem_shared>>)
      tpu.yield
    }) : () -> ()
    %add3A_18 = arith.constant 128 : i32
    %add3A_19 = arith.addi %mul3A_15, %add3A_18 : i32
    "tpu.region"() ({
      %run_scoped3A = tpu.sem_alloc : memref<!tpu.dma_semaphore, #tpu.memory_space<semaphore_mem>>
      %dma_start3A_68 = arith.constant 0 : i32
      %dma_start3A_69 = tpu.memref_slice %arg12[%add3A_19, %dma_start3A_68] : memref<10112x32xf32, #tpu.memory_space<vmem_shared>> -> memref<128x32xf32, #tpu.memory_space<vmem_shared>>
      %dma_start3A_70 = arith.constant 0 : i32
      %dma_start3A_71 = tpu.memref_slice %arg12[%add3A_19, %dma_start3A_70] : memref<10112x32xf32, #tpu.memory_space<vmem_shared>> -> memref<128x32xf32, #tpu.memory_space<vmem_shared>>
      tpu.enqueue_dma source(%arg10 : memref<128x32xf32, #tpu.memory_space<vmem>>) target(%dma_start3A_71 : memref<128x32xf32, #tpu.memory_space<vmem_shared>>) target_semaphore(%run_scoped3A : memref<!tpu.dma_semaphore, #tpu.memory_space<semaphore_mem>>)
      %dma_wait3A_72 = arith.constant 0 : i32
      %dma_wait3A_73 = tpu.memref_slice %arg12[%add3A_19, %dma_wait3A_72] : memref<10112x32xf32, #tpu.memory_space<vmem_shared>> -> memref<128x32xf32, #tpu.memory_space<vmem_shared>>
      %dma_wait3A_74 = arith.constant 0 : i32
      %dma_wait3A_75 = tpu.memref_slice %arg12[%add3A_19, %dma_wait3A_74] : memref<10112x32xf32, #tpu.memory_space<vmem_shared>> -> memref<128x32xf32, #tpu.memory_space<vmem_shared>>
      tpu.wait_dma2 semaphore(%run_scoped3A : memref<!tpu.dma_semaphore, #tpu.memory_space<semaphore_mem>>) src(%arg10 : memref<128x32xf32, #tpu.memory_space<vmem>>) dst(%dma_wait3A_75 : memref<128x32xf32, #tpu.memory_space<vmem_shared>>)
      tpu.yield
    }) : () -> ()
    %add3A_20 = arith.constant 256 : i32
    %add3A_21 = arith.addi %mul3A_15, %add3A_20 : i32
    "tpu.region"() ({
      %run_scoped3A = tpu.sem_alloc : memref<!tpu.dma_semaphore, #tpu.memory_space<semaphore_mem>>
      %dma_start3A_68 = arith.constant 0 : i32
      %dma_start3A_69 = tpu.memref_slice %arg12[%add3A_21, %dma_start3A_68] : memref<10112x32xf32, #tpu.memory_space<vmem_shared>> -> memref<128x32xf32, #tpu.memory_space<vmem_shared>>
      %dma_start3A_70 = arith.constant 0 : i32
      %dma_start3A_71 = tpu.memref_slice %arg12[%add3A_21, %dma_start3A_70] : memref<10112x32xf32, #tpu.memory_space<vmem_shared>> -> memref<128x32xf32, #tpu.memory_space<vmem_shared>>
      tpu.enqueue_dma source(%arg10 : memref<128x32xf32, #tpu.memory_space<vmem>>) target(%dma_start3A_71 : memref<128x32xf32, #tpu.memory_space<vmem_shared>>) target_semaphore(%run_scoped3A : memref<!tpu.dma_semaphore, #tpu.memory_space<semaphore_mem>>)
      %dma_wait3A_72 = arith.constant 0 : i32
      %dma_wait3A_73 = tpu.memref_slice %arg12[%add3A_21, %dma_wait3A_72] : memref<10112x32xf32, #tpu.memory_space<vmem_shared>> -> memref<128x32xf32, #tpu.memory_space<vmem_shared>>
      %dma_wait3A_74 = arith.constant 0 : i32
      %dma_wait3A_75 = tpu.memref_slice %arg12[%add3A_21, %dma_wait3A_74] : memref<10112x32xf32, #tpu.memory_space<vmem_shared>> -> memref<128x32xf32, #tpu.memory_space<vmem_shared>>
      tpu.wait_dma2 semaphore(%run_scoped3A : memref<!tpu.dma_semaphore, #tpu.memory_space<semaphore_mem>>) src(%arg10 : memref<128x32xf32, #tpu.memory_space<vmem>>) dst(%dma_wait3A_75 : memref<128x32xf32, #tpu.memory_space<vmem_shared>>)
      tpu.yield
    }) : () -> ()
    %add3A_22 = arith.constant 384 : i32
    %add3A_23 = arith.addi %mul3A_15, %add3A_22 : i32
    "tpu.region"() ({
      %run_scoped3A = tpu.sem_alloc : memref<!tpu.dma_semaphore, #tpu.memory_space<semaphore_mem>>
      %dma_start3A_68 = arith.constant 0 : i32
      %dma_start3A_69 = tpu.memref_slice %arg12[%add3A_23, %dma_start3A_68] : memref<10112x32xf32, #tpu.memory_space<vmem_shared>> -> memref<128x32xf32, #tpu.memory_space<vmem_shared>>
      %dma_start3A_70 = arith.constant 0 : i32
      %dma_start3A_71 = tpu.memref_slice %arg12[%add3A_23, %dma_start3A_70] : memref<10112x32xf32, #tpu.memory_space<vmem_shared>> -> memref<128x32xf32, #tpu.memory_space<vmem_shared>>
      tpu.enqueue_dma source(%arg10 : memref<128x32xf32, #tpu.memory_space<vmem>>) target(%dma_start3A_71 : memref<128x32xf32, #tpu.memory_space<vmem_shared>>) target_semaphore(%run_scoped3A : memref<!tpu.dma_semaphore, #tpu.memory_space<semaphore_mem>>)
      %dma_wait3A_72 = arith.constant 0 : i32
      %dma_wait3A_73 = tpu.memref_slice %arg12[%add3A_23, %dma_wait3A_72] : memref<10112x32xf32, #tpu.memory_space<vmem_shared>> -> memref<128x32xf32, #tpu.memory_space<vmem_shared>>
      %dma_wait3A_74 = arith.constant 0 : i32
      %dma_wait3A_75 = tpu.memref_slice %arg12[%add3A_23, %dma_wait3A_74] : memref<10112x32xf32, #tpu.memory_space<vmem_shared>> -> memref<128x32xf32, #tpu.memory_space<vmem_shared>>
      tpu.wait_dma2 semaphore(%run_scoped3A : memref<!tpu.dma_semaphore, #tpu.memory_space<semaphore_mem>>) src(%arg10 : memref<128x32xf32, #tpu.memory_space<vmem>>) dst(%dma_wait3A_75 : memref<128x32xf32, #tpu.memory_space<vmem_shared>>)
      tpu.yield
    }) : () -> ()
    %add3A_24 = arith.constant 512 : i32
    %add3A_25 = arith.addi %mul3A_15, %add3A_24 : i32
    "tpu.region"() ({
      %run_scoped3A = tpu.sem_alloc : memref<!tpu.dma_semaphore, #tpu.memory_space<semaphore_mem>>
      %dma_start3A_68 = arith.constant 0 : i32
      %dma_start3A_69 = arith.constant 0 : i32
      %dma_start3A_70 = tpu.memref_slice %arg10[%dma_start3A_68, %dma_start3A_69] : memref<128x32xf32, #tpu.memory_space<vmem>> -> memref<120x32xf32, #tpu.memory_space<vmem>>
      %dma_start3A_71 = arith.constant 0 : i32
      %dma_start3A_72 = tpu.memref_slice %arg12[%add3A_25, %dma_start3A_71] : memref<10112x32xf32, #tpu.memory_space<vmem_shared>> -> memref<120x32xf32, #tpu.memory_space<vmem_shared>>
      %dma_start3A_73 = arith.constant 0 : i32
      %dma_start3A_74 = tpu.memref_slice %arg12[%add3A_25, %dma_start3A_73] : memref<10112x32xf32, #tpu.memory_space<vmem_shared>> -> memref<120x32xf32, #tpu.memory_space<vmem_shared>>
      %dma_start3A_75 = arith.constant 0 : i32
      %dma_start3A_76 = arith.constant 0 : i32
      %dma_start3A_77 = tpu.memref_slice %arg10[%dma_start3A_75, %dma_start3A_76] : memref<128x32xf32, #tpu.memory_space<vmem>> -> memref<120x32xf32, #tpu.memory_space<vmem>>
      tpu.enqueue_dma source(%dma_start3A_77 : memref<120x32xf32, #tpu.memory_space<vmem>>) target(%dma_start3A_74 : memref<120x32xf32, #tpu.memory_space<vmem_shared>>) target_semaphore(%run_scoped3A : memref<!tpu.dma_semaphore, #tpu.memory_space<semaphore_mem>>)
      %dma_wait3A_78 = arith.constant 0 : i32
      %dma_wait3A_79 = arith.constant 0 : i32
      %dma_wait3A_80 = tpu.memref_slice %arg10[%dma_wait3A_78, %dma_wait3A_79] : memref<128x32xf32, #tpu.memory_space<vmem>> -> memref<120x32xf32, #tpu.memory_space<vmem>>
      %dma_wait3A_81 = arith.constant 0 : i32
      %dma_wait3A_82 = tpu.memref_slice %arg12[%add3A_25, %dma_wait3A_81] : memref<10112x32xf32, #tpu.memory_space<vmem_shared>> -> memref<120x32xf32, #tpu.memory_space<vmem_shared>>
      %dma_wait3A_83 = arith.constant 0 : i32
      %dma_wait3A_84 = tpu.memref_slice %arg12[%add3A_25, %dma_wait3A_83] : memref<10112x32xf32, #tpu.memory_space<vmem_shared>> -> memref<120x32xf32, #tpu.memory_space<vmem_shared>>
      %dma_wait3A_85 = arith.constant 0 : i32
      %dma_wait3A_86 = arith.constant 0 : i32
      %dma_wait3A_87 = tpu.memref_slice %arg10[%dma_wait3A_85, %dma_wait3A_86] : memref<128x32xf32, #tpu.memory_space<vmem>> -> memref<120x32xf32, #tpu.memory_space<vmem>>
      tpu.wait_dma2 semaphore(%run_scoped3A : memref<!tpu.dma_semaphore, #tpu.memory_space<semaphore_mem>>) src(%dma_wait3A_87 : memref<120x32xf32, #tpu.memory_space<vmem>>) dst(%dma_wait3A_84 : memref<120x32xf32, #tpu.memory_space<vmem_shared>>)
      tpu.yield
    }) : () -> ()
    %barrier3A = arith.constant 0 : index
    tpu.barrier barrier_id(%barrier3A)
    %mul3A_26 = arith.constant 128 : i32
    %mul3A_27 = arith.muli %select_n3A_8, %mul3A_26 : i32
    %add3A_28 = arith.constant 0 : i32
    %add3A_29 = arith.addi %mul3A_27, %add3A_28 : i32
    "tpu.region"() ({
      %run_scoped3A = tpu.sem_alloc : memref<!tpu.dma_semaphore, #tpu.memory_space<semaphore_mem>>
      %dma_start3A_68 = tpu.memref_slice %arg3[%add3A_29] : memref<328192xi32, #tpu.memory_space<hbm>> -> memref<128xi32, #tpu.memory_space<hbm>>
      %dma_start3A_69 = tpu.memref_slice %arg3[%add3A_29] : memref<328192xi32, #tpu.memory_space<hbm>> -> memref<128xi32, #tpu.memory_space<hbm>>
      tpu.enqueue_dma source(%dma_start3A_69 : memref<128xi32, #tpu.memory_space<hbm>>) target(%arg6 : memref<128xi32, #tpu.memory_space<vmem>>) target_semaphore(%run_scoped3A : memref<!tpu.dma_semaphore, #tpu.memory_space<semaphore_mem>>)
      %dma_wait3A_70 = tpu.memref_slice %arg3[%add3A_29] : memref<328192xi32, #tpu.memory_space<hbm>> -> memref<128xi32, #tpu.memory_space<hbm>>
      %dma_wait3A_71 = tpu.memref_slice %arg3[%add3A_29] : memref<328192xi32, #tpu.memory_space<hbm>> -> memref<128xi32, #tpu.memory_space<hbm>>
      tpu.wait_dma2 semaphore(%run_scoped3A : memref<!tpu.dma_semaphore, #tpu.memory_space<semaphore_mem>>) src(%dma_wait3A_71 : memref<128xi32, #tpu.memory_space<hbm>>) dst(%arg6 : memref<128xi32, #tpu.memory_space<vmem>>)
      tpu.yield
    }) : () -> ()
    %dma_start3A = arith.constant 0 : i32
    %dma_start3A_30 = arith.constant 0 : i32
    %dma_start3A_31 = tpu.memref_slice %arg2[%dma_start3A, %dma_start3A_30] : memref<10000x32xf32, #tpu.memory_space<hbm>> -> memref<10000x32xf32, #tpu.memory_space<hbm>>
    tpu.enqueue_indirect_dma source(%dma_start3A_31 : memref<10000x32xf32, #tpu.memory_space<hbm>>) target(%arg10 : memref<128x32xf32, #tpu.memory_space<vmem>>) offsets(%arg6 : memref<128xi32, #tpu.memory_space<vmem>>) semaphore(%arg13 : memref<!tpu.dma_semaphore, #tpu.memory_space<semaphore_mem>>)
    %add3A_32 = arith.constant 128 : i32
    %add3A_33 = arith.addi %mul3A_27, %add3A_32 : i32
    "tpu.region"() ({
      %run_scoped3A = tpu.sem_alloc : memref<!tpu.dma_semaphore, #tpu.memory_space<semaphore_mem>>
      %dma_start3A_68 = tpu.memref_slice %arg3[%add3A_33] : memref<328192xi32, #tpu.memory_space<hbm>> -> memref<128xi32, #tpu.memory_space<hbm>>
      %dma_start3A_69 = tpu.memref_slice %arg3[%add3A_33] : memref<328192xi32, #tpu.memory_space<hbm>> -> memref<128xi32, #tpu.memory_space<hbm>>
      tpu.enqueue_dma source(%dma_start3A_69 : memref<128xi32, #tpu.memory_space<hbm>>) target(%arg7 : memref<128xi32, #tpu.memory_space<vmem>>) target_semaphore(%run_scoped3A : memref<!tpu.dma_semaphore, #tpu.memory_space<semaphore_mem>>)
      %dma_wait3A_70 = tpu.memref_slice %arg3[%add3A_33] : memref<328192xi32, #tpu.memory_space<hbm>> -> memref<128xi32, #tpu.memory_space<hbm>>
      %dma_wait3A_71 = tpu.memref_slice %arg3[%add3A_33] : memref<328192xi32, #tpu.memory_space<hbm>> -> memref<128xi32, #tpu.memory_space<hbm>>
      tpu.wait_dma2 semaphore(%run_scoped3A : memref<!tpu.dma_semaphore, #tpu.memory_space<semaphore_mem>>) src(%dma_wait3A_71 : memref<128xi32, #tpu.memory_space<hbm>>) dst(%arg7 : memref<128xi32, #tpu.memory_space<vmem>>)
      tpu.yield
    }) : () -> ()
    %jit3A_34 = arith.constant 2 : i32
    %div3A = arith.divsi %select_n3A, %jit3A_34 : i32
    %sign3A = arith.constant 0 : i32
    %sign3A_35 = arith.cmpi sgt, %select_n3A, %sign3A : i32
    %sign3A_36 = arith.extui %sign3A_35 : i1 to i32
    %sign3A_37 = arith.constant 0 : i32
    %sign3A_38 = arith.cmpi slt, %select_n3A, %sign3A_37 : i32
    %sign3A_39 = arith.extui %sign3A_38 : i1 to i32
    %sign3A_40 = arith.subi %sign3A_36, %sign3A_39 : i32
    %sign3A_41 = arith.constant 0 : i32
    %sign3A_42 = arith.cmpi sgt, %jit3A_34, %sign3A_41 : i32
    %sign3A_43 = arith.extui %sign3A_42 : i1 to i32
    %sign3A_44 = arith.constant 0 : i32
    %sign3A_45 = arith.cmpi slt, %jit3A_34, %sign3A_44 : i32
    %sign3A_46 = arith.extui %sign3A_45 : i1 to i32
    %sign3A_47 = arith.subi %sign3A_43, %sign3A_46 : i32
    %ne3A = arith.cmpi ne, %sign3A_40, %sign3A_47 : i32
    %rem3A = arith.remsi %select_n3A, %jit3A_34 : i32
    %ne3A_48 = arith.constant 0 : i32
    %ne3A_49 = arith.cmpi ne, %rem3A, %ne3A_48 : i32
    %and3A = arith.andi %ne3A, %ne3A_49 : i1
    %sub3A = arith.constant 1 : i32
    %sub3A_50 = arith.subi %div3A, %sub3A : i32
    %select_n3A_51 = arith.select %and3A, %sub3A_50, %div3A : i32
    %while3A = arith.constant 0 : i32
    %while3A_52 = arith.constant 0 : i32
    %while3A_53 = arith.subi %select_n3A_51, %while3A_52 : i32
    %while3A_54 = arith.addi %while3A_52, %while3A_53 : i32
    %while3A_55 = arith.constant 1 : i32
    %while3A_56 = arith.divsi %while3A_53, %while3A_55 : i32
    %while3A_57 = arith.muli %while3A_56, %while3A_55 : i32
    %while3A_58 = arith.addi %while3A_52, %while3A_57 : i32
    %while3A_59 = arith.constant 1 : i32
    scf.for %while3A_68 = %while3A_52 to %while3A_58 step %while3A_59  : i32 {
      %mul3A_69 = arith.constant 2 : i32
      %mul3A_70 = arith.muli %mul3A_69, %while3A_68 : i32
      %dma_start3A_71 = arith.constant 0 : i32
      %dma_start3A_72 = arith.constant 0 : i32
      %dma_start3A_73 = tpu.memref_slice %arg2[%dma_start3A_71, %dma_start3A_72] : memref<10000x32xf32, #tpu.memory_space<hbm>> -> memref<10000x32xf32, #tpu.memory_space<hbm>>
      tpu.enqueue_indirect_dma source(%dma_start3A_73 : memref<10000x32xf32, #tpu.memory_space<hbm>>) target(%arg11 : memref<128x32xf32, #tpu.memory_space<vmem>>) offsets(%arg7 : memref<128xi32, #tpu.memory_space<vmem>>) semaphore(%arg14 : memref<!tpu.dma_semaphore, #tpu.memory_space<semaphore_mem>>)
      %dma_wait3A_74 = arith.constant 0 : i32
      %dma_wait3A_75 = arith.constant 0 : i32
      %dma_wait3A_76 = tpu.memref_slice %arg2[%dma_wait3A_74, %dma_wait3A_75] : memref<10000x32xf32, #tpu.memory_space<hbm>> -> memref<10000x32xf32, #tpu.memory_space<hbm>>
      tpu.wait_indirect_dma semaphore(%arg13 : memref<!tpu.dma_semaphore, #tpu.memory_space<semaphore_mem>>) src(%dma_wait3A_76 : memref<10000x32xf32, #tpu.memory_space<hbm>>) dst(%arg10 : memref<128x32xf32, #tpu.memory_space<vmem>>)
      %add3A_77 = arith.constant 2 : i32
      %add3A_78 = arith.addi %mul3A_70, %add3A_77 : i32
      %mul3A_79 = arith.constant 128 : i32
      %mul3A_80 = arith.muli %add3A_78, %mul3A_79 : i32
      %add3A_81 = arith.addi %mul3A_27, %mul3A_80 : i32
      "tpu.region"() ({
        %run_scoped3A = tpu.sem_alloc : memref<!tpu.dma_semaphore, #tpu.memory_space<semaphore_mem>>
        %dma_start3A_95 = tpu.memref_slice %arg3[%add3A_81] : memref<328192xi32, #tpu.memory_space<hbm>> -> memref<128xi32, #tpu.memory_space<hbm>>
        %dma_start3A_96 = tpu.memref_slice %arg3[%add3A_81] : memref<328192xi32, #tpu.memory_space<hbm>> -> memref<128xi32, #tpu.memory_space<hbm>>
        tpu.enqueue_dma source(%dma_start3A_96 : memref<128xi32, #tpu.memory_space<hbm>>) target(%arg6 : memref<128xi32, #tpu.memory_space<vmem>>) target_semaphore(%run_scoped3A : memref<!tpu.dma_semaphore, #tpu.memory_space<semaphore_mem>>)
        %dma_wait3A_97 = tpu.memref_slice %arg3[%add3A_81] : memref<328192xi32, #tpu.memory_space<hbm>> -> memref<128xi32, #tpu.memory_space<hbm>>
        %dma_wait3A_98 = tpu.memref_slice %arg3[%add3A_81] : memref<328192xi32, #tpu.memory_space<hbm>> -> memref<128xi32, #tpu.memory_space<hbm>>
        tpu.wait_dma2 semaphore(%run_scoped3A : memref<!tpu.dma_semaphore, #tpu.memory_space<semaphore_mem>>) src(%dma_wait3A_98 : memref<128xi32, #tpu.memory_space<hbm>>) dst(%arg6 : memref<128xi32, #tpu.memory_space<vmem>>)
        tpu.yield
      }) : () -> ()
      "tpu.region"() ({
        %run_scoped3A = tpu.sem_alloc : memref<!tpu.dma_semaphore, #tpu.memory_space<semaphore_mem>>
        %dma_start3A_95 = arith.constant 0 : i32
        %dma_start3A_96 = tpu.memref_slice %arg8[%mul3A_70, %dma_start3A_95] : memref<120x128xi32, #tpu.memory_space<vmem>> -> memref<1x128xi32, #tpu.memory_space<vmem>>
        %dma_start3A_97 = tpu.memref_squeeze %dma_start3A_96 : memref<1x128xi32, #tpu.memory_space<vmem>> -> memref<128xi32, #tpu.memory_space<vmem>>
        %dma_start3A_98 = arith.constant 0 : i32
        %dma_start3A_99 = arith.constant 0 : i32
        %dma_start3A_100 = tpu.memref_slice %arg12[%dma_start3A_98, %dma_start3A_99] : memref<10112x32xf32, #tpu.memory_space<vmem_shared>> -> memref<10112x32xf32, #tpu.memory_space<vmem_shared>>
        tpu.enqueue_indirect_dma source(%arg10 : memref<128x32xf32, #tpu.memory_space<vmem>>) target(%dma_start3A_100 : memref<10112x32xf32, #tpu.memory_space<vmem_shared>>) offsets(%dma_start3A_97 : memref<128xi32, #tpu.memory_space<vmem>>) semaphore(%run_scoped3A : memref<!tpu.dma_semaphore, #tpu.memory_space<semaphore_mem>>) {add = true}
        %dma_wait3A_101 = arith.constant 0 : i32
        %dma_wait3A_102 = tpu.memref_slice %arg8[%mul3A_70, %dma_wait3A_101] : memref<120x128xi32, #tpu.memory_space<vmem>> -> memref<1x128xi32, #tpu.memory_space<vmem>>
        %dma_wait3A_103 = tpu.memref_squeeze %dma_wait3A_102 : memref<1x128xi32, #tpu.memory_space<vmem>> -> memref<128xi32, #tpu.memory_space<vmem>>
        %dma_wait3A_104 = arith.constant 0 : i32
        %dma_wait3A_105 = arith.constant 0 : i32
        %dma_wait3A_106 = tpu.memref_slice %arg12[%dma_wait3A_104, %dma_wait3A_105] : memref<10112x32xf32, #tpu.memory_space<vmem_shared>> -> memref<10112x32xf32, #tpu.memory_space<vmem_shared>>
        tpu.wait_indirect_dma semaphore(%run_scoped3A : memref<!tpu.dma_semaphore, #tpu.memory_space<semaphore_mem>>) src(%arg10 : memref<128x32xf32, #tpu.memory_space<vmem>>) dst(%dma_wait3A_106 : memref<10112x32xf32, #tpu.memory_space<vmem_shared>>)
        tpu.yield
      }) : () -> ()
      %dma_start3A_82 = arith.constant 0 : i32
      %dma_start3A_83 = arith.constant 0 : i32
      %dma_start3A_84 = tpu.memref_slice %arg2[%dma_start3A_82, %dma_start3A_83] : memref<10000x32xf32, #tpu.memory_space<hbm>> -> memref<10000x32xf32, #tpu.memory_space<hbm>>
      tpu.enqueue_indirect_dma source(%dma_start3A_84 : memref<10000x32xf32, #tpu.memory_space<hbm>>) target(%arg10 : memref<128x32xf32, #tpu.memory_space<vmem>>) offsets(%arg6 : memref<128xi32, #tpu.memory_space<vmem>>) semaphore(%arg13 : memref<!tpu.dma_semaphore, #tpu.memory_space<semaphore_mem>>)
      %add3A_85 = arith.constant 1 : i32
      %add3A_86 = arith.addi %mul3A_70, %add3A_85 : i32
      %dma_wait3A_87 = arith.constant 0 : i32
      %dma_wait3A_88 = arith.constant 0 : i32
      %dma_wait3A_89 = tpu.memref_slice %arg2[%dma_wait3A_87, %dma_wait3A_88] : memref<10000x32xf32, #tpu.memory_space<hbm>> -> memref<10000x32xf32, #tpu.memory_space<hbm>>
      tpu.wait_indirect_dma semaphore(%arg14 : memref<!tpu.dma_semaphore, #tpu.memory_space<semaphore_mem>>) src(%dma_wait3A_89 : memref<10000x32xf32, #tpu.memory_space<hbm>>) dst(%arg11 : memref<128x32xf32, #tpu.memory_space<vmem>>)
      %add3A_90 = arith.constant 3 : i32
      %add3A_91 = arith.addi %mul3A_70, %add3A_90 : i32
      %mul3A_92 = arith.constant 128 : i32
      %mul3A_93 = arith.muli %add3A_91, %mul3A_92 : i32
      %add3A_94 = arith.addi %mul3A_27, %mul3A_93 : i32
      "tpu.region"() ({
        %run_scoped3A = tpu.sem_alloc : memref<!tpu.dma_semaphore, #tpu.memory_space<semaphore_mem>>
        %dma_start3A_95 = tpu.memref_slice %arg3[%add3A_94] : memref<328192xi32, #tpu.memory_space<hbm>> -> memref<128xi32, #tpu.memory_space<hbm>>
        %dma_start3A_96 = tpu.memref_slice %arg3[%add3A_94] : memref<328192xi32, #tpu.memory_space<hbm>> -> memref<128xi32, #tpu.memory_space<hbm>>
        tpu.enqueue_dma source(%dma_start3A_96 : memref<128xi32, #tpu.memory_space<hbm>>) target(%arg7 : memref<128xi32, #tpu.memory_space<vmem>>) target_semaphore(%run_scoped3A : memref<!tpu.dma_semaphore, #tpu.memory_space<semaphore_mem>>)
        %dma_wait3A_97 = tpu.memref_slice %arg3[%add3A_94] : memref<328192xi32, #tpu.memory_space<hbm>> -> memref<128xi32, #tpu.memory_space<hbm>>
        %dma_wait3A_98 = tpu.memref_slice %arg3[%add3A_94] : memref<328192xi32, #tpu.memory_space<hbm>> -> memref<128xi32, #tpu.memory_space<hbm>>
        tpu.wait_dma2 semaphore(%run_scoped3A : memref<!tpu.dma_semaphore, #tpu.memory_space<semaphore_mem>>) src(%dma_wait3A_98 : memref<128xi32, #tpu.memory_space<hbm>>) dst(%arg7 : memref<128xi32, #tpu.memory_space<vmem>>)
        tpu.yield
      }) : () -> ()
      "tpu.region"() ({
        %run_scoped3A = tpu.sem_alloc : memref<!tpu.dma_semaphore, #tpu.memory_space<semaphore_mem>>
        %dma_start3A_95 = arith.constant 0 : i32
        %dma_start3A_96 = tpu.memref_slice %arg8[%add3A_86, %dma_start3A_95] : memref<120x128xi32, #tpu.memory_space<vmem>> -> memref<1x128xi32, #tpu.memory_space<vmem>>
        %dma_start3A_97 = tpu.memref_squeeze %dma_start3A_96 : memref<1x128xi32, #tpu.memory_space<vmem>> -> memref<128xi32, #tpu.memory_space<vmem>>
        %dma_start3A_98 = arith.constant 0 : i32
        %dma_start3A_99 = arith.constant 0 : i32
        %dma_start3A_100 = tpu.memref_slice %arg12[%dma_start3A_98, %dma_start3A_99] : memref<10112x32xf32, #tpu.memory_space<vmem_shared>> -> memref<10112x32xf32, #tpu.memory_space<vmem_shared>>
        tpu.enqueue_indirect_dma source(%arg11 : memref<128x32xf32, #tpu.memory_space<vmem>>) target(%dma_start3A_100 : memref<10112x32xf32, #tpu.memory_space<vmem_shared>>) offsets(%dma_start3A_97 : memref<128xi32, #tpu.memory_space<vmem>>) semaphore(%run_scoped3A : memref<!tpu.dma_semaphore, #tpu.memory_space<semaphore_mem>>) {add = true}
        %dma_wait3A_101 = arith.constant 0 : i32
        %dma_wait3A_102 = tpu.memref_slice %arg8[%add3A_86, %dma_wait3A_101] : memref<120x128xi32, #tpu.memory_space<vmem>> -> memref<1x128xi32, #tpu.memory_space<vmem>>
        %dma_wait3A_103 = tpu.memref_squeeze %dma_wait3A_102 : memref<1x128xi32, #tpu.memory_space<vmem>> -> memref<128xi32, #tpu.memory_space<vmem>>
        %dma_wait3A_104 = arith.constant 0 : i32
        %dma_wait3A_105 = arith.constant 0 : i32
        %dma_wait3A_106 = tpu.memref_slice %arg12[%dma_wait3A_104, %dma_wait3A_105] : memref<10112x32xf32, #tpu.memory_space<vmem_shared>> -> memref<10112x32xf32, #tpu.memory_space<vmem_shared>>
        tpu.wait_indirect_dma semaphore(%run_scoped3A : memref<!tpu.dma_semaphore, #tpu.memory_space<semaphore_mem>>) src(%arg11 : memref<128x32xf32, #tpu.memory_space<vmem>>) dst(%dma_wait3A_106 : memref<10112x32xf32, #tpu.memory_space<vmem_shared>>)
        tpu.yield
      }) : () -> ()
    }
    %while3A_60 = arith.constant 1 : i32
    scf.for %while3A_68 = %while3A_58 to %while3A_54 step %while3A_60  : i32 {
      %mul3A_69 = arith.constant 2 : i32
      %mul3A_70 = arith.muli %mul3A_69, %while3A_68 : i32
      %dma_start3A_71 = arith.constant 0 : i32
      %dma_start3A_72 = arith.constant 0 : i32
      %dma_start3A_73 = tpu.memref_slice %arg2[%dma_start3A_71, %dma_start3A_72] : memref<10000x32xf32, #tpu.memory_space<hbm>> -> memref<10000x32xf32, #tpu.memory_space<hbm>>
      tpu.enqueue_indirect_dma source(%dma_start3A_73 : memref<10000x32xf32, #tpu.memory_space<hbm>>) target(%arg11 : memref<128x32xf32, #tpu.memory_space<vmem>>) offsets(%arg7 : memref<128xi32, #tpu.memory_space<vmem>>) semaphore(%arg14 : memref<!tpu.dma_semaphore, #tpu.memory_space<semaphore_mem>>)
      %dma_wait3A_74 = arith.constant 0 : i32
      %dma_wait3A_75 = arith.constant 0 : i32
      %dma_wait3A_76 = tpu.memref_slice %arg2[%dma_wait3A_74, %dma_wait3A_75] : memref<10000x32xf32, #tpu.memory_space<hbm>> -> memref<10000x32xf32, #tpu.memory_space<hbm>>
      tpu.wait_indirect_dma semaphore(%arg13 : memref<!tpu.dma_semaphore, #tpu.memory_space<semaphore_mem>>) src(%dma_wait3A_76 : memref<10000x32xf32, #tpu.memory_space<hbm>>) dst(%arg10 : memref<128x32xf32, #tpu.memory_space<vmem>>)
      %add3A_77 = arith.constant 2 : i32
      %add3A_78 = arith.addi %mul3A_70, %add3A_77 : i32
      %mul3A_79 = arith.constant 128 : i32
      %mul3A_80 = arith.muli %add3A_78, %mul3A_79 : i32
      %add3A_81 = arith.addi %mul3A_27, %mul3A_80 : i32
      "tpu.region"() ({
        %run_scoped3A = tpu.sem_alloc : memref<!tpu.dma_semaphore, #tpu.memory_space<semaphore_mem>>
        %dma_start3A_95 = tpu.memref_slice %arg3[%add3A_81] : memref<328192xi32, #tpu.memory_space<hbm>> -> memref<128xi32, #tpu.memory_space<hbm>>
        %dma_start3A_96 = tpu.memref_slice %arg3[%add3A_81] : memref<328192xi32, #tpu.memory_space<hbm>> -> memref<128xi32, #tpu.memory_space<hbm>>
        tpu.enqueue_dma source(%dma_start3A_96 : memref<128xi32, #tpu.memory_space<hbm>>) target(%arg6 : memref<128xi32, #tpu.memory_space<vmem>>) target_semaphore(%run_scoped3A : memref<!tpu.dma_semaphore, #tpu.memory_space<semaphore_mem>>)
        %dma_wait3A_97 = tpu.memref_slice %arg3[%add3A_81] : memref<328192xi32, #tpu.memory_space<hbm>> -> memref<128xi32, #tpu.memory_space<hbm>>
        %dma_wait3A_98 = tpu.memref_slice %arg3[%add3A_81] : memref<328192xi32, #tpu.memory_space<hbm>> -> memref<128xi32, #tpu.memory_space<hbm>>
        tpu.wait_dma2 semaphore(%run_scoped3A : memref<!tpu.dma_semaphore, #tpu.memory_space<semaphore_mem>>) src(%dma_wait3A_98 : memref<128xi32, #tpu.memory_space<hbm>>) dst(%arg6 : memref<128xi32, #tpu.memory_space<vmem>>)
        tpu.yield
      }) : () -> ()
      "tpu.region"() ({
        %run_scoped3A = tpu.sem_alloc : memref<!tpu.dma_semaphore, #tpu.memory_space<semaphore_mem>>
        %dma_start3A_95 = arith.constant 0 : i32
        %dma_start3A_96 = tpu.memref_slice %arg8[%mul3A_70, %dma_start3A_95] : memref<120x128xi32, #tpu.memory_space<vmem>> -> memref<1x128xi32, #tpu.memory_space<vmem>>
        %dma_start3A_97 = tpu.memref_squeeze %dma_start3A_96 : memref<1x128xi32, #tpu.memory_space<vmem>> -> memref<128xi32, #tpu.memory_space<vmem>>
        %dma_start3A_98 = arith.constant 0 : i32
        %dma_start3A_99 = arith.constant 0 : i32
        %dma_start3A_100 = tpu.memref_slice %arg12[%dma_start3A_98, %dma_start3A_99] : memref<10112x32xf32, #tpu.memory_space<vmem_shared>> -> memref<10112x32xf32, #tpu.memory_space<vmem_shared>>
        tpu.enqueue_indirect_dma source(%arg10 : memref<128x32xf32, #tpu.memory_space<vmem>>) target(%dma_start3A_100 : memref<10112x32xf32, #tpu.memory_space<vmem_shared>>) offsets(%dma_start3A_97 : memref<128xi32, #tpu.memory_space<vmem>>) semaphore(%run_scoped3A : memref<!tpu.dma_semaphore, #tpu.memory_space<semaphore_mem>>) {add = true}
        %dma_wait3A_101 = arith.constant 0 : i32
        %dma_wait3A_102 = tpu.memref_slice %arg8[%mul3A_70, %dma_wait3A_101] : memref<120x128xi32, #tpu.memory_space<vmem>> -> memref<1x128xi32, #tpu.memory_space<vmem>>
        %dma_wait3A_103 = tpu.memref_squeeze %dma_wait3A_102 : memref<1x128xi32, #tpu.memory_space<vmem>> -> memref<128xi32, #tpu.memory_space<vmem>>
        %dma_wait3A_104 = arith.constant 0 : i32
        %dma_wait3A_105 = arith.constant 0 : i32
        %dma_wait3A_106 = tpu.memref_slice %arg12[%dma_wait3A_104, %dma_wait3A_105] : memref<10112x32xf32, #tpu.memory_space<vmem_shared>> -> memref<10112x32xf32, #tpu.memory_space<vmem_shared>>
        tpu.wait_indirect_dma semaphore(%run_scoped3A : memref<!tpu.dma_semaphore, #tpu.memory_space<semaphore_mem>>) src(%arg10 : memref<128x32xf32, #tpu.memory_space<vmem>>) dst(%dma_wait3A_106 : memref<10112x32xf32, #tpu.memory_space<vmem_shared>>)
        tpu.yield
      }) : () -> ()
      %dma_start3A_82 = arith.constant 0 : i32
      %dma_start3A_83 = arith.constant 0 : i32
      %dma_start3A_84 = tpu.memref_slice %arg2[%dma_start3A_82, %dma_start3A_83] : memref<10000x32xf32, #tpu.memory_space<hbm>> -> memref<10000x32xf32, #tpu.memory_space<hbm>>
      tpu.enqueue_indirect_dma source(%dma_start3A_84 : memref<10000x32xf32, #tpu.memory_space<hbm>>) target(%arg10 : memref<128x32xf32, #tpu.memory_space<vmem>>) offsets(%arg6 : memref<128xi32, #tpu.memory_space<vmem>>) semaphore(%arg13 : memref<!tpu.dma_semaphore, #tpu.memory_space<semaphore_mem>>)
      %add3A_85 = arith.constant 1 : i32
      %add3A_86 = arith.addi %mul3A_70, %add3A_85 : i32
      %dma_wait3A_87 = arith.constant 0 : i32
      %dma_wait3A_88 = arith.constant 0 : i32
      %dma_wait3A_89 = tpu.memref_slice %arg2[%dma_wait3A_87, %dma_wait3A_88] : memref<10000x32xf32, #tpu.memory_space<hbm>> -> memref<10000x32xf32, #tpu.memory_space<hbm>>
      tpu.wait_indirect_dma semaphore(%arg14 : memref<!tpu.dma_semaphore, #tpu.memory_space<semaphore_mem>>) src(%dma_wait3A_89 : memref<10000x32xf32, #tpu.memory_space<hbm>>) dst(%arg11 : memref<128x32xf32, #tpu.memory_space<vmem>>)
      %add3A_90 = arith.constant 3 : i32
      %add3A_91 = arith.addi %mul3A_70, %add3A_90 : i32
      %mul3A_92 = arith.constant 128 : i32
      %mul3A_93 = arith.muli %add3A_91, %mul3A_92 : i32
      %add3A_94 = arith.addi %mul3A_27, %mul3A_93 : i32
      "tpu.region"() ({
        %run_scoped3A = tpu.sem_alloc : memref<!tpu.dma_semaphore, #tpu.memory_space<semaphore_mem>>
        %dma_start3A_95 = tpu.memref_slice %arg3[%add3A_94] : memref<328192xi32, #tpu.memory_space<hbm>> -> memref<128xi32, #tpu.memory_space<hbm>>
        %dma_start3A_96 = tpu.memref_slice %arg3[%add3A_94] : memref<328192xi32, #tpu.memory_space<hbm>> -> memref<128xi32, #tpu.memory_space<hbm>>
        tpu.enqueue_dma source(%dma_start3A_96 : memref<128xi32, #tpu.memory_space<hbm>>) target(%arg7 : memref<128xi32, #tpu.memory_space<vmem>>) target_semaphore(%run_scoped3A : memref<!tpu.dma_semaphore, #tpu.memory_space<semaphore_mem>>)
        %dma_wait3A_97 = tpu.memref_slice %arg3[%add3A_94] : memref<328192xi32, #tpu.memory_space<hbm>> -> memref<128xi32, #tpu.memory_space<hbm>>
        %dma_wait3A_98 = tpu.memref_slice %arg3[%add3A_94] : memref<328192xi32, #tpu.memory_space<hbm>> -> memref<128xi32, #tpu.memory_space<hbm>>
        tpu.wait_dma2 semaphore(%run_scoped3A : memref<!tpu.dma_semaphore, #tpu.memory_space<semaphore_mem>>) src(%dma_wait3A_98 : memref<128xi32, #tpu.memory_space<hbm>>) dst(%arg7 : memref<128xi32, #tpu.memory_space<vmem>>)
        tpu.yield
      }) : () -> ()
      "tpu.region"() ({
        %run_scoped3A = tpu.sem_alloc : memref<!tpu.dma_semaphore, #tpu.memory_space<semaphore_mem>>
        %dma_start3A_95 = arith.constant 0 : i32
        %dma_start3A_96 = tpu.memref_slice %arg8[%add3A_86, %dma_start3A_95] : memref<120x128xi32, #tpu.memory_space<vmem>> -> memref<1x128xi32, #tpu.memory_space<vmem>>
        %dma_start3A_97 = tpu.memref_squeeze %dma_start3A_96 : memref<1x128xi32, #tpu.memory_space<vmem>> -> memref<128xi32, #tpu.memory_space<vmem>>
        %dma_start3A_98 = arith.constant 0 : i32
        %dma_start3A_99 = arith.constant 0 : i32
        %dma_start3A_100 = tpu.memref_slice %arg12[%dma_start3A_98, %dma_start3A_99] : memref<10112x32xf32, #tpu.memory_space<vmem_shared>> -> memref<10112x32xf32, #tpu.memory_space<vmem_shared>>
        tpu.enqueue_indirect_dma source(%arg11 : memref<128x32xf32, #tpu.memory_space<vmem>>) target(%dma_start3A_100 : memref<10112x32xf32, #tpu.memory_space<vmem_shared>>) offsets(%dma_start3A_97 : memref<128xi32, #tpu.memory_space<vmem>>) semaphore(%run_scoped3A : memref<!tpu.dma_semaphore, #tpu.memory_space<semaphore_mem>>) {add = true}
        %dma_wait3A_101 = arith.constant 0 : i32
        %dma_wait3A_102 = tpu.memref_slice %arg8[%add3A_86, %dma_wait3A_101] : memref<120x128xi32, #tpu.memory_space<vmem>> -> memref<1x128xi32, #tpu.memory_space<vmem>>
        %dma_wait3A_103 = tpu.memref_squeeze %dma_wait3A_102 : memref<1x128xi32, #tpu.memory_space<vmem>> -> memref<128xi32, #tpu.memory_space<vmem>>
        %dma_wait3A_104 = arith.constant 0 : i32
        %dma_wait3A_105 = arith.constant 0 : i32
        %dma_wait3A_106 = tpu.memref_slice %arg12[%dma_wait3A_104, %dma_wait3A_105] : memref<10112x32xf32, #tpu.memory_space<vmem_shared>> -> memref<10112x32xf32, #tpu.memory_space<vmem_shared>>
        tpu.wait_indirect_dma semaphore(%run_scoped3A : memref<!tpu.dma_semaphore, #tpu.memory_space<semaphore_mem>>) src(%arg11 : memref<128x32xf32, #tpu.memory_space<vmem>>) dst(%dma_wait3A_106 : memref<10112x32xf32, #tpu.memory_space<vmem_shared>>)
        tpu.yield
      }) : () -> ()
    }
    %dma_wait3A = arith.constant 0 : i32
    %dma_wait3A_61 = arith.constant 0 : i32
    %dma_wait3A_62 = tpu.memref_slice %arg2[%dma_wait3A, %dma_wait3A_61] : memref<10000x32xf32, #tpu.memory_space<hbm>> -> memref<10000x32xf32, #tpu.memory_space<hbm>>
    tpu.wait_indirect_dma semaphore(%arg13 : memref<!tpu.dma_semaphore, #tpu.memory_space<semaphore_mem>>) src(%dma_wait3A_62 : memref<10000x32xf32, #tpu.memory_space<hbm>>) dst(%arg10 : memref<128x32xf32, #tpu.memory_space<vmem>>)
    %barrier3A_63 = arith.constant 0 : index
    tpu.barrier barrier_id(%barrier3A_63)
    %mul3A_64 = arith.constant 632 : i32
    %mul3A_65 = arith.muli %arg1, %mul3A_64 : i32
    %mul3A_66 = arith.constant 632 : i32
    %mul3A_67 = arith.muli %arg1, %mul3A_66 : i32
    "tpu.region"() ({
      %run_scoped3A = tpu.sem_alloc : memref<!tpu.dma_semaphore, #tpu.memory_space<semaphore_mem>>
      %dma_start3A_68 = arith.constant 0 : i32
      %dma_start3A_69 = tpu.memref_slice %arg5[%arg0, %mul3A_67, %dma_start3A_68] : memref<2x10112x32xf32, #tpu.memory_space<hbm>> -> memref<1x632x32xf32, #tpu.memory_space<hbm>>
      %dma_start3A_70 = tpu.memref_squeeze %dma_start3A_69 : memref<1x632x32xf32, #tpu.memory_space<hbm>> -> memref<632x32xf32, #tpu.memory_space<hbm>>
      %dma_start3A_71 = arith.constant 0 : i32
      %dma_start3A_72 = tpu.memref_slice %arg12[%mul3A_65, %dma_start3A_71] : memref<10112x32xf32, #tpu.memory_space<vmem_shared>> -> memref<632x32xf32, #tpu.memory_space<vmem_shared>>
      tpu.enqueue_dma source(%dma_start3A_72 : memref<632x32xf32, #tpu.memory_space<vmem_shared>>) target(%dma_start3A_70 : memref<632x32xf32, #tpu.memory_space<hbm>>) target_semaphore(%run_scoped3A : memref<!tpu.dma_semaphore, #tpu.memory_space<semaphore_mem>>)
      %dma_wait3A_73 = arith.constant 0 : i32
      %dma_wait3A_74 = tpu.memref_slice %arg5[%arg0, %mul3A_67, %dma_wait3A_73] : memref<2x10112x32xf32, #tpu.memory_space<hbm>> -> memref<1x632x32xf32, #tpu.memory_space<hbm>>
      %dma_wait3A_75 = tpu.memref_squeeze %dma_wait3A_74 : memref<1x632x32xf32, #tpu.memory_space<hbm>> -> memref<632x32xf32, #tpu.memory_space<hbm>>
      %dma_wait3A_76 = arith.constant 0 : i32
      %dma_wait3A_77 = tpu.memref_slice %arg12[%mul3A_65, %dma_wait3A_76] : memref<10112x32xf32, #tpu.memory_space<vmem_shared>> -> memref<632x32xf32, #tpu.memory_space<vmem_shared>>
      tpu.wait_dma2 semaphore(%run_scoped3A : memref<!tpu.dma_semaphore, #tpu.memory_space<semaphore_mem>>) src(%dma_wait3A_77 : memref<632x32xf32, #tpu.memory_space<vmem_shared>>) dst(%dma_wait3A_75 : memref<632x32xf32, #tpu.memory_space<hbm>>)
      tpu.yield
    }) : () -> ()
    return
  }
}

#map = affine_map<(d0, d1) -> (0, 0)>
#map1 = affine_map<(d0, d1) -> (0)>
#map2 = affine_map<(d0, d1) -> (0, 0, 0)>
module attributes {stable_mosaic.version = 14 : i64} {
  func.func @body(%arg0: i32, %arg1: i32, %arg2: memref<10000x128xf32, #tpu.memory_space<hbm>>, %arg3: memref<328192xi32, #tpu.memory_space<hbm>>, %arg4: memref<2816x128xi32, #tpu.memory_space<hbm>>, %arg5: memref<2x10112x128xf32, #tpu.memory_space<hbm>>, %arg6: memref<128xi32, #tpu.memory_space<vmem>>, %arg7: memref<128xi32, #tpu.memory_space<vmem>>, %arg8: memref<128x128xi32, #tpu.memory_space<vmem>>, %arg9: memref<128xi32, #tpu.memory_space<vmem>>, %arg10: memref<128x128xf32, #tpu.memory_space<vmem>>, %arg11: memref<128x128xf32, #tpu.memory_space<vmem>>, %arg12: memref<10112x128xf32, #tpu.memory_space<vmem_shared>>, %arg13: memref<!tpu.dma_semaphore, #tpu.memory_space<semaphore_mem>>, %arg14: memref<!tpu.dma_semaphore, #tpu.memory_space<semaphore_mem>>) attributes {dimension_semantics = [#tpu.dimension_semantics<core_parallel>, #tpu.dimension_semantics<subcore_parallel>], iteration_bounds = array<i64: 2, 16>, scalar_prefetch = 0 : i64, scratch_operands = 9 : i64, tpu.core_type = #tpu.core_type<sc_vector_subcore>, window_params = [{transform_indices = #map}, {transform_indices = #map1}, {transform_indices = #map}, {transform_indices = #map2}]} {
    %eq3A = arith.constant 0 : i32
    %eq3A_0 = arith.cmpi eq, %arg0, %eq3A : i32
    %jit3A = arith.constant 128 : i32
    %jit3A_1 = arith.constant 32 : i32
    %select_n3A = arith.select %eq3A_0, %jit3A, %jit3A_1 : i32
    %eq3A_2 = arith.constant 0 : i32
    %eq3A_3 = arith.cmpi eq, %arg0, %eq3A_2 : i32
    %mul3A = arith.constant 128 : i32
    %mul3A_4 = arith.muli %arg1, %mul3A : i32
    %mul3A_5 = arith.constant 32 : i32
    %mul3A_6 = arith.muli %arg1, %mul3A_5 : i32
    %add3A = arith.constant 2048 : i32
    %add3A_7 = arith.addi %add3A, %mul3A_6 : i32
    %select_n3A_8 = arith.select %eq3A_3, %mul3A_4, %add3A_7 : i32
    "tpu.region"() ({
      %run_scoped3A = tpu.sem_alloc : memref<!tpu.dma_semaphore, #tpu.memory_space<semaphore_mem>>
      %dma_start3A_68 = arith.constant 0 : i32
      %dma_start3A_69 = tpu.memref_slice %arg4[%select_n3A_8, %dma_start3A_68] : memref<2816x128xi32, #tpu.memory_space<hbm>> -> memref<128x128xi32, #tpu.memory_space<hbm>>
      %dma_start3A_70 = arith.constant 0 : i32
      %dma_start3A_71 = tpu.memref_slice %arg4[%select_n3A_8, %dma_start3A_70] : memref<2816x128xi32, #tpu.memory_space<hbm>> -> memref<128x128xi32, #tpu.memory_space<hbm>>
      tpu.enqueue_dma source(%dma_start3A_71 : memref<128x128xi32, #tpu.memory_space<hbm>>) target(%arg8 : memref<128x128xi32, #tpu.memory_space<vmem>>) target_semaphore(%run_scoped3A : memref<!tpu.dma_semaphore, #tpu.memory_space<semaphore_mem>>)
      %dma_wait3A_72 = arith.constant 0 : i32
      %dma_wait3A_73 = tpu.memref_slice %arg4[%select_n3A_8, %dma_wait3A_72] : memref<2816x128xi32, #tpu.memory_space<hbm>> -> memref<128x128xi32, #tpu.memory_space<hbm>>
      %dma_wait3A_74 = arith.constant 0 : i32
      %dma_wait3A_75 = tpu.memref_slice %arg4[%select_n3A_8, %dma_wait3A_74] : memref<2816x128xi32, #tpu.memory_space<hbm>> -> memref<128x128xi32, #tpu.memory_space<hbm>>
      tpu.wait_dma2 semaphore(%run_scoped3A : memref<!tpu.dma_semaphore, #tpu.memory_space<semaphore_mem>>) src(%dma_wait3A_75 : memref<128x128xi32, #tpu.memory_space<hbm>>) dst(%arg8 : memref<128x128xi32, #tpu.memory_space<vmem>>)
      tpu.yield
    }) : () -> ()
    %scan3A = arith.constant 0 : i32
    %scan3A_9 = arith.constant 0 : i32
    %scan3A_10 = arith.constant 128 : i32
    %scan3A_11 = arith.addi %scan3A_9, %scan3A_10 : i32
    %scan3A_12 = arith.constant 1 : i32
    scf.for %scan3A_68 = %scan3A_9 to %scan3A_11 step %scan3A_12  : i32 {
      %broadcast_in_dim3A = arith.constant 0.000000e+00 : f32
      %broadcast_in_dim3A_69 = vector.broadcast %broadcast_in_dim3A : f32 to vector<16xf32>
      %swap3A = arith.index_cast %scan3A_68 : i32 to index
      %swap3A_70 = arith.constant 0 : index
      %swap3A_71 = tpu.vector_load %arg10[%swap3A, %swap3A_70] {strides = array<i32>} : memref<128x128xf32, #tpu.memory_space<vmem>>, vector<1x16xf32>,
      %swap3A_72 = vector.shape_cast %swap3A_71 : vector<1x16xf32> to vector<16xf32>
      %swap3A_73 = vector.shape_cast %broadcast_in_dim3A_69 : vector<16xf32> to vector<1x16xf32>
      tpu.vector_store %arg10[%swap3A, %swap3A_70], %swap3A_73 {strides = array<i32>} : memref<128x128xf32, #tpu.memory_space<vmem>>, vector<1x16xf32>,
      %broadcast_in_dim3A_74 = arith.constant 0.000000e+00 : f32
      %broadcast_in_dim3A_75 = vector.broadcast %broadcast_in_dim3A_74 : f32 to vector<16xf32>
      %swap3A_76 = arith.index_cast %scan3A_68 : i32 to index
      %swap3A_77 = arith.constant 16 : index
      %swap3A_78 = tpu.vector_load %arg10[%swap3A_76, %swap3A_77] {strides = array<i32>} : memref<128x128xf32, #tpu.memory_space<vmem>>, vector<1x16xf32>,
      %swap3A_79 = vector.shape_cast %swap3A_78 : vector<1x16xf32> to vector<16xf32>
      %swap3A_80 = vector.shape_cast %broadcast_in_dim3A_75 : vector<16xf32> to vector<1x16xf32>
      tpu.vector_store %arg10[%swap3A_76, %swap3A_77], %swap3A_80 {strides = array<i32>} : memref<128x128xf32, #tpu.memory_space<vmem>>, vector<1x16xf32>,
      %broadcast_in_dim3A_81 = arith.constant 0.000000e+00 : f32
      %broadcast_in_dim3A_82 = vector.broadcast %broadcast_in_dim3A_81 : f32 to vector<16xf32>
      %swap3A_83 = arith.index_cast %scan3A_68 : i32 to index
      %swap3A_84 = arith.constant 32 : index
      %swap3A_85 = tpu.vector_load %arg10[%swap3A_83, %swap3A_84] {strides = array<i32>} : memref<128x128xf32, #tpu.memory_space<vmem>>, vector<1x16xf32>,
      %swap3A_86 = vector.shape_cast %swap3A_85 : vector<1x16xf32> to vector<16xf32>
      %swap3A_87 = vector.shape_cast %broadcast_in_dim3A_82 : vector<16xf32> to vector<1x16xf32>
      tpu.vector_store %arg10[%swap3A_83, %swap3A_84], %swap3A_87 {strides = array<i32>} : memref<128x128xf32, #tpu.memory_space<vmem>>, vector<1x16xf32>,
      %broadcast_in_dim3A_88 = arith.constant 0.000000e+00 : f32
      %broadcast_in_dim3A_89 = vector.broadcast %broadcast_in_dim3A_88 : f32 to vector<16xf32>
      %swap3A_90 = arith.index_cast %scan3A_68 : i32 to index
      %swap3A_91 = arith.constant 48 : index
      %swap3A_92 = tpu.vector_load %arg10[%swap3A_90, %swap3A_91] {strides = array<i32>} : memref<128x128xf32, #tpu.memory_space<vmem>>, vector<1x16xf32>,
      %swap3A_93 = vector.shape_cast %swap3A_92 : vector<1x16xf32> to vector<16xf32>
      %swap3A_94 = vector.shape_cast %broadcast_in_dim3A_89 : vector<16xf32> to vector<1x16xf32>
      tpu.vector_store %arg10[%swap3A_90, %swap3A_91], %swap3A_94 {strides = array<i32>} : memref<128x128xf32, #tpu.memory_space<vmem>>, vector<1x16xf32>,
      %broadcast_in_dim3A_95 = arith.constant 0.000000e+00 : f32
      %broadcast_in_dim3A_96 = vector.broadcast %broadcast_in_dim3A_95 : f32 to vector<16xf32>
      %swap3A_97 = arith.index_cast %scan3A_68 : i32 to index
      %swap3A_98 = arith.constant 64 : index
      %swap3A_99 = tpu.vector_load %arg10[%swap3A_97, %swap3A_98] {strides = array<i32>} : memref<128x128xf32, #tpu.memory_space<vmem>>, vector<1x16xf32>,
      %swap3A_100 = vector.shape_cast %swap3A_99 : vector<1x16xf32> to vector<16xf32>
      %swap3A_101 = vector.shape_cast %broadcast_in_dim3A_96 : vector<16xf32> to vector<1x16xf32>
      tpu.vector_store %arg10[%swap3A_97, %swap3A_98], %swap3A_101 {strides = array<i32>} : memref<128x128xf32, #tpu.memory_space<vmem>>, vector<1x16xf32>,
      %broadcast_in_dim3A_102 = arith.constant 0.000000e+00 : f32
      %broadcast_in_dim3A_103 = vector.broadcast %broadcast_in_dim3A_102 : f32 to vector<16xf32>
      %swap3A_104 = arith.index_cast %scan3A_68 : i32 to index
      %swap3A_105 = arith.constant 80 : index
      %swap3A_106 = tpu.vector_load %arg10[%swap3A_104, %swap3A_105] {strides = array<i32>} : memref<128x128xf32, #tpu.memory_space<vmem>>, vector<1x16xf32>,
      %swap3A_107 = vector.shape_cast %swap3A_106 : vector<1x16xf32> to vector<16xf32>
      %swap3A_108 = vector.shape_cast %broadcast_in_dim3A_103 : vector<16xf32> to vector<1x16xf32>
      tpu.vector_store %arg10[%swap3A_104, %swap3A_105], %swap3A_108 {strides = array<i32>} : memref<128x128xf32, #tpu.memory_space<vmem>>, vector<1x16xf32>,
      %broadcast_in_dim3A_109 = arith.constant 0.000000e+00 : f32
      %broadcast_in_dim3A_110 = vector.broadcast %broadcast_in_dim3A_109 : f32 to vector<16xf32>
      %swap3A_111 = arith.index_cast %scan3A_68 : i32 to index
      %swap3A_112 = arith.constant 96 : index
      %swap3A_113 = tpu.vector_load %arg10[%swap3A_111, %swap3A_112] {strides = array<i32>} : memref<128x128xf32, #tpu.memory_space<vmem>>, vector<1x16xf32>,
      %swap3A_114 = vector.shape_cast %swap3A_113 : vector<1x16xf32> to vector<16xf32>
      %swap3A_115 = vector.shape_cast %broadcast_in_dim3A_110 : vector<16xf32> to vector<1x16xf32>
      tpu.vector_store %arg10[%swap3A_111, %swap3A_112], %swap3A_115 {strides = array<i32>} : memref<128x128xf32, #tpu.memory_space<vmem>>, vector<1x16xf32>,
      %broadcast_in_dim3A_116 = arith.constant 0.000000e+00 : f32
      %broadcast_in_dim3A_117 = vector.broadcast %broadcast_in_dim3A_116 : f32 to vector<16xf32>
      %swap3A_118 = arith.index_cast %scan3A_68 : i32 to index
      %swap3A_119 = arith.constant 112 : index
      %swap3A_120 = tpu.vector_load %arg10[%swap3A_118, %swap3A_119] {strides = array<i32>} : memref<128x128xf32, #tpu.memory_space<vmem>>, vector<1x16xf32>,
      %swap3A_121 = vector.shape_cast %swap3A_120 : vector<1x16xf32> to vector<16xf32>
      %swap3A_122 = vector.shape_cast %broadcast_in_dim3A_117 : vector<16xf32> to vector<1x16xf32>
      tpu.vector_store %arg10[%swap3A_118, %swap3A_119], %swap3A_122 {strides = array<i32>} : memref<128x128xf32, #tpu.memory_space<vmem>>, vector<1x16xf32>,
    }
    %scan3A_13 = arith.constant 128 : i32
    %mul3A_14 = arith.constant 632 : i32
    %mul3A_15 = arith.muli %arg1, %mul3A_14 : i32
    %add3A_16 = arith.constant 0 : i32
    %add3A_17 = arith.addi %mul3A_15, %add3A_16 : i32
    "tpu.region"() ({
      %run_scoped3A = tpu.sem_alloc : memref<!tpu.dma_semaphore, #tpu.memory_space<semaphore_mem>>
      %dma_start3A_68 = arith.constant 0 : i32
      %dma_start3A_69 = tpu.memref_slice %arg12[%add3A_17, %dma_start3A_68] : memref<10112x128xf32, #tpu.memory_space<vmem_shared>> -> memref<128x128xf32, #tpu.memory_space<vmem_shared>>
      %dma_start3A_70 = arith.constant 0 : i32
      %dma_start3A_71 = tpu.memref_slice %arg12[%add3A_17, %dma_start3A_70] : memref<10112x128xf32, #tpu.memory_space<vmem_shared>> -> memref<128x128xf32, #tpu.memory_space<vmem_shared>>
      tpu.enqueue_dma source(%arg10 : memref<128x128xf32, #tpu.memory_space<vmem>>) target(%dma_start3A_71 : memref<128x128xf32, #tpu.memory_space<vmem_shared>>) target_semaphore(%run_scoped3A : memref<!tpu.dma_semaphore, #tpu.memory_space<semaphore_mem>>)
      %dma_wait3A_72 = arith.constant 0 : i32
      %dma_wait3A_73 = tpu.memref_slice %arg12[%add3A_17, %dma_wait3A_72] : memref<10112x128xf32, #tpu.memory_space<vmem_shared>> -> memref<128x128xf32, #tpu.memory_space<vmem_shared>>
      %dma_wait3A_74 = arith.constant 0 : i32
      %dma_wait3A_75 = tpu.memref_slice %arg12[%add3A_17, %dma_wait3A_74] : memref<10112x128xf32, #tpu.memory_space<vmem_shared>> -> memref<128x128xf32, #tpu.memory_space<vmem_shared>>
      tpu.wait_dma2 semaphore(%run_scoped3A : memref<!tpu.dma_semaphore, #tpu.memory_space<semaphore_mem>>) src(%arg10 : memref<128x128xf32, #tpu.memory_space<vmem>>) dst(%dma_wait3A_75 : memref<128x128xf32, #tpu.memory_space<vmem_shared>>)
      tpu.yield
    }) : () -> ()
    %add3A_18 = arith.constant 128 : i32
    %add3A_19 = arith.addi %mul3A_15, %add3A_18 : i32
    "tpu.region"() ({
      %run_scoped3A = tpu.sem_alloc : memref<!tpu.dma_semaphore, #tpu.memory_space<semaphore_mem>>
      %dma_start3A_68 = arith.constant 0 : i32
      %dma_start3A_69 = tpu.memref_slice %arg12[%add3A_19, %dma_start3A_68] : memref<10112x128xf32, #tpu.memory_space<vmem_shared>> -> memref<128x128xf32, #tpu.memory_space<vmem_shared>>
      %dma_start3A_70 = arith.constant 0 : i32
      %dma_start3A_71 = tpu.memref_slice %arg12[%add3A_19, %dma_start3A_70] : memref<10112x128xf32, #tpu.memory_space<vmem_shared>> -> memref<128x128xf32, #tpu.memory_space<vmem_shared>>
      tpu.enqueue_dma source(%arg10 : memref<128x128xf32, #tpu.memory_space<vmem>>) target(%dma_start3A_71 : memref<128x128xf32, #tpu.memory_space<vmem_shared>>) target_semaphore(%run_scoped3A : memref<!tpu.dma_semaphore, #tpu.memory_space<semaphore_mem>>)
      %dma_wait3A_72 = arith.constant 0 : i32
      %dma_wait3A_73 = tpu.memref_slice %arg12[%add3A_19, %dma_wait3A_72] : memref<10112x128xf32, #tpu.memory_space<vmem_shared>> -> memref<128x128xf32, #tpu.memory_space<vmem_shared>>
      %dma_wait3A_74 = arith.constant 0 : i32
      %dma_wait3A_75 = tpu.memref_slice %arg12[%add3A_19, %dma_wait3A_74] : memref<10112x128xf32, #tpu.memory_space<vmem_shared>> -> memref<128x128xf32, #tpu.memory_space<vmem_shared>>
      tpu.wait_dma2 semaphore(%run_scoped3A : memref<!tpu.dma_semaphore, #tpu.memory_space<semaphore_mem>>) src(%arg10 : memref<128x128xf32, #tpu.memory_space<vmem>>) dst(%dma_wait3A_75 : memref<128x128xf32, #tpu.memory_space<vmem_shared>>)
      tpu.yield
    }) : () -> ()
    %add3A_20 = arith.constant 256 : i32
    %add3A_21 = arith.addi %mul3A_15, %add3A_20 : i32
    "tpu.region"() ({
      %run_scoped3A = tpu.sem_alloc : memref<!tpu.dma_semaphore, #tpu.memory_space<semaphore_mem>>
      %dma_start3A_68 = arith.constant 0 : i32
      %dma_start3A_69 = tpu.memref_slice %arg12[%add3A_21, %dma_start3A_68] : memref<10112x128xf32, #tpu.memory_space<vmem_shared>> -> memref<128x128xf32, #tpu.memory_space<vmem_shared>>
      %dma_start3A_70 = arith.constant 0 : i32
      %dma_start3A_71 = tpu.memref_slice %arg12[%add3A_21, %dma_start3A_70] : memref<10112x128xf32, #tpu.memory_space<vmem_shared>> -> memref<128x128xf32, #tpu.memory_space<vmem_shared>>
      tpu.enqueue_dma source(%arg10 : memref<128x128xf32, #tpu.memory_space<vmem>>) target(%dma_start3A_71 : memref<128x128xf32, #tpu.memory_space<vmem_shared>>) target_semaphore(%run_scoped3A : memref<!tpu.dma_semaphore, #tpu.memory_space<semaphore_mem>>)
      %dma_wait3A_72 = arith.constant 0 : i32
      %dma_wait3A_73 = tpu.memref_slice %arg12[%add3A_21, %dma_wait3A_72] : memref<10112x128xf32, #tpu.memory_space<vmem_shared>> -> memref<128x128xf32, #tpu.memory_space<vmem_shared>>
      %dma_wait3A_74 = arith.constant 0 : i32
      %dma_wait3A_75 = tpu.memref_slice %arg12[%add3A_21, %dma_wait3A_74] : memref<10112x128xf32, #tpu.memory_space<vmem_shared>> -> memref<128x128xf32, #tpu.memory_space<vmem_shared>>
      tpu.wait_dma2 semaphore(%run_scoped3A : memref<!tpu.dma_semaphore, #tpu.memory_space<semaphore_mem>>) src(%arg10 : memref<128x128xf32, #tpu.memory_space<vmem>>) dst(%dma_wait3A_75 : memref<128x128xf32, #tpu.memory_space<vmem_shared>>)
      tpu.yield
    }) : () -> ()
    %add3A_22 = arith.constant 384 : i32
    %add3A_23 = arith.addi %mul3A_15, %add3A_22 : i32
    "tpu.region"() ({
      %run_scoped3A = tpu.sem_alloc : memref<!tpu.dma_semaphore, #tpu.memory_space<semaphore_mem>>
      %dma_start3A_68 = arith.constant 0 : i32
      %dma_start3A_69 = tpu.memref_slice %arg12[%add3A_23, %dma_start3A_68] : memref<10112x128xf32, #tpu.memory_space<vmem_shared>> -> memref<128x128xf32, #tpu.memory_space<vmem_shared>>
      %dma_start3A_70 = arith.constant 0 : i32
      %dma_start3A_71 = tpu.memref_slice %arg12[%add3A_23, %dma_start3A_70] : memref<10112x128xf32, #tpu.memory_space<vmem_shared>> -> memref<128x128xf32, #tpu.memory_space<vmem_shared>>
      tpu.enqueue_dma source(%arg10 : memref<128x128xf32, #tpu.memory_space<vmem>>) target(%dma_start3A_71 : memref<128x128xf32, #tpu.memory_space<vmem_shared>>) target_semaphore(%run_scoped3A : memref<!tpu.dma_semaphore, #tpu.memory_space<semaphore_mem>>)
      %dma_wait3A_72 = arith.constant 0 : i32
      %dma_wait3A_73 = tpu.memref_slice %arg12[%add3A_23, %dma_wait3A_72] : memref<10112x128xf32, #tpu.memory_space<vmem_shared>> -> memref<128x128xf32, #tpu.memory_space<vmem_shared>>
      %dma_wait3A_74 = arith.constant 0 : i32
      %dma_wait3A_75 = tpu.memref_slice %arg12[%add3A_23, %dma_wait3A_74] : memref<10112x128xf32, #tpu.memory_space<vmem_shared>> -> memref<128x128xf32, #tpu.memory_space<vmem_shared>>
      tpu.wait_dma2 semaphore(%run_scoped3A : memref<!tpu.dma_semaphore, #tpu.memory_space<semaphore_mem>>) src(%arg10 : memref<128x128xf32, #tpu.memory_space<vmem>>) dst(%dma_wait3A_75 : memref<128x128xf32, #tpu.memory_space<vmem_shared>>)
      tpu.yield
    }) : () -> ()
    %add3A_24 = arith.constant 512 : i32
    %add3A_25 = arith.addi %mul3A_15, %add3A_24 : i32
    "tpu.region"() ({
      %run_scoped3A = tpu.sem_alloc : memref<!tpu.dma_semaphore, #tpu.memory_space<semaphore_mem>>
      %dma_start3A_68 = arith.constant 0 : i32
      %dma_start3A_69 = arith.constant 0 : i32
      %dma_start3A_70 = tpu.memref_slice %arg10[%dma_start3A_68, %dma_start3A_69] : memref<128x128xf32, #tpu.memory_space<vmem>> -> memref<120x128xf32, #tpu.memory_space<vmem>>
      %dma_start3A_71 = arith.constant 0 : i32
      %dma_start3A_72 = tpu.memref_slice %arg12[%add3A_25, %dma_start3A_71] : memref<10112x128xf32, #tpu.memory_space<vmem_shared>> -> memref<120x128xf32, #tpu.memory_space<vmem_shared>>
      %dma_start3A_73 = arith.constant 0 : i32
      %dma_start3A_74 = tpu.memref_slice %arg12[%add3A_25, %dma_start3A_73] : memref<10112x128xf32, #tpu.memory_space<vmem_shared>> -> memref<120x128xf32, #tpu.memory_space<vmem_shared>>
      %dma_start3A_75 = arith.constant 0 : i32
      %dma_start3A_76 = arith.constant 0 : i32
      %dma_start3A_77 = tpu.memref_slice %arg10[%dma_start3A_75, %dma_start3A_76] : memref<128x128xf32, #tpu.memory_space<vmem>> -> memref<120x128xf32, #tpu.memory_space<vmem>>
      tpu.enqueue_dma source(%dma_start3A_77 : memref<120x128xf32, #tpu.memory_space<vmem>>) target(%dma_start3A_74 : memref<120x128xf32, #tpu.memory_space<vmem_shared>>) target_semaphore(%run_scoped3A : memref<!tpu.dma_semaphore, #tpu.memory_space<semaphore_mem>>)
      %dma_wait3A_78 = arith.constant 0 : i32
      %dma_wait3A_79 = arith.constant 0 : i32
      %dma_wait3A_80 = tpu.memref_slice %arg10[%dma_wait3A_78, %dma_wait3A_79] : memref<128x128xf32, #tpu.memory_space<vmem>> -> memref<120x128xf32, #tpu.memory_space<vmem>>
      %dma_wait3A_81 = arith.constant 0 : i32
      %dma_wait3A_82 = tpu.memref_slice %arg12[%add3A_25, %dma_wait3A_81] : memref<10112x128xf32, #tpu.memory_space<vmem_shared>> -> memref<120x128xf32, #tpu.memory_space<vmem_shared>>
      %dma_wait3A_83 = arith.constant 0 : i32
      %dma_wait3A_84 = tpu.memref_slice %arg12[%add3A_25, %dma_wait3A_83] : memref<10112x128xf32, #tpu.memory_space<vmem_shared>> -> memref<120x128xf32, #tpu.memory_space<vmem_shared>>
      %dma_wait3A_85 = arith.constant 0 : i32
      %dma_wait3A_86 = arith.constant 0 : i32
      %dma_wait3A_87 = tpu.memref_slice %arg10[%dma_wait3A_85, %dma_wait3A_86] : memref<128x128xf32, #tpu.memory_space<vmem>> -> memref<120x128xf32, #tpu.memory_space<vmem>>
      tpu.wait_dma2 semaphore(%run_scoped3A : memref<!tpu.dma_semaphore, #tpu.memory_space<semaphore_mem>>) src(%dma_wait3A_87 : memref<120x128xf32, #tpu.memory_space<vmem>>) dst(%dma_wait3A_84 : memref<120x128xf32, #tpu.memory_space<vmem_shared>>)
      tpu.yield
    }) : () -> ()
    %barrier3A = arith.constant 0 : index
    tpu.barrier barrier_id(%barrier3A)
    %mul3A_26 = arith.constant 128 : i32
    %mul3A_27 = arith.muli %select_n3A_8, %mul3A_26 : i32
    %add3A_28 = arith.constant 0 : i32
    %add3A_29 = arith.addi %mul3A_27, %add3A_28 : i32
    "tpu.region"() ({
      %run_scoped3A = tpu.sem_alloc : memref<!tpu.dma_semaphore, #tpu.memory_space<semaphore_mem>>
      %dma_start3A_68 = tpu.memref_slice %arg3[%add3A_29] : memref<328192xi32, #tpu.memory_space<hbm>> -> memref<128xi32, #tpu.memory_space<hbm>>
      %dma_start3A_69 = tpu.memref_slice %arg3[%add3A_29] : memref<328192xi32, #tpu.memory_space<hbm>> -> memref<128xi32, #tpu.memory_space<hbm>>
      tpu.enqueue_dma source(%dma_start3A_69 : memref<128xi32, #tpu.memory_space<hbm>>) target(%arg6 : memref<128xi32, #tpu.memory_space<vmem>>) target_semaphore(%run_scoped3A : memref<!tpu.dma_semaphore, #tpu.memory_space<semaphore_mem>>)
      %dma_wait3A_70 = tpu.memref_slice %arg3[%add3A_29] : memref<328192xi32, #tpu.memory_space<hbm>> -> memref<128xi32, #tpu.memory_space<hbm>>
      %dma_wait3A_71 = tpu.memref_slice %arg3[%add3A_29] : memref<328192xi32, #tpu.memory_space<hbm>> -> memref<128xi32, #tpu.memory_space<hbm>>
      tpu.wait_dma2 semaphore(%run_scoped3A : memref<!tpu.dma_semaphore, #tpu.memory_space<semaphore_mem>>) src(%dma_wait3A_71 : memref<128xi32, #tpu.memory_space<hbm>>) dst(%arg6 : memref<128xi32, #tpu.memory_space<vmem>>)
      tpu.yield
    }) : () -> ()
    %dma_start3A = arith.constant 0 : i32
    %dma_start3A_30 = arith.constant 0 : i32
    %dma_start3A_31 = tpu.memref_slice %arg2[%dma_start3A, %dma_start3A_30] : memref<10000x128xf32, #tpu.memory_space<hbm>> -> memref<10000x128xf32, #tpu.memory_space<hbm>>
    tpu.enqueue_indirect_dma source(%dma_start3A_31 : memref<10000x128xf32, #tpu.memory_space<hbm>>) target(%arg10 : memref<128x128xf32, #tpu.memory_space<vmem>>) offsets(%arg6 : memref<128xi32, #tpu.memory_space<vmem>>) semaphore(%arg13 : memref<!tpu.dma_semaphore, #tpu.memory_space<semaphore_mem>>)
    %add3A_32 = arith.constant 128 : i32
    %add3A_33 = arith.addi %mul3A_27, %add3A_32 : i32
    "tpu.region"() ({
      %run_scoped3A = tpu.sem_alloc : memref<!tpu.dma_semaphore, #tpu.memory_space<semaphore_mem>>
      %dma_start3A_68 = tpu.memref_slice %arg3[%add3A_33] : memref<328192xi32, #tpu.memory_space<hbm>> -> memref<128xi32, #tpu.memory_space<hbm>>
      %dma_start3A_69 = tpu.memref_slice %arg3[%add3A_33] : memref<328192xi32, #tpu.memory_space<hbm>> -> memref<128xi32, #tpu.memory_space<hbm>>
      tpu.enqueue_dma source(%dma_start3A_69 : memref<128xi32, #tpu.memory_space<hbm>>) target(%arg7 : memref<128xi32, #tpu.memory_space<vmem>>) target_semaphore(%run_scoped3A : memref<!tpu.dma_semaphore, #tpu.memory_space<semaphore_mem>>)
      %dma_wait3A_70 = tpu.memref_slice %arg3[%add3A_33] : memref<328192xi32, #tpu.memory_space<hbm>> -> memref<128xi32, #tpu.memory_space<hbm>>
      %dma_wait3A_71 = tpu.memref_slice %arg3[%add3A_33] : memref<328192xi32, #tpu.memory_space<hbm>> -> memref<128xi32, #tpu.memory_space<hbm>>
      tpu.wait_dma2 semaphore(%run_scoped3A : memref<!tpu.dma_semaphore, #tpu.memory_space<semaphore_mem>>) src(%dma_wait3A_71 : memref<128xi32, #tpu.memory_space<hbm>>) dst(%arg7 : memref<128xi32, #tpu.memory_space<vmem>>)
      tpu.yield
    }) : () -> ()
    %jit3A_34 = arith.constant 2 : i32
    %div3A = arith.divsi %select_n3A, %jit3A_34 : i32
    %sign3A = arith.constant 0 : i32
    %sign3A_35 = arith.cmpi sgt, %select_n3A, %sign3A : i32
    %sign3A_36 = arith.extui %sign3A_35 : i1 to i32
    %sign3A_37 = arith.constant 0 : i32
    %sign3A_38 = arith.cmpi slt, %select_n3A, %sign3A_37 : i32
    %sign3A_39 = arith.extui %sign3A_38 : i1 to i32
    %sign3A_40 = arith.subi %sign3A_36, %sign3A_39 : i32
    %sign3A_41 = arith.constant 0 : i32
    %sign3A_42 = arith.cmpi sgt, %jit3A_34, %sign3A_41 : i32
    %sign3A_43 = arith.extui %sign3A_42 : i1 to i32
    %sign3A_44 = arith.constant 0 : i32
    %sign3A_45 = arith.cmpi slt, %jit3A_34, %sign3A_44 : i32
    %sign3A_46 = arith.extui %sign3A_45 : i1 to i32
    %sign3A_47 = arith.subi %sign3A_43, %sign3A_46 : i32
    %ne3A = arith.cmpi ne, %sign3A_40, %sign3A_47 : i32
    %rem3A = arith.remsi %select_n3A, %jit3A_34 : i32
    %ne3A_48 = arith.constant 0 : i32
    %ne3A_49 = arith.cmpi ne, %rem3A, %ne3A_48 : i32
    %and3A = arith.andi %ne3A, %ne3A_49 : i1
    %sub3A = arith.constant 1 : i32
    %sub3A_50 = arith.subi %div3A, %sub3A : i32
    %select_n3A_51 = arith.select %and3A, %sub3A_50, %div3A : i32
    %while3A = arith.constant 0 : i32
    %while3A_52 = arith.constant 0 : i32
    %while3A_53 = arith.subi %select_n3A_51, %while3A_52 : i32
    %while3A_54 = arith.addi %while3A_52, %while3A_53 : i32
    %while3A_55 = arith.constant 1 : i32
    %while3A_56 = arith.divsi %while3A_53, %while3A_55 : i32
    %while3A_57 = arith.muli %while3A_56, %while3A_55 : i32
    %while3A_58 = arith.addi %while3A_52, %while3A_57 : i32
    %while3A_59 = arith.constant 1 : i32
    scf.for %while3A_68 = %while3A_52 to %while3A_58 step %while3A_59  : i32 {
      %mul3A_69 = arith.constant 2 : i32
      %mul3A_70 = arith.muli %mul3A_69, %while3A_68 : i32
      %dma_start3A_71 = arith.constant 0 : i32
      %dma_start3A_72 = arith.constant 0 : i32
      %dma_start3A_73 = tpu.memref_slice %arg2[%dma_start3A_71, %dma_start3A_72] : memref<10000x128xf32, #tpu.memory_space<hbm>> -> memref<10000x128xf32, #tpu.memory_space<hbm>>
      tpu.enqueue_indirect_dma source(%dma_start3A_73 : memref<10000x128xf32, #tpu.memory_space<hbm>>) target(%arg11 : memref<128x128xf32, #tpu.memory_space<vmem>>) offsets(%arg7 : memref<128xi32, #tpu.memory_space<vmem>>) semaphore(%arg14 : memref<!tpu.dma_semaphore, #tpu.memory_space<semaphore_mem>>)
      %dma_wait3A_74 = arith.constant 0 : i32
      %dma_wait3A_75 = arith.constant 0 : i32
      %dma_wait3A_76 = tpu.memref_slice %arg2[%dma_wait3A_74, %dma_wait3A_75] : memref<10000x128xf32, #tpu.memory_space<hbm>> -> memref<10000x128xf32, #tpu.memory_space<hbm>>
      tpu.wait_indirect_dma semaphore(%arg13 : memref<!tpu.dma_semaphore, #tpu.memory_space<semaphore_mem>>) src(%dma_wait3A_76 : memref<10000x128xf32, #tpu.memory_space<hbm>>) dst(%arg10 : memref<128x128xf32, #tpu.memory_space<vmem>>)
      %add3A_77 = arith.constant 2 : i32
      %add3A_78 = arith.addi %mul3A_70, %add3A_77 : i32
      %mul3A_79 = arith.constant 128 : i32
      %mul3A_80 = arith.muli %add3A_78, %mul3A_79 : i32
      %add3A_81 = arith.addi %mul3A_27, %mul3A_80 : i32
      "tpu.region"() ({
        %run_scoped3A = tpu.sem_alloc : memref<!tpu.dma_semaphore, #tpu.memory_space<semaphore_mem>>
        %dma_start3A_95 = tpu.memref_slice %arg3[%add3A_81] : memref<328192xi32, #tpu.memory_space<hbm>> -> memref<128xi32, #tpu.memory_space<hbm>>
        %dma_start3A_96 = tpu.memref_slice %arg3[%add3A_81] : memref<328192xi32, #tpu.memory_space<hbm>> -> memref<128xi32, #tpu.memory_space<hbm>>
        tpu.enqueue_dma source(%dma_start3A_96 : memref<128xi32, #tpu.memory_space<hbm>>) target(%arg6 : memref<128xi32, #tpu.memory_space<vmem>>) target_semaphore(%run_scoped3A : memref<!tpu.dma_semaphore, #tpu.memory_space<semaphore_mem>>)
        %dma_wait3A_97 = tpu.memref_slice %arg3[%add3A_81] : memref<328192xi32, #tpu.memory_space<hbm>> -> memref<128xi32, #tpu.memory_space<hbm>>
        %dma_wait3A_98 = tpu.memref_slice %arg3[%add3A_81] : memref<328192xi32, #tpu.memory_space<hbm>> -> memref<128xi32, #tpu.memory_space<hbm>>
        tpu.wait_dma2 semaphore(%run_scoped3A : memref<!tpu.dma_semaphore, #tpu.memory_space<semaphore_mem>>) src(%dma_wait3A_98 : memref<128xi32, #tpu.memory_space<hbm>>) dst(%arg6 : memref<128xi32, #tpu.memory_space<vmem>>)
        tpu.yield
      }) : () -> ()
      "tpu.region"() ({
        %run_scoped3A = tpu.sem_alloc : memref<!tpu.dma_semaphore, #tpu.memory_space<semaphore_mem>>
        %dma_start3A_95 = arith.constant 0 : i32
        %dma_start3A_96 = tpu.memref_slice %arg8[%mul3A_70, %dma_start3A_95] : memref<128x128xi32, #tpu.memory_space<vmem>> -> memref<1x128xi32, #tpu.memory_space<vmem>>
        %dma_start3A_97 = tpu.memref_squeeze %dma_start3A_96 : memref<1x128xi32, #tpu.memory_space<vmem>> -> memref<128xi32, #tpu.memory_space<vmem>>
        %dma_start3A_98 = arith.constant 0 : i32
        %dma_start3A_99 = arith.constant 0 : i32
        %dma_start3A_100 = tpu.memref_slice %arg12[%dma_start3A_98, %dma_start3A_99] : memref<10112x128xf32, #tpu.memory_space<vmem_shared>> -> memref<10112x128xf32, #tpu.memory_space<vmem_shared>>
        tpu.enqueue_indirect_dma source(%arg10 : memref<128x128xf32, #tpu.memory_space<vmem>>) target(%dma_start3A_100 : memref<10112x128xf32, #tpu.memory_space<vmem_shared>>) offsets(%dma_start3A_97 : memref<128xi32, #tpu.memory_space<vmem>>) semaphore(%run_scoped3A : memref<!tpu.dma_semaphore, #tpu.memory_space<semaphore_mem>>) {add = true}
        %dma_wait3A_101 = arith.constant 0 : i32
        %dma_wait3A_102 = tpu.memref_slice %arg8[%mul3A_70, %dma_wait3A_101] : memref<128x128xi32, #tpu.memory_space<vmem>> -> memref<1x128xi32, #tpu.memory_space<vmem>>
        %dma_wait3A_103 = tpu.memref_squeeze %dma_wait3A_102 : memref<1x128xi32, #tpu.memory_space<vmem>> -> memref<128xi32, #tpu.memory_space<vmem>>
        %dma_wait3A_104 = arith.constant 0 : i32
        %dma_wait3A_105 = arith.constant 0 : i32
        %dma_wait3A_106 = tpu.memref_slice %arg12[%dma_wait3A_104, %dma_wait3A_105] : memref<10112x128xf32, #tpu.memory_space<vmem_shared>> -> memref<10112x128xf32, #tpu.memory_space<vmem_shared>>
        tpu.wait_indirect_dma semaphore(%run_scoped3A : memref<!tpu.dma_semaphore, #tpu.memory_space<semaphore_mem>>) src(%arg10 : memref<128x128xf32, #tpu.memory_space<vmem>>) dst(%dma_wait3A_106 : memref<10112x128xf32, #tpu.memory_space<vmem_shared>>)
        tpu.yield
      }) : () -> ()
      %dma_start3A_82 = arith.constant 0 : i32
      %dma_start3A_83 = arith.constant 0 : i32
      %dma_start3A_84 = tpu.memref_slice %arg2[%dma_start3A_82, %dma_start3A_83] : memref<10000x128xf32, #tpu.memory_space<hbm>> -> memref<10000x128xf32, #tpu.memory_space<hbm>>
      tpu.enqueue_indirect_dma source(%dma_start3A_84 : memref<10000x128xf32, #tpu.memory_space<hbm>>) target(%arg10 : memref<128x128xf32, #tpu.memory_space<vmem>>) offsets(%arg6 : memref<128xi32, #tpu.memory_space<vmem>>) semaphore(%arg13 : memref<!tpu.dma_semaphore, #tpu.memory_space<semaphore_mem>>)
      %add3A_85 = arith.constant 1 : i32
      %add3A_86 = arith.addi %mul3A_70, %add3A_85 : i32
      %dma_wait3A_87 = arith.constant 0 : i32
      %dma_wait3A_88 = arith.constant 0 : i32
      %dma_wait3A_89 = tpu.memref_slice %arg2[%dma_wait3A_87, %dma_wait3A_88] : memref<10000x128xf32, #tpu.memory_space<hbm>> -> memref<10000x128xf32, #tpu.memory_space<hbm>>
      tpu.wait_indirect_dma semaphore(%arg14 : memref<!tpu.dma_semaphore, #tpu.memory_space<semaphore_mem>>) src(%dma_wait3A_89 : memref<10000x128xf32, #tpu.memory_space<hbm>>) dst(%arg11 : memref<128x128xf32, #tpu.memory_space<vmem>>)
      %add3A_90 = arith.constant 3 : i32
      %add3A_91 = arith.addi %mul3A_70, %add3A_90 : i32
      %mul3A_92 = arith.constant 128 : i32
      %mul3A_93 = arith.muli %add3A_91, %mul3A_92 : i32
      %add3A_94 = arith.addi %mul3A_27, %mul3A_93 : i32
      "tpu.region"() ({
        %run_scoped3A = tpu.sem_alloc : memref<!tpu.dma_semaphore, #tpu.memory_space<semaphore_mem>>
        %dma_start3A_95 = tpu.memref_slice %arg3[%add3A_94] : memref<328192xi32, #tpu.memory_space<hbm>> -> memref<128xi32, #tpu.memory_space<hbm>>
        %dma_start3A_96 = tpu.memref_slice %arg3[%add3A_94] : memref<328192xi32, #tpu.memory_space<hbm>> -> memref<128xi32, #tpu.memory_space<hbm>>
        tpu.enqueue_dma source(%dma_start3A_96 : memref<128xi32, #tpu.memory_space<hbm>>) target(%arg7 : memref<128xi32, #tpu.memory_space<vmem>>) target_semaphore(%run_scoped3A : memref<!tpu.dma_semaphore, #tpu.memory_space<semaphore_mem>>)
        %dma_wait3A_97 = tpu.memref_slice %arg3[%add3A_94] : memref<328192xi32, #tpu.memory_space<hbm>> -> memref<128xi32, #tpu.memory_space<hbm>>
        %dma_wait3A_98 = tpu.memref_slice %arg3[%add3A_94] : memref<328192xi32, #tpu.memory_space<hbm>> -> memref<128xi32, #tpu.memory_space<hbm>>
        tpu.wait_dma2 semaphore(%run_scoped3A : memref<!tpu.dma_semaphore, #tpu.memory_space<semaphore_mem>>) src(%dma_wait3A_98 : memref<128xi32, #tpu.memory_space<hbm>>) dst(%arg7 : memref<128xi32, #tpu.memory_space<vmem>>)
        tpu.yield
      }) : () -> ()
      "tpu.region"() ({
        %run_scoped3A = tpu.sem_alloc : memref<!tpu.dma_semaphore, #tpu.memory_space<semaphore_mem>>
        %dma_start3A_95 = arith.constant 0 : i32
        %dma_start3A_96 = tpu.memref_slice %arg8[%add3A_86, %dma_start3A_95] : memref<128x128xi32, #tpu.memory_space<vmem>> -> memref<1x128xi32, #tpu.memory_space<vmem>>
        %dma_start3A_97 = tpu.memref_squeeze %dma_start3A_96 : memref<1x128xi32, #tpu.memory_space<vmem>> -> memref<128xi32, #tpu.memory_space<vmem>>
        %dma_start3A_98 = arith.constant 0 : i32
        %dma_start3A_99 = arith.constant 0 : i32
        %dma_start3A_100 = tpu.memref_slice %arg12[%dma_start3A_98, %dma_start3A_99] : memref<10112x128xf32, #tpu.memory_space<vmem_shared>> -> memref<10112x128xf32, #tpu.memory_space<vmem_shared>>
        tpu.enqueue_indirect_dma source(%arg11 : memref<128x128xf32, #tpu.memory_space<vmem>>) target(%dma_start3A_100 : memref<10112x128xf32, #tpu.memory_space<vmem_shared>>) offsets(%dma_start3A_97 : memref<128xi32, #tpu.memory_space<vmem>>) semaphore(%run_scoped3A : memref<!tpu.dma_semaphore, #tpu.memory_space<semaphore_mem>>) {add = true}
        %dma_wait3A_101 = arith.constant 0 : i32
        %dma_wait3A_102 = tpu.memref_slice %arg8[%add3A_86, %dma_wait3A_101] : memref<128x128xi32, #tpu.memory_space<vmem>> -> memref<1x128xi32, #tpu.memory_space<vmem>>
        %dma_wait3A_103 = tpu.memref_squeeze %dma_wait3A_102 : memref<1x128xi32, #tpu.memory_space<vmem>> -> memref<128xi32, #tpu.memory_space<vmem>>
        %dma_wait3A_104 = arith.constant 0 : i32
        %dma_wait3A_105 = arith.constant 0 : i32
        %dma_wait3A_106 = tpu.memref_slice %arg12[%dma_wait3A_104, %dma_wait3A_105] : memref<10112x128xf32, #tpu.memory_space<vmem_shared>> -> memref<10112x128xf32, #tpu.memory_space<vmem_shared>>
        tpu.wait_indirect_dma semaphore(%run_scoped3A : memref<!tpu.dma_semaphore, #tpu.memory_space<semaphore_mem>>) src(%arg11 : memref<128x128xf32, #tpu.memory_space<vmem>>) dst(%dma_wait3A_106 : memref<10112x128xf32, #tpu.memory_space<vmem_shared>>)
        tpu.yield
      }) : () -> ()
    }
    %while3A_60 = arith.constant 1 : i32
    scf.for %while3A_68 = %while3A_58 to %while3A_54 step %while3A_60  : i32 {
      %mul3A_69 = arith.constant 2 : i32
      %mul3A_70 = arith.muli %mul3A_69, %while3A_68 : i32
      %dma_start3A_71 = arith.constant 0 : i32
      %dma_start3A_72 = arith.constant 0 : i32
      %dma_start3A_73 = tpu.memref_slice %arg2[%dma_start3A_71, %dma_start3A_72] : memref<10000x128xf32, #tpu.memory_space<hbm>> -> memref<10000x128xf32, #tpu.memory_space<hbm>>
      tpu.enqueue_indirect_dma source(%dma_start3A_73 : memref<10000x128xf32, #tpu.memory_space<hbm>>) target(%arg11 : memref<128x128xf32, #tpu.memory_space<vmem>>) offsets(%arg7 : memref<128xi32, #tpu.memory_space<vmem>>) semaphore(%arg14 : memref<!tpu.dma_semaphore, #tpu.memory_space<semaphore_mem>>)
      %dma_wait3A_74 = arith.constant 0 : i32
      %dma_wait3A_75 = arith.constant 0 : i32
      %dma_wait3A_76 = tpu.memref_slice %arg2[%dma_wait3A_74, %dma_wait3A_75] : memref<10000x128xf32, #tpu.memory_space<hbm>> -> memref<10000x128xf32, #tpu.memory_space<hbm>>
      tpu.wait_indirect_dma semaphore(%arg13 : memref<!tpu.dma_semaphore, #tpu.memory_space<semaphore_mem>>) src(%dma_wait3A_76 : memref<10000x128xf32, #tpu.memory_space<hbm>>) dst(%arg10 : memref<128x128xf32, #tpu.memory_space<vmem>>)
      %add3A_77 = arith.constant 2 : i32
      %add3A_78 = arith.addi %mul3A_70, %add3A_77 : i32
      %mul3A_79 = arith.constant 128 : i32
      %mul3A_80 = arith.muli %add3A_78, %mul3A_79 : i32
      %add3A_81 = arith.addi %mul3A_27, %mul3A_80 : i32
      "tpu.region"() ({
        %run_scoped3A = tpu.sem_alloc : memref<!tpu.dma_semaphore, #tpu.memory_space<semaphore_mem>>
        %dma_start3A_95 = tpu.memref_slice %arg3[%add3A_81] : memref<328192xi32, #tpu.memory_space<hbm>> -> memref<128xi32, #tpu.memory_space<hbm>>
        %dma_start3A_96 = tpu.memref_slice %arg3[%add3A_81] : memref<328192xi32, #tpu.memory_space<hbm>> -> memref<128xi32, #tpu.memory_space<hbm>>
        tpu.enqueue_dma source(%dma_start3A_96 : memref<128xi32, #tpu.memory_space<hbm>>) target(%arg6 : memref<128xi32, #tpu.memory_space<vmem>>) target_semaphore(%run_scoped3A : memref<!tpu.dma_semaphore, #tpu.memory_space<semaphore_mem>>)
        %dma_wait3A_97 = tpu.memref_slice %arg3[%add3A_81] : memref<328192xi32, #tpu.memory_space<hbm>> -> memref<128xi32, #tpu.memory_space<hbm>>
        %dma_wait3A_98 = tpu.memref_slice %arg3[%add3A_81] : memref<328192xi32, #tpu.memory_space<hbm>> -> memref<128xi32, #tpu.memory_space<hbm>>
        tpu.wait_dma2 semaphore(%run_scoped3A : memref<!tpu.dma_semaphore, #tpu.memory_space<semaphore_mem>>) src(%dma_wait3A_98 : memref<128xi32, #tpu.memory_space<hbm>>) dst(%arg6 : memref<128xi32, #tpu.memory_space<vmem>>)
        tpu.yield
      }) : () -> ()
      "tpu.region"() ({
        %run_scoped3A = tpu.sem_alloc : memref<!tpu.dma_semaphore, #tpu.memory_space<semaphore_mem>>
        %dma_start3A_95 = arith.constant 0 : i32
        %dma_start3A_96 = tpu.memref_slice %arg8[%mul3A_70, %dma_start3A_95] : memref<128x128xi32, #tpu.memory_space<vmem>> -> memref<1x128xi32, #tpu.memory_space<vmem>>
        %dma_start3A_97 = tpu.memref_squeeze %dma_start3A_96 : memref<1x128xi32, #tpu.memory_space<vmem>> -> memref<128xi32, #tpu.memory_space<vmem>>
        %dma_start3A_98 = arith.constant 0 : i32
        %dma_start3A_99 = arith.constant 0 : i32
        %dma_start3A_100 = tpu.memref_slice %arg12[%dma_start3A_98, %dma_start3A_99] : memref<10112x128xf32, #tpu.memory_space<vmem_shared>> -> memref<10112x128xf32, #tpu.memory_space<vmem_shared>>
        tpu.enqueue_indirect_dma source(%arg10 : memref<128x128xf32, #tpu.memory_space<vmem>>) target(%dma_start3A_100 : memref<10112x128xf32, #tpu.memory_space<vmem_shared>>) offsets(%dma_start3A_97 : memref<128xi32, #tpu.memory_space<vmem>>) semaphore(%run_scoped3A : memref<!tpu.dma_semaphore, #tpu.memory_space<semaphore_mem>>) {add = true}
        %dma_wait3A_101 = arith.constant 0 : i32
        %dma_wait3A_102 = tpu.memref_slice %arg8[%mul3A_70, %dma_wait3A_101] : memref<128x128xi32, #tpu.memory_space<vmem>> -> memref<1x128xi32, #tpu.memory_space<vmem>>
        %dma_wait3A_103 = tpu.memref_squeeze %dma_wait3A_102 : memref<1x128xi32, #tpu.memory_space<vmem>> -> memref<128xi32, #tpu.memory_space<vmem>>
        %dma_wait3A_104 = arith.constant 0 : i32
        %dma_wait3A_105 = arith.constant 0 : i32
        %dma_wait3A_106 = tpu.memref_slice %arg12[%dma_wait3A_104, %dma_wait3A_105] : memref<10112x128xf32, #tpu.memory_space<vmem_shared>> -> memref<10112x128xf32, #tpu.memory_space<vmem_shared>>
        tpu.wait_indirect_dma semaphore(%run_scoped3A : memref<!tpu.dma_semaphore, #tpu.memory_space<semaphore_mem>>) src(%arg10 : memref<128x128xf32, #tpu.memory_space<vmem>>) dst(%dma_wait3A_106 : memref<10112x128xf32, #tpu.memory_space<vmem_shared>>)
        tpu.yield
      }) : () -> ()
      %dma_start3A_82 = arith.constant 0 : i32
      %dma_start3A_83 = arith.constant 0 : i32
      %dma_start3A_84 = tpu.memref_slice %arg2[%dma_start3A_82, %dma_start3A_83] : memref<10000x128xf32, #tpu.memory_space<hbm>> -> memref<10000x128xf32, #tpu.memory_space<hbm>>
      tpu.enqueue_indirect_dma source(%dma_start3A_84 : memref<10000x128xf32, #tpu.memory_space<hbm>>) target(%arg10 : memref<128x128xf32, #tpu.memory_space<vmem>>) offsets(%arg6 : memref<128xi32, #tpu.memory_space<vmem>>) semaphore(%arg13 : memref<!tpu.dma_semaphore, #tpu.memory_space<semaphore_mem>>)
      %add3A_85 = arith.constant 1 : i32
      %add3A_86 = arith.addi %mul3A_70, %add3A_85 : i32
      %dma_wait3A_87 = arith.constant 0 : i32
      %dma_wait3A_88 = arith.constant 0 : i32
      %dma_wait3A_89 = tpu.memref_slice %arg2[%dma_wait3A_87, %dma_wait3A_88] : memref<10000x128xf32, #tpu.memory_space<hbm>> -> memref<10000x128xf32, #tpu.memory_space<hbm>>
      tpu.wait_indirect_dma semaphore(%arg14 : memref<!tpu.dma_semaphore, #tpu.memory_space<semaphore_mem>>) src(%dma_wait3A_89 : memref<10000x128xf32, #tpu.memory_space<hbm>>) dst(%arg11 : memref<128x128xf32, #tpu.memory_space<vmem>>)
      %add3A_90 = arith.constant 3 : i32
      %add3A_91 = arith.addi %mul3A_70, %add3A_90 : i32
      %mul3A_92 = arith.constant 128 : i32
      %mul3A_93 = arith.muli %add3A_91, %mul3A_92 : i32
      %add3A_94 = arith.addi %mul3A_27, %mul3A_93 : i32
      "tpu.region"() ({
        %run_scoped3A = tpu.sem_alloc : memref<!tpu.dma_semaphore, #tpu.memory_space<semaphore_mem>>
        %dma_start3A_95 = tpu.memref_slice %arg3[%add3A_94] : memref<328192xi32, #tpu.memory_space<hbm>> -> memref<128xi32, #tpu.memory_space<hbm>>
        %dma_start3A_96 = tpu.memref_slice %arg3[%add3A_94] : memref<328192xi32, #tpu.memory_space<hbm>> -> memref<128xi32, #tpu.memory_space<hbm>>
        tpu.enqueue_dma source(%dma_start3A_96 : memref<128xi32, #tpu.memory_space<hbm>>) target(%arg7 : memref<128xi32, #tpu.memory_space<vmem>>) target_semaphore(%run_scoped3A : memref<!tpu.dma_semaphore, #tpu.memory_space<semaphore_mem>>)
        %dma_wait3A_97 = tpu.memref_slice %arg3[%add3A_94] : memref<328192xi32, #tpu.memory_space<hbm>> -> memref<128xi32, #tpu.memory_space<hbm>>
        %dma_wait3A_98 = tpu.memref_slice %arg3[%add3A_94] : memref<328192xi32, #tpu.memory_space<hbm>> -> memref<128xi32, #tpu.memory_space<hbm>>
        tpu.wait_dma2 semaphore(%run_scoped3A : memref<!tpu.dma_semaphore, #tpu.memory_space<semaphore_mem>>) src(%dma_wait3A_98 : memref<128xi32, #tpu.memory_space<hbm>>) dst(%arg7 : memref<128xi32, #tpu.memory_space<vmem>>)
        tpu.yield
      }) : () -> ()
      "tpu.region"() ({
        %run_scoped3A = tpu.sem_alloc : memref<!tpu.dma_semaphore, #tpu.memory_space<semaphore_mem>>
        %dma_start3A_95 = arith.constant 0 : i32
        %dma_start3A_96 = tpu.memref_slice %arg8[%add3A_86, %dma_start3A_95] : memref<128x128xi32, #tpu.memory_space<vmem>> -> memref<1x128xi32, #tpu.memory_space<vmem>>
        %dma_start3A_97 = tpu.memref_squeeze %dma_start3A_96 : memref<1x128xi32, #tpu.memory_space<vmem>> -> memref<128xi32, #tpu.memory_space<vmem>>
        %dma_start3A_98 = arith.constant 0 : i32
        %dma_start3A_99 = arith.constant 0 : i32
        %dma_start3A_100 = tpu.memref_slice %arg12[%dma_start3A_98, %dma_start3A_99] : memref<10112x128xf32, #tpu.memory_space<vmem_shared>> -> memref<10112x128xf32, #tpu.memory_space<vmem_shared>>
        tpu.enqueue_indirect_dma source(%arg11 : memref<128x128xf32, #tpu.memory_space<vmem>>) target(%dma_start3A_100 : memref<10112x128xf32, #tpu.memory_space<vmem_shared>>) offsets(%dma_start3A_97 : memref<128xi32, #tpu.memory_space<vmem>>) semaphore(%run_scoped3A : memref<!tpu.dma_semaphore, #tpu.memory_space<semaphore_mem>>) {add = true}
        %dma_wait3A_101 = arith.constant 0 : i32
        %dma_wait3A_102 = tpu.memref_slice %arg8[%add3A_86, %dma_wait3A_101] : memref<128x128xi32, #tpu.memory_space<vmem>> -> memref<1x128xi32, #tpu.memory_space<vmem>>
        %dma_wait3A_103 = tpu.memref_squeeze %dma_wait3A_102 : memref<1x128xi32, #tpu.memory_space<vmem>> -> memref<128xi32, #tpu.memory_space<vmem>>
        %dma_wait3A_104 = arith.constant 0 : i32
        %dma_wait3A_105 = arith.constant 0 : i32
        %dma_wait3A_106 = tpu.memref_slice %arg12[%dma_wait3A_104, %dma_wait3A_105] : memref<10112x128xf32, #tpu.memory_space<vmem_shared>> -> memref<10112x128xf32, #tpu.memory_space<vmem_shared>>
        tpu.wait_indirect_dma semaphore(%run_scoped3A : memref<!tpu.dma_semaphore, #tpu.memory_space<semaphore_mem>>) src(%arg11 : memref<128x128xf32, #tpu.memory_space<vmem>>) dst(%dma_wait3A_106 : memref<10112x128xf32, #tpu.memory_space<vmem_shared>>)
        tpu.yield
      }) : () -> ()
    }
    %dma_wait3A = arith.constant 0 : i32
    %dma_wait3A_61 = arith.constant 0 : i32
    %dma_wait3A_62 = tpu.memref_slice %arg2[%dma_wait3A, %dma_wait3A_61] : memref<10000x128xf32, #tpu.memory_space<hbm>> -> memref<10000x128xf32, #tpu.memory_space<hbm>>
    tpu.wait_indirect_dma semaphore(%arg13 : memref<!tpu.dma_semaphore, #tpu.memory_space<semaphore_mem>>) src(%dma_wait3A_62 : memref<10000x128xf32, #tpu.memory_space<hbm>>) dst(%arg10 : memref<128x128xf32, #tpu.memory_space<vmem>>)
    %barrier3A_63 = arith.constant 0 : index
    tpu.barrier barrier_id(%barrier3A_63)
    %mul3A_64 = arith.constant 632 : i32
    %mul3A_65 = arith.muli %arg1, %mul3A_64 : i32
    %mul3A_66 = arith.constant 632 : i32
    %mul3A_67 = arith.muli %arg1, %mul3A_66 : i32
    "tpu.region"() ({
      %run_scoped3A = tpu.sem_alloc : memref<!tpu.dma_semaphore, #tpu.memory_space<semaphore_mem>>
      %dma_start3A_68 = arith.constant 0 : i32
      %dma_start3A_69 = tpu.memref_slice %arg5[%arg0, %mul3A_67, %dma_start3A_68] : memref<2x10112x128xf32, #tpu.memory_space<hbm>> -> memref<1x632x128xf32, #tpu.memory_space<hbm>>
      %dma_start3A_70 = tpu.memref_squeeze %dma_start3A_69 : memref<1x632x128xf32, #tpu.memory_space<hbm>> -> memref<632x128xf32, #tpu.memory_space<hbm>>
      %dma_start3A_71 = arith.constant 0 : i32
      %dma_start3A_72 = tpu.memref_slice %arg12[%mul3A_65, %dma_start3A_71] : memref<10112x128xf32, #tpu.memory_space<vmem_shared>> -> memref<632x128xf32, #tpu.memory_space<vmem_shared>>
      tpu.enqueue_dma source(%dma_start3A_72 : memref<632x128xf32, #tpu.memory_space<vmem_shared>>) target(%dma_start3A_70 : memref<632x128xf32, #tpu.memory_space<hbm>>) target_semaphore(%run_scoped3A : memref<!tpu.dma_semaphore, #tpu.memory_space<semaphore_mem>>)
      %dma_wait3A_73 = arith.constant 0 : i32
      %dma_wait3A_74 = tpu.memref_slice %arg5[%arg0, %mul3A_67, %dma_wait3A_73] : memref<2x10112x128xf32, #tpu.memory_space<hbm>> -> memref<1x632x128xf32, #tpu.memory_space<hbm>>
      %dma_wait3A_75 = tpu.memref_squeeze %dma_wait3A_74 : memref<1x632x128xf32, #tpu.memory_space<hbm>> -> memref<632x128xf32, #tpu.memory_space<hbm>>
      %dma_wait3A_76 = arith.constant 0 : i32
      %dma_wait3A_77 = tpu.memref_slice %arg12[%mul3A_65, %dma_wait3A_76] : memref<10112x128xf32, #tpu.memory_space<vmem_shared>> -> memref<632x128xf32, #tpu.memory_space<vmem_shared>>
      tpu.wait_dma2 semaphore(%run_scoped3A : memref<!tpu.dma_semaphore, #tpu.memory_space<semaphore_mem>>) src(%dma_wait3A_77 : memref<632x128xf32, #tpu.memory_space<vmem_shared>>) dst(%dma_wait3A_75 : memref<632x128xf32, #tpu.memory_space<hbm>>)
      tpu.yield
    }) : () -> ()
    return
  }
}

#map = affine_map<(d0, d1) -> (0, 0)>
#map1 = affine_map<(d0, d1) -> (0)>
#map2 = affine_map<(d0, d1) -> (0, 0, 0)>
module attributes {stable_mosaic.version = 14 : i64} {
  func.func @body(%arg0: i32, %arg1: i32, %arg2: memref<10000x16xf32, #tpu.memory_space<hbm>>, %arg3: memref<328192xi32, #tpu.memory_space<hbm>>, %arg4: memref<2816x128xi32, #tpu.memory_space<hbm>>, %arg5: memref<2x10112x16xf32, #tpu.memory_space<hbm>>, %arg6: memref<128xi32, #tpu.memory_space<vmem>>, %arg7: memref<128xi32, #tpu.memory_space<vmem>>, %arg8: memref<112x128xi32, #tpu.memory_space<vmem>>, %arg9: memref<128xi32, #tpu.memory_space<vmem>>, %arg10: memref<128x16xf32, #tpu.memory_space<vmem>>, %arg11: memref<128x16xf32, #tpu.memory_space<vmem>>, %arg12: memref<10112x16xf32, #tpu.memory_space<vmem_shared>>, %arg13: memref<!tpu.dma_semaphore, #tpu.memory_space<semaphore_mem>>, %arg14: memref<!tpu.dma_semaphore, #tpu.memory_space<semaphore_mem>>) attributes {dimension_semantics = [#tpu.dimension_semantics<core_parallel>, #tpu.dimension_semantics<subcore_parallel>], iteration_bounds = array<i64: 2, 16>, scalar_prefetch = 0 : i64, scratch_operands = 9 : i64, tpu.core_type = #tpu.core_type<sc_vector_subcore>, window_params = [{transform_indices = #map}, {transform_indices = #map1}, {transform_indices = #map}, {transform_indices = #map2}]} {
    %eq3A = arith.constant 0 : i32
    %eq3A_0 = arith.cmpi eq, %arg0, %eq3A : i32
    %jit3A = arith.constant 112 : i32
    %jit3A_1 = arith.constant 48 : i32
    %select_n3A = arith.select %eq3A_0, %jit3A, %jit3A_1 : i32
    %eq3A_2 = arith.constant 0 : i32
    %eq3A_3 = arith.cmpi eq, %arg0, %eq3A_2 : i32
    %mul3A = arith.constant 112 : i32
    %mul3A_4 = arith.muli %arg1, %mul3A : i32
    %mul3A_5 = arith.constant 48 : i32
    %mul3A_6 = arith.muli %arg1, %mul3A_5 : i32
    %add3A = arith.constant 1792 : i32
    %add3A_7 = arith.addi %add3A, %mul3A_6 : i32
    %select_n3A_8 = arith.select %eq3A_3, %mul3A_4, %add3A_7 : i32
    "tpu.region"() ({
      %run_scoped3A = tpu.sem_alloc : memref<!tpu.dma_semaphore, #tpu.memory_space<semaphore_mem>>
      %dma_start3A_68 = arith.constant 0 : i32
      %dma_start3A_69 = tpu.memref_slice %arg4[%select_n3A_8, %dma_start3A_68] : memref<2816x128xi32, #tpu.memory_space<hbm>> -> memref<112x128xi32, #tpu.memory_space<hbm>>
      %dma_start3A_70 = arith.constant 0 : i32
      %dma_start3A_71 = tpu.memref_slice %arg4[%select_n3A_8, %dma_start3A_70] : memref<2816x128xi32, #tpu.memory_space<hbm>> -> memref<112x128xi32, #tpu.memory_space<hbm>>
      tpu.enqueue_dma source(%dma_start3A_71 : memref<112x128xi32, #tpu.memory_space<hbm>>) target(%arg8 : memref<112x128xi32, #tpu.memory_space<vmem>>) target_semaphore(%run_scoped3A : memref<!tpu.dma_semaphore, #tpu.memory_space<semaphore_mem>>)
      %dma_wait3A_72 = arith.constant 0 : i32
      %dma_wait3A_73 = tpu.memref_slice %arg4[%select_n3A_8, %dma_wait3A_72] : memref<2816x128xi32, #tpu.memory_space<hbm>> -> memref<112x128xi32, #tpu.memory_space<hbm>>
      %dma_wait3A_74 = arith.constant 0 : i32
      %dma_wait3A_75 = tpu.memref_slice %arg4[%select_n3A_8, %dma_wait3A_74] : memref<2816x128xi32, #tpu.memory_space<hbm>> -> memref<112x128xi32, #tpu.memory_space<hbm>>
      tpu.wait_dma2 semaphore(%run_scoped3A : memref<!tpu.dma_semaphore, #tpu.memory_space<semaphore_mem>>) src(%dma_wait3A_75 : memref<112x128xi32, #tpu.memory_space<hbm>>) dst(%arg8 : memref<112x128xi32, #tpu.memory_space<vmem>>)
      tpu.yield
    }) : () -> ()
    %scan3A = arith.constant 0 : i32
    %scan3A_9 = arith.constant 0 : i32
    %scan3A_10 = arith.constant 128 : i32
    %scan3A_11 = arith.addi %scan3A_9, %scan3A_10 : i32
    %scan3A_12 = arith.constant 1 : i32
    scf.for %scan3A_68 = %scan3A_9 to %scan3A_11 step %scan3A_12  : i32 {
      %broadcast_in_dim3A = arith.constant 0.000000e+00 : f32
      %broadcast_in_dim3A_69 = vector.broadcast %broadcast_in_dim3A : f32 to vector<16xf32>
      %swap3A = arith.index_cast %scan3A_68 : i32 to index
      %swap3A_70 = arith.constant 0 : index
      %swap3A_71 = tpu.vector_load %arg10[%swap3A, %swap3A_70] {strides = array<i32>} : memref<128x16xf32, #tpu.memory_space<vmem>>, vector<1x16xf32>,
      %swap3A_72 = vector.shape_cast %swap3A_71 : vector<1x16xf32> to vector<16xf32>
      %swap3A_73 = vector.shape_cast %broadcast_in_dim3A_69 : vector<16xf32> to vector<1x16xf32>
      tpu.vector_store %arg10[%swap3A, %swap3A_70], %swap3A_73 {strides = array<i32>} : memref<128x16xf32, #tpu.memory_space<vmem>>, vector<1x16xf32>,
    }
    %scan3A_13 = arith.constant 128 : i32
    %mul3A_14 = arith.constant 632 : i32
    %mul3A_15 = arith.muli %arg1, %mul3A_14 : i32
    %add3A_16 = arith.constant 0 : i32
    %add3A_17 = arith.addi %mul3A_15, %add3A_16 : i32
    "tpu.region"() ({
      %run_scoped3A = tpu.sem_alloc : memref<!tpu.dma_semaphore, #tpu.memory_space<semaphore_mem>>
      %dma_start3A_68 = arith.constant 0 : i32
      %dma_start3A_69 = tpu.memref_slice %arg12[%add3A_17, %dma_start3A_68] : memref<10112x16xf32, #tpu.memory_space<vmem_shared>> -> memref<128x16xf32, #tpu.memory_space<vmem_shared>>
      %dma_start3A_70 = arith.constant 0 : i32
      %dma_start3A_71 = tpu.memref_slice %arg12[%add3A_17, %dma_start3A_70] : memref<10112x16xf32, #tpu.memory_space<vmem_shared>> -> memref<128x16xf32, #tpu.memory_space<vmem_shared>>
      tpu.enqueue_dma source(%arg10 : memref<128x16xf32, #tpu.memory_space<vmem>>) target(%dma_start3A_71 : memref<128x16xf32, #tpu.memory_space<vmem_shared>>) target_semaphore(%run_scoped3A : memref<!tpu.dma_semaphore, #tpu.memory_space<semaphore_mem>>)
      %dma_wait3A_72 = arith.constant 0 : i32
      %dma_wait3A_73 = tpu.memref_slice %arg12[%add3A_17, %dma_wait3A_72] : memref<10112x16xf32, #tpu.memory_space<vmem_shared>> -> memref<128x16xf32, #tpu.memory_space<vmem_shared>>
      %dma_wait3A_74 = arith.constant 0 : i32
      %dma_wait3A_75 = tpu.memref_slice %arg12[%add3A_17, %dma_wait3A_74] : memref<10112x16xf32, #tpu.memory_space<vmem_shared>> -> memref<128x16xf32, #tpu.memory_space<vmem_shared>>
      tpu.wait_dma2 semaphore(%run_scoped3A : memref<!tpu.dma_semaphore, #tpu.memory_space<semaphore_mem>>) src(%arg10 : memref<128x16xf32, #tpu.memory_space<vmem>>) dst(%dma_wait3A_75 : memref<128x16xf32, #tpu.memory_space<vmem_shared>>)
      tpu.yield
    }) : () -> ()
    %add3A_18 = arith.constant 128 : i32
    %add3A_19 = arith.addi %mul3A_15, %add3A_18 : i32
    "tpu.region"() ({
      %run_scoped3A = tpu.sem_alloc : memref<!tpu.dma_semaphore, #tpu.memory_space<semaphore_mem>>
      %dma_start3A_68 = arith.constant 0 : i32
      %dma_start3A_69 = tpu.memref_slice %arg12[%add3A_19, %dma_start3A_68] : memref<10112x16xf32, #tpu.memory_space<vmem_shared>> -> memref<128x16xf32, #tpu.memory_space<vmem_shared>>
      %dma_start3A_70 = arith.constant 0 : i32
      %dma_start3A_71 = tpu.memref_slice %arg12[%add3A_19, %dma_start3A_70] : memref<10112x16xf32, #tpu.memory_space<vmem_shared>> -> memref<128x16xf32, #tpu.memory_space<vmem_shared>>
      tpu.enqueue_dma source(%arg10 : memref<128x16xf32, #tpu.memory_space<vmem>>) target(%dma_start3A_71 : memref<128x16xf32, #tpu.memory_space<vmem_shared>>) target_semaphore(%run_scoped3A : memref<!tpu.dma_semaphore, #tpu.memory_space<semaphore_mem>>)
      %dma_wait3A_72 = arith.constant 0 : i32
      %dma_wait3A_73 = tpu.memref_slice %arg12[%add3A_19, %dma_wait3A_72] : memref<10112x16xf32, #tpu.memory_space<vmem_shared>> -> memref<128x16xf32, #tpu.memory_space<vmem_shared>>
      %dma_wait3A_74 = arith.constant 0 : i32
      %dma_wait3A_75 = tpu.memref_slice %arg12[%add3A_19, %dma_wait3A_74] : memref<10112x16xf32, #tpu.memory_space<vmem_shared>> -> memref<128x16xf32, #tpu.memory_space<vmem_shared>>
      tpu.wait_dma2 semaphore(%run_scoped3A : memref<!tpu.dma_semaphore, #tpu.memory_space<semaphore_mem>>) src(%arg10 : memref<128x16xf32, #tpu.memory_space<vmem>>) dst(%dma_wait3A_75 : memref<128x16xf32, #tpu.memory_space<vmem_shared>>)
      tpu.yield
    }) : () -> ()
    %add3A_20 = arith.constant 256 : i32
    %add3A_21 = arith.addi %mul3A_15, %add3A_20 : i32
    "tpu.region"() ({
      %run_scoped3A = tpu.sem_alloc : memref<!tpu.dma_semaphore, #tpu.memory_space<semaphore_mem>>
      %dma_start3A_68 = arith.constant 0 : i32
      %dma_start3A_69 = tpu.memref_slice %arg12[%add3A_21, %dma_start3A_68] : memref<10112x16xf32, #tpu.memory_space<vmem_shared>> -> memref<128x16xf32, #tpu.memory_space<vmem_shared>>
      %dma_start3A_70 = arith.constant 0 : i32
      %dma_start3A_71 = tpu.memref_slice %arg12[%add3A_21, %dma_start3A_70] : memref<10112x16xf32, #tpu.memory_space<vmem_shared>> -> memref<128x16xf32, #tpu.memory_space<vmem_shared>>
      tpu.enqueue_dma source(%arg10 : memref<128x16xf32, #tpu.memory_space<vmem>>) target(%dma_start3A_71 : memref<128x16xf32, #tpu.memory_space<vmem_shared>>) target_semaphore(%run_scoped3A : memref<!tpu.dma_semaphore, #tpu.memory_space<semaphore_mem>>)
      %dma_wait3A_72 = arith.constant 0 : i32
      %dma_wait3A_73 = tpu.memref_slice %arg12[%add3A_21, %dma_wait3A_72] : memref<10112x16xf32, #tpu.memory_space<vmem_shared>> -> memref<128x16xf32, #tpu.memory_space<vmem_shared>>
      %dma_wait3A_74 = arith.constant 0 : i32
      %dma_wait3A_75 = tpu.memref_slice %arg12[%add3A_21, %dma_wait3A_74] : memref<10112x16xf32, #tpu.memory_space<vmem_shared>> -> memref<128x16xf32, #tpu.memory_space<vmem_shared>>
      tpu.wait_dma2 semaphore(%run_scoped3A : memref<!tpu.dma_semaphore, #tpu.memory_space<semaphore_mem>>) src(%arg10 : memref<128x16xf32, #tpu.memory_space<vmem>>) dst(%dma_wait3A_75 : memref<128x16xf32, #tpu.memory_space<vmem_shared>>)
      tpu.yield
    }) : () -> ()
    %add3A_22 = arith.constant 384 : i32
    %add3A_23 = arith.addi %mul3A_15, %add3A_22 : i32
    "tpu.region"() ({
      %run_scoped3A = tpu.sem_alloc : memref<!tpu.dma_semaphore, #tpu.memory_space<semaphore_mem>>
      %dma_start3A_68 = arith.constant 0 : i32
      %dma_start3A_69 = tpu.memref_slice %arg12[%add3A_23, %dma_start3A_68] : memref<10112x16xf32, #tpu.memory_space<vmem_shared>> -> memref<128x16xf32, #tpu.memory_space<vmem_shared>>
      %dma_start3A_70 = arith.constant 0 : i32
      %dma_start3A_71 = tpu.memref_slice %arg12[%add3A_23, %dma_start3A_70] : memref<10112x16xf32, #tpu.memory_space<vmem_shared>> -> memref<128x16xf32, #tpu.memory_space<vmem_shared>>
      tpu.enqueue_dma source(%arg10 : memref<128x16xf32, #tpu.memory_space<vmem>>) target(%dma_start3A_71 : memref<128x16xf32, #tpu.memory_space<vmem_shared>>) target_semaphore(%run_scoped3A : memref<!tpu.dma_semaphore, #tpu.memory_space<semaphore_mem>>)
      %dma_wait3A_72 = arith.constant 0 : i32
      %dma_wait3A_73 = tpu.memref_slice %arg12[%add3A_23, %dma_wait3A_72] : memref<10112x16xf32, #tpu.memory_space<vmem_shared>> -> memref<128x16xf32, #tpu.memory_space<vmem_shared>>
      %dma_wait3A_74 = arith.constant 0 : i32
      %dma_wait3A_75 = tpu.memref_slice %arg12[%add3A_23, %dma_wait3A_74] : memref<10112x16xf32, #tpu.memory_space<vmem_shared>> -> memref<128x16xf32, #tpu.memory_space<vmem_shared>>
      tpu.wait_dma2 semaphore(%run_scoped3A : memref<!tpu.dma_semaphore, #tpu.memory_space<semaphore_mem>>) src(%arg10 : memref<128x16xf32, #tpu.memory_space<vmem>>) dst(%dma_wait3A_75 : memref<128x16xf32, #tpu.memory_space<vmem_shared>>)
      tpu.yield
    }) : () -> ()
    %add3A_24 = arith.constant 512 : i32
    %add3A_25 = arith.addi %mul3A_15, %add3A_24 : i32
    "tpu.region"() ({
      %run_scoped3A = tpu.sem_alloc : memref<!tpu.dma_semaphore, #tpu.memory_space<semaphore_mem>>
      %dma_start3A_68 = arith.constant 0 : i32
      %dma_start3A_69 = arith.constant 0 : i32
      %dma_start3A_70 = tpu.memref_slice %arg10[%dma_start3A_68, %dma_start3A_69] : memref<128x16xf32, #tpu.memory_space<vmem>> -> memref<120x16xf32, #tpu.memory_space<vmem>>
      %dma_start3A_71 = arith.constant 0 : i32
      %dma_start3A_72 = tpu.memref_slice %arg12[%add3A_25, %dma_start3A_71] : memref<10112x16xf32, #tpu.memory_space<vmem_shared>> -> memref<120x16xf32, #tpu.memory_space<vmem_shared>>
      %dma_start3A_73 = arith.constant 0 : i32
      %dma_start3A_74 = tpu.memref_slice %arg12[%add3A_25, %dma_start3A_73] : memref<10112x16xf32, #tpu.memory_space<vmem_shared>> -> memref<120x16xf32, #tpu.memory_space<vmem_shared>>
      %dma_start3A_75 = arith.constant 0 : i32
      %dma_start3A_76 = arith.constant 0 : i32
      %dma_start3A_77 = tpu.memref_slice %arg10[%dma_start3A_75, %dma_start3A_76] : memref<128x16xf32, #tpu.memory_space<vmem>> -> memref<120x16xf32, #tpu.memory_space<vmem>>
      tpu.enqueue_dma source(%dma_start3A_77 : memref<120x16xf32, #tpu.memory_space<vmem>>) target(%dma_start3A_74 : memref<120x16xf32, #tpu.memory_space<vmem_shared>>) target_semaphore(%run_scoped3A : memref<!tpu.dma_semaphore, #tpu.memory_space<semaphore_mem>>)
      %dma_wait3A_78 = arith.constant 0 : i32
      %dma_wait3A_79 = arith.constant 0 : i32
      %dma_wait3A_80 = tpu.memref_slice %arg10[%dma_wait3A_78, %dma_wait3A_79] : memref<128x16xf32, #tpu.memory_space<vmem>> -> memref<120x16xf32, #tpu.memory_space<vmem>>
      %dma_wait3A_81 = arith.constant 0 : i32
      %dma_wait3A_82 = tpu.memref_slice %arg12[%add3A_25, %dma_wait3A_81] : memref<10112x16xf32, #tpu.memory_space<vmem_shared>> -> memref<120x16xf32, #tpu.memory_space<vmem_shared>>
      %dma_wait3A_83 = arith.constant 0 : i32
      %dma_wait3A_84 = tpu.memref_slice %arg12[%add3A_25, %dma_wait3A_83] : memref<10112x16xf32, #tpu.memory_space<vmem_shared>> -> memref<120x16xf32, #tpu.memory_space<vmem_shared>>
      %dma_wait3A_85 = arith.constant 0 : i32
      %dma_wait3A_86 = arith.constant 0 : i32
      %dma_wait3A_87 = tpu.memref_slice %arg10[%dma_wait3A_85, %dma_wait3A_86] : memref<128x16xf32, #tpu.memory_space<vmem>> -> memref<120x16xf32, #tpu.memory_space<vmem>>
      tpu.wait_dma2 semaphore(%run_scoped3A : memref<!tpu.dma_semaphore, #tpu.memory_space<semaphore_mem>>) src(%dma_wait3A_87 : memref<120x16xf32, #tpu.memory_space<vmem>>) dst(%dma_wait3A_84 : memref<120x16xf32, #tpu.memory_space<vmem_shared>>)
      tpu.yield
    }) : () -> ()
    %barrier3A = arith.constant 0 : index
    tpu.barrier barrier_id(%barrier3A)
    %mul3A_26 = arith.constant 128 : i32
    %mul3A_27 = arith.muli %select_n3A_8, %mul3A_26 : i32
    %add3A_28 = arith.constant 0 : i32
    %add3A_29 = arith.addi %mul3A_27, %add3A_28 : i32
    "tpu.region"() ({
      %run_scoped3A = tpu.sem_alloc : memref<!tpu.dma_semaphore, #tpu.memory_space<semaphore_mem>>
      %dma_start3A_68 = tpu.memref_slice %arg3[%add3A_29] : memref<328192xi32, #tpu.memory_space<hbm>> -> memref<128xi32, #tpu.memory_space<hbm>>
      %dma_start3A_69 = tpu.memref_slice %arg3[%add3A_29] : memref<328192xi32, #tpu.memory_space<hbm>> -> memref<128xi32, #tpu.memory_space<hbm>>
      tpu.enqueue_dma source(%dma_start3A_69 : memref<128xi32, #tpu.memory_space<hbm>>) target(%arg6 : memref<128xi32, #tpu.memory_space<vmem>>) target_semaphore(%run_scoped3A : memref<!tpu.dma_semaphore, #tpu.memory_space<semaphore_mem>>)
      %dma_wait3A_70 = tpu.memref_slice %arg3[%add3A_29] : memref<328192xi32, #tpu.memory_space<hbm>> -> memref<128xi32, #tpu.memory_space<hbm>>
      %dma_wait3A_71 = tpu.memref_slice %arg3[%add3A_29] : memref<328192xi32, #tpu.memory_space<hbm>> -> memref<128xi32, #tpu.memory_space<hbm>>
      tpu.wait_dma2 semaphore(%run_scoped3A : memref<!tpu.dma_semaphore, #tpu.memory_space<semaphore_mem>>) src(%dma_wait3A_71 : memref<128xi32, #tpu.memory_space<hbm>>) dst(%arg6 : memref<128xi32, #tpu.memory_space<vmem>>)
      tpu.yield
    }) : () -> ()
    %dma_start3A = arith.constant 0 : i32
    %dma_start3A_30 = arith.constant 0 : i32
    %dma_start3A_31 = tpu.memref_slice %arg2[%dma_start3A, %dma_start3A_30] : memref<10000x16xf32, #tpu.memory_space<hbm>> -> memref<10000x16xf32, #tpu.memory_space<hbm>>
    tpu.enqueue_indirect_dma source(%dma_start3A_31 : memref<10000x16xf32, #tpu.memory_space<hbm>>) target(%arg10 : memref<128x16xf32, #tpu.memory_space<vmem>>) offsets(%arg6 : memref<128xi32, #tpu.memory_space<vmem>>) semaphore(%arg13 : memref<!tpu.dma_semaphore, #tpu.memory_space<semaphore_mem>>)
    %add3A_32 = arith.constant 128 : i32
    %add3A_33 = arith.addi %mul3A_27, %add3A_32 : i32
    "tpu.region"() ({
      %run_scoped3A = tpu.sem_alloc : memref<!tpu.dma_semaphore, #tpu.memory_space<semaphore_mem>>
      %dma_start3A_68 = tpu.memref_slice %arg3[%add3A_33] : memref<328192xi32, #tpu.memory_space<hbm>> -> memref<128xi32, #tpu.memory_space<hbm>>
      %dma_start3A_69 = tpu.memref_slice %arg3[%add3A_33] : memref<328192xi32, #tpu.memory_space<hbm>> -> memref<128xi32, #tpu.memory_space<hbm>>
      tpu.enqueue_dma source(%dma_start3A_69 : memref<128xi32, #tpu.memory_space<hbm>>) target(%arg7 : memref<128xi32, #tpu.memory_space<vmem>>) target_semaphore(%run_scoped3A : memref<!tpu.dma_semaphore, #tpu.memory_space<semaphore_mem>>)
      %dma_wait3A_70 = tpu.memref_slice %arg3[%add3A_33] : memref<328192xi32, #tpu.memory_space<hbm>> -> memref<128xi32, #tpu.memory_space<hbm>>
      %dma_wait3A_71 = tpu.memref_slice %arg3[%add3A_33] : memref<328192xi32, #tpu.memory_space<hbm>> -> memref<128xi32, #tpu.memory_space<hbm>>
      tpu.wait_dma2 semaphore(%run_scoped3A : memref<!tpu.dma_semaphore, #tpu.memory_space<semaphore_mem>>) src(%dma_wait3A_71 : memref<128xi32, #tpu.memory_space<hbm>>) dst(%arg7 : memref<128xi32, #tpu.memory_space<vmem>>)
      tpu.yield
    }) : () -> ()
    %jit3A_34 = arith.constant 2 : i32
    %div3A = arith.divsi %select_n3A, %jit3A_34 : i32
    %sign3A = arith.constant 0 : i32
    %sign3A_35 = arith.cmpi sgt, %select_n3A, %sign3A : i32
    %sign3A_36 = arith.extui %sign3A_35 : i1 to i32
    %sign3A_37 = arith.constant 0 : i32
    %sign3A_38 = arith.cmpi slt, %select_n3A, %sign3A_37 : i32
    %sign3A_39 = arith.extui %sign3A_38 : i1 to i32
    %sign3A_40 = arith.subi %sign3A_36, %sign3A_39 : i32
    %sign3A_41 = arith.constant 0 : i32
    %sign3A_42 = arith.cmpi sgt, %jit3A_34, %sign3A_41 : i32
    %sign3A_43 = arith.extui %sign3A_42 : i1 to i32
    %sign3A_44 = arith.constant 0 : i32
    %sign3A_45 = arith.cmpi slt, %jit3A_34, %sign3A_44 : i32
    %sign3A_46 = arith.extui %sign3A_45 : i1 to i32
    %sign3A_47 = arith.subi %sign3A_43, %sign3A_46 : i32
    %ne3A = arith.cmpi ne, %sign3A_40, %sign3A_47 : i32
    %rem3A = arith.remsi %select_n3A, %jit3A_34 : i32
    %ne3A_48 = arith.constant 0 : i32
    %ne3A_49 = arith.cmpi ne, %rem3A, %ne3A_48 : i32
    %and3A = arith.andi %ne3A, %ne3A_49 : i1
    %sub3A = arith.constant 1 : i32
    %sub3A_50 = arith.subi %div3A, %sub3A : i32
    %select_n3A_51 = arith.select %and3A, %sub3A_50, %div3A : i32
    %while3A = arith.constant 0 : i32
    %while3A_52 = arith.constant 0 : i32
    %while3A_53 = arith.subi %select_n3A_51, %while3A_52 : i32
    %while3A_54 = arith.addi %while3A_52, %while3A_53 : i32
    %while3A_55 = arith.constant 1 : i32
    %while3A_56 = arith.divsi %while3A_53, %while3A_55 : i32
    %while3A_57 = arith.muli %while3A_56, %while3A_55 : i32
    %while3A_58 = arith.addi %while3A_52, %while3A_57 : i32
    %while3A_59 = arith.constant 1 : i32
    scf.for %while3A_68 = %while3A_52 to %while3A_58 step %while3A_59  : i32 {
      %mul3A_69 = arith.constant 2 : i32
      %mul3A_70 = arith.muli %mul3A_69, %while3A_68 : i32
      %dma_start3A_71 = arith.constant 0 : i32
      %dma_start3A_72 = arith.constant 0 : i32
      %dma_start3A_73 = tpu.memref_slice %arg2[%dma_start3A_71, %dma_start3A_72] : memref<10000x16xf32, #tpu.memory_space<hbm>> -> memref<10000x16xf32, #tpu.memory_space<hbm>>
      tpu.enqueue_indirect_dma source(%dma_start3A_73 : memref<10000x16xf32, #tpu.memory_space<hbm>>) target(%arg11 : memref<128x16xf32, #tpu.memory_space<vmem>>) offsets(%arg7 : memref<128xi32, #tpu.memory_space<vmem>>) semaphore(%arg14 : memref<!tpu.dma_semaphore, #tpu.memory_space<semaphore_mem>>)
      %dma_wait3A_74 = arith.constant 0 : i32
      %dma_wait3A_75 = arith.constant 0 : i32
      %dma_wait3A_76 = tpu.memref_slice %arg2[%dma_wait3A_74, %dma_wait3A_75] : memref<10000x16xf32, #tpu.memory_space<hbm>> -> memref<10000x16xf32, #tpu.memory_space<hbm>>
      tpu.wait_indirect_dma semaphore(%arg13 : memref<!tpu.dma_semaphore, #tpu.memory_space<semaphore_mem>>) src(%dma_wait3A_76 : memref<10000x16xf32, #tpu.memory_space<hbm>>) dst(%arg10 : memref<128x16xf32, #tpu.memory_space<vmem>>)
      %add3A_77 = arith.constant 2 : i32
      %add3A_78 = arith.addi %mul3A_70, %add3A_77 : i32
      %mul3A_79 = arith.constant 128 : i32
      %mul3A_80 = arith.muli %add3A_78, %mul3A_79 : i32
      %add3A_81 = arith.addi %mul3A_27, %mul3A_80 : i32
      "tpu.region"() ({
        %run_scoped3A = tpu.sem_alloc : memref<!tpu.dma_semaphore, #tpu.memory_space<semaphore_mem>>
        %dma_start3A_95 = tpu.memref_slice %arg3[%add3A_81] : memref<328192xi32, #tpu.memory_space<hbm>> -> memref<128xi32, #tpu.memory_space<hbm>>
        %dma_start3A_96 = tpu.memref_slice %arg3[%add3A_81] : memref<328192xi32, #tpu.memory_space<hbm>> -> memref<128xi32, #tpu.memory_space<hbm>>
        tpu.enqueue_dma source(%dma_start3A_96 : memref<128xi32, #tpu.memory_space<hbm>>) target(%arg6 : memref<128xi32, #tpu.memory_space<vmem>>) target_semaphore(%run_scoped3A : memref<!tpu.dma_semaphore, #tpu.memory_space<semaphore_mem>>)
        %dma_wait3A_97 = tpu.memref_slice %arg3[%add3A_81] : memref<328192xi32, #tpu.memory_space<hbm>> -> memref<128xi32, #tpu.memory_space<hbm>>
        %dma_wait3A_98 = tpu.memref_slice %arg3[%add3A_81] : memref<328192xi32, #tpu.memory_space<hbm>> -> memref<128xi32, #tpu.memory_space<hbm>>
        tpu.wait_dma2 semaphore(%run_scoped3A : memref<!tpu.dma_semaphore, #tpu.memory_space<semaphore_mem>>) src(%dma_wait3A_98 : memref<128xi32, #tpu.memory_space<hbm>>) dst(%arg6 : memref<128xi32, #tpu.memory_space<vmem>>)
        tpu.yield
      }) : () -> ()
      "tpu.region"() ({
        %run_scoped3A = tpu.sem_alloc : memref<!tpu.dma_semaphore, #tpu.memory_space<semaphore_mem>>
        %dma_start3A_95 = arith.constant 0 : i32
        %dma_start3A_96 = tpu.memref_slice %arg8[%mul3A_70, %dma_start3A_95] : memref<112x128xi32, #tpu.memory_space<vmem>> -> memref<1x128xi32, #tpu.memory_space<vmem>>
        %dma_start3A_97 = tpu.memref_squeeze %dma_start3A_96 : memref<1x128xi32, #tpu.memory_space<vmem>> -> memref<128xi32, #tpu.memory_space<vmem>>
        %dma_start3A_98 = arith.constant 0 : i32
        %dma_start3A_99 = arith.constant 0 : i32
        %dma_start3A_100 = tpu.memref_slice %arg12[%dma_start3A_98, %dma_start3A_99] : memref<10112x16xf32, #tpu.memory_space<vmem_shared>> -> memref<10112x16xf32, #tpu.memory_space<vmem_shared>>
        tpu.enqueue_indirect_dma source(%arg10 : memref<128x16xf32, #tpu.memory_space<vmem>>) target(%dma_start3A_100 : memref<10112x16xf32, #tpu.memory_space<vmem_shared>>) offsets(%dma_start3A_97 : memref<128xi32, #tpu.memory_space<vmem>>) semaphore(%run_scoped3A : memref<!tpu.dma_semaphore, #tpu.memory_space<semaphore_mem>>) {add = true}
        %dma_wait3A_101 = arith.constant 0 : i32
        %dma_wait3A_102 = tpu.memref_slice %arg8[%mul3A_70, %dma_wait3A_101] : memref<112x128xi32, #tpu.memory_space<vmem>> -> memref<1x128xi32, #tpu.memory_space<vmem>>
        %dma_wait3A_103 = tpu.memref_squeeze %dma_wait3A_102 : memref<1x128xi32, #tpu.memory_space<vmem>> -> memref<128xi32, #tpu.memory_space<vmem>>
        %dma_wait3A_104 = arith.constant 0 : i32
        %dma_wait3A_105 = arith.constant 0 : i32
        %dma_wait3A_106 = tpu.memref_slice %arg12[%dma_wait3A_104, %dma_wait3A_105] : memref<10112x16xf32, #tpu.memory_space<vmem_shared>> -> memref<10112x16xf32, #tpu.memory_space<vmem_shared>>
        tpu.wait_indirect_dma semaphore(%run_scoped3A : memref<!tpu.dma_semaphore, #tpu.memory_space<semaphore_mem>>) src(%arg10 : memref<128x16xf32, #tpu.memory_space<vmem>>) dst(%dma_wait3A_106 : memref<10112x16xf32, #tpu.memory_space<vmem_shared>>)
        tpu.yield
      }) : () -> ()
      %dma_start3A_82 = arith.constant 0 : i32
      %dma_start3A_83 = arith.constant 0 : i32
      %dma_start3A_84 = tpu.memref_slice %arg2[%dma_start3A_82, %dma_start3A_83] : memref<10000x16xf32, #tpu.memory_space<hbm>> -> memref<10000x16xf32, #tpu.memory_space<hbm>>
      tpu.enqueue_indirect_dma source(%dma_start3A_84 : memref<10000x16xf32, #tpu.memory_space<hbm>>) target(%arg10 : memref<128x16xf32, #tpu.memory_space<vmem>>) offsets(%arg6 : memref<128xi32, #tpu.memory_space<vmem>>) semaphore(%arg13 : memref<!tpu.dma_semaphore, #tpu.memory_space<semaphore_mem>>)
      %add3A_85 = arith.constant 1 : i32
      %add3A_86 = arith.addi %mul3A_70, %add3A_85 : i32
      %dma_wait3A_87 = arith.constant 0 : i32
      %dma_wait3A_88 = arith.constant 0 : i32
      %dma_wait3A_89 = tpu.memref_slice %arg2[%dma_wait3A_87, %dma_wait3A_88] : memref<10000x16xf32, #tpu.memory_space<hbm>> -> memref<10000x16xf32, #tpu.memory_space<hbm>>
      tpu.wait_indirect_dma semaphore(%arg14 : memref<!tpu.dma_semaphore, #tpu.memory_space<semaphore_mem>>) src(%dma_wait3A_89 : memref<10000x16xf32, #tpu.memory_space<hbm>>) dst(%arg11 : memref<128x16xf32, #tpu.memory_space<vmem>>)
      %add3A_90 = arith.constant 3 : i32
      %add3A_91 = arith.addi %mul3A_70, %add3A_90 : i32
      %mul3A_92 = arith.constant 128 : i32
      %mul3A_93 = arith.muli %add3A_91, %mul3A_92 : i32
      %add3A_94 = arith.addi %mul3A_27, %mul3A_93 : i32
      "tpu.region"() ({
        %run_scoped3A = tpu.sem_alloc : memref<!tpu.dma_semaphore, #tpu.memory_space<semaphore_mem>>
        %dma_start3A_95 = tpu.memref_slice %arg3[%add3A_94] : memref<328192xi32, #tpu.memory_space<hbm>> -> memref<128xi32, #tpu.memory_space<hbm>>
        %dma_start3A_96 = tpu.memref_slice %arg3[%add3A_94] : memref<328192xi32, #tpu.memory_space<hbm>> -> memref<128xi32, #tpu.memory_space<hbm>>
        tpu.enqueue_dma source(%dma_start3A_96 : memref<128xi32, #tpu.memory_space<hbm>>) target(%arg7 : memref<128xi32, #tpu.memory_space<vmem>>) target_semaphore(%run_scoped3A : memref<!tpu.dma_semaphore, #tpu.memory_space<semaphore_mem>>)
        %dma_wait3A_97 = tpu.memref_slice %arg3[%add3A_94] : memref<328192xi32, #tpu.memory_space<hbm>> -> memref<128xi32, #tpu.memory_space<hbm>>
        %dma_wait3A_98 = tpu.memref_slice %arg3[%add3A_94] : memref<328192xi32, #tpu.memory_space<hbm>> -> memref<128xi32, #tpu.memory_space<hbm>>
        tpu.wait_dma2 semaphore(%run_scoped3A : memref<!tpu.dma_semaphore, #tpu.memory_space<semaphore_mem>>) src(%dma_wait3A_98 : memref<128xi32, #tpu.memory_space<hbm>>) dst(%arg7 : memref<128xi32, #tpu.memory_space<vmem>>)
        tpu.yield
      }) : () -> ()
      "tpu.region"() ({
        %run_scoped3A = tpu.sem_alloc : memref<!tpu.dma_semaphore, #tpu.memory_space<semaphore_mem>>
        %dma_start3A_95 = arith.constant 0 : i32
        %dma_start3A_96 = tpu.memref_slice %arg8[%add3A_86, %dma_start3A_95] : memref<112x128xi32, #tpu.memory_space<vmem>> -> memref<1x128xi32, #tpu.memory_space<vmem>>
        %dma_start3A_97 = tpu.memref_squeeze %dma_start3A_96 : memref<1x128xi32, #tpu.memory_space<vmem>> -> memref<128xi32, #tpu.memory_space<vmem>>
        %dma_start3A_98 = arith.constant 0 : i32
        %dma_start3A_99 = arith.constant 0 : i32
        %dma_start3A_100 = tpu.memref_slice %arg12[%dma_start3A_98, %dma_start3A_99] : memref<10112x16xf32, #tpu.memory_space<vmem_shared>> -> memref<10112x16xf32, #tpu.memory_space<vmem_shared>>
        tpu.enqueue_indirect_dma source(%arg11 : memref<128x16xf32, #tpu.memory_space<vmem>>) target(%dma_start3A_100 : memref<10112x16xf32, #tpu.memory_space<vmem_shared>>) offsets(%dma_start3A_97 : memref<128xi32, #tpu.memory_space<vmem>>) semaphore(%run_scoped3A : memref<!tpu.dma_semaphore, #tpu.memory_space<semaphore_mem>>) {add = true}
        %dma_wait3A_101 = arith.constant 0 : i32
        %dma_wait3A_102 = tpu.memref_slice %arg8[%add3A_86, %dma_wait3A_101] : memref<112x128xi32, #tpu.memory_space<vmem>> -> memref<1x128xi32, #tpu.memory_space<vmem>>
        %dma_wait3A_103 = tpu.memref_squeeze %dma_wait3A_102 : memref<1x128xi32, #tpu.memory_space<vmem>> -> memref<128xi32, #tpu.memory_space<vmem>>
        %dma_wait3A_104 = arith.constant 0 : i32
        %dma_wait3A_105 = arith.constant 0 : i32
        %dma_wait3A_106 = tpu.memref_slice %arg12[%dma_wait3A_104, %dma_wait3A_105] : memref<10112x16xf32, #tpu.memory_space<vmem_shared>> -> memref<10112x16xf32, #tpu.memory_space<vmem_shared>>
        tpu.wait_indirect_dma semaphore(%run_scoped3A : memref<!tpu.dma_semaphore, #tpu.memory_space<semaphore_mem>>) src(%arg11 : memref<128x16xf32, #tpu.memory_space<vmem>>) dst(%dma_wait3A_106 : memref<10112x16xf32, #tpu.memory_space<vmem_shared>>)
        tpu.yield
      }) : () -> ()
    }
    %while3A_60 = arith.constant 1 : i32
    scf.for %while3A_68 = %while3A_58 to %while3A_54 step %while3A_60  : i32 {
      %mul3A_69 = arith.constant 2 : i32
      %mul3A_70 = arith.muli %mul3A_69, %while3A_68 : i32
      %dma_start3A_71 = arith.constant 0 : i32
      %dma_start3A_72 = arith.constant 0 : i32
      %dma_start3A_73 = tpu.memref_slice %arg2[%dma_start3A_71, %dma_start3A_72] : memref<10000x16xf32, #tpu.memory_space<hbm>> -> memref<10000x16xf32, #tpu.memory_space<hbm>>
      tpu.enqueue_indirect_dma source(%dma_start3A_73 : memref<10000x16xf32, #tpu.memory_space<hbm>>) target(%arg11 : memref<128x16xf32, #tpu.memory_space<vmem>>) offsets(%arg7 : memref<128xi32, #tpu.memory_space<vmem>>) semaphore(%arg14 : memref<!tpu.dma_semaphore, #tpu.memory_space<semaphore_mem>>)
      %dma_wait3A_74 = arith.constant 0 : i32
      %dma_wait3A_75 = arith.constant 0 : i32
      %dma_wait3A_76 = tpu.memref_slice %arg2[%dma_wait3A_74, %dma_wait3A_75] : memref<10000x16xf32, #tpu.memory_space<hbm>> -> memref<10000x16xf32, #tpu.memory_space<hbm>>
      tpu.wait_indirect_dma semaphore(%arg13 : memref<!tpu.dma_semaphore, #tpu.memory_space<semaphore_mem>>) src(%dma_wait3A_76 : memref<10000x16xf32, #tpu.memory_space<hbm>>) dst(%arg10 : memref<128x16xf32, #tpu.memory_space<vmem>>)
      %add3A_77 = arith.constant 2 : i32
      %add3A_78 = arith.addi %mul3A_70, %add3A_77 : i32
      %mul3A_79 = arith.constant 128 : i32
      %mul3A_80 = arith.muli %add3A_78, %mul3A_79 : i32
      %add3A_81 = arith.addi %mul3A_27, %mul3A_80 : i32
      "tpu.region"() ({
        %run_scoped3A = tpu.sem_alloc : memref<!tpu.dma_semaphore, #tpu.memory_space<semaphore_mem>>
        %dma_start3A_95 = tpu.memref_slice %arg3[%add3A_81] : memref<328192xi32, #tpu.memory_space<hbm>> -> memref<128xi32, #tpu.memory_space<hbm>>
        %dma_start3A_96 = tpu.memref_slice %arg3[%add3A_81] : memref<328192xi32, #tpu.memory_space<hbm>> -> memref<128xi32, #tpu.memory_space<hbm>>
        tpu.enqueue_dma source(%dma_start3A_96 : memref<128xi32, #tpu.memory_space<hbm>>) target(%arg6 : memref<128xi32, #tpu.memory_space<vmem>>) target_semaphore(%run_scoped3A : memref<!tpu.dma_semaphore, #tpu.memory_space<semaphore_mem>>)
        %dma_wait3A_97 = tpu.memref_slice %arg3[%add3A_81] : memref<328192xi32, #tpu.memory_space<hbm>> -> memref<128xi32, #tpu.memory_space<hbm>>
        %dma_wait3A_98 = tpu.memref_slice %arg3[%add3A_81] : memref<328192xi32, #tpu.memory_space<hbm>> -> memref<128xi32, #tpu.memory_space<hbm>>
        tpu.wait_dma2 semaphore(%run_scoped3A : memref<!tpu.dma_semaphore, #tpu.memory_space<semaphore_mem>>) src(%dma_wait3A_98 : memref<128xi32, #tpu.memory_space<hbm>>) dst(%arg6 : memref<128xi32, #tpu.memory_space<vmem>>)
        tpu.yield
      }) : () -> ()
      "tpu.region"() ({
        %run_scoped3A = tpu.sem_alloc : memref<!tpu.dma_semaphore, #tpu.memory_space<semaphore_mem>>
        %dma_start3A_95 = arith.constant 0 : i32
        %dma_start3A_96 = tpu.memref_slice %arg8[%mul3A_70, %dma_start3A_95] : memref<112x128xi32, #tpu.memory_space<vmem>> -> memref<1x128xi32, #tpu.memory_space<vmem>>
        %dma_start3A_97 = tpu.memref_squeeze %dma_start3A_96 : memref<1x128xi32, #tpu.memory_space<vmem>> -> memref<128xi32, #tpu.memory_space<vmem>>
        %dma_start3A_98 = arith.constant 0 : i32
        %dma_start3A_99 = arith.constant 0 : i32
        %dma_start3A_100 = tpu.memref_slice %arg12[%dma_start3A_98, %dma_start3A_99] : memref<10112x16xf32, #tpu.memory_space<vmem_shared>> -> memref<10112x16xf32, #tpu.memory_space<vmem_shared>>
        tpu.enqueue_indirect_dma source(%arg10 : memref<128x16xf32, #tpu.memory_space<vmem>>) target(%dma_start3A_100 : memref<10112x16xf32, #tpu.memory_space<vmem_shared>>) offsets(%dma_start3A_97 : memref<128xi32, #tpu.memory_space<vmem>>) semaphore(%run_scoped3A : memref<!tpu.dma_semaphore, #tpu.memory_space<semaphore_mem>>) {add = true}
        %dma_wait3A_101 = arith.constant 0 : i32
        %dma_wait3A_102 = tpu.memref_slice %arg8[%mul3A_70, %dma_wait3A_101] : memref<112x128xi32, #tpu.memory_space<vmem>> -> memref<1x128xi32, #tpu.memory_space<vmem>>
        %dma_wait3A_103 = tpu.memref_squeeze %dma_wait3A_102 : memref<1x128xi32, #tpu.memory_space<vmem>> -> memref<128xi32, #tpu.memory_space<vmem>>
        %dma_wait3A_104 = arith.constant 0 : i32
        %dma_wait3A_105 = arith.constant 0 : i32
        %dma_wait3A_106 = tpu.memref_slice %arg12[%dma_wait3A_104, %dma_wait3A_105] : memref<10112x16xf32, #tpu.memory_space<vmem_shared>> -> memref<10112x16xf32, #tpu.memory_space<vmem_shared>>
        tpu.wait_indirect_dma semaphore(%run_scoped3A : memref<!tpu.dma_semaphore, #tpu.memory_space<semaphore_mem>>) src(%arg10 : memref<128x16xf32, #tpu.memory_space<vmem>>) dst(%dma_wait3A_106 : memref<10112x16xf32, #tpu.memory_space<vmem_shared>>)
        tpu.yield
      }) : () -> ()
      %dma_start3A_82 = arith.constant 0 : i32
      %dma_start3A_83 = arith.constant 0 : i32
      %dma_start3A_84 = tpu.memref_slice %arg2[%dma_start3A_82, %dma_start3A_83] : memref<10000x16xf32, #tpu.memory_space<hbm>> -> memref<10000x16xf32, #tpu.memory_space<hbm>>
      tpu.enqueue_indirect_dma source(%dma_start3A_84 : memref<10000x16xf32, #tpu.memory_space<hbm>>) target(%arg10 : memref<128x16xf32, #tpu.memory_space<vmem>>) offsets(%arg6 : memref<128xi32, #tpu.memory_space<vmem>>) semaphore(%arg13 : memref<!tpu.dma_semaphore, #tpu.memory_space<semaphore_mem>>)
      %add3A_85 = arith.constant 1 : i32
      %add3A_86 = arith.addi %mul3A_70, %add3A_85 : i32
      %dma_wait3A_87 = arith.constant 0 : i32
      %dma_wait3A_88 = arith.constant 0 : i32
      %dma_wait3A_89 = tpu.memref_slice %arg2[%dma_wait3A_87, %dma_wait3A_88] : memref<10000x16xf32, #tpu.memory_space<hbm>> -> memref<10000x16xf32, #tpu.memory_space<hbm>>
      tpu.wait_indirect_dma semaphore(%arg14 : memref<!tpu.dma_semaphore, #tpu.memory_space<semaphore_mem>>) src(%dma_wait3A_89 : memref<10000x16xf32, #tpu.memory_space<hbm>>) dst(%arg11 : memref<128x16xf32, #tpu.memory_space<vmem>>)
      %add3A_90 = arith.constant 3 : i32
      %add3A_91 = arith.addi %mul3A_70, %add3A_90 : i32
      %mul3A_92 = arith.constant 128 : i32
      %mul3A_93 = arith.muli %add3A_91, %mul3A_92 : i32
      %add3A_94 = arith.addi %mul3A_27, %mul3A_93 : i32
      "tpu.region"() ({
        %run_scoped3A = tpu.sem_alloc : memref<!tpu.dma_semaphore, #tpu.memory_space<semaphore_mem>>
        %dma_start3A_95 = tpu.memref_slice %arg3[%add3A_94] : memref<328192xi32, #tpu.memory_space<hbm>> -> memref<128xi32, #tpu.memory_space<hbm>>
        %dma_start3A_96 = tpu.memref_slice %arg3[%add3A_94] : memref<328192xi32, #tpu.memory_space<hbm>> -> memref<128xi32, #tpu.memory_space<hbm>>
        tpu.enqueue_dma source(%dma_start3A_96 : memref<128xi32, #tpu.memory_space<hbm>>) target(%arg7 : memref<128xi32, #tpu.memory_space<vmem>>) target_semaphore(%run_scoped3A : memref<!tpu.dma_semaphore, #tpu.memory_space<semaphore_mem>>)
        %dma_wait3A_97 = tpu.memref_slice %arg3[%add3A_94] : memref<328192xi32, #tpu.memory_space<hbm>> -> memref<128xi32, #tpu.memory_space<hbm>>
        %dma_wait3A_98 = tpu.memref_slice %arg3[%add3A_94] : memref<328192xi32, #tpu.memory_space<hbm>> -> memref<128xi32, #tpu.memory_space<hbm>>
        tpu.wait_dma2 semaphore(%run_scoped3A : memref<!tpu.dma_semaphore, #tpu.memory_space<semaphore_mem>>) src(%dma_wait3A_98 : memref<128xi32, #tpu.memory_space<hbm>>) dst(%arg7 : memref<128xi32, #tpu.memory_space<vmem>>)
        tpu.yield
      }) : () -> ()
      "tpu.region"() ({
        %run_scoped3A = tpu.sem_alloc : memref<!tpu.dma_semaphore, #tpu.memory_space<semaphore_mem>>
        %dma_start3A_95 = arith.constant 0 : i32
        %dma_start3A_96 = tpu.memref_slice %arg8[%add3A_86, %dma_start3A_95] : memref<112x128xi32, #tpu.memory_space<vmem>> -> memref<1x128xi32, #tpu.memory_space<vmem>>
        %dma_start3A_97 = tpu.memref_squeeze %dma_start3A_96 : memref<1x128xi32, #tpu.memory_space<vmem>> -> memref<128xi32, #tpu.memory_space<vmem>>
        %dma_start3A_98 = arith.constant 0 : i32
        %dma_start3A_99 = arith.constant 0 : i32
        %dma_start3A_100 = tpu.memref_slice %arg12[%dma_start3A_98, %dma_start3A_99] : memref<10112x16xf32, #tpu.memory_space<vmem_shared>> -> memref<10112x16xf32, #tpu.memory_space<vmem_shared>>
        tpu.enqueue_indirect_dma source(%arg11 : memref<128x16xf32, #tpu.memory_space<vmem>>) target(%dma_start3A_100 : memref<10112x16xf32, #tpu.memory_space<vmem_shared>>) offsets(%dma_start3A_97 : memref<128xi32, #tpu.memory_space<vmem>>) semaphore(%run_scoped3A : memref<!tpu.dma_semaphore, #tpu.memory_space<semaphore_mem>>) {add = true}
        %dma_wait3A_101 = arith.constant 0 : i32
        %dma_wait3A_102 = tpu.memref_slice %arg8[%add3A_86, %dma_wait3A_101] : memref<112x128xi32, #tpu.memory_space<vmem>> -> memref<1x128xi32, #tpu.memory_space<vmem>>
        %dma_wait3A_103 = tpu.memref_squeeze %dma_wait3A_102 : memref<1x128xi32, #tpu.memory_space<vmem>> -> memref<128xi32, #tpu.memory_space<vmem>>
        %dma_wait3A_104 = arith.constant 0 : i32
        %dma_wait3A_105 = arith.constant 0 : i32
        %dma_wait3A_106 = tpu.memref_slice %arg12[%dma_wait3A_104, %dma_wait3A_105] : memref<10112x16xf32, #tpu.memory_space<vmem_shared>> -> memref<10112x16xf32, #tpu.memory_space<vmem_shared>>
        tpu.wait_indirect_dma semaphore(%run_scoped3A : memref<!tpu.dma_semaphore, #tpu.memory_space<semaphore_mem>>) src(%arg11 : memref<128x16xf32, #tpu.memory_space<vmem>>) dst(%dma_wait3A_106 : memref<10112x16xf32, #tpu.memory_space<vmem_shared>>)
        tpu.yield
      }) : () -> ()
    }
    %dma_wait3A = arith.constant 0 : i32
    %dma_wait3A_61 = arith.constant 0 : i32
    %dma_wait3A_62 = tpu.memref_slice %arg2[%dma_wait3A, %dma_wait3A_61] : memref<10000x16xf32, #tpu.memory_space<hbm>> -> memref<10000x16xf32, #tpu.memory_space<hbm>>
    tpu.wait_indirect_dma semaphore(%arg13 : memref<!tpu.dma_semaphore, #tpu.memory_space<semaphore_mem>>) src(%dma_wait3A_62 : memref<10000x16xf32, #tpu.memory_space<hbm>>) dst(%arg10 : memref<128x16xf32, #tpu.memory_space<vmem>>)
    %barrier3A_63 = arith.constant 0 : index
    tpu.barrier barrier_id(%barrier3A_63)
    %mul3A_64 = arith.constant 632 : i32
    %mul3A_65 = arith.muli %arg1, %mul3A_64 : i32
    %mul3A_66 = arith.constant 632 : i32
    %mul3A_67 = arith.muli %arg1, %mul3A_66 : i32
    "tpu.region"() ({
      %run_scoped3A = tpu.sem_alloc : memref<!tpu.dma_semaphore, #tpu.memory_space<semaphore_mem>>
      %dma_start3A_68 = arith.constant 0 : i32
      %dma_start3A_69 = tpu.memref_slice %arg5[%arg0, %mul3A_67, %dma_start3A_68] : memref<2x10112x16xf32, #tpu.memory_space<hbm>> -> memref<1x632x16xf32, #tpu.memory_space<hbm>>
      %dma_start3A_70 = tpu.memref_squeeze %dma_start3A_69 : memref<1x632x16xf32, #tpu.memory_space<hbm>> -> memref<632x16xf32, #tpu.memory_space<hbm>>
      %dma_start3A_71 = arith.constant 0 : i32
      %dma_start3A_72 = tpu.memref_slice %arg12[%mul3A_65, %dma_start3A_71] : memref<10112x16xf32, #tpu.memory_space<vmem_shared>> -> memref<632x16xf32, #tpu.memory_space<vmem_shared>>
      tpu.enqueue_dma source(%dma_start3A_72 : memref<632x16xf32, #tpu.memory_space<vmem_shared>>) target(%dma_start3A_70 : memref<632x16xf32, #tpu.memory_space<hbm>>) target_semaphore(%run_scoped3A : memref<!tpu.dma_semaphore, #tpu.memory_space<semaphore_mem>>)
      %dma_wait3A_73 = arith.constant 0 : i32
      %dma_wait3A_74 = tpu.memref_slice %arg5[%arg0, %mul3A_67, %dma_wait3A_73] : memref<2x10112x16xf32, #tpu.memory_space<hbm>> -> memref<1x632x16xf32, #tpu.memory_space<hbm>>
      %dma_wait3A_75 = tpu.memref_squeeze %dma_wait3A_74 : memref<1x632x16xf32, #tpu.memory_space<hbm>> -> memref<632x16xf32, #tpu.memory_space<hbm>>
      %dma_wait3A_76 = arith.constant 0 : i32
      %dma_wait3A_77 = tpu.memref_slice %arg12[%mul3A_65, %dma_wait3A_76] : memref<10112x16xf32, #tpu.memory_space<vmem_shared>> -> memref<632x16xf32, #tpu.memory_space<vmem_shared>>
      tpu.wait_dma2 semaphore(%run_scoped3A : memref<!tpu.dma_semaphore, #tpu.memory_space<semaphore_mem>>) src(%dma_wait3A_77 : memref<632x16xf32, #tpu.memory_space<vmem_shared>>) dst(%dma_wait3A_75 : memref<632x16xf32, #tpu.memory_space<hbm>>)
      tpu.yield
    }) : () -> ()
    return
  }
}

#map = affine_map<(d0, d1) -> (0, 0)>
#map1 = affine_map<(d0, d1) -> (0)>
#map2 = affine_map<(d0, d1) -> (0, 0, 0)>
module attributes {stable_mosaic.version = 14 : i64} {
  func.func @body(%arg0: i32, %arg1: i32, %arg2: memref<10000x16xf32, #tpu.memory_space<hbm>>, %arg3: memref<12416xi32, #tpu.memory_space<hbm>>, %arg4: memref<192x64xi32, #tpu.memory_space<hbm>>, %arg5: memref<2x128x16xf32, #tpu.memory_space<hbm>>, %arg6: memref<64xi32, #tpu.memory_space<vmem>>, %arg7: memref<64xi32, #tpu.memory_space<vmem>>, %arg8: memref<6x64xi32, #tpu.memory_space<vmem>>, %arg9: memref<64xi32, #tpu.memory_space<vmem>>, %arg10: memref<64x16xf32, #tpu.memory_space<vmem>>, %arg11: memref<64x16xf32, #tpu.memory_space<vmem>>, %arg12: memref<128x16xf32, #tpu.memory_space<vmem_shared>>, %arg13: memref<!tpu.dma_semaphore, #tpu.memory_space<semaphore_mem>>, %arg14: memref<!tpu.dma_semaphore, #tpu.memory_space<semaphore_mem>>) attributes {dimension_semantics = [#tpu.dimension_semantics<core_parallel>, #tpu.dimension_semantics<subcore_parallel>], iteration_bounds = array<i64: 2, 16>, scalar_prefetch = 0 : i64, scratch_operands = 9 : i64, tpu.core_type = #tpu.core_type<sc_vector_subcore>, window_params = [{transform_indices = #map}, {transform_indices = #map1}, {transform_indices = #map}, {transform_indices = #map2}]} {
    %mul3A = arith.constant 16 : i32
    %mul3A_0 = arith.muli %arg0, %mul3A : i32
    %add3A = arith.addi %mul3A_0, %arg1 : i32
    %mul3A_1 = arith.constant 6 : i32
    %mul3A_2 = arith.muli %add3A, %mul3A_1 : i32
    "tpu.region"() ({
      %run_scoped3A = tpu.sem_alloc : memref<!tpu.dma_semaphore, #tpu.memory_space<semaphore_mem>>
      %dma_start3A_33 = arith.constant 0 : i32
      %dma_start3A_34 = tpu.memref_slice %arg4[%mul3A_2, %dma_start3A_33] : memref<192x64xi32, #tpu.memory_space<hbm>> -> memref<6x64xi32, #tpu.memory_space<hbm>>
      %dma_start3A_35 = arith.constant 0 : i32
      %dma_start3A_36 = tpu.memref_slice %arg4[%mul3A_2, %dma_start3A_35] : memref<192x64xi32, #tpu.memory_space<hbm>> -> memref<6x64xi32, #tpu.memory_space<hbm>>
      tpu.enqueue_dma source(%dma_start3A_36 : memref<6x64xi32, #tpu.memory_space<hbm>>) target(%arg8 : memref<6x64xi32, #tpu.memory_space<vmem>>) target_semaphore(%run_scoped3A : memref<!tpu.dma_semaphore, #tpu.memory_space<semaphore_mem>>)
      %dma_wait3A_37 = arith.constant 0 : i32
      %dma_wait3A_38 = tpu.memref_slice %arg4[%mul3A_2, %dma_wait3A_37] : memref<192x64xi32, #tpu.memory_space<hbm>> -> memref<6x64xi32, #tpu.memory_space<hbm>>
      %dma_wait3A_39 = arith.constant 0 : i32
      %dma_wait3A_40 = tpu.memref_slice %arg4[%mul3A_2, %dma_wait3A_39] : memref<192x64xi32, #tpu.memory_space<hbm>> -> memref<6x64xi32, #tpu.memory_space<hbm>>
      tpu.wait_dma2 semaphore(%run_scoped3A : memref<!tpu.dma_semaphore, #tpu.memory_space<semaphore_mem>>) src(%dma_wait3A_40 : memref<6x64xi32, #tpu.memory_space<hbm>>) dst(%arg8 : memref<6x64xi32, #tpu.memory_space<vmem>>)
      tpu.yield
    }) : () -> ()
    %scan3A = arith.constant 0 : i32
    %scan3A_3 = arith.constant 0 : i32
    %scan3A_4 = arith.constant 64 : i32
    %scan3A_5 = arith.addi %scan3A_3, %scan3A_4 : i32
    %scan3A_6 = arith.constant 1 : i32
    scf.for %scan3A_33 = %scan3A_3 to %scan3A_5 step %scan3A_6  : i32 {
      %broadcast_in_dim3A = arith.constant 0.000000e+00 : f32
      %broadcast_in_dim3A_34 = vector.broadcast %broadcast_in_dim3A : f32 to vector<16xf32>
      %swap3A = arith.index_cast %scan3A_33 : i32 to index
      %swap3A_35 = arith.constant 0 : index
      %swap3A_36 = tpu.vector_load %arg10[%swap3A, %swap3A_35] {strides = array<i32>} : memref<64x16xf32, #tpu.memory_space<vmem>>, vector<1x16xf32>,
      %swap3A_37 = vector.shape_cast %swap3A_36 : vector<1x16xf32> to vector<16xf32>
      %swap3A_38 = vector.shape_cast %broadcast_in_dim3A_34 : vector<16xf32> to vector<1x16xf32>
      tpu.vector_store %arg10[%swap3A, %swap3A_35], %swap3A_38 {strides = array<i32>} : memref<64x16xf32, #tpu.memory_space<vmem>>, vector<1x16xf32>,
    }
    %scan3A_7 = arith.constant 64 : i32
    %mul3A_8 = arith.constant 8 : i32
    %mul3A_9 = arith.muli %arg1, %mul3A_8 : i32
    %add3A_10 = arith.constant 0 : i32
    %add3A_11 = arith.addi %mul3A_9, %add3A_10 : i32
    "tpu.region"() ({
      %run_scoped3A = tpu.sem_alloc : memref<!tpu.dma_semaphore, #tpu.memory_space<semaphore_mem>>
      %dma_start3A_33 = arith.constant 0 : i32
      %dma_start3A_34 = arith.constant 0 : i32
      %dma_start3A_35 = tpu.memref_slice %arg10[%dma_start3A_33, %dma_start3A_34] : memref<64x16xf32, #tpu.memory_space<vmem>> -> memref<8x16xf32, #tpu.memory_space<vmem>>
      %dma_start3A_36 = arith.constant 0 : i32
      %dma_start3A_37 = tpu.memref_slice %arg12[%add3A_11, %dma_start3A_36] : memref<128x16xf32, #tpu.memory_space<vmem_shared>> -> memref<8x16xf32, #tpu.memory_space<vmem_shared>>
      %dma_start3A_38 = arith.constant 0 : i32
      %dma_start3A_39 = tpu.memref_slice %arg12[%add3A_11, %dma_start3A_38] : memref<128x16xf32, #tpu.memory_space<vmem_shared>> -> memref<8x16xf32, #tpu.memory_space<vmem_shared>>
      %dma_start3A_40 = arith.constant 0 : i32
      %dma_start3A_41 = arith.constant 0 : i32
      %dma_start3A_42 = tpu.memref_slice %arg10[%dma_start3A_40, %dma_start3A_41] : memref<64x16xf32, #tpu.memory_space<vmem>> -> memref<8x16xf32, #tpu.memory_space<vmem>>
      tpu.enqueue_dma source(%dma_start3A_42 : memref<8x16xf32, #tpu.memory_space<vmem>>) target(%dma_start3A_39 : memref<8x16xf32, #tpu.memory_space<vmem_shared>>) target_semaphore(%run_scoped3A : memref<!tpu.dma_semaphore, #tpu.memory_space<semaphore_mem>>)
      %dma_wait3A_43 = arith.constant 0 : i32
      %dma_wait3A_44 = arith.constant 0 : i32
      %dma_wait3A_45 = tpu.memref_slice %arg10[%dma_wait3A_43, %dma_wait3A_44] : memref<64x16xf32, #tpu.memory_space<vmem>> -> memref<8x16xf32, #tpu.memory_space<vmem>>
      %dma_wait3A_46 = arith.constant 0 : i32
      %dma_wait3A_47 = tpu.memref_slice %arg12[%add3A_11, %dma_wait3A_46] : memref<128x16xf32, #tpu.memory_space<vmem_shared>> -> memref<8x16xf32, #tpu.memory_space<vmem_shared>>
      %dma_wait3A_48 = arith.constant 0 : i32
      %dma_wait3A_49 = tpu.memref_slice %arg12[%add3A_11, %dma_wait3A_48] : memref<128x16xf32, #tpu.memory_space<vmem_shared>> -> memref<8x16xf32, #tpu.memory_space<vmem_shared>>
      %dma_wait3A_50 = arith.constant 0 : i32
      %dma_wait3A_51 = arith.constant 0 : i32
      %dma_wait3A_52 = tpu.memref_slice %arg10[%dma_wait3A_50, %dma_wait3A_51] : memref<64x16xf32, #tpu.memory_space<vmem>> -> memref<8x16xf32, #tpu.memory_space<vmem>>
      tpu.wait_dma2 semaphore(%run_scoped3A : memref<!tpu.dma_semaphore, #tpu.memory_space<semaphore_mem>>) src(%dma_wait3A_52 : memref<8x16xf32, #tpu.memory_space<vmem>>) dst(%dma_wait3A_49 : memref<8x16xf32, #tpu.memory_space<vmem_shared>>)
      tpu.yield
    }) : () -> ()
    %barrier3A = arith.constant 0 : index
    tpu.barrier barrier_id(%barrier3A)
    %mul3A_12 = arith.constant 64 : i32
    %mul3A_13 = arith.muli %mul3A_2, %mul3A_12 : i32
    %add3A_14 = arith.constant 0 : i32
    %add3A_15 = arith.addi %mul3A_13, %add3A_14 : i32
    "tpu.region"() ({
      %run_scoped3A = tpu.sem_alloc : memref<!tpu.dma_semaphore, #tpu.memory_space<semaphore_mem>>
      %dma_start3A_33 = tpu.memref_slice %arg3[%add3A_15] : memref<12416xi32, #tpu.memory_space<hbm>> -> memref<64xi32, #tpu.memory_space<hbm>>
      %dma_start3A_34 = tpu.memref_slice %arg3[%add3A_15] : memref<12416xi32, #tpu.memory_space<hbm>> -> memref<64xi32, #tpu.memory_space<hbm>>
      tpu.enqueue_dma source(%dma_start3A_34 : memref<64xi32, #tpu.memory_space<hbm>>) target(%arg6 : memref<64xi32, #tpu.memory_space<vmem>>) target_semaphore(%run_scoped3A : memref<!tpu.dma_semaphore, #tpu.memory_space<semaphore_mem>>)
      %dma_wait3A_35 = tpu.memref_slice %arg3[%add3A_15] : memref<12416xi32, #tpu.memory_space<hbm>> -> memref<64xi32, #tpu.memory_space<hbm>>
      %dma_wait3A_36 = tpu.memref_slice %arg3[%add3A_15] : memref<12416xi32, #tpu.memory_space<hbm>> -> memref<64xi32, #tpu.memory_space<hbm>>
      tpu.wait_dma2 semaphore(%run_scoped3A : memref<!tpu.dma_semaphore, #tpu.memory_space<semaphore_mem>>) src(%dma_wait3A_36 : memref<64xi32, #tpu.memory_space<hbm>>) dst(%arg6 : memref<64xi32, #tpu.memory_space<vmem>>)
      tpu.yield
    }) : () -> ()
    %dma_start3A = arith.constant 0 : i32
    %dma_start3A_16 = arith.constant 0 : i32
    %dma_start3A_17 = tpu.memref_slice %arg2[%dma_start3A, %dma_start3A_16] : memref<10000x16xf32, #tpu.memory_space<hbm>> -> memref<10000x16xf32, #tpu.memory_space<hbm>>
    tpu.enqueue_indirect_dma source(%dma_start3A_17 : memref<10000x16xf32, #tpu.memory_space<hbm>>) target(%arg10 : memref<64x16xf32, #tpu.memory_space<vmem>>) offsets(%arg6 : memref<64xi32, #tpu.memory_space<vmem>>) semaphore(%arg13 : memref<!tpu.dma_semaphore, #tpu.memory_space<semaphore_mem>>)
    %add3A_18 = arith.constant 64 : i32
    %add3A_19 = arith.addi %mul3A_13, %add3A_18 : i32
    "tpu.region"() ({
      %run_scoped3A = tpu.sem_alloc : memref<!tpu.dma_semaphore, #tpu.memory_space<semaphore_mem>>
      %dma_start3A_33 = tpu.memref_slice %arg3[%add3A_19] : memref<12416xi32, #tpu.memory_space<hbm>> -> memref<64xi32, #tpu.memory_space<hbm>>
      %dma_start3A_34 = tpu.memref_slice %arg3[%add3A_19] : memref<12416xi32, #tpu.memory_space<hbm>> -> memref<64xi32, #tpu.memory_space<hbm>>
      tpu.enqueue_dma source(%dma_start3A_34 : memref<64xi32, #tpu.memory_space<hbm>>) target(%arg7 : memref<64xi32, #tpu.memory_space<vmem>>) target_semaphore(%run_scoped3A : memref<!tpu.dma_semaphore, #tpu.memory_space<semaphore_mem>>)
      %dma_wait3A_35 = tpu.memref_slice %arg3[%add3A_19] : memref<12416xi32, #tpu.memory_space<hbm>> -> memref<64xi32, #tpu.memory_space<hbm>>
      %dma_wait3A_36 = tpu.memref_slice %arg3[%add3A_19] : memref<12416xi32, #tpu.memory_space<hbm>> -> memref<64xi32, #tpu.memory_space<hbm>>
      tpu.wait_dma2 semaphore(%run_scoped3A : memref<!tpu.dma_semaphore, #tpu.memory_space<semaphore_mem>>) src(%dma_wait3A_36 : memref<64xi32, #tpu.memory_space<hbm>>) dst(%arg7 : memref<64xi32, #tpu.memory_space<vmem>>)
      tpu.yield
    }) : () -> ()
    %scan3A_20 = arith.constant 0 : i32
    %scan3A_21 = arith.constant 0 : i32
    %scan3A_22 = arith.constant 3 : i32
    %scan3A_23 = arith.addi %scan3A_21, %scan3A_22 : i32
    %scan3A_24 = arith.constant 1 : i32
    scf.for %scan3A_33 = %scan3A_21 to %scan3A_23 step %scan3A_24  : i32 {
      %mul3A_34 = arith.constant 2 : i32
      %mul3A_35 = arith.muli %mul3A_34, %scan3A_33 : i32
      %dma_start3A_36 = arith.constant 0 : i32
      %dma_start3A_37 = arith.constant 0 : i32
      %dma_start3A_38 = tpu.memref_slice %arg2[%dma_start3A_36, %dma_start3A_37] : memref<10000x16xf32, #tpu.memory_space<hbm>> -> memref<10000x16xf32, #tpu.memory_space<hbm>>
      tpu.enqueue_indirect_dma source(%dma_start3A_38 : memref<10000x16xf32, #tpu.memory_space<hbm>>) target(%arg11 : memref<64x16xf32, #tpu.memory_space<vmem>>) offsets(%arg7 : memref<64xi32, #tpu.memory_space<vmem>>) semaphore(%arg14 : memref<!tpu.dma_semaphore, #tpu.memory_space<semaphore_mem>>)
      %dma_wait3A_39 = arith.constant 0 : i32
      %dma_wait3A_40 = arith.constant 0 : i32
      %dma_wait3A_41 = tpu.memref_slice %arg2[%dma_wait3A_39, %dma_wait3A_40] : memref<10000x16xf32, #tpu.memory_space<hbm>> -> memref<10000x16xf32, #tpu.memory_space<hbm>>
      tpu.wait_indirect_dma semaphore(%arg13 : memref<!tpu.dma_semaphore, #tpu.memory_space<semaphore_mem>>) src(%dma_wait3A_41 : memref<10000x16xf32, #tpu.memory_space<hbm>>) dst(%arg10 : memref<64x16xf32, #tpu.memory_space<vmem>>)
      %add3A_42 = arith.constant 2 : i32
      %add3A_43 = arith.addi %mul3A_35, %add3A_42 : i32
      %mul3A_44 = arith.constant 64 : i32
      %mul3A_45 = arith.muli %add3A_43, %mul3A_44 : i32
      %add3A_46 = arith.addi %mul3A_13, %mul3A_45 : i32
      "tpu.region"() ({
        %run_scoped3A = tpu.sem_alloc : memref<!tpu.dma_semaphore, #tpu.memory_space<semaphore_mem>>
        %dma_start3A_60 = tpu.memref_slice %arg3[%add3A_46] : memref<12416xi32, #tpu.memory_space<hbm>> -> memref<64xi32, #tpu.memory_space<hbm>>
        %dma_start3A_61 = tpu.memref_slice %arg3[%add3A_46] : memref<12416xi32, #tpu.memory_space<hbm>> -> memref<64xi32, #tpu.memory_space<hbm>>
        tpu.enqueue_dma source(%dma_start3A_61 : memref<64xi32, #tpu.memory_space<hbm>>) target(%arg6 : memref<64xi32, #tpu.memory_space<vmem>>) target_semaphore(%run_scoped3A : memref<!tpu.dma_semaphore, #tpu.memory_space<semaphore_mem>>)
        %dma_wait3A_62 = tpu.memref_slice %arg3[%add3A_46] : memref<12416xi32, #tpu.memory_space<hbm>> -> memref<64xi32, #tpu.memory_space<hbm>>
        %dma_wait3A_63 = tpu.memref_slice %arg3[%add3A_46] : memref<12416xi32, #tpu.memory_space<hbm>> -> memref<64xi32, #tpu.memory_space<hbm>>
        tpu.wait_dma2 semaphore(%run_scoped3A : memref<!tpu.dma_semaphore, #tpu.memory_space<semaphore_mem>>) src(%dma_wait3A_63 : memref<64xi32, #tpu.memory_space<hbm>>) dst(%arg6 : memref<64xi32, #tpu.memory_space<vmem>>)
        tpu.yield
      }) : () -> ()
      "tpu.region"() ({
        %run_scoped3A = tpu.sem_alloc : memref<!tpu.dma_semaphore, #tpu.memory_space<semaphore_mem>>
        %dma_start3A_60 = arith.constant 0 : i32
        %dma_start3A_61 = tpu.memref_slice %arg8[%mul3A_35, %dma_start3A_60] : memref<6x64xi32, #tpu.memory_space<vmem>> -> memref<1x64xi32, #tpu.memory_space<vmem>>
        %dma_start3A_62 = tpu.memref_squeeze %dma_start3A_61 : memref<1x64xi32, #tpu.memory_space<vmem>> -> memref<64xi32, #tpu.memory_space<vmem>>
        %dma_start3A_63 = arith.constant 0 : i32
        %dma_start3A_64 = arith.constant 0 : i32
        %dma_start3A_65 = tpu.memref_slice %arg12[%dma_start3A_63, %dma_start3A_64] : memref<128x16xf32, #tpu.memory_space<vmem_shared>> -> memref<128x16xf32, #tpu.memory_space<vmem_shared>>
        tpu.enqueue_indirect_dma source(%arg10 : memref<64x16xf32, #tpu.memory_space<vmem>>) target(%dma_start3A_65 : memref<128x16xf32, #tpu.memory_space<vmem_shared>>) offsets(%dma_start3A_62 : memref<64xi32, #tpu.memory_space<vmem>>) semaphore(%run_scoped3A : memref<!tpu.dma_semaphore, #tpu.memory_space<semaphore_mem>>) {add = true}
        %dma_wait3A_66 = arith.constant 0 : i32
        %dma_wait3A_67 = tpu.memref_slice %arg8[%mul3A_35, %dma_wait3A_66] : memref<6x64xi32, #tpu.memory_space<vmem>> -> memref<1x64xi32, #tpu.memory_space<vmem>>
        %dma_wait3A_68 = tpu.memref_squeeze %dma_wait3A_67 : memref<1x64xi32, #tpu.memory_space<vmem>> -> memref<64xi32, #tpu.memory_space<vmem>>
        %dma_wait3A_69 = arith.constant 0 : i32
        %dma_wait3A_70 = arith.constant 0 : i32
        %dma_wait3A_71 = tpu.memref_slice %arg12[%dma_wait3A_69, %dma_wait3A_70] : memref<128x16xf32, #tpu.memory_space<vmem_shared>> -> memref<128x16xf32, #tpu.memory_space<vmem_shared>>
        tpu.wait_indirect_dma semaphore(%run_scoped3A : memref<!tpu.dma_semaphore, #tpu.memory_space<semaphore_mem>>) src(%arg10 : memref<64x16xf32, #tpu.memory_space<vmem>>) dst(%dma_wait3A_71 : memref<128x16xf32, #tpu.memory_space<vmem_shared>>)
        tpu.yield
      }) : () -> ()
      %dma_start3A_47 = arith.constant 0 : i32
      %dma_start3A_48 = arith.constant 0 : i32
      %dma_start3A_49 = tpu.memref_slice %arg2[%dma_start3A_47, %dma_start3A_48] : memref<10000x16xf32, #tpu.memory_space<hbm>> -> memref<10000x16xf32, #tpu.memory_space<hbm>>
      tpu.enqueue_indirect_dma source(%dma_start3A_49 : memref<10000x16xf32, #tpu.memory_space<hbm>>) target(%arg10 : memref<64x16xf32, #tpu.memory_space<vmem>>) offsets(%arg6 : memref<64xi32, #tpu.memory_space<vmem>>) semaphore(%arg13 : memref<!tpu.dma_semaphore, #tpu.memory_space<semaphore_mem>>)
      %add3A_50 = arith.constant 1 : i32
      %add3A_51 = arith.addi %mul3A_35, %add3A_50 : i32
      %dma_wait3A_52 = arith.constant 0 : i32
      %dma_wait3A_53 = arith.constant 0 : i32
      %dma_wait3A_54 = tpu.memref_slice %arg2[%dma_wait3A_52, %dma_wait3A_53] : memref<10000x16xf32, #tpu.memory_space<hbm>> -> memref<10000x16xf32, #tpu.memory_space<hbm>>
      tpu.wait_indirect_dma semaphore(%arg14 : memref<!tpu.dma_semaphore, #tpu.memory_space<semaphore_mem>>) src(%dma_wait3A_54 : memref<10000x16xf32, #tpu.memory_space<hbm>>) dst(%arg11 : memref<64x16xf32, #tpu.memory_space<vmem>>)
      %add3A_55 = arith.constant 3 : i32
      %add3A_56 = arith.addi %mul3A_35, %add3A_55 : i32
      %mul3A_57 = arith.constant 64 : i32
      %mul3A_58 = arith.muli %add3A_56, %mul3A_57 : i32
      %add3A_59 = arith.addi %mul3A_13, %mul3A_58 : i32
      "tpu.region"() ({
        %run_scoped3A = tpu.sem_alloc : memref<!tpu.dma_semaphore, #tpu.memory_space<semaphore_mem>>
        %dma_start3A_60 = tpu.memref_slice %arg3[%add3A_59] : memref<12416xi32, #tpu.memory_space<hbm>> -> memref<64xi32, #tpu.memory_space<hbm>>
        %dma_start3A_61 = tpu.memref_slice %arg3[%add3A_59] : memref<12416xi32, #tpu.memory_space<hbm>> -> memref<64xi32, #tpu.memory_space<hbm>>
        tpu.enqueue_dma source(%dma_start3A_61 : memref<64xi32, #tpu.memory_space<hbm>>) target(%arg7 : memref<64xi32, #tpu.memory_space<vmem>>) target_semaphore(%run_scoped3A : memref<!tpu.dma_semaphore, #tpu.memory_space<semaphore_mem>>)
        %dma_wait3A_62 = tpu.memref_slice %arg3[%add3A_59] : memref<12416xi32, #tpu.memory_space<hbm>> -> memref<64xi32, #tpu.memory_space<hbm>>
        %dma_wait3A_63 = tpu.memref_slice %arg3[%add3A_59] : memref<12416xi32, #tpu.memory_space<hbm>> -> memref<64xi32, #tpu.memory_space<hbm>>
        tpu.wait_dma2 semaphore(%run_scoped3A : memref<!tpu.dma_semaphore, #tpu.memory_space<semaphore_mem>>) src(%dma_wait3A_63 : memref<64xi32, #tpu.memory_space<hbm>>) dst(%arg7 : memref<64xi32, #tpu.memory_space<vmem>>)
        tpu.yield
      }) : () -> ()
      "tpu.region"() ({
        %run_scoped3A = tpu.sem_alloc : memref<!tpu.dma_semaphore, #tpu.memory_space<semaphore_mem>>
        %dma_start3A_60 = arith.constant 0 : i32
        %dma_start3A_61 = tpu.memref_slice %arg8[%add3A_51, %dma_start3A_60] : memref<6x64xi32, #tpu.memory_space<vmem>> -> memref<1x64xi32, #tpu.memory_space<vmem>>
        %dma_start3A_62 = tpu.memref_squeeze %dma_start3A_61 : memref<1x64xi32, #tpu.memory_space<vmem>> -> memref<64xi32, #tpu.memory_space<vmem>>
        %dma_start3A_63 = arith.constant 0 : i32
        %dma_start3A_64 = arith.constant 0 : i32
        %dma_start3A_65 = tpu.memref_slice %arg12[%dma_start3A_63, %dma_start3A_64] : memref<128x16xf32, #tpu.memory_space<vmem_shared>> -> memref<128x16xf32, #tpu.memory_space<vmem_shared>>
        tpu.enqueue_indirect_dma source(%arg11 : memref<64x16xf32, #tpu.memory_space<vmem>>) target(%dma_start3A_65 : memref<128x16xf32, #tpu.memory_space<vmem_shared>>) offsets(%dma_start3A_62 : memref<64xi32, #tpu.memory_space<vmem>>) semaphore(%run_scoped3A : memref<!tpu.dma_semaphore, #tpu.memory_space<semaphore_mem>>) {add = true}
        %dma_wait3A_66 = arith.constant 0 : i32
        %dma_wait3A_67 = tpu.memref_slice %arg8[%add3A_51, %dma_wait3A_66] : memref<6x64xi32, #tpu.memory_space<vmem>> -> memref<1x64xi32, #tpu.memory_space<vmem>>
        %dma_wait3A_68 = tpu.memref_squeeze %dma_wait3A_67 : memref<1x64xi32, #tpu.memory_space<vmem>> -> memref<64xi32, #tpu.memory_space<vmem>>
        %dma_wait3A_69 = arith.constant 0 : i32
        %dma_wait3A_70 = arith.constant 0 : i32
        %dma_wait3A_71 = tpu.memref_slice %arg12[%dma_wait3A_69, %dma_wait3A_70] : memref<128x16xf32, #tpu.memory_space<vmem_shared>> -> memref<128x16xf32, #tpu.memory_space<vmem_shared>>
        tpu.wait_indirect_dma semaphore(%run_scoped3A : memref<!tpu.dma_semaphore, #tpu.memory_space<semaphore_mem>>) src(%arg11 : memref<64x16xf32, #tpu.memory_space<vmem>>) dst(%dma_wait3A_71 : memref<128x16xf32, #tpu.memory_space<vmem_shared>>)
        tpu.yield
      }) : () -> ()
    }
    %scan3A_25 = arith.constant 3 : i32
    %dma_wait3A = arith.constant 0 : i32
    %dma_wait3A_26 = arith.constant 0 : i32
    %dma_wait3A_27 = tpu.memref_slice %arg2[%dma_wait3A, %dma_wait3A_26] : memref<10000x16xf32, #tpu.memory_space<hbm>> -> memref<10000x16xf32, #tpu.memory_space<hbm>>
    tpu.wait_indirect_dma semaphore(%arg13 : memref<!tpu.dma_semaphore, #tpu.memory_space<semaphore_mem>>) src(%dma_wait3A_27 : memref<10000x16xf32, #tpu.memory_space<hbm>>) dst(%arg10 : memref<64x16xf32, #tpu.memory_space<vmem>>)
    %barrier3A_28 = arith.constant 0 : index
    tpu.barrier barrier_id(%barrier3A_28)
    %mul3A_29 = arith.constant 8 : i32
    %mul3A_30 = arith.muli %arg1, %mul3A_29 : i32
    %mul3A_31 = arith.constant 8 : i32
    %mul3A_32 = arith.muli %arg1, %mul3A_31 : i32
    "tpu.region"() ({
      %run_scoped3A = tpu.sem_alloc : memref<!tpu.dma_semaphore, #tpu.memory_space<semaphore_mem>>
      %dma_start3A_33 = arith.constant 0 : i32
      %dma_start3A_34 = tpu.memref_slice %arg5[%arg0, %mul3A_32, %dma_start3A_33] : memref<2x128x16xf32, #tpu.memory_space<hbm>> -> memref<1x8x16xf32, #tpu.memory_space<hbm>>
      %dma_start3A_35 = tpu.memref_squeeze %dma_start3A_34 : memref<1x8x16xf32, #tpu.memory_space<hbm>> -> memref<8x16xf32, #tpu.memory_space<hbm>>
      %dma_start3A_36 = arith.constant 0 : i32
      %dma_start3A_37 = tpu.memref_slice %arg12[%mul3A_30, %dma_start3A_36] : memref<128x16xf32, #tpu.memory_space<vmem_shared>> -> memref<8x16xf32, #tpu.memory_space<vmem_shared>>
      tpu.enqueue_dma source(%dma_start3A_37 : memref<8x16xf32, #tpu.memory_space<vmem_shared>>) target(%dma_start3A_35 : memref<8x16xf32, #tpu.memory_space<hbm>>) target_semaphore(%run_scoped3A : memref<!tpu.dma_semaphore, #tpu.memory_space<semaphore_mem>>)
      %dma_wait3A_38 = arith.constant 0 : i32
      %dma_wait3A_39 = tpu.memref_slice %arg5[%arg0, %mul3A_32, %dma_wait3A_38] : memref<2x128x16xf32, #tpu.memory_space<hbm>> -> memref<1x8x16xf32, #tpu.memory_space<hbm>>
      %dma_wait3A_40 = tpu.memref_squeeze %dma_wait3A_39 : memref<1x8x16xf32, #tpu.memory_space<hbm>> -> memref<8x16xf32, #tpu.memory_space<hbm>>
      %dma_wait3A_41 = arith.constant 0 : i32
      %dma_wait3A_42 = tpu.memref_slice %arg12[%mul3A_30, %dma_wait3A_41] : memref<128x16xf32, #tpu.memory_space<vmem_shared>> -> memref<8x16xf32, #tpu.memory_space<vmem_shared>>
      tpu.wait_dma2 semaphore(%run_scoped3A : memref<!tpu.dma_semaphore, #tpu.memory_space<semaphore_mem>>) src(%dma_wait3A_42 : memref<8x16xf32, #tpu.memory_space<vmem_shared>>) dst(%dma_wait3A_40 : memref<8x16xf32, #tpu.memory_space<hbm>>)
      tpu.yield
    }) : () -> ()
    return
  }
}

module attributes {stable_mosaic.version = 14 : i64} {
  func.func @body(%arg0: i32, %arg1: memref<400x16xf32, #tpu.memory_space<vmem>>, %arg2: memref<400x16xf32, #tpu.memory_space<vmem>>, %arg3: memref<400x1xf32, #tpu.memory_space<vmem>>) attributes {dimension_semantics = [#tpu.dimension_semantics<arbitrary>], iteration_bounds = array<i64: 25>, scalar_prefetch = 0 : i64, scratch_operands = 0 : i64, tpu.core_type = #tpu.core_type<tc>, window_params = [{transform_indices = @transform_0, window_bounds = array<i64: 400, 16>}, {transform_indices = @transform_1, window_bounds = array<i64: 400, 16>}, {transform_indices = @transform_2, window_bounds = array<i64: 400, 1>}]} {
    %get3A = arith.constant 0 : index
    %get3A_0 = arith.constant 0 : index
    %get3A_1 = vector.load %arg1[%get3A, %get3A_0] : memref<400x16xf32, #tpu.memory_space<vmem>>, vector<400x1xf32>
    %get3A_2 = arith.constant 0 : index
    %get3A_3 = arith.constant 0 : index
    %get3A_4 = vector.load %arg2[%get3A_2, %get3A_3] : memref<400x16xf32, #tpu.memory_space<vmem>>, vector<400x1xf32>
    %add3A = arith.addf %get3A_1, %get3A_4 : vector<400x1xf32>
    %add3A_5 = arith.constant 1.000000e+00 : f32
    %add3A_6 = vector.broadcast %add3A_5 : f32 to vector<400x1xf32>
    %add3A_7 = arith.addf %add3A, %add3A_6 : vector<400x1xf32>
    %rsqrt3A = math.rsqrt %add3A_7 : vector<400x1xf32>
    %swap3A = arith.constant 0 : index
    %swap3A_8 = arith.constant 0 : index
    %swap3A_9 = vector.load %arg3[%swap3A, %swap3A_8] : memref<400x1xf32, #tpu.memory_space<vmem>>, vector<400x1xf32>
    tpu.vector_store %arg3[%swap3A, %swap3A_8], %rsqrt3A {strides = array<i32>} : memref<400x1xf32, #tpu.memory_space<vmem>>, vector<400x1xf32>,
    return
  }
  func.func @transform_0(%arg0: i32) -> (i32, i32) {
    %c0_i32 = arith.constant 0 : i32
    %c0_i32_0 = arith.constant 0 : i32
    return %arg0, %c0_i32 : i32, i32
  }
  func.func @transform_1(%arg0: i32) -> (i32, i32) {
    %c0_i32 = arith.constant 0 : i32
    %c0_i32_0 = arith.constant 0 : i32
    return %arg0, %c0_i32 : i32, i32
  }
  func.func @transform_2(%arg0: i32) -> (i32, i32) {
    %c0_i32 = arith.constant 0 : i32
    %c0_i32_0 = arith.constant 0 : i32
    return %arg0, %c0_i32 : i32, i32
  }
}

module attributes {stable_mosaic.version = 14 : i64} {
  func.func @body(%arg0: i32, %arg1: memref<400x128xf32, #tpu.memory_space<vmem>>, %arg2: memref<128x128xf32, #tpu.memory_space<vmem>>, %arg3: memref<400x1xf32, #tpu.memory_space<vmem>>, %arg4: memref<400x128xf32, #tpu.memory_space<vmem>>) attributes {dimension_semantics = [#tpu.dimension_semantics<arbitrary>], iteration_bounds = array<i64: 25>, scalar_prefetch = 0 : i64, scratch_operands = 0 : i64, tpu.core_type = #tpu.core_type<tc>, window_params = [{transform_indices = @transform_0, window_bounds = array<i64: 400, 128>}, {pipeline_mode = #tpu.pipeline_mode<synchronous>, transform_indices = @transform_1, window_bounds = array<i64: 128, 128>}, {transform_indices = @transform_2, window_bounds = array<i64: 400, 1>}, {transform_indices = @transform_3, window_bounds = array<i64: 400, 128>}]} {
    %get3A = arith.constant 0 : index
    %get3A_0 = arith.constant 0 : index
    %get3A_1 = vector.load %arg3[%get3A, %get3A_0] : memref<400x1xf32, #tpu.memory_space<vmem>>, vector<400x1xf32>
    %get3A_2 = arith.constant 0 : index
    %get3A_3 = arith.constant 0 : index
    %get3A_4 = vector.load %arg1[%get3A_2, %get3A_3] : memref<400x128xf32, #tpu.memory_space<vmem>>, vector<400x128xf32>
    %get3A_5 = arith.constant 0 : index
    %get3A_6 = arith.constant 0 : index
    %get3A_7 = vector.load %arg2[%get3A_5, %get3A_6] : memref<128x128xf32, #tpu.memory_space<vmem>>, vector<128x128xf32>
    %dot_general3A = arith.constant dense<0.000000e+00> : vector<400x128xf32>
    %dot_general3A_8 = tpu.matmul %get3A_4, %get3A_7, %dot_general3A {dimension_numbers = #tpu.dot_dimension_numbers<[1], [0], [0], [1], [0, 0, 1, 1], [], []>, transpose_lhs_hint = false} : vector<400x128xf32>, vector<128x128xf32>, vector<400x128xf32> -> vector<400x128xf32>
    %mul3A = vector.broadcast %get3A_1 : vector<400x1xf32> to vector<400x128xf32>
    %mul3A_9 = arith.mulf %mul3A, %dot_general3A_8 : vector<400x128xf32>
    %swap3A = arith.constant 0 : index
    %swap3A_10 = arith.constant 0 : index
    %swap3A_11 = vector.load %arg4[%swap3A, %swap3A_10] : memref<400x128xf32, #tpu.memory_space<vmem>>, vector<400x128xf32>
    tpu.vector_store %arg4[%swap3A, %swap3A_10], %mul3A_9 {strides = array<i32>} : memref<400x128xf32, #tpu.memory_space<vmem>>, vector<400x128xf32>,
    return
  }
  func.func @transform_0(%arg0: i32) -> (i32, i32) {
    %c0_i32 = arith.constant 0 : i32
    %c0_i32_0 = arith.constant 0 : i32
    return %arg0, %c0_i32 : i32, i32
  }
  func.func @transform_1(%arg0: i32) -> (i32, i32) {
    %c0_i32 = arith.constant 0 : i32
    %c0_i32_0 = arith.constant 0 : i32
    %c0_i32_1 = arith.constant 0 : i32
    return %c0_i32, %c0_i32_0 : i32, i32
  }
  func.func @transform_2(%arg0: i32) -> (i32, i32) {
    %c0_i32 = arith.constant 0 : i32
    %c0_i32_0 = arith.constant 0 : i32
    return %arg0, %c0_i32 : i32, i32
  }
  func.func @transform_3(%arg0: i32) -> (i32, i32) {
    %c0_i32 = arith.constant 0 : i32
    %c0_i32_0 = arith.constant 0 : i32
    return %arg0, %c0_i32 : i32, i32
  }
}

module attributes {stable_mosaic.version = 14 : i64} {
  func.func @body(%arg0: i32, %arg1: memref<400x128xf32, #tpu.memory_space<vmem>>, %arg2: memref<400x128xf32, #tpu.memory_space<vmem>>, %arg3: memref<400x128xf32, #tpu.memory_space<vmem>>, %arg4: memref<400x1xf32, #tpu.memory_space<vmem>>, %arg5: memref<1x128xf32, #tpu.memory_space<vmem>>, %arg6: memref<128x64xf32, #tpu.memory_space<vmem>>, %arg7: memref<400x64xf32, #tpu.memory_space<vmem>>) attributes {dimension_semantics = [#tpu.dimension_semantics<arbitrary>], iteration_bounds = array<i64: 25>, scalar_prefetch = 0 : i64, scratch_operands = 0 : i64, tpu.core_type = #tpu.core_type<tc>, window_params = [{transform_indices = @transform_0, window_bounds = array<i64: 400, 128>}, {transform_indices = @transform_1, window_bounds = array<i64: 400, 128>}, {transform_indices = @transform_2, window_bounds = array<i64: 400, 128>}, {transform_indices = @transform_3, window_bounds = array<i64: 400, 1>}, {pipeline_mode = #tpu.pipeline_mode<synchronous>, transform_indices = @transform_4, window_bounds = array<i64: 1, 128>}, {pipeline_mode = #tpu.pipeline_mode<synchronous>, transform_indices = @transform_5, window_bounds = array<i64: 128, 64>}, {transform_indices = @transform_6, window_bounds = array<i64: 400, 64>}]} {
    %get3A = arith.constant 0 : index
    %get3A_0 = arith.constant 0 : index
    %get3A_1 = vector.load %arg4[%get3A, %get3A_0] : memref<400x1xf32, #tpu.memory_space<vmem>>, vector<400x1xf32>
    %get3A_2 = arith.constant 0 : index
    %get3A_3 = arith.constant 0 : index
    %get3A_4 = vector.load %arg1[%get3A_2, %get3A_3] : memref<400x128xf32, #tpu.memory_space<vmem>>, vector<400x128xf32>
    %get3A_5 = arith.constant 0 : index
    %get3A_6 = arith.constant 0 : index
    %get3A_7 = vector.load %arg2[%get3A_5, %get3A_6] : memref<400x128xf32, #tpu.memory_space<vmem>>, vector<400x128xf32>
    %add3A = arith.addf %get3A_4, %get3A_7 : vector<400x128xf32>
    %get3A_8 = arith.constant 0 : index
    %get3A_9 = arith.constant 0 : index
    %get3A_10 = vector.load %arg3[%get3A_8, %get3A_9] : memref<400x128xf32, #tpu.memory_space<vmem>>, vector<400x128xf32>
    %add3A_11 = arith.addf %add3A, %get3A_10 : vector<400x128xf32>
    %mul3A = vector.broadcast %get3A_1 : vector<400x1xf32> to vector<400x128xf32>
    %mul3A_12 = arith.mulf %mul3A, %add3A_11 : vector<400x128xf32>
    %get3A_13 = arith.constant 0 : index
    %get3A_14 = arith.constant 0 : index
    %get3A_15 = vector.load %arg5[%get3A_13, %get3A_14] : memref<1x128xf32, #tpu.memory_space<vmem>>, vector<1x128xf32>
    %add3A_16 = vector.broadcast %get3A_15 : vector<1x128xf32> to vector<400x128xf32>
    %add3A_17 = arith.addf %mul3A_12, %add3A_16 : vector<400x128xf32>
    %max3A = arith.constant 0.000000e+00 : f32
    %max3A_18 = vector.broadcast %max3A : f32 to vector<400x128xf32>
    %max3A_19 = arith.maximumf %add3A_17, %max3A_18 : vector<400x128xf32>
    %get3A_20 = arith.constant 0 : index
    %get3A_21 = arith.constant 0 : index
    %get3A_22 = vector.load %arg4[%get3A_20, %get3A_21] : memref<400x1xf32, #tpu.memory_space<vmem>>, vector<400x1xf32>
    %get3A_23 = arith.constant 0 : index
    %get3A_24 = arith.constant 0 : index
    %get3A_25 = vector.load %arg6[%get3A_23, %get3A_24] : memref<128x64xf32, #tpu.memory_space<vmem>>, vector<128x64xf32>
    %dot_general3A = arith.constant dense<0.000000e+00> : vector<400x64xf32>
    %dot_general3A_26 = tpu.matmul %max3A_19, %get3A_25, %dot_general3A {dimension_numbers = #tpu.dot_dimension_numbers<[1], [0], [0], [1], [0, 0, 1, 1], [], []>, transpose_lhs_hint = false} : vector<400x128xf32>, vector<128x64xf32>, vector<400x64xf32> -> vector<400x64xf32>
    %mul3A_27 = vector.broadcast %get3A_22 : vector<400x1xf32> to vector<400x64xf32>
    %mul3A_28 = arith.mulf %mul3A_27, %dot_general3A_26 : vector<400x64xf32>
    %swap3A = arith.constant 0 : index
    %swap3A_29 = arith.constant 0 : index
    %swap3A_30 = vector.load %arg7[%swap3A, %swap3A_29] : memref<400x64xf32, #tpu.memory_space<vmem>>, vector<400x64xf32>
    tpu.vector_store %arg7[%swap3A, %swap3A_29], %mul3A_28 {strides = array<i32>} : memref<400x64xf32, #tpu.memory_space<vmem>>, vector<400x64xf32>,
    return
  }
  func.func @transform_0(%arg0: i32) -> (i32, i32) {
    %c0_i32 = arith.constant 0 : i32
    %c0_i32_0 = arith.constant 0 : i32
    return %arg0, %c0_i32 : i32, i32
  }
  func.func @transform_1(%arg0: i32) -> (i32, i32) {
    %c0_i32 = arith.constant 0 : i32
    %c0_i32_0 = arith.constant 0 : i32
    return %arg0, %c0_i32 : i32, i32
  }
  func.func @transform_2(%arg0: i32) -> (i32, i32) {
    %c0_i32 = arith.constant 0 : i32
    %c0_i32_0 = arith.constant 0 : i32
    return %arg0, %c0_i32 : i32, i32
  }
  func.func @transform_3(%arg0: i32) -> (i32, i32) {
    %c0_i32 = arith.constant 0 : i32
    %c0_i32_0 = arith.constant 0 : i32
    return %arg0, %c0_i32 : i32, i32
  }
  func.func @transform_4(%arg0: i32) -> (i32, i32) {
    %c0_i32 = arith.constant 0 : i32
    %c0_i32_0 = arith.constant 0 : i32
    %c0_i32_1 = arith.constant 0 : i32
    return %c0_i32, %c0_i32_0 : i32, i32
  }
  func.func @transform_5(%arg0: i32) -> (i32, i32) {
    %c0_i32 = arith.constant 0 : i32
    %c0_i32_0 = arith.constant 0 : i32
    %c0_i32_1 = arith.constant 0 : i32
    return %c0_i32, %c0_i32_0 : i32, i32
  }
  func.func @transform_6(%arg0: i32) -> (i32, i32) {
    %c0_i32 = arith.constant 0 : i32
    %c0_i32_0 = arith.constant 0 : i32
    return %arg0, %c0_i32 : i32, i32
  }
}

module attributes {stable_mosaic.version = 14 : i64} {
  func.func @body(%arg0: i32, %arg1: memref<400x64xf32, #tpu.memory_space<vmem>>, %arg2: memref<400x64xf32, #tpu.memory_space<vmem>>, %arg3: memref<400x64xf32, #tpu.memory_space<vmem>>, %arg4: memref<400x1xf32, #tpu.memory_space<vmem>>, %arg5: memref<1x64xf32, #tpu.memory_space<vmem>>, %arg6: memref<64x32xf32, #tpu.memory_space<vmem>>, %arg7: memref<400x32xf32, #tpu.memory_space<vmem>>) attributes {dimension_semantics = [#tpu.dimension_semantics<arbitrary>], iteration_bounds = array<i64: 25>, scalar_prefetch = 0 : i64, scratch_operands = 0 : i64, tpu.core_type = #tpu.core_type<tc>, window_params = [{transform_indices = @transform_0, window_bounds = array<i64: 400, 64>}, {transform_indices = @transform_1, window_bounds = array<i64: 400, 64>}, {transform_indices = @transform_2, window_bounds = array<i64: 400, 64>}, {transform_indices = @transform_3, window_bounds = array<i64: 400, 1>}, {pipeline_mode = #tpu.pipeline_mode<synchronous>, transform_indices = @transform_4, window_bounds = array<i64: 1, 64>}, {pipeline_mode = #tpu.pipeline_mode<synchronous>, transform_indices = @transform_5, window_bounds = array<i64: 64, 32>}, {transform_indices = @transform_6, window_bounds = array<i64: 400, 32>}]} {
    %get3A = arith.constant 0 : index
    %get3A_0 = arith.constant 0 : index
    %get3A_1 = vector.load %arg4[%get3A, %get3A_0] : memref<400x1xf32, #tpu.memory_space<vmem>>, vector<400x1xf32>
    %get3A_2 = arith.constant 0 : index
    %get3A_3 = arith.constant 0 : index
    %get3A_4 = vector.load %arg1[%get3A_2, %get3A_3] : memref<400x64xf32, #tpu.memory_space<vmem>>, vector<400x64xf32>
    %get3A_5 = arith.constant 0 : index
    %get3A_6 = arith.constant 0 : index
    %get3A_7 = vector.load %arg2[%get3A_5, %get3A_6] : memref<400x64xf32, #tpu.memory_space<vmem>>, vector<400x64xf32>
    %add3A = arith.addf %get3A_4, %get3A_7 : vector<400x64xf32>
    %get3A_8 = arith.constant 0 : index
    %get3A_9 = arith.constant 0 : index
    %get3A_10 = vector.load %arg3[%get3A_8, %get3A_9] : memref<400x64xf32, #tpu.memory_space<vmem>>, vector<400x64xf32>
    %add3A_11 = arith.addf %add3A, %get3A_10 : vector<400x64xf32>
    %mul3A = vector.broadcast %get3A_1 : vector<400x1xf32> to vector<400x64xf32>
    %mul3A_12 = arith.mulf %mul3A, %add3A_11 : vector<400x64xf32>
    %get3A_13 = arith.constant 0 : index
    %get3A_14 = arith.constant 0 : index
    %get3A_15 = vector.load %arg5[%get3A_13, %get3A_14] : memref<1x64xf32, #tpu.memory_space<vmem>>, vector<1x64xf32>
    %add3A_16 = vector.broadcast %get3A_15 : vector<1x64xf32> to vector<400x64xf32>
    %add3A_17 = arith.addf %mul3A_12, %add3A_16 : vector<400x64xf32>
    %max3A = arith.constant 0.000000e+00 : f32
    %max3A_18 = vector.broadcast %max3A : f32 to vector<400x64xf32>
    %max3A_19 = arith.maximumf %add3A_17, %max3A_18 : vector<400x64xf32>
    %get3A_20 = arith.constant 0 : index
    %get3A_21 = arith.constant 0 : index
    %get3A_22 = vector.load %arg4[%get3A_20, %get3A_21] : memref<400x1xf32, #tpu.memory_space<vmem>>, vector<400x1xf32>
    %get3A_23 = arith.constant 0 : index
    %get3A_24 = arith.constant 0 : index
    %get3A_25 = vector.load %arg6[%get3A_23, %get3A_24] : memref<64x32xf32, #tpu.memory_space<vmem>>, vector<64x32xf32>
    %dot_general3A = arith.constant dense<0.000000e+00> : vector<400x32xf32>
    %dot_general3A_26 = tpu.matmul %max3A_19, %get3A_25, %dot_general3A {dimension_numbers = #tpu.dot_dimension_numbers<[1], [0], [0], [1], [0, 0, 1, 1], [], []>, transpose_lhs_hint = false} : vector<400x64xf32>, vector<64x32xf32>, vector<400x32xf32> -> vector<400x32xf32>
    %mul3A_27 = vector.broadcast %get3A_22 : vector<400x1xf32> to vector<400x32xf32>
    %mul3A_28 = arith.mulf %mul3A_27, %dot_general3A_26 : vector<400x32xf32>
    %swap3A = arith.constant 0 : index
    %swap3A_29 = arith.constant 0 : index
    %swap3A_30 = vector.load %arg7[%swap3A, %swap3A_29] : memref<400x32xf32, #tpu.memory_space<vmem>>, vector<400x32xf32>
    tpu.vector_store %arg7[%swap3A, %swap3A_29], %mul3A_28 {strides = array<i32>} : memref<400x32xf32, #tpu.memory_space<vmem>>, vector<400x32xf32>,
    return
  }
  func.func @transform_0(%arg0: i32) -> (i32, i32) {
    %c0_i32 = arith.constant 0 : i32
    %c0_i32_0 = arith.constant 0 : i32
    return %arg0, %c0_i32 : i32, i32
  }
  func.func @transform_1(%arg0: i32) -> (i32, i32) {
    %c0_i32 = arith.constant 0 : i32
    %c0_i32_0 = arith.constant 0 : i32
    return %arg0, %c0_i32 : i32, i32
  }
  func.func @transform_2(%arg0: i32) -> (i32, i32) {
    %c0_i32 = arith.constant 0 : i32
    %c0_i32_0 = arith.constant 0 : i32
    return %arg0, %c0_i32 : i32, i32
  }
  func.func @transform_3(%arg0: i32) -> (i32, i32) {
    %c0_i32 = arith.constant 0 : i32
    %c0_i32_0 = arith.constant 0 : i32
    return %arg0, %c0_i32 : i32, i32
  }
  func.func @transform_4(%arg0: i32) -> (i32, i32) {
    %c0_i32 = arith.constant 0 : i32
    %c0_i32_0 = arith.constant 0 : i32
    %c0_i32_1 = arith.constant 0 : i32
    return %c0_i32, %c0_i32_0 : i32, i32
  }
  func.func @transform_5(%arg0: i32) -> (i32, i32) {
    %c0_i32 = arith.constant 0 : i32
    %c0_i32_0 = arith.constant 0 : i32
    %c0_i32_1 = arith.constant 0 : i32
    return %c0_i32, %c0_i32_0 : i32, i32
  }
  func.func @transform_6(%arg0: i32) -> (i32, i32) {
    %c0_i32 = arith.constant 0 : i32
    %c0_i32_0 = arith.constant 0 : i32
    return %arg0, %c0_i32 : i32, i32
  }
}

module attributes {stable_mosaic.version = 14 : i64} {
  func.func @body(%arg0: i32, %arg1: memref<400x32xf32, #tpu.memory_space<vmem>>, %arg2: memref<400x32xf32, #tpu.memory_space<vmem>>, %arg3: memref<400x32xf32, #tpu.memory_space<vmem>>, %arg4: memref<400x1xf32, #tpu.memory_space<vmem>>, %arg5: memref<1x32xf32, #tpu.memory_space<vmem>>, %arg6: memref<32x16xf32, #tpu.memory_space<vmem>>, %arg7: memref<400x16xf32, #tpu.memory_space<vmem>>) attributes {dimension_semantics = [#tpu.dimension_semantics<arbitrary>], iteration_bounds = array<i64: 25>, scalar_prefetch = 0 : i64, scratch_operands = 0 : i64, tpu.core_type = #tpu.core_type<tc>, window_params = [{transform_indices = @transform_0, window_bounds = array<i64: 400, 32>}, {transform_indices = @transform_1, window_bounds = array<i64: 400, 32>}, {transform_indices = @transform_2, window_bounds = array<i64: 400, 32>}, {transform_indices = @transform_3, window_bounds = array<i64: 400, 1>}, {pipeline_mode = #tpu.pipeline_mode<synchronous>, transform_indices = @transform_4, window_bounds = array<i64: 1, 32>}, {pipeline_mode = #tpu.pipeline_mode<synchronous>, transform_indices = @transform_5, window_bounds = array<i64: 32, 16>}, {transform_indices = @transform_6, window_bounds = array<i64: 400, 16>}]} {
    %get3A = arith.constant 0 : index
    %get3A_0 = arith.constant 0 : index
    %get3A_1 = vector.load %arg4[%get3A, %get3A_0] : memref<400x1xf32, #tpu.memory_space<vmem>>, vector<400x1xf32>
    %get3A_2 = arith.constant 0 : index
    %get3A_3 = arith.constant 0 : index
    %get3A_4 = vector.load %arg1[%get3A_2, %get3A_3] : memref<400x32xf32, #tpu.memory_space<vmem>>, vector<400x32xf32>
    %get3A_5 = arith.constant 0 : index
    %get3A_6 = arith.constant 0 : index
    %get3A_7 = vector.load %arg2[%get3A_5, %get3A_6] : memref<400x32xf32, #tpu.memory_space<vmem>>, vector<400x32xf32>
    %add3A = arith.addf %get3A_4, %get3A_7 : vector<400x32xf32>
    %get3A_8 = arith.constant 0 : index
    %get3A_9 = arith.constant 0 : index
    %get3A_10 = vector.load %arg3[%get3A_8, %get3A_9] : memref<400x32xf32, #tpu.memory_space<vmem>>, vector<400x32xf32>
    %add3A_11 = arith.addf %add3A, %get3A_10 : vector<400x32xf32>
    %mul3A = vector.broadcast %get3A_1 : vector<400x1xf32> to vector<400x32xf32>
    %mul3A_12 = arith.mulf %mul3A, %add3A_11 : vector<400x32xf32>
    %get3A_13 = arith.constant 0 : index
    %get3A_14 = arith.constant 0 : index
    %get3A_15 = vector.load %arg5[%get3A_13, %get3A_14] : memref<1x32xf32, #tpu.memory_space<vmem>>, vector<1x32xf32>
    %add3A_16 = vector.broadcast %get3A_15 : vector<1x32xf32> to vector<400x32xf32>
    %add3A_17 = arith.addf %mul3A_12, %add3A_16 : vector<400x32xf32>
    %max3A = arith.constant 0.000000e+00 : f32
    %max3A_18 = vector.broadcast %max3A : f32 to vector<400x32xf32>
    %max3A_19 = arith.maximumf %add3A_17, %max3A_18 : vector<400x32xf32>
    %get3A_20 = arith.constant 0 : index
    %get3A_21 = arith.constant 0 : index
    %get3A_22 = vector.load %arg4[%get3A_20, %get3A_21] : memref<400x1xf32, #tpu.memory_space<vmem>>, vector<400x1xf32>
    %get3A_23 = arith.constant 0 : index
    %get3A_24 = arith.constant 0 : index
    %get3A_25 = vector.load %arg6[%get3A_23, %get3A_24] : memref<32x16xf32, #tpu.memory_space<vmem>>, vector<32x16xf32>
    %dot_general3A = arith.constant dense<0.000000e+00> : vector<400x16xf32>
    %dot_general3A_26 = tpu.matmul %max3A_19, %get3A_25, %dot_general3A {dimension_numbers = #tpu.dot_dimension_numbers<[1], [0], [0], [1], [0, 0, 1, 1], [], []>, transpose_lhs_hint = false} : vector<400x32xf32>, vector<32x16xf32>, vector<400x16xf32> -> vector<400x16xf32>
    %mul3A_27 = vector.broadcast %get3A_22 : vector<400x1xf32> to vector<400x16xf32>
    %mul3A_28 = arith.mulf %mul3A_27, %dot_general3A_26 : vector<400x16xf32>
    %swap3A = arith.constant 0 : index
    %swap3A_29 = arith.constant 0 : index
    %swap3A_30 = vector.load %arg7[%swap3A, %swap3A_29] : memref<400x16xf32, #tpu.memory_space<vmem>>, vector<400x16xf32>
    tpu.vector_store %arg7[%swap3A, %swap3A_29], %mul3A_28 {strides = array<i32>} : memref<400x16xf32, #tpu.memory_space<vmem>>, vector<400x16xf32>,
    return
  }
  func.func @transform_0(%arg0: i32) -> (i32, i32) {
    %c0_i32 = arith.constant 0 : i32
    %c0_i32_0 = arith.constant 0 : i32
    return %arg0, %c0_i32 : i32, i32
  }
  func.func @transform_1(%arg0: i32) -> (i32, i32) {
    %c0_i32 = arith.constant 0 : i32
    %c0_i32_0 = arith.constant 0 : i32
    return %arg0, %c0_i32 : i32, i32
  }
  func.func @transform_2(%arg0: i32) -> (i32, i32) {
    %c0_i32 = arith.constant 0 : i32
    %c0_i32_0 = arith.constant 0 : i32
    return %arg0, %c0_i32 : i32, i32
  }
  func.func @transform_3(%arg0: i32) -> (i32, i32) {
    %c0_i32 = arith.constant 0 : i32
    %c0_i32_0 = arith.constant 0 : i32
    return %arg0, %c0_i32 : i32, i32
  }
  func.func @transform_4(%arg0: i32) -> (i32, i32) {
    %c0_i32 = arith.constant 0 : i32
    %c0_i32_0 = arith.constant 0 : i32
    %c0_i32_1 = arith.constant 0 : i32
    return %c0_i32, %c0_i32_0 : i32, i32
  }
  func.func @transform_5(%arg0: i32) -> (i32, i32) {
    %c0_i32 = arith.constant 0 : i32
    %c0_i32_0 = arith.constant 0 : i32
    %c0_i32_1 = arith.constant 0 : i32
    return %c0_i32, %c0_i32_0 : i32, i32
  }
  func.func @transform_6(%arg0: i32) -> (i32, i32) {
    %c0_i32 = arith.constant 0 : i32
    %c0_i32_0 = arith.constant 0 : i32
    return %arg0, %c0_i32 : i32, i32
  }
}

module attributes {stable_mosaic.version = 14 : i64} {
  func.func @body(%arg0: i32, %arg1: memref<400x16xf32, #tpu.memory_space<vmem>>, %arg2: memref<400x16xf32, #tpu.memory_space<vmem>>, %arg3: memref<400x16xf32, #tpu.memory_space<vmem>>, %arg4: memref<400x1xf32, #tpu.memory_space<vmem>>, %arg5: memref<1x16xf32, #tpu.memory_space<vmem>>, %arg6: memref<400x16xf32, #tpu.memory_space<vmem>>) attributes {dimension_semantics = [#tpu.dimension_semantics<arbitrary>], iteration_bounds = array<i64: 25>, scalar_prefetch = 0 : i64, scratch_operands = 0 : i64, tpu.core_type = #tpu.core_type<tc>, window_params = [{transform_indices = @transform_0, window_bounds = array<i64: 400, 16>}, {transform_indices = @transform_1, window_bounds = array<i64: 400, 16>}, {transform_indices = @transform_2, window_bounds = array<i64: 400, 16>}, {transform_indices = @transform_3, window_bounds = array<i64: 400, 1>}, {pipeline_mode = #tpu.pipeline_mode<synchronous>, transform_indices = @transform_4, window_bounds = array<i64: 1, 16>}, {transform_indices = @transform_5, window_bounds = array<i64: 400, 16>}]} {
    %get3A = arith.constant 0 : index
    %get3A_0 = arith.constant 0 : index
    %get3A_1 = vector.load %arg4[%get3A, %get3A_0] : memref<400x1xf32, #tpu.memory_space<vmem>>, vector<400x1xf32>
    %get3A_2 = arith.constant 0 : index
    %get3A_3 = arith.constant 0 : index
    %get3A_4 = vector.load %arg1[%get3A_2, %get3A_3] : memref<400x16xf32, #tpu.memory_space<vmem>>, vector<400x16xf32>
    %get3A_5 = arith.constant 0 : index
    %get3A_6 = arith.constant 0 : index
    %get3A_7 = vector.load %arg2[%get3A_5, %get3A_6] : memref<400x16xf32, #tpu.memory_space<vmem>>, vector<400x16xf32>
    %add3A = arith.addf %get3A_4, %get3A_7 : vector<400x16xf32>
    %get3A_8 = arith.constant 0 : index
    %get3A_9 = arith.constant 0 : index
    %get3A_10 = vector.load %arg3[%get3A_8, %get3A_9] : memref<400x16xf32, #tpu.memory_space<vmem>>, vector<400x16xf32>
    %add3A_11 = arith.addf %add3A, %get3A_10 : vector<400x16xf32>
    %mul3A = vector.broadcast %get3A_1 : vector<400x1xf32> to vector<400x16xf32>
    %mul3A_12 = arith.mulf %mul3A, %add3A_11 : vector<400x16xf32>
    %get3A_13 = arith.constant 0 : index
    %get3A_14 = arith.constant 0 : index
    %get3A_15 = vector.load %arg5[%get3A_13, %get3A_14] : memref<1x16xf32, #tpu.memory_space<vmem>>, vector<1x16xf32>
    %add3A_16 = vector.broadcast %get3A_15 : vector<1x16xf32> to vector<400x16xf32>
    %add3A_17 = arith.addf %mul3A_12, %add3A_16 : vector<400x16xf32>
    %max3A = arith.constant 0.000000e+00 : f32
    %max3A_18 = vector.broadcast %max3A : f32 to vector<400x16xf32>
    %max3A_19 = arith.maximumf %add3A_17, %max3A_18 : vector<400x16xf32>
    %swap3A = arith.constant 0 : index
    %swap3A_20 = arith.constant 0 : index
    %swap3A_21 = vector.load %arg6[%swap3A, %swap3A_20] : memref<400x16xf32, #tpu.memory_space<vmem>>, vector<400x16xf32>
    tpu.vector_store %arg6[%swap3A, %swap3A_20], %max3A_19 {strides = array<i32>} : memref<400x16xf32, #tpu.memory_space<vmem>>, vector<400x16xf32>,
    return
  }
  func.func @transform_0(%arg0: i32) -> (i32, i32) {
    %c0_i32 = arith.constant 0 : i32
    %c0_i32_0 = arith.constant 0 : i32
    return %arg0, %c0_i32 : i32, i32
  }
  func.func @transform_1(%arg0: i32) -> (i32, i32) {
    %c0_i32 = arith.constant 0 : i32
    %c0_i32_0 = arith.constant 0 : i32
    return %arg0, %c0_i32 : i32, i32
  }
  func.func @transform_2(%arg0: i32) -> (i32, i32) {
    %c0_i32 = arith.constant 0 : i32
    %c0_i32_0 = arith.constant 0 : i32
    return %arg0, %c0_i32 : i32, i32
  }
  func.func @transform_3(%arg0: i32) -> (i32, i32) {
    %c0_i32 = arith.constant 0 : i32
    %c0_i32_0 = arith.constant 0 : i32
    return %arg0, %c0_i32 : i32, i32
  }
  func.func @transform_4(%arg0: i32) -> (i32, i32) {
    %c0_i32 = arith.constant 0 : i32
    %c0_i32_0 = arith.constant 0 : i32
    %c0_i32_1 = arith.constant 0 : i32
    return %c0_i32, %c0_i32_0 : i32, i32
  }
  func.func @transform_5(%arg0: i32) -> (i32, i32) {
    %c0_i32 = arith.constant 0 : i32
    %c0_i32_0 = arith.constant 0 : i32
    return %arg0, %c0_i32 : i32, i32
  }
}

module attributes {stable_mosaic.version = 14 : i64} {
  func.func @body(%arg0: memref<64x16xf32, #tpu.memory_space<vmem>>, %arg1: memref<64x16xf32, #tpu.memory_space<vmem>>, %arg2: memref<64x1xf32, #tpu.memory_space<vmem>>, %arg3: memref<64x1xf32, #tpu.memory_space<vmem>>, %arg4: memref<16x10xf32, #tpu.memory_space<vmem>>, %arg5: memref<1x10xf32, #tpu.memory_space<vmem>>, %arg6: memref<64x10xf32, #tpu.memory_space<vmem>>) attributes {dimension_semantics = [], scalar_prefetch = 0 : i64, scratch_operands = 0 : i64, tpu.core_type = #tpu.core_type<tc>} {
    %get3A = arith.constant 0 : index
    %get3A_0 = arith.constant 0 : index
    %get3A_1 = vector.load %arg0[%get3A, %get3A_0] : memref<64x16xf32, #tpu.memory_space<vmem>>, vector<64x16xf32>
    %get3A_2 = arith.constant 0 : index
    %get3A_3 = arith.constant 0 : index
    %get3A_4 = vector.load %arg1[%get3A_2, %get3A_3] : memref<64x16xf32, #tpu.memory_space<vmem>>, vector<64x16xf32>
    %add3A = arith.addf %get3A_1, %get3A_4 : vector<64x16xf32>
    %get3A_5 = arith.constant 0 : index
    %get3A_6 = arith.constant 0 : index
    %get3A_7 = vector.load %arg2[%get3A_5, %get3A_6] : memref<64x1xf32, #tpu.memory_space<vmem>>, vector<64x1xf32>
    %get3A_8 = arith.constant 0 : index
    %get3A_9 = arith.constant 0 : index
    %get3A_10 = vector.load %arg3[%get3A_8, %get3A_9] : memref<64x1xf32, #tpu.memory_space<vmem>>, vector<64x1xf32>
    %add3A_11 = arith.addf %get3A_7, %get3A_10 : vector<64x1xf32>
    %max3A = arith.constant 1.000000e+00 : f32
    %max3A_12 = vector.broadcast %max3A : f32 to vector<64x1xf32>
    %max3A_13 = arith.maximumf %add3A_11, %max3A_12 : vector<64x1xf32>
    %get3A_14 = arith.constant 0 : index
    %get3A_15 = arith.constant 0 : index
    %get3A_16 = vector.load %arg4[%get3A_14, %get3A_15] : memref<16x10xf32, #tpu.memory_space<vmem>>, vector<16x10xf32>
    %dot_general3A = arith.constant dense<0.000000e+00> : vector<64x10xf32>
    %dot_general3A_17 = tpu.matmul %add3A, %get3A_16, %dot_general3A {dimension_numbers = #tpu.dot_dimension_numbers<[1], [0], [0], [1], [0, 0, 1, 1], [], []>, transpose_lhs_hint = false} : vector<64x16xf32>, vector<16x10xf32>, vector<64x10xf32> -> vector<64x10xf32>
    %div3A = vector.broadcast %max3A_13 : vector<64x1xf32> to vector<64x10xf32>
    %div3A_18 = arith.divf %dot_general3A_17, %div3A : vector<64x10xf32>
    %get3A_19 = arith.constant 0 : index
    %get3A_20 = arith.constant 0 : index
    %get3A_21 = vector.load %arg5[%get3A_19, %get3A_20] : memref<1x10xf32, #tpu.memory_space<vmem>>, vector<1x10xf32>
    %add3A_22 = vector.broadcast %get3A_21 : vector<1x10xf32> to vector<64x10xf32>
    %add3A_23 = arith.addf %div3A_18, %add3A_22 : vector<64x10xf32>
    %swap3A = arith.constant 0 : index
    %swap3A_24 = arith.constant 0 : index
    %swap3A_25 = vector.load %arg6[%swap3A, %swap3A_24] : memref<64x10xf32, #tpu.memory_space<vmem>>, vector<64x10xf32>
    tpu.vector_store %arg6[%swap3A, %swap3A_24], %add3A_23 {strides = array<i32>} : memref<64x10xf32, #tpu.memory_space<vmem>>, vector<64x10xf32>,
    return
  }
}

</mosaic_0001>

<sc_bundles>
// kernel: kernel.15.cloned.1.call-start
scs
__scs_entry_jumppad:
0x0: {  	(pc) =	sbr.rel $0x88, $3  }
0x1: {  	(tag) =	ssettag $0x0;
	lr =	simm.s32 $0x1  }
0x2: {  	[smem:$0x3F94] =	sst lr;
	_ =	strace $0xD0000000  }
0x3: {  	_ = 	snop  }
0x4: {  	_ = 	snop  }
0x5: {  	_ = 	snop  }
0x6: {  	_ = 	snop  }
0x7: {  	_ = 	snop  }
__scs_overlays_trampoline_lowered:
0x8: {  	[smem:$0x3FA3] =	sst s0  }
0x9: {  	[smem:$0x3FA4] =	sst s1  }
0xa: {  	[smem:$0x3FA5] =	sst s2  }
0xb: {  	[smem:$0x3FA6] =	sst s3  }
0xc: {  	[smem:$0x3FA7] =	sst s4  }
0xd: {  	[smem:$0x3FA8] =	sst s5  }
0xe: {  	[smem:$0x3FA9] =	sst s6  }
0xf: {  	[smem:$0x3FAA] =	sst s7  }
0x10: {  	[smem:$0x3FAB] =	sst s8  }
0x11: {  	[smem:$0x3FAC] =	sst s9;
	s0 =	simm.s32 @!p0 $0x0  }
0x12: {  	s1 =	sld [smem:$0x3F92];
	s0 =	simm.s32 @p0 $0x1  }
0x13: {  	[smem:$0x3FAD] =	sst s0;
	s0 =	simm.s32 @!p1 $0x0  }
0x14: {  	s2 =	sld [smem:$0x3F91];
	s0 =	simm.s32 @p1 $0x1  }
0x15: {  	[smem:$0x3FAE] =	sst s0;
	s0 =	simm.s32 @!p2 $0x0  }
0x16: {  	s3 =	sld [smem:$0x3FDB];
	s0 =	simm.s32 @p2 $0x1  }
0x17: {  	s4 =	simm.s32 $0x1BF5;
	[smem:$0x3FB0] =	sst s0  }
0x18: {  	s0 =	sld [smem:$0x3F93];
	_ =	swait.ge [sflag:s4], $0x0  }
0x19: {  	s7 =	sld [smem:$0x3F94]  }
0x1a: {  	s8 =	sadd.s32 $0xFFFFE003, lr  }
0x1b: {  	s9 =	sadd.s32 $0xFFFFFEF7, lr;
	s5 =	simm.s32 $0xFFFFFFFF;
	p2 =	slt.u32 s8, $0xFFFFF086  }
0x1c: {  	p1 =	slt.u32 s9, $0xF7A;
	s5 =	simm.s32 @!p2 $0x0  }
0x1d: {  	s5 =	simm.s32 @p1 $0x1;
	p0 =	seq.s32 s7, s2  }
0x1e: {  	s7 =	smul.u32 @!p0 $0xF7A, s2;
	p2 =	seq.s32 @!p0 s5, $0x0  }
0x1f: {  	s9 =	smul.u32 $0xF7A, s1;
	s8 =	simm.s32 @!p0 $0x1BF5;
	p2 =	por !p2, p0  }
0x20: {  	[sflag:s8] =	ssyncset.s32 @!p0 $0xFFFFF086;
	s6 =	sadd.s32 @!p0 s3, s7;
	s7 =	simm.s32 @!p0 $0x108  }
0x21: {  	s3 =	sadd.s32 s3, s9;
	s6 =	sadd.s32 @!p0 $0x88, s6;
	s7 =	simm.s32 @p2 $0x1082  }
0x22: {  	[simem:s7], [sflag:s8] =	dma.local @!p0 [hbm:s6], $0xF7A  }
0x23: {  	s9 =	sor.u32 $0xD0000000, s2;
	s6 =	simm.s32 $0x108;
	_ =	swait.ge @!p0 [sflag:s8], $0x0  }
0x24: {  	s3 =	sadd.s32 $0x88, s3;
	s6 =	simm.s32 @!p1 $0x1082;
	[sflag:s4] =	ssyncset.s32 $0xFFFFF086  }
0x25: {  	[simem:s6], [sflag:s4] =	dma.local [hbm:s3], $0xF7A  }
0x26: {  	[smem:$0x3F94] =	sst s1;
	(tag) =	ssettag s2;
	_ =	strace s9  }
0x27: {  	s1 =	sld [smem:$0x3FA4]  }
0x28: {  	s2 =	sld [smem:$0x3FA5]  }
0x29: {  	s4 =	sld [smem:$0x3FA7]  }
0x2a: {  	p0 =	seq.s32 s5, $0x0;
	s5 =	sld [smem:$0x3FA8]  }
0x2b: {  	s6 =	sld [smem:$0x3FA9]  }
0x2c: {  	s7 =	sld [smem:$0x3FAA]  }
0x2d: {  	s3 =	simm.s32 $0x108;
	s8 =	sld [smem:$0x3FAB]  }
0x2e: {  	s3 =	simm.s32 @!p0 $0x1082;
	s9 =	sld [smem:$0x3FAC]  }
0x2f: {  	lr =	sadd.s32 s0, s3;
	s0 =	sld [smem:$0x3FA3]  }
0x30: {  	s3 =	sld [smem:$0x3FA6]  }
0x31: {  	[smem:$0x3FAF] =	sst s10  }
0x32: {  	s10 =	sld [smem:$0x3FAD];
	_ =	sdelay $0x3  }
0x33: {  	p0 =	seq.s32 s10, $0x1;
	s10 =	sld [smem:$0x3FAF];
	_ =	sdelay $0x3  }
0x34: {  	[smem:$0x3FAF] =	sst s10  }
0x35: {  	s10 =	sld [smem:$0x3FAE];
	_ =	sdelay $0x3  }
0x36: {  	p1 =	seq.s32 s10, $0x1;
	s10 =	sld [smem:$0x3FAF];
	_ =	sdelay $0x3  }
0x37: {  	[smem:$0x3FAF] =	sst s10  }
0x38: {  	s10 =	sld [smem:$0x3FB0]  }
0x39: {  	_ = 	snop;
	(pc) =	sbr.ind lr, $3  }
0x3a: {  	_ = 	snop  }
0x3b: {  	_ = 	snop  }
0x3c: {  	p2 =	seq.s32 s10, $0x1;
	s10 =	sld [smem:$0x3FAF]  }
0x3d: {  	_ =	shalt  }
0x3e: {  	_ =	shalt  }
0x3f: {  	_ =	shalt  }
0x40: {  	_ =	shalt  }
0x41: {  	_ =	shalt  }
0x42: {  	_ =	shalt  }
0x43: {  	_ =	shalt  }
0x44: {  	_ =	shalt  }
0x45: {  	_ =	shalt  }
0x46: {  	_ =	shalt  }
0x47: {  	_ =	shalt  }
0x48: {  	_ =	shalt  }
0x49: {  	_ =	shalt  }
0x4a: {  	_ =	shalt  }
0x4b: {  	_ =	shalt  }
0x4c: {  	_ =	shalt  }
0x4d: {  	_ =	shalt  }
0x4e: {  	_ =	shalt  }
0x4f: {  	_ =	shalt  }
0x50: {  	_ =	shalt  }
0x51: {  	_ =	shalt  }
0x52: {  	_ =	shalt  }
0x53: {  	_ =	shalt  }
0x54: {  	_ =	shalt  }
0x55: {  	_ =	shalt  }
0x56: {  	_ =	shalt  }
0x57: {  	_ =	shalt  }
0x58: {  	_ =	shalt  }
0x59: {  	_ =	shalt  }
0x5a: {  	_ =	shalt  }
0x5b: {  	_ =	shalt  }
0x5c: {  	_ =	shalt  }
0x5d: {  	_ =	shalt  }
0x5e: {  	_ =	shalt  }
0x5f: {  	_ =	shalt  }
0x60: {  	_ =	shalt  }
0x61: {  	_ =	shalt  }
0x62: {  	_ =	shalt  }
0x63: {  	_ =	shalt  }
0x64: {  	_ =	shalt  }
0x65: {  	_ =	shalt  }
0x66: {  	_ =	shalt  }
0x67: {  	_ =	shalt  }
0x68: {  	_ =	shalt  }
0x69: {  	_ =	shalt  }
0x6a: {  	_ =	shalt  }
0x6b: {  	_ =	shalt  }
0x6c: {  	_ =	shalt  }
0x6d: {  	_ =	shalt  }
0x6e: {  	_ =	shalt  }
0x6f: {  	_ =	shalt  }
0x70: {  	_ =	shalt  }
0x71: {  	_ =	shalt  }
0x72: {  	_ =	shalt  }
0x73: {  	_ =	shalt  }
0x74: {  	_ =	shalt  }
0x75: {  	_ =	shalt  }
0x76: {  	_ =	shalt  }
0x77: {  	_ =	shalt  }
0x78: {  	_ =	shalt  }
0x79: {  	_ =	shalt  }
0x7a: {  	_ =	shalt  }
0x7b: {  	_ =	shalt  }
0x7c: {  	_ =	shalt  }
0x7d: {  	_ =	shalt  }
0x7e: {  	_ =	shalt  }
0x7f: {  	_ =	shalt  }
0x80: {  	_ =	shalt  }
0x81: {  	_ =	shalt  }
0x82: {  	_ =	shalt  }
0x83: {  	_ =	shalt  }
0x84: {  	_ =	shalt  }
0x85: {  	_ =	shalt  }
0x86: {  	_ =	shalt  }
0x87: {  	_ =	shalt  }
.Lfunc_end0:
.L_simem_size_0:
called_computation_lowered:
.L_overlay_start_0:
0x88: {  	s2 =	sld [smem:$0x3FD9]  }
0x89: {  	s3 =	sld [smem:$0x3FFE];
	_ =	sdelay $0x1  }
0x8a: {  	s1 =	srdreg.scid  }
0x8b: {  	s0 =	sand.u32 $0x1, s1  }
0x8c: {  	s16 =	sshll.u32 s0, $0xA;
	s2 =	sadd.s32 s3, s2  }
0x8d: {  	s2 =	sadd.s32 s2, s16  }
0x8e: {  	[smem:$0x3FBB] =	sst s2  }
0x8f: {  	_ = 	snop  }
0x90: {  	(tm) =	ssettm $0x1  }
0x91: {  	s17 =	sld [smem:$0x3FFB];
	_ =	sdelay $0x3  }
0x92: {  	_ =	strace s17  }
0x93: {  	s2 =	sld [smem:$0x3FFC];
	_ =	sdelay $0x3  }
0x94: {  	_ =	strace s2  }
0x95: {  	s2 =	sld [smem:$0x3FFD];
	_ =	sdelay $0x3  }
0x96: {  	_ =	strace s2  }
0x97: {  	_ =	strace $0x8FFFFFFF  }
0x98: {  	s18 =	sld [smem:$0x3FDB];
	_ =	sdelay $0x1  }
0x99: {  	s19 =	simm.s32 $_scs_section_size  }
0x9a: {  	s4 =	simm.s32 $_size__tile_overlayer_lowered;
	s5 =	simm.s32 $_tile_overlayer_lowered  }
0x9b: {  	s22 =	simm.s32 $0x1BFF;
	s21 =	sshll.u32 s5, $0x1;
	s2 =	sadd.s32 s19, s18  }
0x9c: {  	s6 =	simm.s32 $0x0;
	s20 =	sshll.u32 s4, $0x1;
	s4 =	sadd.s32 s21, s2  }
0x9d: {  	[timem:s6], [sflag:s22] =	dma.local [hbm:s4], s20  }
0x9e: {  	_ =	swait.ge [sflag:s22], s20  }
0x9f: {  	s3 =	ssub.s32 $0x0, s20;
	[sflag:s22] =	ssyncset.done $0x0  }
0xa0: {  	[sflag:s22] =	ssyncadd.s32 s3;
	_ =	sdelay $0x1  }
0xa1: {  	s23 =	simm.s32 $0x1B8B  }
0xa2: {  	_ =	swait.ge [sflag:s23], $0x1  }
0xa3: {  	[sflag:s23] =	ssyncset.done $0x0  }
0xa4: {  	s25 =	simm.s32 $0x1B8E;
	s24 =	sld [smem:$0x3FFE];
	[sflag:s23] =	ssyncadd.s32 $0xFFFFFFFF  }
0xa5: {  	s26 =	simm.s32 $execute0_lowered;
	[smem:$0x3FD2] =	sst s25  }
0xa6: {  	s4 =	sshll.u32 s26, $0x1;
	_ =	strace $0x80000046;
	[dreg:$0x1] =	wrdreg $0xFFFFFFFF  }
0xa7: {  	s28 =	simm.s32 $_size_execute0_lowered;
	s2 =	sadd.s32 s2, s4;
	[dreg:$0x0] =	wrdreg $0x0  }
0xa8: {  	s4 =	sshll.u32 s28, $0x1;
	[dreg:$0x2] =	wrdreg s2  }
0xa9: {  	[dreg:$0x3] =	wrdreg s4  }
0xaa: {  	[dreg:$0x4] =	wrdreg $0xC0  }
0xab: {  	_ =	task [dreg:s6], $0x5FFFF  }
0xac: {  	[dreg:$0x1] =	wrdreg $0xFFFFFFFF  }
0xad: {  	[dreg:$0x0] =	wrdreg $0x60  }
0xae: {  	[dreg:$0x2] =	wrdreg s24  }
0xaf: {  	[dreg:$0x3] =	wrdreg $0x30800  }
0xb0: {  	[dreg:$0x4] =	wrdreg $0x9  }
0xb1: {  	_ =	task.clear_ibuf [dreg:s6], $0x5FFFF;
	_ =	strace $0x90000046  }
0xb2: {  	s29 =	simm.s32 $0x9;
	_ =	strace $0x80000048  }
0xb3: {  	_ =	swait.ge [sflag:s29], $0x1  }
0xb4: {  	[sflag:s29] =	ssyncadd.s32 $0xFFFFFFFF  }
0xb5: {  	_ =	strace $0x90000048  }
0xb6: {  	_ =	sfence  }
0xb7: {  	s30 =	sld [smem:$0x0];
	_ =	sdelay $0x2  }
0xb8: {  	s31 =	sshll.u32 s1, $0xD;
	s1 =	sshrl.u32 s1, $0x2  }
0xb9: {  	s3 =	sand.u32 $0x4000, s31;
	s1 =	sadd.s32 s1, s30  }
0xba: {  	s0 =	sor.u32 s3, s0;
	s1 =	sshll.u32 s1, $0x11  }
0xbb: {  	s0 =	sor.u32 s1, s0  }
0xbc: {  	s0 =	sadd.s32 $0x8F2B, s0  }
0xbd: {  	[sflag:s0] =	ssyncadd.remote.s32 $0x1  }
0xbe: {  	_ =	sfence.sel $0xFFFF  }
0xbf: {  	[dreg:$0x0] =	wrdreg $0xFFFFFFFF;
	(pc) =	sbr.abs _section_cstart, $3  }
0xc0: {  	[dreg:$0x1] =	wrdreg $0xFFFFFFFF  }
0xc1: {  	_ =	task.clear_ibuf [dreg:s6], $0x2FFFF;
	_ =	strace $0x9FFFFFFF  }
0xc2: {  	(tm) =	ssettm $0x7FFFFFFF  }
0xc3: {  	_ =	shalt  }
tec
execute0_lowered:
.L_overlay_start_1:
0x0: {  	(tag) =	ssettag $0x1  }
0x1: {  	s4 =	rddreg [dreg:$0x0];
	s0 =	srdreg.scid  }
0x2: {  	s2 =	rddreg [dreg:$0x1];
	s1 =	stileid.u32  }
0x3: {  	s3 =	simm.s32 $0x0;
	s13 =	simm.s32 $0x1;
	s14 =	simm.s32 $0x2880  }
0x4: {  	s15 =	simm.s32 $0x80;
	s5 =	sand.u32 $0x1, s0;
	s0 =	rddreg [dreg:$0x2]  }
0x5: {  	s18 =	simm.s32 $0x0;
	s7 =	smul.u32 $0x2880, s1;
	[smem:$0x7FF] =	sst s3  }
0x6: {  	s9 =	smul.u32 $0xA200, s1;
	s16 =	sshll.u32 s1, $0x6;
	s6 =	sshll.u32 s5, $0x4  }
0x7: {  	s8 =	smul.u32 $0x28800, s5;
	_ =	strace $0x80000047;
	s5 =	ssub.s32 $0x2, s5  }
0x8: {  	s16 =	sor.u32 $0x1C01, s16;
	s6 =	sor.u32 s1, s6;
	s30 =	sshrl.u32 s5, $0x1  }
0x9: {  	s31 =	sshrl.u32 s9, $0x2;
	s6 =	smul.u32 $0x510, s6;
	s8 =	sadd.s32 s7, s8  }
0xa: {  	s12 =	ssub.s32 s5, s30;
	s10 =	sadd.s32 s31, s2;
	s5 =	sadd.s32 s7, s2  }
0xb: {  	s8 =	sshrl.u32 s8, $0x3;
	s7 =	sadd.s32 $0x1000, s10;
	s9 =	sadd.s32 $0x2000, s10  }
0xc: {  	s12 =	smax.u32 s12, $0x1;
	s17 =	sshrl.u32 s5, $0x3;
	s6 =	sadd.s32 s6, s4  }
0xd: {  	s11 =	sadd.s32 s8, s4;
	s8 =	sadd.s32 $0x1800, s10;
	s4 =	sadd.s32 $0x4200, s6  }
0xe: {  	v0 =	vimm.f32 $0.0e+00;
	v1 =	vimm.f32 $1.000000000e+00;
	s6 =	sadd.s32 $0x800, s10;
	s10 =	sadd.s32 $0x2800, s10;
	s11 =	sadd.s32 $0xE600, s11  }
.LBB2_1:
0xf: {  	[tilespmem:s3], [sflag:$0x1] =	stream.linear.gather [hbm4b:s4+s3], $0x2880, $0x38;
	[tilespmem:$0x5900] =	vst v63  }
0x10: {  	_ =	swait.ge [sflag:s13], $0x2880  }
0x11: {  	[sflag:s13] =	ssyncset.done $0x0  }
0x12: {  	s19 =	simm.s32 $0x40;
	s20 =	simm.s32 $0x0;
	[sflag:s13] =	ssyncadd.s32 $0xFFFFD780  }
.LBB2_2:
0x13: {  	p0 =	sne.s32 s19, $0x1FC0;
	[tilespmem:s20+$0x2880] =	vst v0;
	s20 =	smov.u32 s19;
	s19 =	sadd.s32 $0x40, s19  }
.Ltmp0:
0x14: {  	(pc) =	sbr.rel @p0 .LBB2_2-.Ltmp0, $2  }
0x15: {  	_ =	sdelay $0x2  }
0x16: {  	s20 =	sshra.s32 s20, $0x2  }
0x17: {  	[tilespmem:s20+$0x2880] =	vst v0  }
0x18: {  	[spmem:s5] =	stream.linear.scatter [tilespmem:s14], [sflag:$0x1], $0x800, $0x38;
	[tilespmem:$0x5900] =	vst v63  }
0x19: {  	_ =	swait.ge [sflag:s13], $0x800  }
0x1a: {  	[sflag:s13] =	ssyncset.done $0x0  }
0x1b: {  	[sflag:s13] =	ssyncadd.s32 $0xFFFFF800  }
0x1c: {  	[spmem:s6] =	stream.linear.scatter [tilespmem:s14], [sflag:$0x1], $0x800, $0x38;
	[tilespmem:$0x5900] =	vst v63  }
0x1d: {  	_ =	swait.ge [sflag:s13], $0x800  }
0x1e: {  	[sflag:s13] =	ssyncset.done $0x0  }
0x1f: {  	[sflag:s13] =	ssyncadd.s32 $0xFFFFF800  }
0x20: {  	[spmem:s7] =	stream.linear.scatter [tilespmem:s14], [sflag:$0x1], $0x800, $0x38;
	[tilespmem:$0x5900] =	vst v63  }
0x21: {  	_ =	swait.ge [sflag:s13], $0x800  }
0x22: {  	[sflag:s13] =	ssyncset.done $0x0  }
0x23: {  	[sflag:s13] =	ssyncadd.s32 $0xFFFFF800  }
0x24: {  	[spmem:s8] =	stream.linear.scatter [tilespmem:s14], [sflag:$0x1], $0x800, $0x38;
	[tilespmem:$0x5900] =	vst v63  }
0x25: {  	_ =	swait.ge [sflag:s13], $0x800  }
0x26: {  	[sflag:s13] =	ssyncset.done $0x0  }
0x27: {  	[sflag:s13] =	ssyncadd.s32 $0xFFFFF800  }
0x28: {  	[spmem:s9] =	stream.linear.scatter [tilespmem:s14], [sflag:$0x1], $0x800, $0x38;
	[tilespmem:$0x5900] =	vst v63  }
0x29: {  	_ =	swait.ge [sflag:s13], $0x800  }
0x2a: {  	[sflag:s13] =	ssyncset.done $0x0  }
0x2b: {  	[sflag:s13] =	ssyncadd.s32 $0xFFFFF800  }
0x2c: {  	[spmem:s10] =	stream.linear.scatter [tilespmem:s14], [sflag:$0x1], $0x80, $0x38;
	[tilespmem:$0x5900] =	vst v63  }
0x2d: {  	_ =	swait.ge [sflag:s13], $0x80  }
0x2e: {  	[sflag:s13] =	ssyncset.done $0x0  }
0x2f: {  	s19 =	simm.s32 $0x40;
	s20 =	simm.s32 $0x0;
	[sflag:s13] =	ssyncadd.s32 $0xFFFFFF80  }
.LBB2_4:
0x30: {  	p0 =	sne.s32 s19, $0x1FC0;
	[tilespmem:s20+$0x2880] =	vst v1;
	s20 =	smov.u32 s19;
	s19 =	sadd.s32 $0x40, s19  }
.Ltmp1:
0x31: {  	(pc) =	sbr.rel @p0 .LBB2_4-.Ltmp1, $2  }
0x32: {  	_ =	sdelay $0x2  }
0x33: {  	s20 =	sshra.s32 s20, $0x2  }
0x34: {  	[tilespmem:s20+$0x2880] =	vst v1  }
0x35: {  	s19 =	simm.s32 $0x0;
	[bflag:$0x0] =	sbarrier.arrive $0xFFFF  }
0x36: {  	[spmem:s2] =	stream.indirect.scatter.add.f32 [tilespmem:s14], [sflag:$0x1], $0x10, s19, s15, $0xb8;
	[tilespmem:$0x5900] =	vst v63  }
0x37: {  	_ =	swait.ge [sflag:s13], $0x800  }
0x38: {  	s19 =	simm.s32 $0x200;
	[sflag:s13] =	ssyncset.done $0x0  }
.LBB2_6:
0x39: {  	s20 =	sshra.s32 s19, $0x2;
	[sflag:s13] =	ssyncadd.s32 $0xFFFFF800;
	p0 =	sne.s32 s19, $0xA000  }
0x3a: {  	[spmem:s2] =	stream.indirect.scatter.add.f32 [tilespmem:s14], [sflag:$0x1], $0x10, s20, s15, $0xb8;
	[tilespmem:$0x5900] =	vst v63  }
.Ltmp2:
0x3b: {  	_ = 	snop;
	(pc) =	sbr.rel @p0 .LBB2_6-.Ltmp2, $4  }
0x3c: {  	_ = 	snop  }
0x3d: {  	s19 =	sadd.s32 $0x200, s19  }
0x3e: {  	_ =	swait.ge [sflag:s13], $0x800  }
0x3f: {  	[sflag:s13] =	ssyncset.done $0x0  }
0x40: {  	s18 =	sadd.s32 $0x1, s18  }
0x41: {  	[sflag:s13] =	ssyncadd.s32 $0xFFFFF800;
	p0 =	sne.s32 s18, s12  }
.Ltmp3:
0x42: {  	[bflag:$0x0] =	sbarrier.arrive $0xFFFF;
	(pc) =	sbr.rel @p0 .LBB2_1-.Ltmp3, $4  }
0x43: {  	[hbm:s11], [sflag:s16] =	dma.local [spmem:s17], $0x510  }
0x44: {  	_ =	swait.ge [sflag:s13], $0x510  }
0x45: {  	[sflag:s13] =	ssyncset.done $0x0  }
0x46: {  	[sflag:s13] =	ssyncadd.s32 $0xFFFFFAF0  }
0x47: {  	_ =	sfence.sel $0x180000  }
0x48: {  	[bflag:$0x0] =	sbarrier.arrive $0xFFFF  }
0x49: {  	p0 =	sne.s32 s1, $0x0;
	_ =	strace $0x90000047  }
0x4a: {  	s0 =	sadd.s32 @!p0 $0x100000, s0;
	[bflag:$0x2] =	sbarrier.arrive $0xFFFF  }
0x4b: {  	[sflag:s0] =	ssyncadd.tile.s32 @!p0 $0x1;
	_ =	shalt  }
.Lfunc_end2:
_tile_overlayer_lowered:
.L_overlay_start_2:
0x4c: {  	(tag) =	ssettag $0x2  }
0x4d: {  	s0 =	rddreg [dreg:$0x0];
	s2 =	stileid.u32  }
0x4e: {  	s1 =	rddreg [dreg:$0x1];
	p0 =	sne.s32 s2, $0x0  }
0x4f: {  	s3 =	rddreg [dreg:$0x2];
	[bflag:$0x3] =	sbarrier.arrive $0xFFFF;
	s2 =	simm.s32 @!p0 $0x1C01  }
0x50: {  	[timem:s3], [sflag:s2] =	dma.local @!p0 [hbm:s0], s1  }
0x51: {  	s0 =	simm.s32 @!p0 $0x1  }
0x52: {  	_ =	swait.ge @!p0 [sflag:s0], s1  }
0x53: {  	s1 =	ssub.s32 @!p0 $0x0, s1;
	[sflag:s0] =	ssyncset.done @!p0 $0x0  }
0x54: {  	[sflag:s0] =	ssyncadd.s32 @!p0 s1  }
0x55: {  	[bflag:$0x3] =	sbarrier.arrive $0xFFFF  }
0x56: {  	_ =	shalt  }

// kernel: kernel.18.cloned.1.call-start
scs
__scs_entry_jumppad:
0x0: {  	(pc) =	sbr.rel $0x88, $3  }
0x1: {  	(tag) =	ssettag $0x0;
	lr =	simm.s32 $0x1  }
0x2: {  	[smem:$0x3F94] =	sst lr;
	_ =	strace $0xD0000000  }
0x3: {  	_ = 	snop  }
0x4: {  	_ = 	snop  }
0x5: {  	_ = 	snop  }
0x6: {  	_ = 	snop  }
0x7: {  	_ = 	snop  }
__scs_overlays_trampoline_lowered:
0x8: {  	[smem:$0x3FA3] =	sst s0  }
0x9: {  	[smem:$0x3FA4] =	sst s1  }
0xa: {  	[smem:$0x3FA5] =	sst s2  }
0xb: {  	[smem:$0x3FA6] =	sst s3  }
0xc: {  	[smem:$0x3FA7] =	sst s4  }
0xd: {  	[smem:$0x3FA8] =	sst s5  }
0xe: {  	[smem:$0x3FA9] =	sst s6  }
0xf: {  	[smem:$0x3FAA] =	sst s7  }
0x10: {  	[smem:$0x3FAB] =	sst s8  }
0x11: {  	[smem:$0x3FAC] =	sst s9;
	s0 =	simm.s32 @!p0 $0x0  }
0x12: {  	s1 =	sld [smem:$0x3F92];
	s0 =	simm.s32 @p0 $0x1  }
0x13: {  	[smem:$0x3FAD] =	sst s0;
	s0 =	simm.s32 @!p1 $0x0  }
0x14: {  	s2 =	sld [smem:$0x3F91];
	s0 =	simm.s32 @p1 $0x1  }
0x15: {  	[smem:$0x3FAE] =	sst s0;
	s0 =	simm.s32 @!p2 $0x0  }
0x16: {  	s3 =	sld [smem:$0x3FDB];
	s0 =	simm.s32 @p2 $0x1  }
0x17: {  	s4 =	simm.s32 $0x1BF5;
	[smem:$0x3FB0] =	sst s0  }
0x18: {  	s0 =	sld [smem:$0x3F93];
	_ =	swait.ge [sflag:s4], $0x0  }
0x19: {  	s7 =	sld [smem:$0x3F94]  }
0x1a: {  	s8 =	sadd.s32 $0xFFFFE003, lr  }
0x1b: {  	s9 =	sadd.s32 $0xFFFFFEF7, lr;
	s5 =	simm.s32 $0xFFFFFFFF;
	p2 =	slt.u32 s8, $0xFFFFF086  }
0x1c: {  	p1 =	slt.u32 s9, $0xF7A;
	s5 =	simm.s32 @!p2 $0x0  }
0x1d: {  	s5 =	simm.s32 @p1 $0x1;
	p0 =	seq.s32 s7, s2  }
0x1e: {  	s7 =	smul.u32 @!p0 $0xF7A, s2;
	p2 =	seq.s32 @!p0 s5, $0x0  }
0x1f: {  	s9 =	smul.u32 $0xF7A, s1;
	s8 =	simm.s32 @!p0 $0x1BF5;
	p2 =	por !p2, p0  }
0x20: {  	[sflag:s8] =	ssyncset.s32 @!p0 $0xFFFFF086;
	s6 =	sadd.s32 @!p0 s3, s7;
	s7 =	simm.s32 @!p0 $0x108  }
0x21: {  	s3 =	sadd.s32 s3, s9;
	s6 =	sadd.s32 @!p0 $0x88, s6;
	s7 =	simm.s32 @p2 $0x1082  }
0x22: {  	[simem:s7], [sflag:s8] =	dma.local @!p0 [hbm:s6], $0xF7A  }
0x23: {  	s9 =	sor.u32 $0xD0000000, s2;
	s6 =	simm.s32 $0x108;
	_ =	swait.ge @!p0 [sflag:s8], $0x0  }
0x24: {  	s3 =	sadd.s32 $0x88, s3;
	s6 =	simm.s32 @!p1 $0x1082;
	[sflag:s4] =	ssyncset.s32 $0xFFFFF086  }
0x25: {  	[simem:s6], [sflag:s4] =	dma.local [hbm:s3], $0xF7A  }
0x26: {  	[smem:$0x3F94] =	sst s1;
	(tag) =	ssettag s2;
	_ =	strace s9  }
0x27: {  	s1 =	sld [smem:$0x3FA4]  }
0x28: {  	s2 =	sld [smem:$0x3FA5]  }
0x29: {  	s4 =	sld [smem:$0x3FA7]  }
0x2a: {  	p0 =	seq.s32 s5, $0x0;
	s5 =	sld [smem:$0x3FA8]  }
0x2b: {  	s6 =	sld [smem:$0x3FA9]  }
0x2c: {  	s7 =	sld [smem:$0x3FAA]  }
0x2d: {  	s3 =	simm.s32 $0x108;
	s8 =	sld [smem:$0x3FAB]  }
0x2e: {  	s3 =	simm.s32 @!p0 $0x1082;
	s9 =	sld [smem:$0x3FAC]  }
0x2f: {  	lr =	sadd.s32 s0, s3;
	s0 =	sld [smem:$0x3FA3]  }
0x30: {  	s3 =	sld [smem:$0x3FA6]  }
0x31: {  	[smem:$0x3FAF] =	sst s10  }
0x32: {  	s10 =	sld [smem:$0x3FAD];
	_ =	sdelay $0x3  }
0x33: {  	p0 =	seq.s32 s10, $0x1;
	s10 =	sld [smem:$0x3FAF];
	_ =	sdelay $0x3  }
0x34: {  	[smem:$0x3FAF] =	sst s10  }
0x35: {  	s10 =	sld [smem:$0x3FAE];
	_ =	sdelay $0x3  }
0x36: {  	p1 =	seq.s32 s10, $0x1;
	s10 =	sld [smem:$0x3FAF];
	_ =	sdelay $0x3  }
0x37: {  	[smem:$0x3FAF] =	sst s10  }
0x38: {  	s10 =	sld [smem:$0x3FB0]  }
0x39: {  	_ = 	snop;
	(pc) =	sbr.ind lr, $3  }
0x3a: {  	_ = 	snop  }
0x3b: {  	_ = 	snop  }
0x3c: {  	p2 =	seq.s32 s10, $0x1;
	s10 =	sld [smem:$0x3FAF]  }
0x3d: {  	_ =	shalt  }
0x3e: {  	_ =	shalt  }
0x3f: {  	_ =	shalt  }
0x40: {  	_ =	shalt  }
0x41: {  	_ =	shalt  }
0x42: {  	_ =	shalt  }
0x43: {  	_ =	shalt  }
0x44: {  	_ =	shalt  }
0x45: {  	_ =	shalt  }
0x46: {  	_ =	shalt  }
0x47: {  	_ =	shalt  }
0x48: {  	_ =	shalt  }
0x49: {  	_ =	shalt  }
0x4a: {  	_ =	shalt  }
0x4b: {  	_ =	shalt  }
0x4c: {  	_ =	shalt  }
0x4d: {  	_ =	shalt  }
0x4e: {  	_ =	shalt  }
0x4f: {  	_ =	shalt  }
0x50: {  	_ =	shalt  }
0x51: {  	_ =	shalt  }
0x52: {  	_ =	shalt  }
0x53: {  	_ =	shalt  }
0x54: {  	_ =	shalt  }
0x55: {  	_ =	shalt  }
0x56: {  	_ =	shalt  }
0x57: {  	_ =	shalt  }
0x58: {  	_ =	shalt  }
0x59: {  	_ =	shalt  }
0x5a: {  	_ =	shalt  }
0x5b: {  	_ =	shalt  }
0x5c: {  	_ =	shalt  }
0x5d: {  	_ =	shalt  }
0x5e: {  	_ =	shalt  }
0x5f: {  	_ =	shalt  }
0x60: {  	_ =	shalt  }
0x61: {  	_ =	shalt  }
0x62: {  	_ =	shalt  }
0x63: {  	_ =	shalt  }
0x64: {  	_ =	shalt  }
0x65: {  	_ =	shalt  }
0x66: {  	_ =	shalt  }
0x67: {  	_ =	shalt  }
0x68: {  	_ =	shalt  }
0x69: {  	_ =	shalt  }
0x6a: {  	_ =	shalt  }
0x6b: {  	_ =	shalt  }
0x6c: {  	_ =	shalt  }
0x6d: {  	_ =	shalt  }
0x6e: {  	_ =	shalt  }
0x6f: {  	_ =	shalt  }
0x70: {  	_ =	shalt  }
0x71: {  	_ =	shalt  }
0x72: {  	_ =	shalt  }
0x73: {  	_ =	shalt  }
0x74: {  	_ =	shalt  }
0x75: {  	_ =	shalt  }
0x76: {  	_ =	shalt  }
0x77: {  	_ =	shalt  }
0x78: {  	_ =	shalt  }
0x79: {  	_ =	shalt  }
0x7a: {  	_ =	shalt  }
0x7b: {  	_ =	shalt  }
0x7c: {  	_ =	shalt  }
0x7d: {  	_ =	shalt  }
0x7e: {  	_ =	shalt  }
0x7f: {  	_ =	shalt  }
0x80: {  	_ =	shalt  }
0x81: {  	_ =	shalt  }
0x82: {  	_ =	shalt  }
0x83: {  	_ =	shalt  }
0x84: {  	_ =	shalt  }
0x85: {  	_ =	shalt  }
0x86: {  	_ =	shalt  }
0x87: {  	_ =	shalt  }
.Lfunc_end0:
.L_simem_size_0:
called_computation.1_lowered:
.L_overlay_start_0:
0x88: {  	s2 =	sld [smem:$0x3FD9]  }
0x89: {  	s3 =	sld [smem:$0x3FFE];
	_ =	sdelay $0x1  }
0x8a: {  	s1 =	srdreg.scid  }
0x8b: {  	s0 =	sand.u32 $0x1, s1  }
0x8c: {  	s16 =	sshll.u32 s0, $0xA;
	s2 =	sadd.s32 s3, s2  }
0x8d: {  	s2 =	sadd.s32 s2, s16  }
0x8e: {  	[smem:$0x3FBB] =	sst s2  }
0x8f: {  	_ = 	snop  }
0x90: {  	(tm) =	ssettm $0x1  }
0x91: {  	s17 =	sld [smem:$0x3FFB];
	_ =	sdelay $0x3  }
0x92: {  	_ =	strace s17  }
0x93: {  	s2 =	sld [smem:$0x3FFC];
	_ =	sdelay $0x3  }
0x94: {  	_ =	strace s2  }
0x95: {  	s2 =	sld [smem:$0x3FFD];
	_ =	sdelay $0x3  }
0x96: {  	_ =	strace s2  }
0x97: {  	_ =	strace $0x8FFFFFFF  }
0x98: {  	s18 =	sld [smem:$0x3FDB];
	_ =	sdelay $0x1  }
0x99: {  	s19 =	simm.s32 $_scs_section_size  }
0x9a: {  	s4 =	simm.s32 $_size__tile_overlayer_lowered;
	s5 =	simm.s32 $_tile_overlayer_lowered  }
0x9b: {  	s22 =	simm.s32 $0x1BFF;
	s21 =	sshll.u32 s5, $0x1;
	s2 =	sadd.s32 s19, s18  }
0x9c: {  	s6 =	simm.s32 $0x0;
	s20 =	sshll.u32 s4, $0x1;
	s4 =	sadd.s32 s21, s2  }
0x9d: {  	[timem:s6], [sflag:s22] =	dma.local [hbm:s4], s20  }
0x9e: {  	_ =	swait.ge [sflag:s22], s20  }
0x9f: {  	s3 =	ssub.s32 $0x0, s20;
	[sflag:s22] =	ssyncset.done $0x0  }
0xa0: {  	[sflag:s22] =	ssyncadd.s32 s3;
	_ =	sdelay $0x1  }
0xa1: {  	s23 =	simm.s32 $0x1B8B  }
0xa2: {  	_ =	swait.ge [sflag:s23], $0x1  }
0xa3: {  	[sflag:s23] =	ssyncset.done $0x0  }
0xa4: {  	s25 =	simm.s32 $0x1B8E;
	s24 =	sld [smem:$0x3FFE];
	[sflag:s23] =	ssyncadd.s32 $0xFFFFFFFF  }
0xa5: {  	s26 =	simm.s32 $execute0_lowered;
	[smem:$0x3FD2] =	sst s25  }
0xa6: {  	s4 =	sshll.u32 s26, $0x1;
	_ =	strace $0x80000049;
	[dreg:$0x1] =	wrdreg $0xFFFFFFFF  }
0xa7: {  	s28 =	simm.s32 $_size_execute0_lowered;
	s2 =	sadd.s32 s2, s4;
	[dreg:$0x0] =	wrdreg $0x0  }
0xa8: {  	s4 =	sshll.u32 s28, $0x1;
	[dreg:$0x2] =	wrdreg s2  }
0xa9: {  	[dreg:$0x3] =	wrdreg s4  }
0xaa: {  	[dreg:$0x4] =	wrdreg $0xC0  }
0xab: {  	_ =	task [dreg:s6], $0x5FFFF  }
0xac: {  	[dreg:$0x1] =	wrdreg $0xFFFFFFFF  }
0xad: {  	[dreg:$0x0] =	wrdreg $0x60  }
0xae: {  	[dreg:$0x2] =	wrdreg s24  }
0xaf: {  	[dreg:$0x3] =	wrdreg $0xC1000  }
0xb0: {  	[dreg:$0x4] =	wrdreg $0x9  }
0xb1: {  	_ =	task.clear_ibuf [dreg:s6], $0x5FFFF;
	_ =	strace $0x90000049  }
0xb2: {  	s29 =	simm.s32 $0x9;
	_ =	strace $0x8000004B  }
0xb3: {  	_ =	swait.ge [sflag:s29], $0x1  }
0xb4: {  	[sflag:s29] =	ssyncadd.s32 $0xFFFFFFFF  }
0xb5: {  	_ =	strace $0x9000004B  }
0xb6: {  	_ =	sfence  }
0xb7: {  	s30 =	sld [smem:$0x0];
	_ =	sdelay $0x2  }
0xb8: {  	s31 =	sshll.u32 s1, $0xD;
	s1 =	sshrl.u32 s1, $0x2  }
0xb9: {  	s3 =	sand.u32 $0x4000, s31;
	s1 =	sadd.s32 s1, s30  }
0xba: {  	s0 =	sor.u32 s3, s0;
	s1 =	sshll.u32 s1, $0x11  }
0xbb: {  	s0 =	sor.u32 s1, s0  }
0xbc: {  	s0 =	sadd.s32 $0x8F2B, s0  }
0xbd: {  	[sflag:s0] =	ssyncadd.remote.s32 $0x1  }
0xbe: {  	_ =	sfence.sel $0xFFFF  }
0xbf: {  	[dreg:$0x0] =	wrdreg $0xFFFFFFFF;
	(pc) =	sbr.abs _section_cstart, $3  }
0xc0: {  	[dreg:$0x1] =	wrdreg $0xFFFFFFFF  }
0xc1: {  	_ =	task.clear_ibuf [dreg:s6], $0x2FFFF;
	_ =	strace $0x9FFFFFFF  }
0xc2: {  	(tm) =	ssettm $0x7FFFFFFF  }
0xc3: {  	_ =	shalt  }
tec
execute0_lowered:
.L_overlay_start_1:
0x0: {  	(tag) =	ssettag $0x1  }
0x1: {  	s6 =	rddreg [dreg:$0x0]  }
0x2: {  	s1 =	rddreg [dreg:$0x1]  }
0x3: {  	s0 =	rddreg [dreg:$0x2];
	s3 =	simm.s32 $0x0;
	s4 =	srdreg.scid  }
0x4: {  	s2 =	stileid.u32;
	s14 =	simm.s32 $0x40;
	s18 =	simm.s32 $0x100  }
0x5: {  	s19 =	simm.s32 $0x3;
	s20 =	simm.s32 $0x4100;
	s21 =	simm.s32 $0x80  }
0x6: {  	s22 =	simm.s32 $0x8100;
	s23 =	simm.s32 $0x1;
	s24 =	simm.s32 $0x2  }
0x7: {  	s25 =	simm.s32 $0x0;
	[smem:$0x7FF] =	sst s3;
	s7 =	sand.u32 $0x1, s4  }
0x8: {  	s30 =	sshll.u32 s2, $0xC;
	s5 =	sshll.u32 s2, $0xE;
	s8 =	smul.u32 $0x13C00, s2  }
0x9: {  	s4 =	sadd.s32 $0x2DA00, s6;
	s10 =	smul.u32 $0x4F000, s2;
	_ =	strace $0x8000004A  }
0xa: {  	p0 =	seq.s32 s7, $0x0;
	s17 =	sor.u32 $0x40000, s30;
	s9 =	smul.u32 $0x13C000, s7  }
0xb: {  	s7 =	ssub.s32 $0x2, s7;
	s17 =	smov.u32 @p0 s5;
	s5 =	sadd.s32 $0x23800, s6  }
0xc: {  	s13 =	sshrl.u32 s7, $0x1;
	s10 =	sshrl.u32 s10, $0x2;
	s14 =	simm.s32 @!p0 $0x10  }
0xd: {  	s11 =	sshrl.u32 s17, $0x3;
	s9 =	sadd.s32 s8, s9;
	s16 =	ssub.s32 s7, s13  }
0xe: {  	s31 =	sadd.s32 s10, s1;
	s7 =	sadd.s32 s8, s1;
	s17 =	sor.u32 $0x180, s17  }
0xf: {  	s12 =	sadd.s32 s11, s6;
	s9 =	sshrl.u32 s9, $0x3;
	s8 =	sadd.s32 $0x4000, s31  }
0x10: {  	s10 =	sadd.s32 $0xC000, s31;
	s11 =	sadd.s32 s5, s11;
	s16 =	smax.u32 s16, $0x1  }
0x11: {  	s15 =	sadd.s32 s9, s6;
	s6 =	sadd.s32 $0x18800, s12;
	s9 =	sadd.s32 $0x8000, s31  }
0x12: {  	v0 =	vimm.f32 $0.0e+00;
	s12 =	sadd.s32 $0x10000, s31;
	s13 =	sadd.s32 $0x10, s11;
	s15 =	sadd.s32 $0x54C00, s15  }
.LBB2_1:
0x13: {  	[tilespmem:s18], [sflag:$0x3] =	stream.linear.gather [hbm4b:s6+s3], $0x4000, $0x38;
	[tilespmem:$0x1FD00] =	vst v63  }
0x14: {  	_ =	swait.ge [sflag:s19], $0x4000  }
0x15: {  	[sflag:s19] =	ssyncset.done $0x0  }
0x16: {  	s26 =	simm.s32 $0x0;
	s28 =	simm.s32 $0x200;
	[sflag:s19] =	ssyncadd.s32 $0xFFFFC000  }
.LBB2_2:
0x17: {  	p0 =	sne.s32 s28, $0xFE00;
	[tilespmem:s26+$0x4170] =	vst v0  }
0x18: {  	[tilespmem:s26+$0x4100] =	vst v0  }
0x19: {  	[tilespmem:s26+$0x4110] =	vst v0  }
.Ltmp0:
0x1a: {  	[tilespmem:s26+$0x4120] =	vst v0;
	(pc) =	sbr.rel @p0 .LBB2_2-.Ltmp0, $4  }
0x1b: {  	[tilespmem:s26+$0x4130] =	vst v0  }
0x1c: {  	[tilespmem:s26+$0x4140] =	vst v0  }
0x1d: {  	[tilespmem:s26+$0x4150] =	vst v0  }
0x1e: {  	[tilespmem:s26+$0x4160] =	vst v0;
	s26 =	sshra.s32 s28, $0x2;
	s28 =	sadd.s32 $0x200, s28  }
0x1f: {  	[tilespmem:s26+$0x4170] =	vst v0  }
0x20: {  	[tilespmem:s26+$0x4100] =	vst v0  }
0x21: {  	[tilespmem:s26+$0x4110] =	vst v0  }
0x22: {  	[tilespmem:s26+$0x4120] =	vst v0  }
0x23: {  	[tilespmem:s26+$0x4130] =	vst v0  }
0x24: {  	[tilespmem:s26+$0x4140] =	vst v0  }
0x25: {  	[tilespmem:s26+$0x4150] =	vst v0  }
0x26: {  	[tilespmem:s26+$0x4160] =	vst v0  }
0x27: {  	[spmem:s7] =	stream.linear.scatter [tilespmem:s20], [sflag:$0x3], $0x4000, $0x38;
	[tilespmem:$0x1FD00] =	vst v63  }
0x28: {  	_ =	swait.ge [sflag:s19], $0x4000  }
0x29: {  	[sflag:s19] =	ssyncset.done $0x0  }
0x2a: {  	[sflag:s19] =	ssyncadd.s32 $0xFFFFC000  }
0x2b: {  	[spmem:s8] =	stream.linear.scatter [tilespmem:s20], [sflag:$0x3], $0x4000, $0x38;
	[tilespmem:$0x1FD00] =	vst v63  }
0x2c: {  	_ =	swait.ge [sflag:s19], $0x4000  }
0x2d: {  	[sflag:s19] =	ssyncset.done $0x0  }
0x2e: {  	[sflag:s19] =	ssyncadd.s32 $0xFFFFC000  }
0x2f: {  	[spmem:s9] =	stream.linear.scatter [tilespmem:s20], [sflag:$0x3], $0x4000, $0x38;
	[tilespmem:$0x1FD00] =	vst v63  }
0x30: {  	_ =	swait.ge [sflag:s19], $0x4000  }
0x31: {  	[sflag:s19] =	ssyncset.done $0x0  }
0x32: {  	[sflag:s19] =	ssyncadd.s32 $0xFFFFC000  }
0x33: {  	[spmem:s10] =	stream.linear.scatter [tilespmem:s20], [sflag:$0x3], $0x4000, $0x38;
	[tilespmem:$0x1FD00] =	vst v63  }
0x34: {  	_ =	swait.ge [sflag:s19], $0x4000  }
0x35: {  	[sflag:s19] =	ssyncset.done $0x0  }
0x36: {  	[sflag:s19] =	ssyncadd.s32 $0xFFFFC000  }
0x37: {  	[spmem:s12] =	stream.linear.scatter [tilespmem:s20], [sflag:$0x3], $0x3C00, $0x38;
	[tilespmem:$0x1FD00] =	vst v63  }
0x38: {  	_ =	swait.ge [sflag:s19], $0x3C00  }
0x39: {  	[sflag:s19] =	ssyncset.done $0x0  }
0x3a: {  	[sflag:s19] =	ssyncadd.s32 $0xFFFFC400  }
0x3b: {  	[bflag:$0x0] =	sbarrier.arrive $0xFFFF  }
0x3c: {  	[tilespmem:s3], [sflag:$0x3] =	stream.linear.gather [hbm4b:s11+s3], $0x80, $0x38;
	[tilespmem:$0x1FD00] =	vst v63  }
0x3d: {  	_ =	swait.ge [sflag:s19], $0x80  }
0x3e: {  	[sflag:s19] =	ssyncset.done $0x0  }
0x3f: {  	[sflag:s19] =	ssyncadd.s32 $0xFFFFFF80  }
0x40: {  	[tilespmem:s20], [sflag:$0x1] =	stream.indirect.gather [hbm4b:s4+s21], $0x80, s3, s21, $0xb8;
	[tilespmem:$0x1FD00] =	vst v63  }
0x41: {  	_ = 	snop  }
0x42: {  	[tilespmem:s21], [sflag:$0x3] =	stream.linear.gather [hbm4b:s13+s3], $0x80, $0x38;
	[tilespmem:$0x1FD00] =	vst v63  }
0x43: {  	_ =	swait.ge [sflag:s19], $0x80  }
0x44: {  	[sflag:s19] =	ssyncset.done $0x0  }
0x45: {  	[sflag:s19] =	ssyncadd.s32 $0xFFFFFF80  }
0x46: {  	[tilespmem:s22], [sflag:$0x2] =	stream.indirect.gather [hbm4b:s4+s21], $0x80, s21, s21, $0xb8;
	[tilespmem:$0x1FD00] =	vst v63  }
0x47: {  	s31 =	sadd.s32 $0xFFFFFF80, s17;
	_ =	swait.ge [sflag:s23], $0x4000  }
0x48: {  	s26 =	sshrl.u32 s31, $0x3;
	[sflag:s23] =	ssyncset.done $0x0  }
0x49: {  	s26 =	sadd.s32 s5, s26;
	[sflag:s23] =	ssyncadd.s32 $0xFFFFC000  }
0x4a: {  	[tilespmem:s3], [sflag:$0x3] =	stream.linear.gather [hbm4b:s26+s3], $0x80, $0x38;
	[tilespmem:$0x1FD00] =	vst v63  }
0x4b: {  	_ =	swait.ge [sflag:s19], $0x80  }
0x4c: {  	[sflag:s19] =	ssyncset.done $0x0  }
0x4d: {  	s30 =	simm.s32 $0x100;
	[sflag:s19] =	ssyncadd.s32 $0xFFFFFF80  }
0x4e: {  	[spmem:s1] =	stream.indirect.scatter.add.f32 [tilespmem:s20], [sflag:$0x3], $0x80, s30, s21, $0xb8;
	[tilespmem:$0x1FD00] =	vst v63  }
0x4f: {  	_ =	swait.ge [sflag:s19], $0x4000  }
0x50: {  	[sflag:s19] =	ssyncset.done $0x0  }
0x51: {  	[sflag:s19] =	ssyncadd.s32 $0xFFFFC000  }
0x52: {  	[tilespmem:s20], [sflag:$0x1] =	stream.indirect.gather [hbm4b:s4+s21], $0x80, s3, s21, $0xb8;
	[tilespmem:$0x1FD00] =	vst v63  }
0x53: {  	_ =	swait.ge [sflag:s24], $0x4000  }
0x54: {  	s31 =	sshrl.u32 s17, $0x3;
	[sflag:s24] =	ssyncset.done $0x0  }
0x55: {  	s26 =	sadd.s32 s5, s31;
	[sflag:s24] =	ssyncadd.s32 $0xFFFFC000  }
0x56: {  	[tilespmem:s21], [sflag:$0x3] =	stream.linear.gather [hbm4b:s26+s3], $0x80, $0x38;
	[tilespmem:$0x1FD00] =	vst v63  }
0x57: {  	p0 =	sne.s32 s14, $0x1;
	_ =	swait.ge [sflag:s19], $0x80  }
.Ltmp1:
0x58: {  	[sflag:s19] =	ssyncset.done $0x0;
	(pc) =	sbr.rel @!p0 .LBB2_5-.Ltmp1, $4  }
0x59: {  	s26 =	simm.s32 $0x180;
	[sflag:s19] =	ssyncadd.s32 $0xFFFFFF80  }
0x5a: {  	[spmem:s1] =	stream.indirect.scatter.add.f32 [tilespmem:s22], [sflag:$0x3], $0x80, s26, s21, $0xb8;
	[tilespmem:$0x1FD00] =	vst v63  }
0x5b: {  	_ =	swait.ge [sflag:s19], $0x4000  }
0x5c: {  	s28 =	sadd.s32 $0xFFFFFFFF, s14;
	s29 =	smov.u32 s17;
	[sflag:s19] =	ssyncset.done $0x0  }
.LBB2_4:
0x5d: {  	[sflag:s19] =	ssyncadd.s32 $0xFFFFC000;
	s26 =	sadd.s32 $0x100, s26;
	s29 =	sadd.s32 $0x100, s29  }
0x5e: {  	[tilespmem:s22], [sflag:$0x2] =	stream.indirect.gather [hbm4b:s4+s21], $0x80, s21, s21, $0xb8;
	[tilespmem:$0x1FD00] =	vst v63  }
0x5f: {  	p0 =	sne.s32 s28, $0x1;
	s30 =	sadd.s32 $0xFFFFFF80, s29;
	_ =	swait.ge [sflag:s23], $0x4000  }
0x60: {  	s28 =	sadd.s32 $0xFFFFFFFF, s28;
	s30 =	sshrl.u32 s30, $0x3;
	[sflag:s23] =	ssyncset.done $0x0  }
0x61: {  	s30 =	sadd.s32 s5, s30;
	[sflag:s23] =	ssyncadd.s32 $0xFFFFC000  }
0x62: {  	[tilespmem:s3], [sflag:$0x3] =	stream.linear.gather [hbm4b:s30+s3], $0x80, $0x38;
	[tilespmem:$0x1FD00] =	vst v63  }
0x63: {  	_ =	swait.ge [sflag:s19], $0x80  }
0x64: {  	[sflag:s19] =	ssyncset.done $0x0  }
0x65: {  	s30 =	sadd.s32 $0xFFFFFF80, s26;
	[sflag:s19] =	ssyncadd.s32 $0xFFFFFF80  }
0x66: {  	[spmem:s1] =	stream.indirect.scatter.add.f32 [tilespmem:s20], [sflag:$0x3], $0x80, s30, s21, $0xb8;
	[tilespmem:$0x1FD00] =	vst v63  }
0x67: {  	_ =	swait.ge [sflag:s19], $0x4000  }
0x68: {  	[sflag:s19] =	ssyncset.done $0x0  }
0x69: {  	[sflag:s19] =	ssyncadd.s32 $0xFFFFC000  }
0x6a: {  	[tilespmem:s20], [sflag:$0x1] =	stream.indirect.gather [hbm4b:s4+s21], $0x80, s3, s21, $0xb8;
	[tilespmem:$0x1FD00] =	vst v63  }
0x6b: {  	_ =	swait.ge [sflag:s24], $0x4000  }
0x6c: {  	s30 =	sshrl.u32 s29, $0x3;
	[sflag:s24] =	ssyncset.done $0x0  }
0x6d: {  	s30 =	sadd.s32 s5, s30;
	[sflag:s24] =	ssyncadd.s32 $0xFFFFC000  }
0x6e: {  	[tilespmem:s21], [sflag:$0x3] =	stream.linear.gather [hbm4b:s30+s3], $0x80, $0x38;
	[tilespmem:$0x1FD00] =	vst v63  }
0x6f: {  	_ =	swait.ge [sflag:s19], $0x80  }
.Ltmp2:
0x70: {  	[sflag:s19] =	ssyncset.done $0x0;
	(pc) =	sbr.rel @p0 .LBB2_4-.Ltmp2, $4  }
0x71: {  	[sflag:s19] =	ssyncadd.s32 $0xFFFFFF80  }
0x72: {  	[spmem:s1] =	stream.indirect.scatter.add.f32 [tilespmem:s22], [sflag:$0x3], $0x80, s26, s21, $0xb8;
	[tilespmem:$0x1FD00] =	vst v63  }
0x73: {  	_ =	swait.ge [sflag:s19], $0x4000  }
0x74: {  	[sflag:s19] =	ssyncset.done $0x0  }
.LBB2_5:
0x75: {  	[sflag:s19] =	ssyncadd.s32 $0xFFFFC000  }
0x76: {  	_ =	swait.ge [sflag:s23], $0x4000  }
0x77: {  	s26 =	sshll.u32 s2, $0x6;
	s25 =	sadd.s32 $0x1, s25;
	[sflag:s23] =	ssyncset.done $0x0  }
0x78: {  	s28 =	sshrl.u32 s7, $0x3;
	p0 =	sne.s32 s25, s16;
	[sflag:s23] =	ssyncadd.s32 $0xFFFFC000  }
.Ltmp3:
0x79: {  	s26 =	sor.u32 $0x1C03, s26;
	[bflag:$0x0] =	sbarrier.arrive $0xFFFF;
	(pc) =	sbr.rel @p0 .LBB2_1-.Ltmp3, $4  }
0x7a: {  	[hbm:s15], [sflag:s26] =	dma.local [spmem:s28], $0x2780  }
0x7b: {  	_ =	swait.ge [sflag:s19], $0x2780  }
0x7c: {  	[sflag:s19] =	ssyncset.done $0x0  }
0x7d: {  	[sflag:s19] =	ssyncadd.s32 $0xFFFFD880  }
0x7e: {  	_ =	sfence.sel $0x180000  }
0x7f: {  	[bflag:$0x0] =	sbarrier.arrive $0xFFFF  }
0x80: {  	p0 =	sne.s32 s2, $0x0;
	_ =	strace $0x9000004A  }
0x81: {  	s0 =	sadd.s32 @!p0 $0x100000, s0;
	[bflag:$0x2] =	sbarrier.arrive $0xFFFF  }
0x82: {  	[sflag:s0] =	ssyncadd.tile.s32 @!p0 $0x1;
	_ =	shalt  }
.Lfunc_end2:
_tile_overlayer_lowered:
.L_overlay_start_2:
0x83: {  	(tag) =	ssettag $0x2  }
0x84: {  	s0 =	rddreg [dreg:$0x0];
	s2 =	stileid.u32  }
0x85: {  	s1 =	rddreg [dreg:$0x1];
	p0 =	sne.s32 s2, $0x0  }
0x86: {  	s3 =	rddreg [dreg:$0x2];
	[bflag:$0x3] =	sbarrier.arrive $0xFFFF;
	s2 =	simm.s32 @!p0 $0x1C03  }
0x87: {  	[timem:s3], [sflag:s2] =	dma.local @!p0 [hbm:s0], s1  }
0x88: {  	s0 =	simm.s32 @!p0 $0x3  }
0x89: {  	_ =	swait.ge @!p0 [sflag:s0], s1  }
0x8a: {  	s1 =	ssub.s32 @!p0 $0x0, s1;
	[sflag:s0] =	ssyncset.done @!p0 $0x0  }
0x8b: {  	[sflag:s0] =	ssyncadd.s32 @!p0 s1  }
0x8c: {  	[bflag:$0x3] =	sbarrier.arrive $0xFFFF  }
0x8d: {  	_ =	shalt  }

// kernel: kernel.21.cloned.1.call-start
scs
__scs_entry_jumppad:
0x0: {  	(pc) =	sbr.rel $0x88, $3  }
0x1: {  	(tag) =	ssettag $0x0;
	lr =	simm.s32 $0x1  }
0x2: {  	[smem:$0x3F94] =	sst lr;
	_ =	strace $0xD0000000  }
0x3: {  	_ = 	snop  }
0x4: {  	_ = 	snop  }
0x5: {  	_ = 	snop  }
0x6: {  	_ = 	snop  }
0x7: {  	_ = 	snop  }
__scs_overlays_trampoline_lowered:
0x8: {  	[smem:$0x3FA3] =	sst s0  }
0x9: {  	[smem:$0x3FA4] =	sst s1  }
0xa: {  	[smem:$0x3FA5] =	sst s2  }
0xb: {  	[smem:$0x3FA6] =	sst s3  }
0xc: {  	[smem:$0x3FA7] =	sst s4  }
0xd: {  	[smem:$0x3FA8] =	sst s5  }
0xe: {  	[smem:$0x3FA9] =	sst s6  }
0xf: {  	[smem:$0x3FAA] =	sst s7  }
0x10: {  	[smem:$0x3FAB] =	sst s8  }
0x11: {  	[smem:$0x3FAC] =	sst s9;
	s0 =	simm.s32 @!p0 $0x0  }
0x12: {  	s1 =	sld [smem:$0x3F92];
	s0 =	simm.s32 @p0 $0x1  }
0x13: {  	[smem:$0x3FAD] =	sst s0;
	s0 =	simm.s32 @!p1 $0x0  }
0x14: {  	s2 =	sld [smem:$0x3F91];
	s0 =	simm.s32 @p1 $0x1  }
0x15: {  	[smem:$0x3FAE] =	sst s0;
	s0 =	simm.s32 @!p2 $0x0  }
0x16: {  	s3 =	sld [smem:$0x3FDB];
	s0 =	simm.s32 @p2 $0x1  }
0x17: {  	s4 =	simm.s32 $0x1BF5;
	[smem:$0x3FB0] =	sst s0  }
0x18: {  	s0 =	sld [smem:$0x3F93];
	_ =	swait.ge [sflag:s4], $0x0  }
0x19: {  	s7 =	sld [smem:$0x3F94]  }
0x1a: {  	s8 =	sadd.s32 $0xFFFFE003, lr  }
0x1b: {  	s9 =	sadd.s32 $0xFFFFFEF7, lr;
	s5 =	simm.s32 $0xFFFFFFFF;
	p2 =	slt.u32 s8, $0xFFFFF086  }
0x1c: {  	p1 =	slt.u32 s9, $0xF7A;
	s5 =	simm.s32 @!p2 $0x0  }
0x1d: {  	s5 =	simm.s32 @p1 $0x1;
	p0 =	seq.s32 s7, s2  }
0x1e: {  	s7 =	smul.u32 @!p0 $0xF7A, s2;
	p2 =	seq.s32 @!p0 s5, $0x0  }
0x1f: {  	s9 =	smul.u32 $0xF7A, s1;
	s8 =	simm.s32 @!p0 $0x1BF5;
	p2 =	por !p2, p0  }
0x20: {  	[sflag:s8] =	ssyncset.s32 @!p0 $0xFFFFF086;
	s6 =	sadd.s32 @!p0 s3, s7;
	s7 =	simm.s32 @!p0 $0x108  }
0x21: {  	s3 =	sadd.s32 s3, s9;
	s6 =	sadd.s32 @!p0 $0x88, s6;
	s7 =	simm.s32 @p2 $0x1082  }
0x22: {  	[simem:s7], [sflag:s8] =	dma.local @!p0 [hbm:s6], $0xF7A  }
0x23: {  	s9 =	sor.u32 $0xD0000000, s2;
	s6 =	simm.s32 $0x108;
	_ =	swait.ge @!p0 [sflag:s8], $0x0  }
0x24: {  	s3 =	sadd.s32 $0x88, s3;
	s6 =	simm.s32 @!p1 $0x1082;
	[sflag:s4] =	ssyncset.s32 $0xFFFFF086  }
0x25: {  	[simem:s6], [sflag:s4] =	dma.local [hbm:s3], $0xF7A  }
0x26: {  	[smem:$0x3F94] =	sst s1;
	(tag) =	ssettag s2;
	_ =	strace s9  }
0x27: {  	s1 =	sld [smem:$0x3FA4]  }
0x28: {  	s2 =	sld [smem:$0x3FA5]  }
0x29: {  	s4 =	sld [smem:$0x3FA7]  }
0x2a: {  	p0 =	seq.s32 s5, $0x0;
	s5 =	sld [smem:$0x3FA8]  }
0x2b: {  	s6 =	sld [smem:$0x3FA9]  }
0x2c: {  	s7 =	sld [smem:$0x3FAA]  }
0x2d: {  	s3 =	simm.s32 $0x108;
	s8 =	sld [smem:$0x3FAB]  }
0x2e: {  	s3 =	simm.s32 @!p0 $0x1082;
	s9 =	sld [smem:$0x3FAC]  }
0x2f: {  	lr =	sadd.s32 s0, s3;
	s0 =	sld [smem:$0x3FA3]  }
0x30: {  	s3 =	sld [smem:$0x3FA6]  }
0x31: {  	[smem:$0x3FAF] =	sst s10  }
0x32: {  	s10 =	sld [smem:$0x3FAD];
	_ =	sdelay $0x3  }
0x33: {  	p0 =	seq.s32 s10, $0x1;
	s10 =	sld [smem:$0x3FAF];
	_ =	sdelay $0x3  }
0x34: {  	[smem:$0x3FAF] =	sst s10  }
0x35: {  	s10 =	sld [smem:$0x3FAE];
	_ =	sdelay $0x3  }
0x36: {  	p1 =	seq.s32 s10, $0x1;
	s10 =	sld [smem:$0x3FAF];
	_ =	sdelay $0x3  }
0x37: {  	[smem:$0x3FAF] =	sst s10  }
0x38: {  	s10 =	sld [smem:$0x3FB0]  }
0x39: {  	_ = 	snop;
	(pc) =	sbr.ind lr, $3  }
0x3a: {  	_ = 	snop  }
0x3b: {  	_ = 	snop  }
0x3c: {  	p2 =	seq.s32 s10, $0x1;
	s10 =	sld [smem:$0x3FAF]  }
0x3d: {  	_ =	shalt  }
0x3e: {  	_ =	shalt  }
0x3f: {  	_ =	shalt  }
0x40: {  	_ =	shalt  }
0x41: {  	_ =	shalt  }
0x42: {  	_ =	shalt  }
0x43: {  	_ =	shalt  }
0x44: {  	_ =	shalt  }
0x45: {  	_ =	shalt  }
0x46: {  	_ =	shalt  }
0x47: {  	_ =	shalt  }
0x48: {  	_ =	shalt  }
0x49: {  	_ =	shalt  }
0x4a: {  	_ =	shalt  }
0x4b: {  	_ =	shalt  }
0x4c: {  	_ =	shalt  }
0x4d: {  	_ =	shalt  }
0x4e: {  	_ =	shalt  }
0x4f: {  	_ =	shalt  }
0x50: {  	_ =	shalt  }
0x51: {  	_ =	shalt  }
0x52: {  	_ =	shalt  }
0x53: {  	_ =	shalt  }
0x54: {  	_ =	shalt  }
0x55: {  	_ =	shalt  }
0x56: {  	_ =	shalt  }
0x57: {  	_ =	shalt  }
0x58: {  	_ =	shalt  }
0x59: {  	_ =	shalt  }
0x5a: {  	_ =	shalt  }
0x5b: {  	_ =	shalt  }
0x5c: {  	_ =	shalt  }
0x5d: {  	_ =	shalt  }
0x5e: {  	_ =	shalt  }
0x5f: {  	_ =	shalt  }
0x60: {  	_ =	shalt  }
0x61: {  	_ =	shalt  }
0x62: {  	_ =	shalt  }
0x63: {  	_ =	shalt  }
0x64: {  	_ =	shalt  }
0x65: {  	_ =	shalt  }
0x66: {  	_ =	shalt  }
0x67: {  	_ =	shalt  }
0x68: {  	_ =	shalt  }
0x69: {  	_ =	shalt  }
0x6a: {  	_ =	shalt  }
0x6b: {  	_ =	shalt  }
0x6c: {  	_ =	shalt  }
0x6d: {  	_ =	shalt  }
0x6e: {  	_ =	shalt  }
0x6f: {  	_ =	shalt  }
0x70: {  	_ =	shalt  }
0x71: {  	_ =	shalt  }
0x72: {  	_ =	shalt  }
0x73: {  	_ =	shalt  }
0x74: {  	_ =	shalt  }
0x75: {  	_ =	shalt  }
0x76: {  	_ =	shalt  }
0x77: {  	_ =	shalt  }
0x78: {  	_ =	shalt  }
0x79: {  	_ =	shalt  }
0x7a: {  	_ =	shalt  }
0x7b: {  	_ =	shalt  }
0x7c: {  	_ =	shalt  }
0x7d: {  	_ =	shalt  }
0x7e: {  	_ =	shalt  }
0x7f: {  	_ =	shalt  }
0x80: {  	_ =	shalt  }
0x81: {  	_ =	shalt  }
0x82: {  	_ =	shalt  }
0x83: {  	_ =	shalt  }
0x84: {  	_ =	shalt  }
0x85: {  	_ =	shalt  }
0x86: {  	_ =	shalt  }
0x87: {  	_ =	shalt  }
.Lfunc_end0:
.L_simem_size_0:
called_computation.2_lowered:
.L_overlay_start_0:
0x88: {  	s2 =	sld [smem:$0x3FD9]  }
0x89: {  	s3 =	sld [smem:$0x3FFE];
	_ =	sdelay $0x1  }
0x8a: {  	s1 =	srdreg.scid  }
0x8b: {  	s0 =	sand.u32 $0x1, s1  }
0x8c: {  	s16 =	sshll.u32 s0, $0xA;
	s2 =	sadd.s32 s3, s2  }
0x8d: {  	s2 =	sadd.s32 s2, s16  }
0x8e: {  	[smem:$0x3FBB] =	sst s2  }
0x8f: {  	_ = 	snop  }
0x90: {  	(tm) =	ssettm $0x1  }
0x91: {  	s17 =	sld [smem:$0x3FFB];
	_ =	sdelay $0x3  }
0x92: {  	_ =	strace s17  }
0x93: {  	s2 =	sld [smem:$0x3FFC];
	_ =	sdelay $0x3  }
0x94: {  	_ =	strace s2  }
0x95: {  	s2 =	sld [smem:$0x3FFD];
	_ =	sdelay $0x3  }
0x96: {  	_ =	strace s2  }
0x97: {  	_ =	strace $0x8FFFFFFF  }
0x98: {  	s18 =	sld [smem:$0x3FDB];
	_ =	sdelay $0x1  }
0x99: {  	s19 =	simm.s32 $_scs_section_size  }
0x9a: {  	s4 =	simm.s32 $_size__tile_overlayer_lowered;
	s5 =	simm.s32 $_tile_overlayer_lowered  }
0x9b: {  	s22 =	simm.s32 $0x1BFF;
	s21 =	sshll.u32 s5, $0x1;
	s2 =	sadd.s32 s19, s18  }
0x9c: {  	s6 =	simm.s32 $0x0;
	s20 =	sshll.u32 s4, $0x1;
	s4 =	sadd.s32 s21, s2  }
0x9d: {  	[timem:s6], [sflag:s22] =	dma.local [hbm:s4], s20  }
0x9e: {  	_ =	swait.ge [sflag:s22], s20  }
0x9f: {  	s3 =	ssub.s32 $0x0, s20;
	[sflag:s22] =	ssyncset.done $0x0  }
0xa0: {  	[sflag:s22] =	ssyncadd.s32 s3;
	_ =	sdelay $0x1  }
0xa1: {  	s23 =	simm.s32 $0x1B8B  }
0xa2: {  	_ =	swait.ge [sflag:s23], $0x1  }
0xa3: {  	[sflag:s23] =	ssyncset.done $0x0  }
0xa4: {  	s25 =	simm.s32 $0x1B8E;
	s24 =	sld [smem:$0x3FFE];
	[sflag:s23] =	ssyncadd.s32 $0xFFFFFFFF  }
0xa5: {  	s26 =	simm.s32 $execute0_lowered;
	[smem:$0x3FD2] =	sst s25  }
0xa6: {  	s4 =	sshll.u32 s26, $0x1;
	_ =	strace $0x8000004C;
	[dreg:$0x1] =	wrdreg $0xFFFFFFFF  }
0xa7: {  	s28 =	simm.s32 $_size_execute0_lowered;
	s2 =	sadd.s32 s2, s4;
	[dreg:$0x0] =	wrdreg $0x0  }
0xa8: {  	s4 =	sshll.u32 s28, $0x1;
	[dreg:$0x2] =	wrdreg s2  }
0xa9: {  	[dreg:$0x3] =	wrdreg s4  }
0xaa: {  	[dreg:$0x4] =	wrdreg $0xC0  }
0xab: {  	_ =	task [dreg:s6], $0x5FFFF  }
0xac: {  	[dreg:$0x1] =	wrdreg $0xFFFFFFFF  }
0xad: {  	[dreg:$0x0] =	wrdreg $0x60  }
0xae: {  	[dreg:$0x2] =	wrdreg s24  }
0xaf: {  	[dreg:$0x3] =	wrdreg $0x7D000  }
0xb0: {  	[dreg:$0x4] =	wrdreg $0x9  }
0xb1: {  	_ =	task.clear_ibuf [dreg:s6], $0x5FFFF;
	_ =	strace $0x9000004C  }
0xb2: {  	s29 =	simm.s32 $0x9;
	_ =	strace $0x8000004E  }
0xb3: {  	_ =	swait.ge [sflag:s29], $0x1  }
0xb4: {  	[sflag:s29] =	ssyncadd.s32 $0xFFFFFFFF  }
0xb5: {  	_ =	strace $0x9000004E  }
0xb6: {  	_ =	sfence  }
0xb7: {  	s30 =	sld [smem:$0x0];
	_ =	sdelay $0x2  }
0xb8: {  	s31 =	sshll.u32 s1, $0xD;
	s1 =	sshrl.u32 s1, $0x2  }
0xb9: {  	s3 =	sand.u32 $0x4000, s31;
	s1 =	sadd.s32 s1, s30  }
0xba: {  	s0 =	sor.u32 s3, s0;
	s1 =	sshll.u32 s1, $0x11  }
0xbb: {  	s0 =	sor.u32 s1, s0  }
0xbc: {  	s0 =	sadd.s32 $0x8F2B, s0  }
0xbd: {  	[sflag:s0] =	ssyncadd.remote.s32 $0x1  }
0xbe: {  	_ =	sfence.sel $0xFFFF  }
0xbf: {  	[dreg:$0x0] =	wrdreg $0xFFFFFFFF;
	(pc) =	sbr.abs _section_cstart, $3  }
0xc0: {  	[dreg:$0x1] =	wrdreg $0xFFFFFFFF  }
0xc1: {  	_ =	task.clear_ibuf [dreg:s6], $0x2FFFF;
	_ =	strace $0x9FFFFFFF  }
0xc2: {  	(tm) =	ssettm $0x7FFFFFFF  }
0xc3: {  	_ =	shalt  }
tec
execute0_lowered:
.L_overlay_start_1:
0x0: {  	(tag) =	ssettag $0x1  }
0x1: {  	s5 =	rddreg [dreg:$0x0]  }
0x2: {  	s2 =	rddreg [dreg:$0x1]  }
0x3: {  	s0 =	rddreg [dreg:$0x2];
	s1 =	stileid.u32  }
0x4: {  	s3 =	simm.s32 $0x0;
	s4 =	srdreg.scid;
	s13 =	simm.s32 $0x3C  }
0x5: {  	s17 =	simm.s32 $0x100;
	s18 =	simm.s32 $0x3;
	s19 =	simm.s32 $0x3D00  }
0x6: {  	s20 =	simm.s32 $0x80;
	s21 =	simm.s32 $0x5D00;
	s6 =	smul.u32 $0x28, s1  }
0x7: {  	s22 =	simm.s32 $0x1;
	s7 =	sand.u32 $0x1, s4;
	s4 =	smul.u32 $0x78, s1  }
0x8: {  	s23 =	simm.s32 $0x2;
	s24 =	simm.s32 $0x0;
	s8 =	smul.u32 $0x9E00, s1  }
0x9: {  	[smem:$0x7FF] =	sst s3;
	s10 =	smul.u32 $0x27800, s1;
	p0 =	seq.s32 s7, $0x0  }
0xa: {  	_ =	strace $0x8000004D;
	s9 =	smul.u32 $0x9E000, s7;
	s7 =	ssub.s32 $0x2, s7  }
0xb: {  	s6 =	sadd.s32 $0x780, s6;
	s31 =	sshrl.u32 s7, $0x1;
	s10 =	sshrl.u32 s10, $0x2  }
0xc: {  	s13 =	simm.s32 @!p0 $0x14;
	s6 =	smov.u32 @p0 s4;
	s4 =	sadd.s32 $0x4200, s5  }
0xd: {  	s30 =	sadd.s32 s8, s9;
	s15 =	ssub.s32 s7, s31;
	s10 =	sadd.s32 s10, s2  }
0xe: {  	s6 =	sshll.u32 s6, $0x4;
	s7 =	sadd.s32 $0x2000, s10;
	s9 =	sadd.s32 $0x6000, s10  }
0xf: {  	s15 =	smax.u32 s15, $0x1;
	s16 =	sadd.s32 s6, s5;
	s6 =	sshrl.u32 s30, $0x3  }
0x10: {  	s14 =	sadd.s32 s6, s5;
	s5 =	sadd.s32 $0x18800, s16;
	s6 =	sadd.s32 s8, s2  }
0x11: {  	s8 =	sadd.s32 $0x4000, s10;
	s10 =	sadd.s32 $0x8000, s10;
	s11 =	sadd.s32 $0x23800, s16  }
0x12: {  	v0 =	vimm.f32 $0.0e+00;
	s12 =	sadd.s32 $0x23810, s16;
	s16 =	sadd.s32 $0x23830, s16;
	s14 =	sadd.s32 $0x2DA00, s14  }
.LBB2_1:
0x13: {  	[tilespmem:s17], [sflag:$0x3] =	stream.linear.gather [hbm4b:s5+s3], $0x3C00, $0x38;
	[tilespmem:$0x11B00] =	vst v63  }
0x14: {  	_ =	swait.ge [sflag:s18], $0x3C00  }
0x15: {  	[sflag:s18] =	ssyncset.done $0x0  }
0x16: {  	s26 =	simm.s32 $0x100;
	s25 =	simm.s32 $0x0;
	[sflag:s18] =	ssyncadd.s32 $0xFFFFC400  }
.LBB2_2:
0x17: {  	p0 =	sne.s32 s26, $0x7F00;
	[tilespmem:s25+$0x3D30] =	vst v0;
	s28 =	smov.u32 s26;
	s26 =	sadd.s32 $0x100, s26  }
.Ltmp0:
0x18: {  	[tilespmem:s25+$0x3D20] =	vst v0;
	(pc) =	sbr.rel @p0 .LBB2_2-.Ltmp0, $3  }
0x19: {  	[tilespmem:s25+$0x3D00] =	vst v0  }
0x1a: {  	[tilespmem:s25+$0x3D10] =	vst v0;
	_ =	sdelay $0x1  }
0x1b: {  	s25 =	sshra.s32 s28, $0x2  }
0x1c: {  	[tilespmem:s25+$0x3D30] =	vst v0  }
0x1d: {  	[tilespmem:s25+$0x3D20] =	vst v0  }
0x1e: {  	[tilespmem:s25+$0x3D00] =	vst v0  }
0x1f: {  	[tilespmem:s25+$0x3D10] =	vst v0  }
0x20: {  	[spmem:s6] =	stream.linear.scatter [tilespmem:s19], [sflag:$0x3], $0x2000, $0x38;
	[tilespmem:$0x11B00] =	vst v63  }
0x21: {  	_ =	swait.ge [sflag:s18], $0x2000  }
0x22: {  	[sflag:s18] =	ssyncset.done $0x0  }
0x23: {  	[sflag:s18] =	ssyncadd.s32 $0xFFFFE000  }
0x24: {  	[spmem:s7] =	stream.linear.scatter [tilespmem:s19], [sflag:$0x3], $0x2000, $0x38;
	[tilespmem:$0x11B00] =	vst v63  }
0x25: {  	_ =	swait.ge [sflag:s18], $0x2000  }
0x26: {  	[sflag:s18] =	ssyncset.done $0x0  }
0x27: {  	[sflag:s18] =	ssyncadd.s32 $0xFFFFE000  }
0x28: {  	[spmem:s8] =	stream.linear.scatter [tilespmem:s19], [sflag:$0x3], $0x2000, $0x38;
	[tilespmem:$0x11B00] =	vst v63  }
0x29: {  	_ =	swait.ge [sflag:s18], $0x2000  }
0x2a: {  	[sflag:s18] =	ssyncset.done $0x0  }
0x2b: {  	[sflag:s18] =	ssyncadd.s32 $0xFFFFE000  }
0x2c: {  	[spmem:s9] =	stream.linear.scatter [tilespmem:s19], [sflag:$0x3], $0x2000, $0x38;
	[tilespmem:$0x11B00] =	vst v63  }
0x2d: {  	_ =	swait.ge [sflag:s18], $0x2000  }
0x2e: {  	[sflag:s18] =	ssyncset.done $0x0  }
0x2f: {  	[sflag:s18] =	ssyncadd.s32 $0xFFFFE000  }
0x30: {  	[spmem:s10] =	stream.linear.scatter [tilespmem:s19], [sflag:$0x3], $0x1E00, $0x38;
	[tilespmem:$0x11B00] =	vst v63  }
0x31: {  	_ =	swait.ge [sflag:s18], $0x1E00  }
0x32: {  	[sflag:s18] =	ssyncset.done $0x0  }
0x33: {  	[sflag:s18] =	ssyncadd.s32 $0xFFFFE200  }
0x34: {  	[bflag:$0x0] =	sbarrier.arrive $0xFFFF  }
0x35: {  	[tilespmem:s3], [sflag:$0x3] =	stream.linear.gather [hbm4b:s11+s3], $0x80, $0x38;
	[tilespmem:$0x11B00] =	vst v63  }
0x36: {  	_ =	swait.ge [sflag:s18], $0x80  }
0x37: {  	[sflag:s18] =	ssyncset.done $0x0  }
0x38: {  	[sflag:s18] =	ssyncadd.s32 $0xFFFFFF80  }
0x39: {  	[tilespmem:s19], [sflag:$0x1] =	stream.indirect.gather [hbm4b:s4+s20], $0x40, s3, s20, $0xb8;
	[tilespmem:$0x11B00] =	vst v63  }
0x3a: {  	_ = 	snop  }
0x3b: {  	[tilespmem:s20], [sflag:$0x3] =	stream.linear.gather [hbm4b:s12+s3], $0x80, $0x38;
	[tilespmem:$0x11B00] =	vst v63  }
0x3c: {  	_ =	swait.ge [sflag:s18], $0x80  }
0x3d: {  	[sflag:s18] =	ssyncset.done $0x0  }
0x3e: {  	[sflag:s18] =	ssyncadd.s32 $0xFFFFFF80  }
0x3f: {  	[tilespmem:s21], [sflag:$0x2] =	stream.indirect.gather [hbm4b:s4+s20], $0x40, s20, s20, $0xb8;
	[tilespmem:$0x11B00] =	vst v63  }
0x40: {  	_ =	swait.ge [sflag:s22], $0x2000  }
0x41: {  	[sflag:s22] =	ssyncset.done $0x0  }
0x42: {  	s30 =	sadd.s32 $0xFFFFFFF0, s16;
	[sflag:s22] =	ssyncadd.s32 $0xFFFFE000  }
0x43: {  	[tilespmem:s3], [sflag:$0x3] =	stream.linear.gather [hbm4b:s30+s3], $0x80, $0x38;
	[tilespmem:$0x11B00] =	vst v63  }
0x44: {  	_ =	swait.ge [sflag:s18], $0x80  }
0x45: {  	[sflag:s18] =	ssyncset.done $0x0  }
0x46: {  	s31 =	simm.s32 $0x100;
	[sflag:s18] =	ssyncadd.s32 $0xFFFFFF80  }
0x47: {  	[spmem:s2] =	stream.indirect.scatter.add.f32 [tilespmem:s19], [sflag:$0x3], $0x40, s31, s20, $0xb8;
	[tilespmem:$0x11B00] =	vst v63  }
0x48: {  	_ =	swait.ge [sflag:s18], $0x2000  }
0x49: {  	[sflag:s18] =	ssyncset.done $0x0  }
0x4a: {  	[sflag:s18] =	ssyncadd.s32 $0xFFFFE000  }
0x4b: {  	[tilespmem:s19], [sflag:$0x1] =	stream.indirect.gather [hbm4b:s4+s20], $0x40, s3, s20, $0xb8;
	[tilespmem:$0x11B00] =	vst v63  }
0x4c: {  	_ =	swait.ge [sflag:s23], $0x2000  }
0x4d: {  	[sflag:s23] =	ssyncset.done $0x0  }
0x4e: {  	[sflag:s23] =	ssyncadd.s32 $0xFFFFE000  }
0x4f: {  	[tilespmem:s20], [sflag:$0x3] =	stream.linear.gather [hbm4b:s16+s3], $0x80, $0x38;
	[tilespmem:$0x11B00] =	vst v63  }
0x50: {  	p0 =	sne.s32 s13, $0x1;
	_ =	swait.ge [sflag:s18], $0x80  }
.Ltmp1:
0x51: {  	[sflag:s18] =	ssyncset.done $0x0;
	(pc) =	sbr.rel @!p0 .LBB2_5-.Ltmp1, $4  }
0x52: {  	s25 =	simm.s32 $0x180;
	[sflag:s18] =	ssyncadd.s32 $0xFFFFFF80  }
0x53: {  	[spmem:s2] =	stream.indirect.scatter.add.f32 [tilespmem:s21], [sflag:$0x3], $0x40, s25, s20, $0xb8;
	[tilespmem:$0x11B00] =	vst v63  }
0x54: {  	_ =	swait.ge [sflag:s18], $0x2000  }
0x55: {  	s26 =	sadd.s32 $0xFFFFFFFF, s13;
	s28 =	smov.u32 s16;
	[sflag:s18] =	ssyncset.done $0x0  }
.LBB2_4:
0x56: {  	[sflag:s18] =	ssyncadd.s32 $0xFFFFE000;
	s25 =	sadd.s32 $0x100, s25;
	s28 =	sadd.s32 $0x20, s28  }
0x57: {  	[tilespmem:s21], [sflag:$0x2] =	stream.indirect.gather [hbm4b:s4+s20], $0x40, s20, s20, $0xb8;
	[tilespmem:$0x11B00] =	vst v63  }
0x58: {  	p0 =	sne.s32 s26, $0x1;
	s26 =	sadd.s32 $0xFFFFFFFF, s26;
	_ =	swait.ge [sflag:s22], $0x2000  }
0x59: {  	[sflag:s22] =	ssyncset.done $0x0  }
0x5a: {  	s29 =	sadd.s32 $0xFFFFFFF0, s28;
	[sflag:s22] =	ssyncadd.s32 $0xFFFFE000  }
0x5b: {  	[tilespmem:s3], [sflag:$0x3] =	stream.linear.gather [hbm4b:s29+s3], $0x80, $0x38;
	[tilespmem:$0x11B00] =	vst v63  }
0x5c: {  	_ =	swait.ge [sflag:s18], $0x80  }
0x5d: {  	[sflag:s18] =	ssyncset.done $0x0  }
0x5e: {  	s29 =	sadd.s32 $0xFFFFFF80, s25;
	[sflag:s18] =	ssyncadd.s32 $0xFFFFFF80  }
0x5f: {  	[spmem:s2] =	stream.indirect.scatter.add.f32 [tilespmem:s19], [sflag:$0x3], $0x40, s29, s20, $0xb8;
	[tilespmem:$0x11B00] =	vst v63  }
0x60: {  	_ =	swait.ge [sflag:s18], $0x2000  }
0x61: {  	[sflag:s18] =	ssyncset.done $0x0  }
0x62: {  	[sflag:s18] =	ssyncadd.s32 $0xFFFFE000  }
0x63: {  	[tilespmem:s19], [sflag:$0x1] =	stream.indirect.gather [hbm4b:s4+s20], $0x40, s3, s20, $0xb8;
	[tilespmem:$0x11B00] =	vst v63  }
0x64: {  	_ =	swait.ge [sflag:s23], $0x2000  }
0x65: {  	[sflag:s23] =	ssyncset.done $0x0  }
0x66: {  	[sflag:s23] =	ssyncadd.s32 $0xFFFFE000  }
0x67: {  	[tilespmem:s20], [sflag:$0x3] =	stream.linear.gather [hbm4b:s28+s3], $0x80, $0x38;
	[tilespmem:$0x11B00] =	vst v63  }
0x68: {  	_ =	swait.ge [sflag:s18], $0x80  }
.Ltmp2:
0x69: {  	[sflag:s18] =	ssyncset.done $0x0;
	(pc) =	sbr.rel @p0 .LBB2_4-.Ltmp2, $4  }
0x6a: {  	[sflag:s18] =	ssyncadd.s32 $0xFFFFFF80  }
0x6b: {  	[spmem:s2] =	stream.indirect.scatter.add.f32 [tilespmem:s21], [sflag:$0x3], $0x40, s25, s20, $0xb8;
	[tilespmem:$0x11B00] =	vst v63  }
0x6c: {  	_ =	swait.ge [sflag:s18], $0x2000  }
0x6d: {  	[sflag:s18] =	ssyncset.done $0x0  }
.LBB2_5:
0x6e: {  	[sflag:s18] =	ssyncadd.s32 $0xFFFFE000  }
0x6f: {  	_ =	swait.ge [sflag:s22], $0x2000  }
0x70: {  	s25 =	sshll.u32 s1, $0x6;
	s24 =	sadd.s32 $0x1, s24;
	[sflag:s22] =	ssyncset.done $0x0  }
0x71: {  	s26 =	sshrl.u32 s6, $0x3;
	p0 =	sne.s32 s24, s15;
	[sflag:s22] =	ssyncadd.s32 $0xFFFFE000  }
.Ltmp3:
0x72: {  	s25 =	sor.u32 $0x1C03, s25;
	[bflag:$0x0] =	sbarrier.arrive $0xFFFF;
	(pc) =	sbr.rel @p0 .LBB2_1-.Ltmp3, $4  }
0x73: {  	[hbm:s14], [sflag:s25] =	dma.local [spmem:s26], $0x13C0  }
0x74: {  	_ =	swait.ge [sflag:s18], $0x13C0  }
0x75: {  	[sflag:s18] =	ssyncset.done $0x0  }
0x76: {  	[sflag:s18] =	ssyncadd.s32 $0xFFFFEC40  }
0x77: {  	_ =	sfence.sel $0x180000  }
0x78: {  	[bflag:$0x0] =	sbarrier.arrive $0xFFFF  }
0x79: {  	p0 =	sne.s32 s1, $0x0;
	_ =	strace $0x9000004D  }
0x7a: {  	s0 =	sadd.s32 @!p0 $0x100000, s0;
	[bflag:$0x2] =	sbarrier.arrive $0xFFFF  }
0x7b: {  	[sflag:s0] =	ssyncadd.tile.s32 @!p0 $0x1;
	_ =	shalt  }
.Lfunc_end2:
_tile_overlayer_lowered:
.L_overlay_start_2:
0x7c: {  	(tag) =	ssettag $0x2  }
0x7d: {  	s0 =	rddreg [dreg:$0x0];
	s2 =	stileid.u32  }
0x7e: {  	s1 =	rddreg [dreg:$0x1];
	p0 =	sne.s32 s2, $0x0  }
0x7f: {  	s3 =	rddreg [dreg:$0x2];
	[bflag:$0x3] =	sbarrier.arrive $0xFFFF;
	s2 =	simm.s32 @!p0 $0x1C03  }
0x80: {  	[timem:s3], [sflag:s2] =	dma.local @!p0 [hbm:s0], s1  }
0x81: {  	s0 =	simm.s32 @!p0 $0x3  }
0x82: {  	_ =	swait.ge @!p0 [sflag:s0], s1  }
0x83: {  	s1 =	ssub.s32 @!p0 $0x0, s1;
	[sflag:s0] =	ssyncset.done @!p0 $0x0  }
0x84: {  	[sflag:s0] =	ssyncadd.s32 @!p0 s1  }
0x85: {  	[bflag:$0x3] =	sbarrier.arrive $0xFFFF  }
0x86: {  	_ =	shalt  }

// kernel: kernel.24.cloned.1.call-start
scs
__scs_entry_jumppad:
0x0: {  	(pc) =	sbr.rel $0x88, $3  }
0x1: {  	(tag) =	ssettag $0x0;
	lr =	simm.s32 $0x1  }
0x2: {  	[smem:$0x3F94] =	sst lr;
	_ =	strace $0xD0000000  }
0x3: {  	_ = 	snop  }
0x4: {  	_ = 	snop  }
0x5: {  	_ = 	snop  }
0x6: {  	_ = 	snop  }
0x7: {  	_ = 	snop  }
__scs_overlays_trampoline_lowered:
0x8: {  	[smem:$0x3FA3] =	sst s0  }
0x9: {  	[smem:$0x3FA4] =	sst s1  }
0xa: {  	[smem:$0x3FA5] =	sst s2  }
0xb: {  	[smem:$0x3FA6] =	sst s3  }
0xc: {  	[smem:$0x3FA7] =	sst s4  }
0xd: {  	[smem:$0x3FA8] =	sst s5  }
0xe: {  	[smem:$0x3FA9] =	sst s6  }
0xf: {  	[smem:$0x3FAA] =	sst s7  }
0x10: {  	[smem:$0x3FAB] =	sst s8  }
0x11: {  	[smem:$0x3FAC] =	sst s9;
	s0 =	simm.s32 @!p0 $0x0  }
0x12: {  	s1 =	sld [smem:$0x3F92];
	s0 =	simm.s32 @p0 $0x1  }
0x13: {  	[smem:$0x3FAD] =	sst s0;
	s0 =	simm.s32 @!p1 $0x0  }
0x14: {  	s2 =	sld [smem:$0x3F91];
	s0 =	simm.s32 @p1 $0x1  }
0x15: {  	[smem:$0x3FAE] =	sst s0;
	s0 =	simm.s32 @!p2 $0x0  }
0x16: {  	s3 =	sld [smem:$0x3FDB];
	s0 =	simm.s32 @p2 $0x1  }
0x17: {  	s4 =	simm.s32 $0x1BF5;
	[smem:$0x3FB0] =	sst s0  }
0x18: {  	s0 =	sld [smem:$0x3F93];
	_ =	swait.ge [sflag:s4], $0x0  }
0x19: {  	s7 =	sld [smem:$0x3F94]  }
0x1a: {  	s8 =	sadd.s32 $0xFFFFE003, lr  }
0x1b: {  	s9 =	sadd.s32 $0xFFFFFEF7, lr;
	s5 =	simm.s32 $0xFFFFFFFF;
	p2 =	slt.u32 s8, $0xFFFFF086  }
0x1c: {  	p1 =	slt.u32 s9, $0xF7A;
	s5 =	simm.s32 @!p2 $0x0  }
0x1d: {  	s5 =	simm.s32 @p1 $0x1;
	p0 =	seq.s32 s7, s2  }
0x1e: {  	s7 =	smul.u32 @!p0 $0xF7A, s2;
	p2 =	seq.s32 @!p0 s5, $0x0  }
0x1f: {  	s9 =	smul.u32 $0xF7A, s1;
	s8 =	simm.s32 @!p0 $0x1BF5;
	p2 =	por !p2, p0  }
0x20: {  	[sflag:s8] =	ssyncset.s32 @!p0 $0xFFFFF086;
	s6 =	sadd.s32 @!p0 s3, s7;
	s7 =	simm.s32 @!p0 $0x108  }
0x21: {  	s3 =	sadd.s32 s3, s9;
	s6 =	sadd.s32 @!p0 $0x88, s6;
	s7 =	simm.s32 @p2 $0x1082  }
0x22: {  	[simem:s7], [sflag:s8] =	dma.local @!p0 [hbm:s6], $0xF7A  }
0x23: {  	s9 =	sor.u32 $0xD0000000, s2;
	s6 =	simm.s32 $0x108;
	_ =	swait.ge @!p0 [sflag:s8], $0x0  }
0x24: {  	s3 =	sadd.s32 $0x88, s3;
	s6 =	simm.s32 @!p1 $0x1082;
	[sflag:s4] =	ssyncset.s32 $0xFFFFF086  }
0x25: {  	[simem:s6], [sflag:s4] =	dma.local [hbm:s3], $0xF7A  }
0x26: {  	[smem:$0x3F94] =	sst s1;
	(tag) =	ssettag s2;
	_ =	strace s9  }
0x27: {  	s1 =	sld [smem:$0x3FA4]  }
0x28: {  	s2 =	sld [smem:$0x3FA5]  }
0x29: {  	s4 =	sld [smem:$0x3FA7]  }
0x2a: {  	p0 =	seq.s32 s5, $0x0;
	s5 =	sld [smem:$0x3FA8]  }
0x2b: {  	s6 =	sld [smem:$0x3FA9]  }
0x2c: {  	s7 =	sld [smem:$0x3FAA]  }
0x2d: {  	s3 =	simm.s32 $0x108;
	s8 =	sld [smem:$0x3FAB]  }
0x2e: {  	s3 =	simm.s32 @!p0 $0x1082;
	s9 =	sld [smem:$0x3FAC]  }
0x2f: {  	lr =	sadd.s32 s0, s3;
	s0 =	sld [smem:$0x3FA3]  }
0x30: {  	s3 =	sld [smem:$0x3FA6]  }
0x31: {  	[smem:$0x3FAF] =	sst s10  }
0x32: {  	s10 =	sld [smem:$0x3FAD];
	_ =	sdelay $0x3  }
0x33: {  	p0 =	seq.s32 s10, $0x1;
	s10 =	sld [smem:$0x3FAF];
	_ =	sdelay $0x3  }
0x34: {  	[smem:$0x3FAF] =	sst s10  }
0x35: {  	s10 =	sld [smem:$0x3FAE];
	_ =	sdelay $0x3  }
0x36: {  	p1 =	seq.s32 s10, $0x1;
	s10 =	sld [smem:$0x3FAF];
	_ =	sdelay $0x3  }
0x37: {  	[smem:$0x3FAF] =	sst s10  }
0x38: {  	s10 =	sld [smem:$0x3FB0]  }
0x39: {  	_ = 	snop;
	(pc) =	sbr.ind lr, $3  }
0x3a: {  	_ = 	snop  }
0x3b: {  	_ = 	snop  }
0x3c: {  	p2 =	seq.s32 s10, $0x1;
	s10 =	sld [smem:$0x3FAF]  }
0x3d: {  	_ =	shalt  }
0x3e: {  	_ =	shalt  }
0x3f: {  	_ =	shalt  }
0x40: {  	_ =	shalt  }
0x41: {  	_ =	shalt  }
0x42: {  	_ =	shalt  }
0x43: {  	_ =	shalt  }
0x44: {  	_ =	shalt  }
0x45: {  	_ =	shalt  }
0x46: {  	_ =	shalt  }
0x47: {  	_ =	shalt  }
0x48: {  	_ =	shalt  }
0x49: {  	_ =	shalt  }
0x4a: {  	_ =	shalt  }
0x4b: {  	_ =	shalt  }
0x4c: {  	_ =	shalt  }
0x4d: {  	_ =	shalt  }
0x4e: {  	_ =	shalt  }
0x4f: {  	_ =	shalt  }
0x50: {  	_ =	shalt  }
0x51: {  	_ =	shalt  }
0x52: {  	_ =	shalt  }
0x53: {  	_ =	shalt  }
0x54: {  	_ =	shalt  }
0x55: {  	_ =	shalt  }
0x56: {  	_ =	shalt  }
0x57: {  	_ =	shalt  }
0x58: {  	_ =	shalt  }
0x59: {  	_ =	shalt  }
0x5a: {  	_ =	shalt  }
0x5b: {  	_ =	shalt  }
0x5c: {  	_ =	shalt  }
0x5d: {  	_ =	shalt  }
0x5e: {  	_ =	shalt  }
0x5f: {  	_ =	shalt  }
0x60: {  	_ =	shalt  }
0x61: {  	_ =	shalt  }
0x62: {  	_ =	shalt  }
0x63: {  	_ =	shalt  }
0x64: {  	_ =	shalt  }
0x65: {  	_ =	shalt  }
0x66: {  	_ =	shalt  }
0x67: {  	_ =	shalt  }
0x68: {  	_ =	shalt  }
0x69: {  	_ =	shalt  }
0x6a: {  	_ =	shalt  }
0x6b: {  	_ =	shalt  }
0x6c: {  	_ =	shalt  }
0x6d: {  	_ =	shalt  }
0x6e: {  	_ =	shalt  }
0x6f: {  	_ =	shalt  }
0x70: {  	_ =	shalt  }
0x71: {  	_ =	shalt  }
0x72: {  	_ =	shalt  }
0x73: {  	_ =	shalt  }
0x74: {  	_ =	shalt  }
0x75: {  	_ =	shalt  }
0x76: {  	_ =	shalt  }
0x77: {  	_ =	shalt  }
0x78: {  	_ =	shalt  }
0x79: {  	_ =	shalt  }
0x7a: {  	_ =	shalt  }
0x7b: {  	_ =	shalt  }
0x7c: {  	_ =	shalt  }
0x7d: {  	_ =	shalt  }
0x7e: {  	_ =	shalt  }
0x7f: {  	_ =	shalt  }
0x80: {  	_ =	shalt  }
0x81: {  	_ =	shalt  }
0x82: {  	_ =	shalt  }
0x83: {  	_ =	shalt  }
0x84: {  	_ =	shalt  }
0x85: {  	_ =	shalt  }
0x86: {  	_ =	shalt  }
0x87: {  	_ =	shalt  }
.Lfunc_end0:
.L_simem_size_0:
called_computation.3_lowered:
.L_overlay_start_0:
0x88: {  	s2 =	sld [smem:$0x3FD9]  }
0x89: {  	s3 =	sld [smem:$0x3FFE];
	_ =	sdelay $0x1  }
0x8a: {  	s1 =	srdreg.scid  }
0x8b: {  	s0 =	sand.u32 $0x1, s1  }
0x8c: {  	s16 =	sshll.u32 s0, $0xA;
	s2 =	sadd.s32 s3, s2  }
0x8d: {  	s2 =	sadd.s32 s2, s16  }
0x8e: {  	[smem:$0x3FBB] =	sst s2  }
0x8f: {  	_ = 	snop  }
0x90: {  	(tm) =	ssettm $0x1  }
0x91: {  	s17 =	sld [smem:$0x3FFB];
	_ =	sdelay $0x3  }
0x92: {  	_ =	strace s17  }
0x93: {  	s2 =	sld [smem:$0x3FFC];
	_ =	sdelay $0x3  }
0x94: {  	_ =	strace s2  }
0x95: {  	s2 =	sld [smem:$0x3FFD];
	_ =	sdelay $0x3  }
0x96: {  	_ =	strace s2  }
0x97: {  	_ =	strace $0x8FFFFFFF  }
0x98: {  	s18 =	sld [smem:$0x3FDB];
	_ =	sdelay $0x1  }
0x99: {  	s19 =	simm.s32 $_scs_section_size  }
0x9a: {  	s4 =	simm.s32 $_size__tile_overlayer_lowered;
	s5 =	simm.s32 $_tile_overlayer_lowered  }
0x9b: {  	s22 =	simm.s32 $0x1BFF;
	s21 =	sshll.u32 s5, $0x1;
	s2 =	sadd.s32 s19, s18  }
0x9c: {  	s6 =	simm.s32 $0x0;
	s20 =	sshll.u32 s4, $0x1;
	s4 =	sadd.s32 s21, s2  }
0x9d: {  	[timem:s6], [sflag:s22] =	dma.local [hbm:s4], s20  }
0x9e: {  	_ =	swait.ge [sflag:s22], s20  }
0x9f: {  	s3 =	ssub.s32 $0x0, s20;
	[sflag:s22] =	ssyncset.done $0x0  }
0xa0: {  	[sflag:s22] =	ssyncadd.s32 s3;
	_ =	sdelay $0x1  }
0xa1: {  	s23 =	simm.s32 $0x1B8B  }
0xa2: {  	_ =	swait.ge [sflag:s23], $0x1  }
0xa3: {  	[sflag:s23] =	ssyncset.done $0x0  }
0xa4: {  	s25 =	simm.s32 $0x1B8E;
	s24 =	sld [smem:$0x3FFE];
	[sflag:s23] =	ssyncadd.s32 $0xFFFFFFFF  }
0xa5: {  	s26 =	simm.s32 $execute0_lowered;
	[smem:$0x3FD2] =	sst s25  }
0xa6: {  	s4 =	sshll.u32 s26, $0x1;
	_ =	strace $0x8000004F;
	[dreg:$0x1] =	wrdreg $0xFFFFFFFF  }
0xa7: {  	s28 =	simm.s32 $_size_execute0_lowered;
	s2 =	sadd.s32 s2, s4;
	[dreg:$0x0] =	wrdreg $0x0  }
0xa8: {  	s4 =	sshll.u32 s28, $0x1;
	[dreg:$0x2] =	wrdreg s2  }
0xa9: {  	[dreg:$0x3] =	wrdreg s4  }
0xaa: {  	[dreg:$0x4] =	wrdreg $0xC0  }
0xab: {  	_ =	task [dreg:s6], $0x5FFFF  }
0xac: {  	[dreg:$0x1] =	wrdreg $0xFFFFFFFF  }
0xad: {  	[dreg:$0x0] =	wrdreg $0x60  }
0xae: {  	[dreg:$0x2] =	wrdreg s24  }
0xaf: {  	[dreg:$0x3] =	wrdreg $0x5D000  }
0xb0: {  	[dreg:$0x4] =	wrdreg $0x9  }
0xb1: {  	_ =	task.clear_ibuf [dreg:s6], $0x5FFFF;
	_ =	strace $0x9000004F  }
0xb2: {  	s29 =	simm.s32 $0x9;
	_ =	strace $0x80000051  }
0xb3: {  	_ =	swait.ge [sflag:s29], $0x1  }
0xb4: {  	[sflag:s29] =	ssyncadd.s32 $0xFFFFFFFF  }
0xb5: {  	_ =	strace $0x90000051  }
0xb6: {  	_ =	sfence  }
0xb7: {  	s30 =	sld [smem:$0x0];
	_ =	sdelay $0x2  }
0xb8: {  	s31 =	sshll.u32 s1, $0xD;
	s1 =	sshrl.u32 s1, $0x2  }
0xb9: {  	s3 =	sand.u32 $0x4000, s31;
	s1 =	sadd.s32 s1, s30  }
0xba: {  	s0 =	sor.u32 s3, s0;
	s1 =	sshll.u32 s1, $0x11  }
0xbb: {  	s0 =	sor.u32 s1, s0  }
0xbc: {  	s0 =	sadd.s32 $0x8F2B, s0  }
0xbd: {  	[sflag:s0] =	ssyncadd.remote.s32 $0x1  }
0xbe: {  	_ =	sfence.sel $0xFFFF  }
0xbf: {  	[dreg:$0x0] =	wrdreg $0xFFFFFFFF;
	(pc) =	sbr.abs _section_cstart, $3  }
0xc0: {  	[dreg:$0x1] =	wrdreg $0xFFFFFFFF  }
0xc1: {  	_ =	task.clear_ibuf [dreg:s6], $0x2FFFF;
	_ =	strace $0x9FFFFFFF  }
0xc2: {  	(tm) =	ssettm $0x7FFFFFFF  }
0xc3: {  	_ =	shalt  }
tec
execute0_lowered:
.L_overlay_start_1:
0x0: {  	(tag) =	ssettag $0x1  }
0x1: {  	s5 =	rddreg [dreg:$0x0]  }
0x2: {  	s2 =	rddreg [dreg:$0x1]  }
0x3: {  	s0 =	rddreg [dreg:$0x2];
	s1 =	stileid.u32  }
0x4: {  	s3 =	simm.s32 $0x0;
	s4 =	srdreg.scid;
	s13 =	simm.s32 $0x3C  }
0x5: {  	s17 =	simm.s32 $0x100;
	s18 =	simm.s32 $0x3;
	s19 =	simm.s32 $0x3D00  }
0x6: {  	s20 =	simm.s32 $0x80;
	s21 =	simm.s32 $0x4D00;
	s6 =	smul.u32 $0x28, s1  }
0x7: {  	s22 =	simm.s32 $0x1;
	s7 =	sand.u32 $0x1, s4;
	s4 =	smul.u32 $0x78, s1  }
0x8: {  	s23 =	simm.s32 $0x2;
	s24 =	simm.s32 $0x0;
	s8 =	smul.u32 $0x4F00, s1  }
0x9: {  	[smem:$0x7FF] =	sst s3;
	s10 =	smul.u32 $0x13C00, s1;
	p0 =	seq.s32 s7, $0x0  }
0xa: {  	_ =	strace $0x80000050;
	s9 =	smul.u32 $0x4F000, s7;
	s7 =	ssub.s32 $0x2, s7  }
0xb: {  	s6 =	sadd.s32 $0x780, s6;
	s31 =	sshrl.u32 s7, $0x1;
	s10 =	sshrl.u32 s10, $0x2  }
0xc: {  	s13 =	simm.s32 @!p0 $0x14;
	s6 =	smov.u32 @p0 s4;
	s4 =	sadd.s32 $0x4200, s5  }
0xd: {  	s30 =	sadd.s32 s8, s9;
	s15 =	ssub.s32 s7, s31;
	s10 =	sadd.s32 s10, s2  }
0xe: {  	s6 =	sshll.u32 s6, $0x4;
	s7 =	sadd.s32 $0x1000, s10;
	s9 =	sadd.s32 $0x3000, s10  }
0xf: {  	s15 =	smax.u32 s15, $0x1;
	s16 =	sadd.s32 s6, s5;
	s6 =	sshrl.u32 s30, $0x3  }
0x10: {  	s14 =	sadd.s32 s6, s5;
	s5 =	sadd.s32 $0x18800, s16;
	s6 =	sadd.s32 s8, s2  }
0x11: {  	s8 =	sadd.s32 $0x2000, s10;
	s10 =	sadd.s32 $0x4000, s10;
	s11 =	sadd.s32 $0x23800, s16  }
0x12: {  	v0 =	vimm.f32 $0.0e+00;
	s12 =	sadd.s32 $0x23810, s16;
	s16 =	sadd.s32 $0x23830, s16;
	s14 =	sadd.s32 $0x2DA00, s14  }
.LBB2_1:
0x13: {  	[tilespmem:s17], [sflag:$0x3] =	stream.linear.gather [hbm4b:s5+s3], $0x3C00, $0x38;
	[tilespmem:$0xAC00] =	vst v63  }
0x14: {  	_ =	swait.ge [sflag:s18], $0x3C00  }
0x15: {  	[sflag:s18] =	ssyncset.done $0x0  }
0x16: {  	s25 =	simm.s32 $0x80;
	s26 =	simm.s32 $0x0;
	[sflag:s18] =	ssyncadd.s32 $0xFFFFC400  }
.LBB2_2:
0x17: {  	p0 =	sne.s32 s25, $0x3F80;
	[tilespmem:s26+$0x3D00] =	vst v0;
	s28 =	smov.u32 s25;
	s25 =	sadd.s32 $0x80, s25  }
.Ltmp0:
0x18: {  	[tilespmem:s26+$0x3D10] =	vst v0;
	(pc) =	sbr.rel @p0 .LBB2_2-.Ltmp0, $2  }
0x19: {  	_ =	sdelay $0x2  }
0x1a: {  	s26 =	sshra.s32 s28, $0x2  }
0x1b: {  	[tilespmem:s26+$0x3D00] =	vst v0  }
0x1c: {  	[tilespmem:s26+$0x3D10] =	vst v0  }
0x1d: {  	[spmem:s6] =	stream.linear.scatter [tilespmem:s19], [sflag:$0x3], $0x1000, $0x38;
	[tilespmem:$0xAC00] =	vst v63  }
0x1e: {  	_ =	swait.ge [sflag:s18], $0x1000  }
0x1f: {  	[sflag:s18] =	ssyncset.done $0x0  }
0x20: {  	[sflag:s18] =	ssyncadd.s32 $0xFFFFF000  }
0x21: {  	[spmem:s7] =	stream.linear.scatter [tilespmem:s19], [sflag:$0x3], $0x1000, $0x38;
	[tilespmem:$0xAC00] =	vst v63  }
0x22: {  	_ =	swait.ge [sflag:s18], $0x1000  }
0x23: {  	[sflag:s18] =	ssyncset.done $0x0  }
0x24: {  	[sflag:s18] =	ssyncadd.s32 $0xFFFFF000  }
0x25: {  	[spmem:s8] =	stream.linear.scatter [tilespmem:s19], [sflag:$0x3], $0x1000, $0x38;
	[tilespmem:$0xAC00] =	vst v63  }
0x26: {  	_ =	swait.ge [sflag:s18], $0x1000  }
0x27: {  	[sflag:s18] =	ssyncset.done $0x0  }
0x28: {  	[sflag:s18] =	ssyncadd.s32 $0xFFFFF000  }
0x29: {  	[spmem:s9] =	stream.linear.scatter [tilespmem:s19], [sflag:$0x3], $0x1000, $0x38;
	[tilespmem:$0xAC00] =	vst v63  }
0x2a: {  	_ =	swait.ge [sflag:s18], $0x1000  }
0x2b: {  	[sflag:s18] =	ssyncset.done $0x0  }
0x2c: {  	[sflag:s18] =	ssyncadd.s32 $0xFFFFF000  }
0x2d: {  	[spmem:s10] =	stream.linear.scatter [tilespmem:s19], [sflag:$0x3], $0xF00, $0x38;
	[tilespmem:$0xAC00] =	vst v63  }
0x2e: {  	_ =	swait.ge [sflag:s18], $0xF00  }
0x2f: {  	[sflag:s18] =	ssyncset.done $0x0  }
0x30: {  	[sflag:s18] =	ssyncadd.s32 $0xFFFFF100  }
0x31: {  	[bflag:$0x0] =	sbarrier.arrive $0xFFFF  }
0x32: {  	[tilespmem:s3], [sflag:$0x3] =	stream.linear.gather [hbm4b:s11+s3], $0x80, $0x38;
	[tilespmem:$0xAC00] =	vst v63  }
0x33: {  	_ =	swait.ge [sflag:s18], $0x80  }
0x34: {  	[sflag:s18] =	ssyncset.done $0x0  }
0x35: {  	[sflag:s18] =	ssyncadd.s32 $0xFFFFFF80  }
0x36: {  	[tilespmem:s19], [sflag:$0x1] =	stream.indirect.gather [hbm4b:s4+s20], $0x20, s3, s20, $0xb8;
	[tilespmem:$0xAC00] =	vst v63  }
0x37: {  	_ = 	snop  }
0x38: {  	[tilespmem:s20], [sflag:$0x3] =	stream.linear.gather [hbm4b:s12+s3], $0x80, $0x38;
	[tilespmem:$0xAC00] =	vst v63  }
0x39: {  	_ =	swait.ge [sflag:s18], $0x80  }
0x3a: {  	[sflag:s18] =	ssyncset.done $0x0  }
0x3b: {  	[sflag:s18] =	ssyncadd.s32 $0xFFFFFF80  }
0x3c: {  	[tilespmem:s21], [sflag:$0x2] =	stream.indirect.gather [hbm4b:s4+s20], $0x20, s20, s20, $0xb8;
	[tilespmem:$0xAC00] =	vst v63  }
0x3d: {  	_ =	swait.ge [sflag:s22], $0x1000  }
0x3e: {  	[sflag:s22] =	ssyncset.done $0x0  }
0x3f: {  	s25 =	sadd.s32 $0xFFFFFFF0, s16;
	[sflag:s22] =	ssyncadd.s32 $0xFFFFF000  }
0x40: {  	[tilespmem:s3], [sflag:$0x3] =	stream.linear.gather [hbm4b:s25+s3], $0x80, $0x38;
	[tilespmem:$0xAC00] =	vst v63  }
0x41: {  	_ =	swait.ge [sflag:s18], $0x80  }
0x42: {  	[sflag:s18] =	ssyncset.done $0x0  }
0x43: {  	s31 =	simm.s32 $0x100;
	[sflag:s18] =	ssyncadd.s32 $0xFFFFFF80  }
0x44: {  	[spmem:s2] =	stream.indirect.scatter.add.f32 [tilespmem:s19], [sflag:$0x3], $0x20, s31, s20, $0xb8;
	[tilespmem:$0xAC00] =	vst v63  }
0x45: {  	_ =	swait.ge [sflag:s18], $0x1000  }
0x46: {  	[sflag:s18] =	ssyncset.done $0x0  }
0x47: {  	[sflag:s18] =	ssyncadd.s32 $0xFFFFF000  }
0x48: {  	[tilespmem:s19], [sflag:$0x1] =	stream.indirect.gather [hbm4b:s4+s20], $0x20, s3, s20, $0xb8;
	[tilespmem:$0xAC00] =	vst v63  }
0x49: {  	_ =	swait.ge [sflag:s23], $0x1000  }
0x4a: {  	[sflag:s23] =	ssyncset.done $0x0  }
0x4b: {  	[sflag:s23] =	ssyncadd.s32 $0xFFFFF000  }
0x4c: {  	[tilespmem:s20], [sflag:$0x3] =	stream.linear.gather [hbm4b:s16+s3], $0x80, $0x38;
	[tilespmem:$0xAC00] =	vst v63  }
0x4d: {  	p0 =	sne.s32 s13, $0x1;
	_ =	swait.ge [sflag:s18], $0x80  }
.Ltmp1:
0x4e: {  	[sflag:s18] =	ssyncset.done $0x0;
	(pc) =	sbr.rel @!p0 .LBB2_5-.Ltmp1, $4  }
0x4f: {  	s25 =	simm.s32 $0x180;
	[sflag:s18] =	ssyncadd.s32 $0xFFFFFF80  }
0x50: {  	[spmem:s2] =	stream.indirect.scatter.add.f32 [tilespmem:s21], [sflag:$0x3], $0x20, s25, s20, $0xb8;
	[tilespmem:$0xAC00] =	vst v63  }
0x51: {  	_ =	swait.ge [sflag:s18], $0x1000  }
0x52: {  	s26 =	sadd.s32 $0xFFFFFFFF, s13;
	s28 =	smov.u32 s16;
	[sflag:s18] =	ssyncset.done $0x0  }
.LBB2_4:
0x53: {  	[sflag:s18] =	ssyncadd.s32 $0xFFFFF000;
	s25 =	sadd.s32 $0x100, s25;
	s28 =	sadd.s32 $0x20, s28  }
0x54: {  	[tilespmem:s21], [sflag:$0x2] =	stream.indirect.gather [hbm4b:s4+s20], $0x20, s20, s20, $0xb8;
	[tilespmem:$0xAC00] =	vst v63  }
0x55: {  	p0 =	sne.s32 s26, $0x1;
	s26 =	sadd.s32 $0xFFFFFFFF, s26;
	_ =	swait.ge [sflag:s22], $0x1000  }
0x56: {  	[sflag:s22] =	ssyncset.done $0x0  }
0x57: {  	s29 =	sadd.s32 $0xFFFFFFF0, s28;
	[sflag:s22] =	ssyncadd.s32 $0xFFFFF000  }
0x58: {  	[tilespmem:s3], [sflag:$0x3] =	stream.linear.gather [hbm4b:s29+s3], $0x80, $0x38;
	[tilespmem:$0xAC00] =	vst v63  }
0x59: {  	_ =	swait.ge [sflag:s18], $0x80  }
0x5a: {  	[sflag:s18] =	ssyncset.done $0x0  }
0x5b: {  	s29 =	sadd.s32 $0xFFFFFF80, s25;
	[sflag:s18] =	ssyncadd.s32 $0xFFFFFF80  }
0x5c: {  	[spmem:s2] =	stream.indirect.scatter.add.f32 [tilespmem:s19], [sflag:$0x3], $0x20, s29, s20, $0xb8;
	[tilespmem:$0xAC00] =	vst v63  }
0x5d: {  	_ =	swait.ge [sflag:s18], $0x1000  }
0x5e: {  	[sflag:s18] =	ssyncset.done $0x0  }
0x5f: {  	[sflag:s18] =	ssyncadd.s32 $0xFFFFF000  }
0x60: {  	[tilespmem:s19], [sflag:$0x1] =	stream.indirect.gather [hbm4b:s4+s20], $0x20, s3, s20, $0xb8;
	[tilespmem:$0xAC00] =	vst v63  }
0x61: {  	_ =	swait.ge [sflag:s23], $0x1000  }
0x62: {  	[sflag:s23] =	ssyncset.done $0x0  }
0x63: {  	[sflag:s23] =	ssyncadd.s32 $0xFFFFF000  }
0x64: {  	[tilespmem:s20], [sflag:$0x3] =	stream.linear.gather [hbm4b:s28+s3], $0x80, $0x38;
	[tilespmem:$0xAC00] =	vst v63  }
0x65: {  	_ =	swait.ge [sflag:s18], $0x80  }
.Ltmp2:
0x66: {  	[sflag:s18] =	ssyncset.done $0x0;
	(pc) =	sbr.rel @p0 .LBB2_4-.Ltmp2, $4  }
0x67: {  	[sflag:s18] =	ssyncadd.s32 $0xFFFFFF80  }
0x68: {  	[spmem:s2] =	stream.indirect.scatter.add.f32 [tilespmem:s21], [sflag:$0x3], $0x20, s25, s20, $0xb8;
	[tilespmem:$0xAC00] =	vst v63  }
0x69: {  	_ =	swait.ge [sflag:s18], $0x1000  }
0x6a: {  	[sflag:s18] =	ssyncset.done $0x0  }
.LBB2_5:
0x6b: {  	[sflag:s18] =	ssyncadd.s32 $0xFFFFF000  }
0x6c: {  	_ =	swait.ge [sflag:s22], $0x1000  }
0x6d: {  	s25 =	sshll.u32 s1, $0x6;
	s24 =	sadd.s32 $0x1, s24;
	[sflag:s22] =	ssyncset.done $0x0  }
0x6e: {  	s26 =	sshrl.u32 s6, $0x3;
	p0 =	sne.s32 s24, s15;
	[sflag:s22] =	ssyncadd.s32 $0xFFFFF000  }
.Ltmp3:
0x6f: {  	s25 =	sor.u32 $0x1C03, s25;
	[bflag:$0x0] =	sbarrier.arrive $0xFFFF;
	(pc) =	sbr.rel @p0 .LBB2_1-.Ltmp3, $4  }
0x70: {  	[hbm:s14], [sflag:s25] =	dma.local [spmem:s26], $0x9E0  }
0x71: {  	_ =	swait.ge [sflag:s18], $0x9E0  }
0x72: {  	[sflag:s18] =	ssyncset.done $0x0  }
0x73: {  	[sflag:s18] =	ssyncadd.s32 $0xFFFFF620  }
0x74: {  	_ =	sfence.sel $0x180000  }
0x75: {  	[bflag:$0x0] =	sbarrier.arrive $0xFFFF  }
0x76: {  	p0 =	sne.s32 s1, $0x0;
	_ =	strace $0x90000050  }
0x77: {  	s0 =	sadd.s32 @!p0 $0x100000, s0;
	[bflag:$0x2] =	sbarrier.arrive $0xFFFF  }
0x78: {  	[sflag:s0] =	ssyncadd.tile.s32 @!p0 $0x1;
	_ =	shalt  }
.Lfunc_end2:
_tile_overlayer_lowered:
.L_overlay_start_2:
0x79: {  	(tag) =	ssettag $0x2  }
0x7a: {  	s0 =	rddreg [dreg:$0x0];
	s2 =	stileid.u32  }
0x7b: {  	s1 =	rddreg [dreg:$0x1];
	p0 =	sne.s32 s2, $0x0  }
0x7c: {  	s3 =	rddreg [dreg:$0x2];
	[bflag:$0x3] =	sbarrier.arrive $0xFFFF;
	s2 =	simm.s32 @!p0 $0x1C03  }
0x7d: {  	[timem:s3], [sflag:s2] =	dma.local @!p0 [hbm:s0], s1  }
0x7e: {  	s0 =	simm.s32 @!p0 $0x3  }
0x7f: {  	_ =	swait.ge @!p0 [sflag:s0], s1  }
0x80: {  	s1 =	ssub.s32 @!p0 $0x0, s1;
	[sflag:s0] =	ssyncset.done @!p0 $0x0  }
0x81: {  	[sflag:s0] =	ssyncadd.s32 @!p0 s1  }
0x82: {  	[bflag:$0x3] =	sbarrier.arrive $0xFFFF  }
0x83: {  	_ =	shalt  }

// kernel: kernel.27.cloned.1.call-start
scs
__scs_entry_jumppad:
0x0: {  	(pc) =	sbr.rel $0x88, $3  }
0x1: {  	(tag) =	ssettag $0x0;
	lr =	simm.s32 $0x1  }
0x2: {  	[smem:$0x3F94] =	sst lr;
	_ =	strace $0xD0000000  }
0x3: {  	_ = 	snop  }
0x4: {  	_ = 	snop  }
0x5: {  	_ = 	snop  }
0x6: {  	_ = 	snop  }
0x7: {  	_ = 	snop  }
__scs_overlays_trampoline_lowered:
0x8: {  	[smem:$0x3FA3] =	sst s0  }
0x9: {  	[smem:$0x3FA4] =	sst s1  }
0xa: {  	[smem:$0x3FA5] =	sst s2  }
0xb: {  	[smem:$0x3FA6] =	sst s3  }
0xc: {  	[smem:$0x3FA7] =	sst s4  }
0xd: {  	[smem:$0x3FA8] =	sst s5  }
0xe: {  	[smem:$0x3FA9] =	sst s6  }
0xf: {  	[smem:$0x3FAA] =	sst s7  }
0x10: {  	[smem:$0x3FAB] =	sst s8  }
0x11: {  	[smem:$0x3FAC] =	sst s9;
	s0 =	simm.s32 @!p0 $0x0  }
0x12: {  	s1 =	sld [smem:$0x3F92];
	s0 =	simm.s32 @p0 $0x1  }
0x13: {  	[smem:$0x3FAD] =	sst s0;
	s0 =	simm.s32 @!p1 $0x0  }
0x14: {  	s2 =	sld [smem:$0x3F91];
	s0 =	simm.s32 @p1 $0x1  }
0x15: {  	[smem:$0x3FAE] =	sst s0;
	s0 =	simm.s32 @!p2 $0x0  }
0x16: {  	s3 =	sld [smem:$0x3FDB];
	s0 =	simm.s32 @p2 $0x1  }
0x17: {  	s4 =	simm.s32 $0x1BF5;
	[smem:$0x3FB0] =	sst s0  }
0x18: {  	s0 =	sld [smem:$0x3F93];
	_ =	swait.ge [sflag:s4], $0x0  }
0x19: {  	s7 =	sld [smem:$0x3F94]  }
0x1a: {  	s8 =	sadd.s32 $0xFFFFE003, lr  }
0x1b: {  	s9 =	sadd.s32 $0xFFFFFEF7, lr;
	s5 =	simm.s32 $0xFFFFFFFF;
	p2 =	slt.u32 s8, $0xFFFFF086  }
0x1c: {  	p1 =	slt.u32 s9, $0xF7A;
	s5 =	simm.s32 @!p2 $0x0  }
0x1d: {  	s5 =	simm.s32 @p1 $0x1;
	p0 =	seq.s32 s7, s2  }
0x1e: {  	s7 =	smul.u32 @!p0 $0xF7A, s2;
	p2 =	seq.s32 @!p0 s5, $0x0  }
0x1f: {  	s9 =	smul.u32 $0xF7A, s1;
	s8 =	simm.s32 @!p0 $0x1BF5;
	p2 =	por !p2, p0  }
0x20: {  	[sflag:s8] =	ssyncset.s32 @!p0 $0xFFFFF086;
	s6 =	sadd.s32 @!p0 s3, s7;
	s7 =	simm.s32 @!p0 $0x108  }
0x21: {  	s3 =	sadd.s32 s3, s9;
	s6 =	sadd.s32 @!p0 $0x88, s6;
	s7 =	simm.s32 @p2 $0x1082  }
0x22: {  	[simem:s7], [sflag:s8] =	dma.local @!p0 [hbm:s6], $0xF7A  }
0x23: {  	s9 =	sor.u32 $0xD0000000, s2;
	s6 =	simm.s32 $0x108;
	_ =	swait.ge @!p0 [sflag:s8], $0x0  }
0x24: {  	s3 =	sadd.s32 $0x88, s3;
	s6 =	simm.s32 @!p1 $0x1082;
	[sflag:s4] =	ssyncset.s32 $0xFFFFF086  }
0x25: {  	[simem:s6], [sflag:s4] =	dma.local [hbm:s3], $0xF7A  }
0x26: {  	[smem:$0x3F94] =	sst s1;
	(tag) =	ssettag s2;
	_ =	strace s9  }
0x27: {  	s1 =	sld [smem:$0x3FA4]  }
0x28: {  	s2 =	sld [smem:$0x3FA5]  }
0x29: {  	s4 =	sld [smem:$0x3FA7]  }
0x2a: {  	p0 =	seq.s32 s5, $0x0;
	s5 =	sld [smem:$0x3FA8]  }
0x2b: {  	s6 =	sld [smem:$0x3FA9]  }
0x2c: {  	s7 =	sld [smem:$0x3FAA]  }
0x2d: {  	s3 =	simm.s32 $0x108;
	s8 =	sld [smem:$0x3FAB]  }
0x2e: {  	s3 =	simm.s32 @!p0 $0x1082;
	s9 =	sld [smem:$0x3FAC]  }
0x2f: {  	lr =	sadd.s32 s0, s3;
	s0 =	sld [smem:$0x3FA3]  }
0x30: {  	s3 =	sld [smem:$0x3FA6]  }
0x31: {  	[smem:$0x3FAF] =	sst s10  }
0x32: {  	s10 =	sld [smem:$0x3FAD];
	_ =	sdelay $0x3  }
0x33: {  	p0 =	seq.s32 s10, $0x1;
	s10 =	sld [smem:$0x3FAF];
	_ =	sdelay $0x3  }
0x34: {  	[smem:$0x3FAF] =	sst s10  }
0x35: {  	s10 =	sld [smem:$0x3FAE];
	_ =	sdelay $0x3  }
0x36: {  	p1 =	seq.s32 s10, $0x1;
	s10 =	sld [smem:$0x3FAF];
	_ =	sdelay $0x3  }
0x37: {  	[smem:$0x3FAF] =	sst s10  }
0x38: {  	s10 =	sld [smem:$0x3FB0]  }
0x39: {  	_ = 	snop;
	(pc) =	sbr.ind lr, $3  }
0x3a: {  	_ = 	snop  }
0x3b: {  	_ = 	snop  }
0x3c: {  	p2 =	seq.s32 s10, $0x1;
	s10 =	sld [smem:$0x3FAF]  }
0x3d: {  	_ =	shalt  }
0x3e: {  	_ =	shalt  }
0x3f: {  	_ =	shalt  }
0x40: {  	_ =	shalt  }
0x41: {  	_ =	shalt  }
0x42: {  	_ =	shalt  }
0x43: {  	_ =	shalt  }
0x44: {  	_ =	shalt  }
0x45: {  	_ =	shalt  }
0x46: {  	_ =	shalt  }
0x47: {  	_ =	shalt  }
0x48: {  	_ =	shalt  }
0x49: {  	_ =	shalt  }
0x4a: {  	_ =	shalt  }
0x4b: {  	_ =	shalt  }
0x4c: {  	_ =	shalt  }
0x4d: {  	_ =	shalt  }
0x4e: {  	_ =	shalt  }
0x4f: {  	_ =	shalt  }
0x50: {  	_ =	shalt  }
0x51: {  	_ =	shalt  }
0x52: {  	_ =	shalt  }
0x53: {  	_ =	shalt  }
0x54: {  	_ =	shalt  }
0x55: {  	_ =	shalt  }
0x56: {  	_ =	shalt  }
0x57: {  	_ =	shalt  }
0x58: {  	_ =	shalt  }
0x59: {  	_ =	shalt  }
0x5a: {  	_ =	shalt  }
0x5b: {  	_ =	shalt  }
0x5c: {  	_ =	shalt  }
0x5d: {  	_ =	shalt  }
0x5e: {  	_ =	shalt  }
0x5f: {  	_ =	shalt  }
0x60: {  	_ =	shalt  }
0x61: {  	_ =	shalt  }
0x62: {  	_ =	shalt  }
0x63: {  	_ =	shalt  }
0x64: {  	_ =	shalt  }
0x65: {  	_ =	shalt  }
0x66: {  	_ =	shalt  }
0x67: {  	_ =	shalt  }
0x68: {  	_ =	shalt  }
0x69: {  	_ =	shalt  }
0x6a: {  	_ =	shalt  }
0x6b: {  	_ =	shalt  }
0x6c: {  	_ =	shalt  }
0x6d: {  	_ =	shalt  }
0x6e: {  	_ =	shalt  }
0x6f: {  	_ =	shalt  }
0x70: {  	_ =	shalt  }
0x71: {  	_ =	shalt  }
0x72: {  	_ =	shalt  }
0x73: {  	_ =	shalt  }
0x74: {  	_ =	shalt  }
0x75: {  	_ =	shalt  }
0x76: {  	_ =	shalt  }
0x77: {  	_ =	shalt  }
0x78: {  	_ =	shalt  }
0x79: {  	_ =	shalt  }
0x7a: {  	_ =	shalt  }
0x7b: {  	_ =	shalt  }
0x7c: {  	_ =	shalt  }
0x7d: {  	_ =	shalt  }
0x7e: {  	_ =	shalt  }
0x7f: {  	_ =	shalt  }
0x80: {  	_ =	shalt  }
0x81: {  	_ =	shalt  }
0x82: {  	_ =	shalt  }
0x83: {  	_ =	shalt  }
0x84: {  	_ =	shalt  }
0x85: {  	_ =	shalt  }
0x86: {  	_ =	shalt  }
0x87: {  	_ =	shalt  }
.Lfunc_end0:
.L_simem_size_0:
called_computation.4_lowered:
.L_overlay_start_0:
0x88: {  	s2 =	sld [smem:$0x3FD9]  }
0x89: {  	s3 =	sld [smem:$0x3FFE];
	_ =	sdelay $0x1  }
0x8a: {  	s1 =	srdreg.scid  }
0x8b: {  	s0 =	sand.u32 $0x1, s1  }
0x8c: {  	s16 =	sshll.u32 s0, $0xA;
	s2 =	sadd.s32 s3, s2  }
0x8d: {  	s2 =	sadd.s32 s2, s16  }
0x8e: {  	[smem:$0x3FBB] =	sst s2  }
0x8f: {  	_ = 	snop  }
0x90: {  	(tm) =	ssettm $0x1  }
0x91: {  	s17 =	sld [smem:$0x3FFB];
	_ =	sdelay $0x3  }
0x92: {  	_ =	strace s17  }
0x93: {  	s2 =	sld [smem:$0x3FFC];
	_ =	sdelay $0x3  }
0x94: {  	_ =	strace s2  }
0x95: {  	s2 =	sld [smem:$0x3FFD];
	_ =	sdelay $0x3  }
0x96: {  	_ =	strace s2  }
0x97: {  	_ =	strace $0x8FFFFFFF  }
0x98: {  	s18 =	sld [smem:$0x3FDB];
	_ =	sdelay $0x1  }
0x99: {  	s19 =	simm.s32 $_scs_section_size  }
0x9a: {  	s4 =	simm.s32 $_size__tile_overlayer_lowered;
	s5 =	simm.s32 $_tile_overlayer_lowered  }
0x9b: {  	s22 =	simm.s32 $0x1BFF;
	s21 =	sshll.u32 s5, $0x1;
	s2 =	sadd.s32 s19, s18  }
0x9c: {  	s6 =	simm.s32 $0x0;
	s20 =	sshll.u32 s4, $0x1;
	s4 =	sadd.s32 s21, s2  }
0x9d: {  	[timem:s6], [sflag:s22] =	dma.local [hbm:s4], s20  }
0x9e: {  	_ =	swait.ge [sflag:s22], s20  }
0x9f: {  	s3 =	ssub.s32 $0x0, s20;
	[sflag:s22] =	ssyncset.done $0x0  }
0xa0: {  	[sflag:s22] =	ssyncadd.s32 s3;
	_ =	sdelay $0x1  }
0xa1: {  	s23 =	simm.s32 $0x1B8B  }
0xa2: {  	_ =	swait.ge [sflag:s23], $0x1  }
0xa3: {  	[sflag:s23] =	ssyncset.done $0x0  }
0xa4: {  	s25 =	simm.s32 $0x1B8E;
	s24 =	sld [smem:$0x3FFE];
	[sflag:s23] =	ssyncadd.s32 $0xFFFFFFFF  }
0xa5: {  	s26 =	simm.s32 $execute0_lowered;
	[smem:$0x3FD2] =	sst s25  }
0xa6: {  	s4 =	sshll.u32 s26, $0x1;
	_ =	strace $0x80000052;
	[dreg:$0x1] =	wrdreg $0xFFFFFFFF  }
0xa7: {  	s28 =	simm.s32 $_size_execute0_lowered;
	s2 =	sadd.s32 s2, s4;
	[dreg:$0x0] =	wrdreg $0x0  }
0xa8: {  	s4 =	sshll.u32 s28, $0x1;
	[dreg:$0x2] =	wrdreg s2  }
0xa9: {  	[dreg:$0x3] =	wrdreg s4  }
0xaa: {  	[dreg:$0x4] =	wrdreg $0xC0  }
0xab: {  	_ =	task [dreg:s6], $0x5FFFF  }
0xac: {  	[dreg:$0x1] =	wrdreg $0xFFFFFFFF  }
0xad: {  	[dreg:$0x0] =	wrdreg $0x60  }
0xae: {  	[dreg:$0x2] =	wrdreg s24  }
0xaf: {  	[dreg:$0x3] =	wrdreg $0x49000  }
0xb0: {  	[dreg:$0x4] =	wrdreg $0x9  }
0xb1: {  	_ =	task.clear_ibuf [dreg:s6], $0x5FFFF;
	_ =	strace $0x90000052  }
0xb2: {  	s29 =	simm.s32 $0x9;
	_ =	strace $0x80000054  }
0xb3: {  	_ =	swait.ge [sflag:s29], $0x1  }
0xb4: {  	[sflag:s29] =	ssyncadd.s32 $0xFFFFFFFF  }
0xb5: {  	_ =	strace $0x90000054  }
0xb6: {  	_ =	sfence  }
0xb7: {  	s30 =	sld [smem:$0x0];
	_ =	sdelay $0x2  }
0xb8: {  	s31 =	sshll.u32 s1, $0xD;
	s1 =	sshrl.u32 s1, $0x2  }
0xb9: {  	s3 =	sand.u32 $0x4000, s31;
	s1 =	sadd.s32 s1, s30  }
0xba: {  	s0 =	sor.u32 s3, s0;
	s1 =	sshll.u32 s1, $0x11  }
0xbb: {  	s0 =	sor.u32 s1, s0  }
0xbc: {  	s0 =	sadd.s32 $0x8F2B, s0  }
0xbd: {  	[sflag:s0] =	ssyncadd.remote.s32 $0x1  }
0xbe: {  	_ =	sfence.sel $0xFFFF  }
0xbf: {  	[dreg:$0x0] =	wrdreg $0xFFFFFFFF;
	(pc) =	sbr.abs _section_cstart, $3  }
0xc0: {  	[dreg:$0x1] =	wrdreg $0xFFFFFFFF  }
0xc1: {  	_ =	task.clear_ibuf [dreg:s6], $0x2FFFF;
	_ =	strace $0x9FFFFFFF  }
0xc2: {  	(tm) =	ssettm $0x7FFFFFFF  }
0xc3: {  	_ =	shalt  }
tec
execute0_lowered:
.L_overlay_start_1:
0x0: {  	(tag) =	ssettag $0x1  }
0x1: {  	s5 =	rddreg [dreg:$0x0]  }
0x2: {  	s2 =	rddreg [dreg:$0x1]  }
0x3: {  	s0 =	rddreg [dreg:$0x2];
	s1 =	stileid.u32  }
0x4: {  	s3 =	simm.s32 $0x0;
	s4 =	srdreg.scid;
	s13 =	simm.s32 $0x38  }
0x5: {  	s17 =	simm.s32 $0x100;
	s18 =	simm.s32 $0x3;
	s19 =	simm.s32 $0x3900  }
0x6: {  	s20 =	simm.s32 $0x80;
	s21 =	simm.s32 $0x4100;
	s6 =	smul.u32 $0x30, s1  }
0x7: {  	s22 =	simm.s32 $0x1;
	s7 =	sand.u32 $0x1, s4;
	s4 =	smul.u32 $0x70, s1  }
0x8: {  	s23 =	simm.s32 $0x2;
	s24 =	simm.s32 $0x0;
	s8 =	smul.u32 $0x2780, s1  }
0x9: {  	[smem:$0x7FF] =	sst s3;
	s10 =	smul.u32 $0x9E00, s1;
	p0 =	seq.s32 s7, $0x0  }
0xa: {  	_ =	strace $0x80000053;
	s9 =	smul.u32 $0x27800, s7;
	s7 =	ssub.s32 $0x2, s7  }
0xb: {  	s6 =	sadd.s32 $0x700, s6;
	s31 =	sshrl.u32 s7, $0x1;
	s10 =	sshrl.u32 s10, $0x2  }
0xc: {  	s13 =	simm.s32 @!p0 $0x18;
	s6 =	smov.u32 @p0 s4;
	s4 =	sadd.s32 $0x4200, s5  }
0xd: {  	s30 =	sadd.s32 s8, s9;
	s15 =	ssub.s32 s7, s31;
	s10 =	sadd.s32 s10, s2  }
0xe: {  	s6 =	sshll.u32 s6, $0x4;
	s7 =	sadd.s32 $0x800, s10;
	s9 =	sadd.s32 $0x1800, s10  }
0xf: {  	s15 =	smax.u32 s15, $0x1;
	s16 =	sadd.s32 s6, s5;
	s6 =	sshrl.u32 s30, $0x3  }
0x10: {  	s14 =	sadd.s32 s6, s5;
	s5 =	sadd.s32 $0x18800, s16;
	s6 =	sadd.s32 s8, s2  }
0x11: {  	s8 =	sadd.s32 $0x1000, s10;
	s10 =	sadd.s32 $0x2000, s10;
	s11 =	sadd.s32 $0x23800, s16  }
0x12: {  	v0 =	vimm.f32 $0.0e+00;
	s12 =	sadd.s32 $0x23810, s16;
	s16 =	sadd.s32 $0x23830, s16;
	s14 =	sadd.s32 $0x9200, s14  }
.LBB2_1:
0x13: {  	[tilespmem:s17], [sflag:$0x3] =	stream.linear.gather [hbm4b:s5+s3], $0x3800, $0x38;
	[tilespmem:$0x7080] =	vst v63  }
0x14: {  	_ =	swait.ge [sflag:s18], $0x3800  }
0x15: {  	[sflag:s18] =	ssyncset.done $0x0  }
0x16: {  	s25 =	simm.s32 $0x40;
	s26 =	simm.s32 $0x0;
	[sflag:s18] =	ssyncadd.s32 $0xFFFFC800  }
.LBB2_2:
0x17: {  	p0 =	sne.s32 s25, $0x1FC0;
	[tilespmem:s26+$0x3900] =	vst v0;
	s26 =	smov.u32 s25;
	s25 =	sadd.s32 $0x40, s25  }
.Ltmp0:
0x18: {  	(pc) =	sbr.rel @p0 .LBB2_2-.Ltmp0, $2  }
0x19: {  	_ =	sdelay $0x2  }
0x1a: {  	s26 =	sshra.s32 s26, $0x2  }
0x1b: {  	[tilespmem:s26+$0x3900] =	vst v0  }
0x1c: {  	[spmem:s6] =	stream.linear.scatter [tilespmem:s19], [sflag:$0x3], $0x800, $0x38;
	[tilespmem:$0x7080] =	vst v63  }
0x1d: {  	_ =	swait.ge [sflag:s18], $0x800  }
0x1e: {  	[sflag:s18] =	ssyncset.done $0x0  }
0x1f: {  	[sflag:s18] =	ssyncadd.s32 $0xFFFFF800  }
0x20: {  	[spmem:s7] =	stream.linear.scatter [tilespmem:s19], [sflag:$0x3], $0x800, $0x38;
	[tilespmem:$0x7080] =	vst v63  }
0x21: {  	_ =	swait.ge [sflag:s18], $0x800  }
0x22: {  	[sflag:s18] =	ssyncset.done $0x0  }
0x23: {  	[sflag:s18] =	ssyncadd.s32 $0xFFFFF800  }
0x24: {  	[spmem:s8] =	stream.linear.scatter [tilespmem:s19], [sflag:$0x3], $0x800, $0x38;
	[tilespmem:$0x7080] =	vst v63  }
0x25: {  	_ =	swait.ge [sflag:s18], $0x800  }
0x26: {  	[sflag:s18] =	ssyncset.done $0x0  }
0x27: {  	[sflag:s18] =	ssyncadd.s32 $0xFFFFF800  }
0x28: {  	[spmem:s9] =	stream.linear.scatter [tilespmem:s19], [sflag:$0x3], $0x800, $0x38;
	[tilespmem:$0x7080] =	vst v63  }
0x29: {  	_ =	swait.ge [sflag:s18], $0x800  }
0x2a: {  	[sflag:s18] =	ssyncset.done $0x0  }
0x2b: {  	[sflag:s18] =	ssyncadd.s32 $0xFFFFF800  }
0x2c: {  	[spmem:s10] =	stream.linear.scatter [tilespmem:s19], [sflag:$0x3], $0x780, $0x38;
	[tilespmem:$0x7080] =	vst v63  }
0x2d: {  	_ =	swait.ge [sflag:s18], $0x780  }
0x2e: {  	[sflag:s18] =	ssyncset.done $0x0  }
0x2f: {  	[sflag:s18] =	ssyncadd.s32 $0xFFFFF880  }
0x30: {  	[bflag:$0x0] =	sbarrier.arrive $0xFFFF  }
0x31: {  	[tilespmem:s3], [sflag:$0x3] =	stream.linear.gather [hbm4b:s11+s3], $0x80, $0x38;
	[tilespmem:$0x7080] =	vst v63  }
0x32: {  	_ =	swait.ge [sflag:s18], $0x80  }
0x33: {  	[sflag:s18] =	ssyncset.done $0x0  }
0x34: {  	[sflag:s18] =	ssyncadd.s32 $0xFFFFFF80  }
0x35: {  	[tilespmem:s19], [sflag:$0x1] =	stream.indirect.gather [hbm4b:s4+s20], $0x10, s3, s20, $0xb8;
	[tilespmem:$0x7080] =	vst v63  }
0x36: {  	_ = 	snop  }
0x37: {  	[tilespmem:s20], [sflag:$0x3] =	stream.linear.gather [hbm4b:s12+s3], $0x80, $0x38;
	[tilespmem:$0x7080] =	vst v63  }
0x38: {  	_ =	swait.ge [sflag:s18], $0x80  }
0x39: {  	[sflag:s18] =	ssyncset.done $0x0  }
0x3a: {  	[sflag:s18] =	ssyncadd.s32 $0xFFFFFF80  }
0x3b: {  	[tilespmem:s21], [sflag:$0x2] =	stream.indirect.gather [hbm4b:s4+s20], $0x10, s20, s20, $0xb8;
	[tilespmem:$0x7080] =	vst v63  }
0x3c: {  	_ =	swait.ge [sflag:s22], $0x800  }
0x3d: {  	[sflag:s22] =	ssyncset.done $0x0  }
0x3e: {  	s25 =	sadd.s32 $0xFFFFFFF0, s16;
	[sflag:s22] =	ssyncadd.s32 $0xFFFFF800  }
0x3f: {  	[tilespmem:s3], [sflag:$0x3] =	stream.linear.gather [hbm4b:s25+s3], $0x80, $0x38;
	[tilespmem:$0x7080] =	vst v63  }
0x40: {  	_ =	swait.ge [sflag:s18], $0x80  }
0x41: {  	[sflag:s18] =	ssyncset.done $0x0  }
0x42: {  	s31 =	simm.s32 $0x100;
	[sflag:s18] =	ssyncadd.s32 $0xFFFFFF80  }
0x43: {  	[spmem:s2] =	stream.indirect.scatter.add.f32 [tilespmem:s19], [sflag:$0x3], $0x10, s31, s20, $0xb8;
	[tilespmem:$0x7080] =	vst v63  }
0x44: {  	_ =	swait.ge [sflag:s18], $0x800  }
0x45: {  	[sflag:s18] =	ssyncset.done $0x0  }
0x46: {  	[sflag:s18] =	ssyncadd.s32 $0xFFFFF800  }
0x47: {  	[tilespmem:s19], [sflag:$0x1] =	stream.indirect.gather [hbm4b:s4+s20], $0x10, s3, s20, $0xb8;
	[tilespmem:$0x7080] =	vst v63  }
0x48: {  	_ =	swait.ge [sflag:s23], $0x800  }
0x49: {  	[sflag:s23] =	ssyncset.done $0x0  }
0x4a: {  	[sflag:s23] =	ssyncadd.s32 $0xFFFFF800  }
0x4b: {  	[tilespmem:s20], [sflag:$0x3] =	stream.linear.gather [hbm4b:s16+s3], $0x80, $0x38;
	[tilespmem:$0x7080] =	vst v63  }
0x4c: {  	p0 =	sne.s32 s13, $0x1;
	_ =	swait.ge [sflag:s18], $0x80  }
.Ltmp1:
0x4d: {  	[sflag:s18] =	ssyncset.done $0x0;
	(pc) =	sbr.rel @!p0 .LBB2_5-.Ltmp1, $4  }
0x4e: {  	s25 =	simm.s32 $0x180;
	[sflag:s18] =	ssyncadd.s32 $0xFFFFFF80  }
0x4f: {  	[spmem:s2] =	stream.indirect.scatter.add.f32 [tilespmem:s21], [sflag:$0x3], $0x10, s25, s20, $0xb8;
	[tilespmem:$0x7080] =	vst v63  }
0x50: {  	_ =	swait.ge [sflag:s18], $0x800  }
0x51: {  	s26 =	sadd.s32 $0xFFFFFFFF, s13;
	s28 =	smov.u32 s16;
	[sflag:s18] =	ssyncset.done $0x0  }
.LBB2_4:
0x52: {  	[sflag:s18] =	ssyncadd.s32 $0xFFFFF800;
	s25 =	sadd.s32 $0x100, s25;
	s28 =	sadd.s32 $0x20, s28  }
0x53: {  	[tilespmem:s21], [sflag:$0x2] =	stream.indirect.gather [hbm4b:s4+s20], $0x10, s20, s20, $0xb8;
	[tilespmem:$0x7080] =	vst v63  }
0x54: {  	p0 =	sne.s32 s26, $0x1;
	s26 =	sadd.s32 $0xFFFFFFFF, s26;
	_ =	swait.ge [sflag:s22], $0x800  }
0x55: {  	[sflag:s22] =	ssyncset.done $0x0  }
0x56: {  	s29 =	sadd.s32 $0xFFFFFFF0, s28;
	[sflag:s22] =	ssyncadd.s32 $0xFFFFF800  }
0x57: {  	[tilespmem:s3], [sflag:$0x3] =	stream.linear.gather [hbm4b:s29+s3], $0x80, $0x38;
	[tilespmem:$0x7080] =	vst v63  }
0x58: {  	_ =	swait.ge [sflag:s18], $0x80  }
0x59: {  	[sflag:s18] =	ssyncset.done $0x0  }
0x5a: {  	s29 =	sadd.s32 $0xFFFFFF80, s25;
	[sflag:s18] =	ssyncadd.s32 $0xFFFFFF80  }
0x5b: {  	[spmem:s2] =	stream.indirect.scatter.add.f32 [tilespmem:s19], [sflag:$0x3], $0x10, s29, s20, $0xb8;
	[tilespmem:$0x7080] =	vst v63  }
0x5c: {  	_ =	swait.ge [sflag:s18], $0x800  }
0x5d: {  	[sflag:s18] =	ssyncset.done $0x0  }
0x5e: {  	[sflag:s18] =	ssyncadd.s32 $0xFFFFF800  }
0x5f: {  	[tilespmem:s19], [sflag:$0x1] =	stream.indirect.gather [hbm4b:s4+s20], $0x10, s3, s20, $0xb8;
	[tilespmem:$0x7080] =	vst v63  }
0x60: {  	_ =	swait.ge [sflag:s23], $0x800  }
0x61: {  	[sflag:s23] =	ssyncset.done $0x0  }
0x62: {  	[sflag:s23] =	ssyncadd.s32 $0xFFFFF800  }
0x63: {  	[tilespmem:s20], [sflag:$0x3] =	stream.linear.gather [hbm4b:s28+s3], $0x80, $0x38;
	[tilespmem:$0x7080] =	vst v63  }
0x64: {  	_ =	swait.ge [sflag:s18], $0x80  }
.Ltmp2:
0x65: {  	[sflag:s18] =	ssyncset.done $0x0;
	(pc) =	sbr.rel @p0 .LBB2_4-.Ltmp2, $4  }
0x66: {  	[sflag:s18] =	ssyncadd.s32 $0xFFFFFF80  }
0x67: {  	[spmem:s2] =	stream.indirect.scatter.add.f32 [tilespmem:s21], [sflag:$0x3], $0x10, s25, s20, $0xb8;
	[tilespmem:$0x7080] =	vst v63  }
0x68: {  	_ =	swait.ge [sflag:s18], $0x800  }
0x69: {  	[sflag:s18] =	ssyncset.done $0x0  }
.LBB2_5:
0x6a: {  	[sflag:s18] =	ssyncadd.s32 $0xFFFFF800  }
0x6b: {  	_ =	swait.ge [sflag:s22], $0x800  }
0x6c: {  	s25 =	sshll.u32 s1, $0x6;
	s24 =	sadd.s32 $0x1, s24;
	[sflag:s22] =	ssyncset.done $0x0  }
0x6d: {  	s26 =	sshrl.u32 s6, $0x3;
	p0 =	sne.s32 s24, s15;
	[sflag:s22] =	ssyncadd.s32 $0xFFFFF800  }
.Ltmp3:
0x6e: {  	s25 =	sor.u32 $0x1C03, s25;
	[bflag:$0x0] =	sbarrier.arrive $0xFFFF;
	(pc) =	sbr.rel @p0 .LBB2_1-.Ltmp3, $4  }
0x6f: {  	[hbm:s14], [sflag:s25] =	dma.local [spmem:s26], $0x4F0  }
0x70: {  	_ =	swait.ge [sflag:s18], $0x4F0  }
0x71: {  	[sflag:s18] =	ssyncset.done $0x0  }
0x72: {  	[sflag:s18] =	ssyncadd.s32 $0xFFFFFB10  }
0x73: {  	_ =	sfence.sel $0x180000  }
0x74: {  	[bflag:$0x0] =	sbarrier.arrive $0xFFFF  }
0x75: {  	p0 =	sne.s32 s1, $0x0;
	_ =	strace $0x90000053  }
0x76: {  	s0 =	sadd.s32 @!p0 $0x100000, s0;
	[bflag:$0x2] =	sbarrier.arrive $0xFFFF  }
0x77: {  	[sflag:s0] =	ssyncadd.tile.s32 @!p0 $0x1;
	_ =	shalt  }
.Lfunc_end2:
_tile_overlayer_lowered:
.L_overlay_start_2:
0x78: {  	(tag) =	ssettag $0x2  }
0x79: {  	s0 =	rddreg [dreg:$0x0];
	s2 =	stileid.u32  }
0x7a: {  	s1 =	rddreg [dreg:$0x1];
	p0 =	sne.s32 s2, $0x0  }
0x7b: {  	s3 =	rddreg [dreg:$0x2];
	[bflag:$0x3] =	sbarrier.arrive $0xFFFF;
	s2 =	simm.s32 @!p0 $0x1C03  }
0x7c: {  	[timem:s3], [sflag:s2] =	dma.local @!p0 [hbm:s0], s1  }
0x7d: {  	s0 =	simm.s32 @!p0 $0x3  }
0x7e: {  	_ =	swait.ge @!p0 [sflag:s0], s1  }
0x7f: {  	s1 =	ssub.s32 @!p0 $0x0, s1;
	[sflag:s0] =	ssyncset.done @!p0 $0x0  }
0x80: {  	[sflag:s0] =	ssyncadd.s32 @!p0 s1  }
0x81: {  	[bflag:$0x3] =	sbarrier.arrive $0xFFFF  }
0x82: {  	_ =	shalt  }

// kernel: kernel.30.cloned.1.call-start
scs
__scs_entry_jumppad:
0x0: {  	(pc) =	sbr.rel $0x88, $3  }
0x1: {  	(tag) =	ssettag $0x0;
	lr =	simm.s32 $0x1  }
0x2: {  	[smem:$0x3F94] =	sst lr;
	_ =	strace $0xD0000000  }
0x3: {  	_ = 	snop  }
0x4: {  	_ = 	snop  }
0x5: {  	_ = 	snop  }
0x6: {  	_ = 	snop  }
0x7: {  	_ = 	snop  }
__scs_overlays_trampoline_lowered:
0x8: {  	[smem:$0x3FA3] =	sst s0  }
0x9: {  	[smem:$0x3FA4] =	sst s1  }
0xa: {  	[smem:$0x3FA5] =	sst s2  }
0xb: {  	[smem:$0x3FA6] =	sst s3  }
0xc: {  	[smem:$0x3FA7] =	sst s4  }
0xd: {  	[smem:$0x3FA8] =	sst s5  }
0xe: {  	[smem:$0x3FA9] =	sst s6  }
0xf: {  	[smem:$0x3FAA] =	sst s7  }
0x10: {  	[smem:$0x3FAB] =	sst s8  }
0x11: {  	[smem:$0x3FAC] =	sst s9;
	s0 =	simm.s32 @!p0 $0x0  }
0x12: {  	s1 =	sld [smem:$0x3F92];
	s0 =	simm.s32 @p0 $0x1  }
0x13: {  	[smem:$0x3FAD] =	sst s0;
	s0 =	simm.s32 @!p1 $0x0  }
0x14: {  	s2 =	sld [smem:$0x3F91];
	s0 =	simm.s32 @p1 $0x1  }
0x15: {  	[smem:$0x3FAE] =	sst s0;
	s0 =	simm.s32 @!p2 $0x0  }
0x16: {  	s3 =	sld [smem:$0x3FDB];
	s0 =	simm.s32 @p2 $0x1  }
0x17: {  	s4 =	simm.s32 $0x1BF5;
	[smem:$0x3FB0] =	sst s0  }
0x18: {  	s0 =	sld [smem:$0x3F93];
	_ =	swait.ge [sflag:s4], $0x0  }
0x19: {  	s7 =	sld [smem:$0x3F94]  }
0x1a: {  	s8 =	sadd.s32 $0xFFFFE003, lr  }
0x1b: {  	s9 =	sadd.s32 $0xFFFFFEF7, lr;
	s5 =	simm.s32 $0xFFFFFFFF;
	p2 =	slt.u32 s8, $0xFFFFF086  }
0x1c: {  	p1 =	slt.u32 s9, $0xF7A;
	s5 =	simm.s32 @!p2 $0x0  }
0x1d: {  	s5 =	simm.s32 @p1 $0x1;
	p0 =	seq.s32 s7, s2  }
0x1e: {  	s7 =	smul.u32 @!p0 $0xF7A, s2;
	p2 =	seq.s32 @!p0 s5, $0x0  }
0x1f: {  	s9 =	smul.u32 $0xF7A, s1;
	s8 =	simm.s32 @!p0 $0x1BF5;
	p2 =	por !p2, p0  }
0x20: {  	[sflag:s8] =	ssyncset.s32 @!p0 $0xFFFFF086;
	s6 =	sadd.s32 @!p0 s3, s7;
	s7 =	simm.s32 @!p0 $0x108  }
0x21: {  	s3 =	sadd.s32 s3, s9;
	s6 =	sadd.s32 @!p0 $0x88, s6;
	s7 =	simm.s32 @p2 $0x1082  }
0x22: {  	[simem:s7], [sflag:s8] =	dma.local @!p0 [hbm:s6], $0xF7A  }
0x23: {  	s9 =	sor.u32 $0xD0000000, s2;
	s6 =	simm.s32 $0x108;
	_ =	swait.ge @!p0 [sflag:s8], $0x0  }
0x24: {  	s3 =	sadd.s32 $0x88, s3;
	s6 =	simm.s32 @!p1 $0x1082;
	[sflag:s4] =	ssyncset.s32 $0xFFFFF086  }
0x25: {  	[simem:s6], [sflag:s4] =	dma.local [hbm:s3], $0xF7A  }
0x26: {  	[smem:$0x3F94] =	sst s1;
	(tag) =	ssettag s2;
	_ =	strace s9  }
0x27: {  	s1 =	sld [smem:$0x3FA4]  }
0x28: {  	s2 =	sld [smem:$0x3FA5]  }
0x29: {  	s4 =	sld [smem:$0x3FA7]  }
0x2a: {  	p0 =	seq.s32 s5, $0x0;
	s5 =	sld [smem:$0x3FA8]  }
0x2b: {  	s6 =	sld [smem:$0x3FA9]  }
0x2c: {  	s7 =	sld [smem:$0x3FAA]  }
0x2d: {  	s3 =	simm.s32 $0x108;
	s8 =	sld [smem:$0x3FAB]  }
0x2e: {  	s3 =	simm.s32 @!p0 $0x1082;
	s9 =	sld [smem:$0x3FAC]  }
0x2f: {  	lr =	sadd.s32 s0, s3;
	s0 =	sld [smem:$0x3FA3]  }
0x30: {  	s3 =	sld [smem:$0x3FA6]  }
0x31: {  	[smem:$0x3FAF] =	sst s10  }
0x32: {  	s10 =	sld [smem:$0x3FAD];
	_ =	sdelay $0x3  }
0x33: {  	p0 =	seq.s32 s10, $0x1;
	s10 =	sld [smem:$0x3FAF];
	_ =	sdelay $0x3  }
0x34: {  	[smem:$0x3FAF] =	sst s10  }
0x35: {  	s10 =	sld [smem:$0x3FAE];
	_ =	sdelay $0x3  }
0x36: {  	p1 =	seq.s32 s10, $0x1;
	s10 =	sld [smem:$0x3FAF];
	_ =	sdelay $0x3  }
0x37: {  	[smem:$0x3FAF] =	sst s10  }
0x38: {  	s10 =	sld [smem:$0x3FB0]  }
0x39: {  	_ = 	snop;
	(pc) =	sbr.ind lr, $3  }
0x3a: {  	_ = 	snop  }
0x3b: {  	_ = 	snop  }
0x3c: {  	p2 =	seq.s32 s10, $0x1;
	s10 =	sld [smem:$0x3FAF]  }
0x3d: {  	_ =	shalt  }
0x3e: {  	_ =	shalt  }
0x3f: {  	_ =	shalt  }
0x40: {  	_ =	shalt  }
0x41: {  	_ =	shalt  }
0x42: {  	_ =	shalt  }
0x43: {  	_ =	shalt  }
0x44: {  	_ =	shalt  }
0x45: {  	_ =	shalt  }
0x46: {  	_ =	shalt  }
0x47: {  	_ =	shalt  }
0x48: {  	_ =	shalt  }
0x49: {  	_ =	shalt  }
0x4a: {  	_ =	shalt  }
0x4b: {  	_ =	shalt  }
0x4c: {  	_ =	shalt  }
0x4d: {  	_ =	shalt  }
0x4e: {  	_ =	shalt  }
0x4f: {  	_ =	shalt  }
0x50: {  	_ =	shalt  }
0x51: {  	_ =	shalt  }
0x52: {  	_ =	shalt  }
0x53: {  	_ =	shalt  }
0x54: {  	_ =	shalt  }
0x55: {  	_ =	shalt  }
0x56: {  	_ =	shalt  }
0x57: {  	_ =	shalt  }
0x58: {  	_ =	shalt  }
0x59: {  	_ =	shalt  }
0x5a: {  	_ =	shalt  }
0x5b: {  	_ =	shalt  }
0x5c: {  	_ =	shalt  }
0x5d: {  	_ =	shalt  }
0x5e: {  	_ =	shalt  }
0x5f: {  	_ =	shalt  }
0x60: {  	_ =	shalt  }
0x61: {  	_ =	shalt  }
0x62: {  	_ =	shalt  }
0x63: {  	_ =	shalt  }
0x64: {  	_ =	shalt  }
0x65: {  	_ =	shalt  }
0x66: {  	_ =	shalt  }
0x67: {  	_ =	shalt  }
0x68: {  	_ =	shalt  }
0x69: {  	_ =	shalt  }
0x6a: {  	_ =	shalt  }
0x6b: {  	_ =	shalt  }
0x6c: {  	_ =	shalt  }
0x6d: {  	_ =	shalt  }
0x6e: {  	_ =	shalt  }
0x6f: {  	_ =	shalt  }
0x70: {  	_ =	shalt  }
0x71: {  	_ =	shalt  }
0x72: {  	_ =	shalt  }
0x73: {  	_ =	shalt  }
0x74: {  	_ =	shalt  }
0x75: {  	_ =	shalt  }
0x76: {  	_ =	shalt  }
0x77: {  	_ =	shalt  }
0x78: {  	_ =	shalt  }
0x79: {  	_ =	shalt  }
0x7a: {  	_ =	shalt  }
0x7b: {  	_ =	shalt  }
0x7c: {  	_ =	shalt  }
0x7d: {  	_ =	shalt  }
0x7e: {  	_ =	shalt  }
0x7f: {  	_ =	shalt  }
0x80: {  	_ =	shalt  }
0x81: {  	_ =	shalt  }
0x82: {  	_ =	shalt  }
0x83: {  	_ =	shalt  }
0x84: {  	_ =	shalt  }
0x85: {  	_ =	shalt  }
0x86: {  	_ =	shalt  }
0x87: {  	_ =	shalt  }
.Lfunc_end0:
.L_simem_size_0:
called_computation.5_lowered:
.L_overlay_start_0:
0x88: {  	s2 =	sld [smem:$0x3FD9]  }
0x89: {  	s3 =	sld [smem:$0x3FFE];
	_ =	sdelay $0x1  }
0x8a: {  	s1 =	srdreg.scid  }
0x8b: {  	s0 =	sand.u32 $0x1, s1  }
0x8c: {  	s16 =	sshll.u32 s0, $0xA;
	s2 =	sadd.s32 s3, s2  }
0x8d: {  	s2 =	sadd.s32 s2, s16  }
0x8e: {  	[smem:$0x3FBB] =	sst s2  }
0x8f: {  	_ = 	snop  }
0x90: {  	(tm) =	ssettm $0x1  }
0x91: {  	s17 =	sld [smem:$0x3FFB];
	_ =	sdelay $0x3  }
0x92: {  	_ =	strace s17  }
0x93: {  	s2 =	sld [smem:$0x3FFC];
	_ =	sdelay $0x3  }
0x94: {  	_ =	strace s2  }
0x95: {  	s2 =	sld [smem:$0x3FFD];
	_ =	sdelay $0x3  }
0x96: {  	_ =	strace s2  }
0x97: {  	_ =	strace $0x8FFFFFFF  }
0x98: {  	s18 =	sld [smem:$0x3FDB];
	_ =	sdelay $0x1  }
0x99: {  	s19 =	simm.s32 $_scs_section_size  }
0x9a: {  	s4 =	simm.s32 $_size__tile_overlayer_lowered;
	s5 =	simm.s32 $_tile_overlayer_lowered  }
0x9b: {  	s22 =	simm.s32 $0x1BFF;
	s21 =	sshll.u32 s5, $0x1;
	s2 =	sadd.s32 s19, s18  }
0x9c: {  	s6 =	simm.s32 $0x0;
	s20 =	sshll.u32 s4, $0x1;
	s4 =	sadd.s32 s21, s2  }
0x9d: {  	[timem:s6], [sflag:s22] =	dma.local [hbm:s4], s20  }
0x9e: {  	_ =	swait.ge [sflag:s22], s20  }
0x9f: {  	s3 =	ssub.s32 $0x0, s20;
	[sflag:s22] =	ssyncset.done $0x0  }
0xa0: {  	[sflag:s22] =	ssyncadd.s32 s3;
	_ =	sdelay $0x1  }
0xa1: {  	s23 =	simm.s32 $0x1B8B  }
0xa2: {  	_ =	swait.ge [sflag:s23], $0x1  }
0xa3: {  	[sflag:s23] =	ssyncset.done $0x0  }
0xa4: {  	s25 =	simm.s32 $0x1B8E;
	s24 =	sld [smem:$0x3FFE];
	[sflag:s23] =	ssyncadd.s32 $0xFFFFFFFF  }
0xa5: {  	s26 =	simm.s32 $execute0_lowered;
	[smem:$0x3FD2] =	sst s25  }
0xa6: {  	s4 =	sshll.u32 s26, $0x1;
	_ =	strace $0x80000055;
	[dreg:$0x1] =	wrdreg $0xFFFFFFFF  }
0xa7: {  	s28 =	simm.s32 $_size_execute0_lowered;
	s2 =	sadd.s32 s2, s4;
	[dreg:$0x0] =	wrdreg $0x0  }
0xa8: {  	s4 =	sshll.u32 s28, $0x1;
	[dreg:$0x2] =	wrdreg s2  }
0xa9: {  	[dreg:$0x3] =	wrdreg s4  }
0xaa: {  	[dreg:$0x4] =	wrdreg $0xC0  }
0xab: {  	_ =	task [dreg:s6], $0x5FFFF  }
0xac: {  	[dreg:$0x1] =	wrdreg $0xFFFFFFFF  }
0xad: {  	[dreg:$0x0] =	wrdreg $0x60  }
0xae: {  	[dreg:$0x2] =	wrdreg s24  }
0xaf: {  	[dreg:$0x3] =	wrdreg $0xA000  }
0xb0: {  	[dreg:$0x4] =	wrdreg $0x9  }
0xb1: {  	_ =	task.clear_ibuf [dreg:s6], $0x5FFFF;
	_ =	strace $0x90000055  }
0xb2: {  	s29 =	simm.s32 $0x9;
	_ =	strace $0x80000057  }
0xb3: {  	_ =	swait.ge [sflag:s29], $0x1  }
0xb4: {  	[sflag:s29] =	ssyncadd.s32 $0xFFFFFFFF  }
0xb5: {  	_ =	strace $0x90000057  }
0xb6: {  	_ =	sfence  }
0xb7: {  	s30 =	sld [smem:$0x0];
	_ =	sdelay $0x2  }
0xb8: {  	s31 =	sshll.u32 s1, $0xD;
	s1 =	sshrl.u32 s1, $0x2  }
0xb9: {  	s3 =	sand.u32 $0x4000, s31;
	s1 =	sadd.s32 s1, s30  }
0xba: {  	s0 =	sor.u32 s3, s0;
	s1 =	sshll.u32 s1, $0x11  }
0xbb: {  	s0 =	sor.u32 s1, s0  }
0xbc: {  	s0 =	sadd.s32 $0x8F2B, s0  }
0xbd: {  	[sflag:s0] =	ssyncadd.remote.s32 $0x1  }
0xbe: {  	_ =	sfence.sel $0xFFFF  }
0xbf: {  	[dreg:$0x0] =	wrdreg $0xFFFFFFFF;
	(pc) =	sbr.abs _section_cstart, $3  }
0xc0: {  	[dreg:$0x1] =	wrdreg $0xFFFFFFFF  }
0xc1: {  	_ =	task.clear_ibuf [dreg:s6], $0x2FFFF;
	_ =	strace $0x9FFFFFFF  }
0xc2: {  	(tm) =	ssettm $0x7FFFFFFF  }
0xc3: {  	_ =	shalt  }
tec
execute0_lowered:
.L_overlay_start_1:
0x0: {  	(tag) =	ssettag $0x1  }
0x1: {  	s5 =	rddreg [dreg:$0x0]  }
0x2: {  	s0 =	srdreg.scid;
	s2 =	rddreg [dreg:$0x1];
	s17 =	simm.s32 $0x80  }
0x3: {  	s18 =	simm.s32 $0x3;
	s19 =	simm.s32 $0x200;
	s20 =	simm.s32 $0x40  }
0x4: {  	s21 =	simm.s32 $0x600;
	s22 =	simm.s32 $0x1;
	s23 =	simm.s32 $0x2  }
0x5: {  	s24 =	simm.s32 $0xC0;
	s25 =	simm.s32 $0x100;
	s28 =	simm.s32 $0x180  }
0x6: {  	s29 =	simm.s32 $0x1C0;
	s30 =	simm.s32 $0x0;
	s1 =	sand.u32 $0x1, s0  }
0x7: {  	s0 =	stileid.u32;
	s4 =	sadd.s32 $0x4200, s5;
	s3 =	sshll.u32 s1, $0x4  }
0x8: {  	s8 =	sshll.u32 s0, $0x7;
	s9 =	sshll.u32 s1, $0xB;
	s6 =	sor.u32 s0, s3  }
0x9: {  	s1 =	ssub.s32 $0x2, s1;
	s3 =	simm.s32 $0x0;
	s7 =	smul.u32 $0x180, s6  }
0xa: {  	s26 =	sor.u32 s8, s9;
	s31 =	sshrl.u32 s1, $0x1;
	[smem:$0x7FF] =	sst s3  }
0xb: {  	s6 =	smul.u32 $0x30, s6;
	s1 =	ssub.s32 s1, s31;
	s7 =	sshrl.u32 s7, $0x3  }
0xc: {  	_ =	strace $0x80000056;
	s16 =	sadd.s32 s7, s5;
	s7 =	sshrl.u32 s26, $0x3  }
0xd: {  	s6 =	sadd.s32 s6, s5;
	s26 =	simm.s32 $0x140;
	s10 =	sadd.s32 s7, s5  }
0xe: {  	s5 =	sadd.s32 $0x13000, s6;
	s6 =	sadd.s32 s8, s2;
	s7 =	sadd.s32 $0x9200, s16  }
0xf: {  	s8 =	sadd.s32 $0x9208, s16;
	s11 =	sadd.s32 $0x9210, s16;
	s12 =	sadd.s32 $0x9218, s16  }
0x10: {  	s13 =	sadd.s32 $0x9220, s16;
	s14 =	sadd.s32 $0x9228, s16;
	s15 =	sadd.s32 $0x9230, s16  }
0x11: {  	v0 =	vimm.f32 $0.0e+00;
	s16 =	sadd.s32 $0x9238, s16;
	s9 =	sadd.s32 $0x9A00, s10;
	s10 =	smax.u32 s1, $0x1  }
.LBB2_1:
0x12: {  	[tilespmem:s17], [sflag:$0x3] =	stream.linear.gather [hbm4b:s5+s3], $0x180, $0x38;
	[tilespmem:$0xA80] =	vst v63  }
0x13: {  	_ =	swait.ge [sflag:s18], $0x180  }
0x14: {  	[sflag:s18] =	ssyncset.done $0x0  }
0x15: {  	s31 =	simm.s32 $0x40;
	s1 =	simm.s32 $0x0;
	[sflag:s18] =	ssyncadd.s32 $0xFFFFFE80  }
.LBB2_2:
0x16: {  	p0 =	sne.s32 s31, $0xFC0;
	[tilespmem:s1+$0x200] =	vst v0;
	s1 =	smov.u32 s31;
	s31 =	sadd.s32 $0x40, s31  }
.Ltmp0:
0x17: {  	(pc) =	sbr.rel @p0 .LBB2_2-.Ltmp0, $2  }
0x18: {  	_ =	sdelay $0x2  }
0x19: {  	s1 =	sshra.s32 s1, $0x2  }
0x1a: {  	[tilespmem:s1+$0x200] =	vst v0  }
0x1b: {  	[spmem:s6] =	stream.linear.scatter [tilespmem:s19], [sflag:$0x3], $0x80, $0x38;
	[tilespmem:$0xA80] =	vst v63  }
0x1c: {  	_ =	swait.ge [sflag:s18], $0x80  }
0x1d: {  	[sflag:s18] =	ssyncset.done $0x0  }
0x1e: {  	[sflag:s18] =	ssyncadd.s32 $0xFFFFFF80  }
0x1f: {  	[bflag:$0x0] =	sbarrier.arrive $0xFFFF  }
0x20: {  	[tilespmem:s3], [sflag:$0x3] =	stream.linear.gather [hbm4b:s7+s3], $0x40, $0x38;
	[tilespmem:$0xA80] =	vst v63  }
0x21: {  	_ =	swait.ge [sflag:s18], $0x40  }
0x22: {  	[sflag:s18] =	ssyncset.done $0x0  }
0x23: {  	[sflag:s18] =	ssyncadd.s32 $0xFFFFFFC0  }
0x24: {  	[tilespmem:s19], [sflag:$0x1] =	stream.indirect.gather [hbm4b:s4+s20], $0x10, s3, s20, $0xb8;
	[tilespmem:$0xA80] =	vst v63  }
0x25: {  	_ = 	snop  }
0x26: {  	[tilespmem:s20], [sflag:$0x3] =	stream.linear.gather [hbm4b:s8+s3], $0x40, $0x38;
	[tilespmem:$0xA80] =	vst v63  }
0x27: {  	_ =	swait.ge [sflag:s18], $0x40  }
0x28: {  	[sflag:s18] =	ssyncset.done $0x0  }
0x29: {  	[sflag:s18] =	ssyncadd.s32 $0xFFFFFFC0  }
0x2a: {  	[tilespmem:s21], [sflag:$0x2] =	stream.indirect.gather [hbm4b:s4+s20], $0x10, s20, s20, $0xb8;
	[tilespmem:$0xA80] =	vst v63  }
0x2b: {  	_ =	swait.ge [sflag:s22], $0x400  }
0x2c: {  	[sflag:s22] =	ssyncset.done $0x0  }
0x2d: {  	[sflag:s22] =	ssyncadd.s32 $0xFFFFFC00  }
0x2e: {  	[tilespmem:s3], [sflag:$0x3] =	stream.linear.gather [hbm4b:s11+s3], $0x40, $0x38;
	[tilespmem:$0xA80] =	vst v63  }
0x2f: {  	_ =	swait.ge [sflag:s18], $0x40  }
0x30: {  	[sflag:s18] =	ssyncset.done $0x0  }
0x31: {  	[sflag:s18] =	ssyncadd.s32 $0xFFFFFFC0  }
0x32: {  	[spmem:s2] =	stream.indirect.scatter.add.f32 [tilespmem:s19], [sflag:$0x3], $0x10, s17, s20, $0xb8;
	[tilespmem:$0xA80] =	vst v63  }
0x33: {  	_ =	swait.ge [sflag:s18], $0x400  }
0x34: {  	[sflag:s18] =	ssyncset.done $0x0  }
0x35: {  	[sflag:s18] =	ssyncadd.s32 $0xFFFFFC00  }
0x36: {  	[tilespmem:s19], [sflag:$0x1] =	stream.indirect.gather [hbm4b:s4+s20], $0x10, s3, s20, $0xb8;
	[tilespmem:$0xA80] =	vst v63  }
0x37: {  	_ =	swait.ge [sflag:s23], $0x400  }
0x38: {  	[sflag:s23] =	ssyncset.done $0x0  }
0x39: {  	[sflag:s23] =	ssyncadd.s32 $0xFFFFFC00  }
0x3a: {  	[tilespmem:s20], [sflag:$0x3] =	stream.linear.gather [hbm4b:s12+s3], $0x40, $0x38;
	[tilespmem:$0xA80] =	vst v63  }
0x3b: {  	_ =	swait.ge [sflag:s18], $0x40  }
0x3c: {  	[sflag:s18] =	ssyncset.done $0x0  }
0x3d: {  	[sflag:s18] =	ssyncadd.s32 $0xFFFFFFC0  }
0x3e: {  	[spmem:s2] =	stream.indirect.scatter.add.f32 [tilespmem:s21], [sflag:$0x3], $0x10, s24, s20, $0xb8;
	[tilespmem:$0xA80] =	vst v63  }
0x3f: {  	_ =	swait.ge [sflag:s18], $0x400  }
0x40: {  	[sflag:s18] =	ssyncset.done $0x0  }
0x41: {  	[sflag:s18] =	ssyncadd.s32 $0xFFFFFC00  }
0x42: {  	[tilespmem:s21], [sflag:$0x2] =	stream.indirect.gather [hbm4b:s4+s20], $0x10, s20, s20, $0xb8;
	[tilespmem:$0xA80] =	vst v63  }
0x43: {  	_ =	swait.ge [sflag:s22], $0x400  }
0x44: {  	[sflag:s22] =	ssyncset.done $0x0  }
0x45: {  	[sflag:s22] =	ssyncadd.s32 $0xFFFFFC00  }
0x46: {  	[tilespmem:s3], [sflag:$0x3] =	stream.linear.gather [hbm4b:s13+s3], $0x40, $0x38;
	[tilespmem:$0xA80] =	vst v63  }
0x47: {  	_ =	swait.ge [sflag:s18], $0x40  }
0x48: {  	[sflag:s18] =	ssyncset.done $0x0  }
0x49: {  	[sflag:s18] =	ssyncadd.s32 $0xFFFFFFC0  }
0x4a: {  	[spmem:s2] =	stream.indirect.scatter.add.f32 [tilespmem:s19], [sflag:$0x3], $0x10, s25, s20, $0xb8;
	[tilespmem:$0xA80] =	vst v63  }
0x4b: {  	_ =	swait.ge [sflag:s18], $0x400  }
0x4c: {  	[sflag:s18] =	ssyncset.done $0x0  }
0x4d: {  	[sflag:s18] =	ssyncadd.s32 $0xFFFFFC00  }
0x4e: {  	[tilespmem:s19], [sflag:$0x1] =	stream.indirect.gather [hbm4b:s4+s20], $0x10, s3, s20, $0xb8;
	[tilespmem:$0xA80] =	vst v63  }
0x4f: {  	_ =	swait.ge [sflag:s23], $0x400  }
0x50: {  	[sflag:s23] =	ssyncset.done $0x0  }
0x51: {  	[sflag:s23] =	ssyncadd.s32 $0xFFFFFC00  }
0x52: {  	[tilespmem:s20], [sflag:$0x3] =	stream.linear.gather [hbm4b:s14+s3], $0x40, $0x38;
	[tilespmem:$0xA80] =	vst v63  }
0x53: {  	_ =	swait.ge [sflag:s18], $0x40  }
0x54: {  	[sflag:s18] =	ssyncset.done $0x0  }
0x55: {  	[sflag:s18] =	ssyncadd.s32 $0xFFFFFFC0  }
0x56: {  	[spmem:s2] =	stream.indirect.scatter.add.f32 [tilespmem:s21], [sflag:$0x3], $0x10, s26, s20, $0xb8;
	[tilespmem:$0xA80] =	vst v63  }
0x57: {  	_ =	swait.ge [sflag:s18], $0x400  }
0x58: {  	[sflag:s18] =	ssyncset.done $0x0  }
0x59: {  	[sflag:s18] =	ssyncadd.s32 $0xFFFFFC00  }
0x5a: {  	[tilespmem:s21], [sflag:$0x2] =	stream.indirect.gather [hbm4b:s4+s20], $0x10, s20, s20, $0xb8;
	[tilespmem:$0xA80] =	vst v63  }
0x5b: {  	_ =	swait.ge [sflag:s22], $0x400  }
0x5c: {  	[sflag:s22] =	ssyncset.done $0x0  }
0x5d: {  	[sflag:s22] =	ssyncadd.s32 $0xFFFFFC00  }
0x5e: {  	[tilespmem:s3], [sflag:$0x3] =	stream.linear.gather [hbm4b:s15+s3], $0x40, $0x38;
	[tilespmem:$0xA80] =	vst v63  }
0x5f: {  	_ =	swait.ge [sflag:s18], $0x40  }
0x60: {  	[sflag:s18] =	ssyncset.done $0x0  }
0x61: {  	[sflag:s18] =	ssyncadd.s32 $0xFFFFFFC0  }
0x62: {  	[spmem:s2] =	stream.indirect.scatter.add.f32 [tilespmem:s19], [sflag:$0x3], $0x10, s28, s20, $0xb8;
	[tilespmem:$0xA80] =	vst v63  }
0x63: {  	_ =	swait.ge [sflag:s18], $0x400  }
0x64: {  	[sflag:s18] =	ssyncset.done $0x0  }
0x65: {  	[sflag:s18] =	ssyncadd.s32 $0xFFFFFC00  }
0x66: {  	[tilespmem:s19], [sflag:$0x1] =	stream.indirect.gather [hbm4b:s4+s20], $0x10, s3, s20, $0xb8;
	[tilespmem:$0xA80] =	vst v63  }
0x67: {  	_ =	swait.ge [sflag:s23], $0x400  }
0x68: {  	[sflag:s23] =	ssyncset.done $0x0  }
0x69: {  	[sflag:s23] =	ssyncadd.s32 $0xFFFFFC00  }
0x6a: {  	[tilespmem:s20], [sflag:$0x3] =	stream.linear.gather [hbm4b:s16+s3], $0x40, $0x38;
	[tilespmem:$0xA80] =	vst v63  }
0x6b: {  	_ =	swait.ge [sflag:s18], $0x40  }
0x6c: {  	[sflag:s18] =	ssyncset.done $0x0  }
0x6d: {  	[sflag:s18] =	ssyncadd.s32 $0xFFFFFFC0  }
0x6e: {  	[spmem:s2] =	stream.indirect.scatter.add.f32 [tilespmem:s21], [sflag:$0x3], $0x10, s29, s20, $0xb8;
	[tilespmem:$0xA80] =	vst v63  }
0x6f: {  	_ =	swait.ge [sflag:s18], $0x400  }
0x70: {  	[sflag:s18] =	ssyncset.done $0x0  }
0x71: {  	[sflag:s18] =	ssyncadd.s32 $0xFFFFFC00  }
0x72: {  	_ =	swait.ge [sflag:s22], $0x400  }
0x73: {  	s31 =	sshll.u32 s0, $0x6;
	s30 =	sadd.s32 $0x1, s30;
	[sflag:s22] =	ssyncset.done $0x0  }
0x74: {  	s1 =	sor.u32 $0x1C03, s31;
	p0 =	sne.s32 s30, s10;
	[sflag:s22] =	ssyncadd.s32 $0xFFFFFC00  }
.Ltmp1:
0x75: {  	s31 =	sshrl.u32 s6, $0x3;
	[bflag:$0x0] =	sbarrier.arrive $0xFFFF;
	(pc) =	sbr.rel @p0 .LBB2_1-.Ltmp1, $4  }
0x76: {  	[hbm:s9], [sflag:s1] =	dma.local [spmem:s31], $0x10  }
0x77: {  	_ =	swait.ge [sflag:s18], $0x10  }
0x78: {  	[sflag:s18] =	ssyncset.done $0x0  }
0x79: {  	[sflag:s18] =	ssyncadd.s32 $0xFFFFFFF0  }
0x7a: {  	_ =	sfence.sel $0x180000  }
0x7b: {  	[bflag:$0x0] =	sbarrier.arrive $0xFFFF  }
0x7c: {  	_ =	strace $0x90000056  }
0x7d: {  	[bflag:$0x2] =	sbarrier.arrive $0xFFFF  }
0x7e: {  	p0 =	sne.s32 s0, $0x0;
	s0 =	rddreg [dreg:$0x2]  }
0x7f: {  	s0 =	sadd.s32 @!p0 $0x100000, s0  }
0x80: {  	[sflag:s0] =	ssyncadd.tile.s32 @!p0 $0x1;
	_ =	shalt  }
.Lfunc_end2:
_tile_overlayer_lowered:
.L_overlay_start_2:
0x81: {  	(tag) =	ssettag $0x2  }
0x82: {  	s0 =	rddreg [dreg:$0x0];
	s2 =	stileid.u32  }
0x83: {  	s1 =	rddreg [dreg:$0x1];
	p0 =	sne.s32 s2, $0x0  }
0x84: {  	s3 =	rddreg [dreg:$0x2];
	[bflag:$0x3] =	sbarrier.arrive $0xFFFF;
	s2 =	simm.s32 @!p0 $0x1C03  }
0x85: {  	[timem:s3], [sflag:s2] =	dma.local @!p0 [hbm:s0], s1  }
0x86: {  	s0 =	simm.s32 @!p0 $0x3  }
0x87: {  	_ =	swait.ge @!p0 [sflag:s0], s1  }
0x88: {  	s1 =	ssub.s32 @!p0 $0x0, s1;
	[sflag:s0] =	ssyncset.done @!p0 $0x0  }
0x89: {  	[sflag:s0] =	ssyncadd.s32 @!p0 s1  }
0x8a: {  	[bflag:$0x3] =	sbarrier.arrive $0xFFFF  }
0x8b: {  	_ =	shalt  }

</sc_bundles>
